<compile_context>
chip_gen: v7x
topology: tpu7x:2x2x1
jax: 0.10.2.dev20260603
libtpu: 0.0.44.dev20260713+nightly
codegen_flags: <defaults>
</compile_context>

<pallas_src>
import functools

import jax
import jax.numpy as jnp
from jax import lax
from jax.experimental import pallas as pl
from jax.experimental.pallas import tpu as pltpu
from jax.experimental.pallas import tpu_sc as plsc

_N = 10000
_E = 320000
_K = 128
_NC, _NS = 2, 16
_NW = _NC * _NS
_CHW = 80
_CH = _CHW * _NW
_EPAD = _CH * _K
_P = 40
_NPAD = 10112
_ROWS_T = _NPAD // _NS
_BM = 1000


def _sc_mesh():
    return plsc.VectorSubcoreMesh(core_axis_name="c", subcore_axis_name="s",
                                  num_cores=_NC, num_subcores=_NS)




def _deg_parts(dstp, ones_blk, zeros_blk):

    @functools.partial(
        pl.kernel,
        out_type=jax.ShapeDtypeStruct((_NC, _NPAD, 128), jnp.float32),
        mesh=_sc_mesh(),
        scratch_types=[
            pltpu.VMEM((_CHW, _K), jnp.int32),
            pltpu.VMEM((_K, 128), jnp.float32),
            pltpu.VMEM_SHARED((_NPAD, 128), jnp.float32),
        ],
    )
    def k(dstp_hbm, ones_hbm, zeros_hbm, out_hbm, dst_v, ones_v, acc):
        c = lax.axis_index("c")
        s = lax.axis_index("s")
        w = s * _NC + c
        pltpu.sync_copy(zeros_hbm, acc.at[pl.ds(s * _ROWS_T, _ROWS_T)])
        pltpu.sync_copy(dstp_hbm.at[pl.ds(w * _CHW, _CHW)], dst_v)
        pltpu.sync_copy(ones_hbm, ones_v)
        plsc.subcore_barrier()

        @pl.loop(0, _CHW)
        def _(j):
            pltpu.sync_copy(ones_v, acc.at[dst_v.at[j]], add=True)

        plsc.subcore_barrier()
        pltpu.sync_copy(acc.at[pl.ds(s * _ROWS_T, _ROWS_T)],
                        out_hbm.at[c, pl.ds(s * _ROWS_T, _ROWS_T)])

    return k(dstp, ones_blk, zeros_blk)


def _agg_parts(g, srcp, dstp, zeros_blk, f, split=(80, 80)):

    c0, c1 = split

    @functools.partial(
        pl.kernel,
        out_type=jax.ShapeDtypeStruct((_NC, _NPAD, f), jnp.float32),
        mesh=_sc_mesh(),
        scratch_types=[
            pltpu.VMEM((_P, _K), jnp.int32),
            pltpu.VMEM((_P, _K), jnp.int32),
            pltpu.VMEM((_K, f), jnp.float32),
            pltpu.VMEM((_K, f), jnp.float32),
            pltpu.VMEM_SHARED((_NPAD, f), jnp.float32),
            pltpu.SemaphoreType.DMA,
            pltpu.SemaphoreType.DMA,
        ],
    )
    def k(g_hbm, srcp_hbm, dstp_hbm, zeros_hbm, out_hbm,
          src_v, dst_v, buf0, buf1, acc, sem0, sem1):
        c = lax.axis_index("c")
        s = lax.axis_index("s")
        pltpu.sync_copy(zeros_hbm, acc.at[pl.ds(s * _ROWS_T, _ROWS_T)])
        plsc.subcore_barrier()

        def stage(b2):
            pltpu.sync_copy(srcp_hbm.at[pl.ds(b2, _P)], src_v)
            pltpu.sync_copy(dstp_hbm.at[pl.ds(b2, _P)], dst_v)
            pltpu.async_copy(g_hbm.at[src_v.at[0]], buf0, sem0)

            @pl.loop(0, _P, step=2)
            def _(j):
                pltpu.make_async_copy(
                    g_hbm.at[src_v.at[j + 1]], buf1, sem1).start()
                pltpu.make_async_copy(g_hbm.at[src_v.at[j]], buf0, sem0).wait()
                pltpu.sync_copy(buf0, acc.at[dst_v.at[j]], add=True)

                @pl.when(j + 2 < _P)
                def _():
                    pltpu.make_async_copy(
                        g_hbm.at[src_v.at[j + 2]], buf0, sem0).start()

                pltpu.make_async_copy(
                    g_hbm.at[src_v.at[j + 1]], buf1, sem1).wait()
                pltpu.sync_copy(buf1, acc.at[dst_v.at[j + 1]], add=True)

        @pl.when(c == 0)
        def _():
            for st in range(c0 // _P):
                stage(s * c0 + st * _P)

        @pl.when(c == 1)
        def _():
            for st in range(c1 // _P):
                stage(_NS * c0 + s * c1 + st * _P)

        plsc.subcore_barrier()
        pltpu.sync_copy(acc.at[pl.ds(s * _ROWS_T, _ROWS_T)],
                        out_hbm.at[c, pl.ds(s * _ROWS_T, _ROWS_T)])

    return k(g, srcp, dstp, zeros_blk)




def _dis_body(degp_ref, dis_ref):
    deg = degp_ref[0, :, 0:1] + degp_ref[1, :, 0:1] + 1.0
    dis_ref[...] = lax.rsqrt(deg)


def _dis(degp):
    grid = _NPAD // _ROWS_T
    return pl.pallas_call(
        _dis_body,
        grid=(grid,),
        in_specs=[pl.BlockSpec((_NC, _ROWS_T, 128), lambda i: (0, i, 0))],
        out_specs=pl.BlockSpec((_ROWS_T, 1), lambda i: (i, 0)),
        out_shape=jax.ShapeDtypeStruct((_NPAD, 1), jnp.float32),
    )(degp)


def _mm1_body(x_ref, w_ref, dis_ref, g_ref):
    g_ref[...] = jnp.dot(x_ref[...], w_ref[...],
                         preferred_element_type=jnp.float32) * dis_ref[...]


def _mm1(x, w1, dis):
    grid = _N // _BM
    return pl.pallas_call(
        _mm1_body,
        grid=(grid,),
        in_specs=[
            pl.BlockSpec((_BM, 128), lambda i: (i, 0)),
            pl.BlockSpec((128, 128), lambda i: (0, 0)),
            pl.BlockSpec((_BM, 1), lambda i: (i, 0)),
        ],
        out_specs=pl.BlockSpec((_BM, 128), lambda i: (i, 0)),
        out_shape=jax.ShapeDtypeStruct((_N, 128), jnp.float32),
    )(x, w1, dis)


def _combine_mm_body(parts_ref, g_ref, dis_ref, b_ref, w_ref, o_ref):
    z = dis_ref[...] * (parts_ref[0] + parts_ref[1] + g_ref[...]) + b_ref[...]
    a = jnp.maximum(z, 0.0)
    o_ref[...] = jnp.dot(a, w_ref[...],
                         preferred_element_type=jnp.float32) * dis_ref[...]


def _combine_mm(parts, g, dis, b, w):
    grid = _N // _BM
    fin = g.shape[1]
    fout = w.shape[1]
    return pl.pallas_call(
        _combine_mm_body,
        grid=(grid,),
        in_specs=[
            pl.BlockSpec((_NC, _BM, fin), lambda i: (0, i, 0)),
            pl.BlockSpec((_BM, fin), lambda i: (i, 0)),
            pl.BlockSpec((_BM, 1), lambda i: (i, 0)),
            pl.BlockSpec((1, fin), lambda i: (0, 0)),
            pl.BlockSpec((fin, fout), lambda i: (0, 0)),
        ],
        out_specs=pl.BlockSpec((_BM, fout), lambda i: (i, 0)),
        out_shape=jax.ShapeDtypeStruct((_N, fout), jnp.float32),
    )(parts, g, dis, b, w)


def _combine_scale_body(parts_ref, g_ref, dis_ref, b_ref, o_ref):
    z = dis_ref[...] * (parts_ref[0] + parts_ref[1] + g_ref[...]) + b_ref[...]
    o_ref[...] = jnp.maximum(z, 0.0) * dis_ref[...]


def _combine_scale(parts, g, dis, b):
    grid = _N // _BM
    f = g.shape[1]
    return pl.pallas_call(
        _combine_scale_body,
        grid=(grid,),
        in_specs=[
            pl.BlockSpec((_NC, _BM, f), lambda i: (0, i, 0)),
            pl.BlockSpec((_BM, f), lambda i: (i, 0)),
            pl.BlockSpec((_BM, 1), lambda i: (i, 0)),
            pl.BlockSpec((1, f), lambda i: (0, 0)),
        ],
        out_specs=pl.BlockSpec((_BM, f), lambda i: (i, 0)),
        out_shape=jax.ShapeDtypeStruct((_N, f), jnp.float32),
    )(parts, g, dis, b)


def _final_body(parts_ref, q_ref, dis_ref, w_ref, b_ref, o_ref):
    a = parts_ref[0] + parts_ref[1] + q_ref[...]
    z = jnp.dot(a, w_ref[...], preferred_element_type=jnp.float32)
    z = z * dis_ref[...] + b_ref[...]
    m = jnp.max(z, axis=1, keepdims=True)
    lse = jnp.log(jnp.sum(jnp.exp(z - m), axis=1, keepdims=True)) + m
    o_ref[...] = z - lse


def _final(parts, q, dis, w2, b2):
    grid = _N // _BM
    f = q.shape[1]
    cls = w2.shape[1]
    return pl.pallas_call(
        _final_body,
        grid=(grid,),
        in_specs=[
            pl.BlockSpec((_NC, _BM, f), lambda i: (0, i, 0)),
            pl.BlockSpec((_BM, f), lambda i: (i, 0)),
            pl.BlockSpec((_BM, 1), lambda i: (i, 0)),
            pl.BlockSpec((f, cls), lambda i: (0, 0)),
            pl.BlockSpec((1, cls), lambda i: (0, 0)),
        ],
        out_specs=pl.BlockSpec((_BM, cls), lambda i: (i, 0)),
        out_shape=jax.ShapeDtypeStruct((_N, cls), jnp.float32),
    )(parts, q, dis, w2, b2)




def kernel(x, edge_index, W1, b1, Wg0, bg0, Wg1, bg1, W2, b2):
    src, dst = edge_index[0], edge_index[1]
    npad = _EPAD - _E
    iota = jnp.arange(npad, dtype=jnp.int32)
    srcp = jnp.concatenate([src, iota % _N]).reshape(_CH, _K)
    dstp = jnp.concatenate([dst, _N + iota % (_NPAD - _N)]).reshape(_CH, _K)
    zeros128 = jnp.zeros((_ROWS_T, 128), jnp.float32)
    ones128 = jnp.ones((_K, 128), jnp.float32)

    degp = _deg_parts(dstp, ones128, zeros128)
    dis = _dis(degp)
    g1 = _mm1(x, W1, dis)

    parts = _agg_parts(g1, srcp, dstp, zeros128, 128)
    g2 = _combine_mm(parts, g1, dis, b1.reshape(1, -1), Wg0)

    parts = _agg_parts(g2, srcp, dstp, zeros128, 128)
    g3 = _combine_mm(parts, g2, dis, bg0.reshape(1, -1), Wg1)

    parts = _agg_parts(g3, srcp, dstp, zeros128, 128)
    q = _combine_scale(parts, g3, dis, bg1.reshape(1, -1))

    parts = _agg_parts(q, srcp, dstp, zeros128, 128)
    out = _final(parts, q, dis, W2, b2.reshape(1, -1))
    return out

# --- scband reference (transcript-rebuilt; emitter-appended) ---
"""Pipeline reference for scband-gcn-91207925498518 (READ-ONLY COPY).

The authoritative reference and input builder live on the scoring server;
editing this copy changes nothing except your own understanding.
"""

import jax, jax.numpy as jnp
import numpy as np

N = 10000
E = 320000
D_IN = 128
HID = 128
CLS = 40


def gcn_conv(x, W, b, src, dst, n):
    # PyG-style GCNConv: linear transform, add self-loops, symmetric normalization,
    # scatter-add aggregation, then bias.
    h = x @ W
    loop = jnp.arange(n, dtype=src.dtype)
    s = jnp.concatenate([src, loop])
    d = jnp.concatenate([dst, loop])
    deg = jnp.zeros((n,), x.dtype).at[d].add(1.0)
    dis = jnp.where(deg > 0, jax.lax.rsqrt(jnp.where(deg > 0, deg, 1.0)), 0.0)
    norm = dis[s] * dis[d]
    msg = h[s] * norm[:, None]
    out = jnp.zeros((n, h.shape[1]), x.dtype).at[d].add(msg)
    return out + b


def setup_inputs(seed: int = 0) -> dict:
    key = jax.random.key(seed)
    ks = jax.random.split(key, 12)
    x = jax.random.normal(ks[0], (N, D_IN), jnp.float32)
    edge_index = jax.random.randint(ks[1], (2, E), 0, N, dtype=jnp.int32)
    def glorot(k, fi, fo):
        return jax.random.normal(k, (fi, fo), jnp.float32) * (1.0 / np.sqrt(fi))
    return {
        "x": x,
        "edge_index": edge_index,
        "W1": glorot(ks[2], D_IN, HID), "b1": jnp.zeros((HID,), jnp.float32),
        "Wg0": glorot(ks[3], HID, HID), "bg0": jnp.zeros((HID,), jnp.float32),
        "Wg1": glorot(ks[4], HID, HID), "bg1": jnp.zeros((HID,), jnp.float32),
        "W2": glorot(ks[5], HID, CLS), "b2": jnp.zeros((CLS,), jnp.float32),
    }


def reference(x, edge_index, W1, b1, Wg0, bg0, Wg1, bg1, W2, b2):
    src, dst = edge_index[0], edge_index[1]
    h = jax.nn.relu(gcn_conv(x, W1, b1, src, dst, N))
    # dropout p=0.5 is identity in eval mode
    h = jax.nn.relu(gcn_conv(h, Wg0, bg0, src, dst, N))
    h = jax.nn.relu(gcn_conv(h, Wg1, bg1, src, dst, N))
    h = gcn_conv(h, W2, b2, src, dst, N)
    return jax.nn.log_softmax(h, axis=1)

if __name__ == "__main__":
    import jax
    _d = setup_inputs()
    print(jax.jit(kernel)(*tuple(_d.values())))

</pallas_src>

<mosaic_0001>
#map = affine_map<(d0, d1) -> (0, 0)>
#map1 = affine_map<(d0, d1) -> (0, 0, 0)>
module attributes {stable_mosaic.version = 14 : i64} {
  func.func @k(%arg0: i32, %arg1: i32, %arg2: memref<2560x128xi32, #tpu.memory_space<hbm>>, %arg3: memref<128x128xf32, #tpu.memory_space<hbm>>, %arg4: memref<632x128xf32, #tpu.memory_space<hbm>>, %arg5: memref<2x10112x128xf32, #tpu.memory_space<hbm>>, %arg6: memref<80x128xi32, #tpu.memory_space<vmem>>, %arg7: memref<128x128xf32, #tpu.memory_space<vmem>>, %arg8: memref<10112x128xf32, #tpu.memory_space<vmem_shared>>) attributes {dimension_semantics = [#tpu.dimension_semantics<core_parallel>, #tpu.dimension_semantics<subcore_parallel>], iteration_bounds = array<i64: 2, 16>, scalar_prefetch = 0 : i64, scratch_operands = 3 : i64, tpu.core_type = #tpu.core_type<sc_vector_subcore>, window_params = [{transform_indices = #map}, {transform_indices = #map}, {transform_indices = #map}, {transform_indices = #map1}]} {
    %mul3A = arith.constant 2 : i32
    %mul3A_0 = arith.muli %arg1, %mul3A : i32
    %add3A = arith.addi %mul3A_0, %arg0 : i32
    %mul3A_1 = arith.constant 632 : i32
    %mul3A_2 = arith.muli %arg1, %mul3A_1 : i32
    "tpu.region"() ({
      %run_scoped3A = tpu.sem_alloc : memref<!tpu.dma_semaphore, #tpu.memory_space<semaphore_mem>>
      %dma_start3A = arith.constant 0 : i32
      %dma_start3A_14 = tpu.memref_slice %arg8[%mul3A_2, %dma_start3A] : memref<10112x128xf32, #tpu.memory_space<vmem_shared>> -> memref<632x128xf32, #tpu.memory_space<vmem_shared>>
      tpu.enqueue_dma source(%arg4 : memref<632x128xf32, #tpu.memory_space<hbm>>) target(%dma_start3A_14 : memref<632x128xf32, #tpu.memory_space<vmem_shared>>) target_semaphore(%run_scoped3A : memref<!tpu.dma_semaphore, #tpu.memory_space<semaphore_mem>>)
      %dma_wait3A = arith.constant 0 : i32
      %dma_wait3A_15 = tpu.memref_slice %arg8[%mul3A_2, %dma_wait3A] : memref<10112x128xf32, #tpu.memory_space<vmem_shared>> -> memref<632x128xf32, #tpu.memory_space<vmem_shared>>
      tpu.wait_dma2 semaphore(%run_scoped3A : memref<!tpu.dma_semaphore, #tpu.memory_space<semaphore_mem>>) src(%arg4 : memref<632x128xf32, #tpu.memory_space<hbm>>) dst(%dma_wait3A_15 : memref<632x128xf32, #tpu.memory_space<vmem_shared>>)
      tpu.yield
    }) : () -> ()
    %mul3A_3 = arith.constant 80 : i32
    %mul3A_4 = arith.muli %add3A, %mul3A_3 : i32
    "tpu.region"() ({
      %run_scoped3A = tpu.sem_alloc : memref<!tpu.dma_semaphore, #tpu.memory_space<semaphore_mem>>
      %dma_start3A = arith.constant 0 : i32
      %dma_start3A_14 = tpu.memref_slice %arg2[%mul3A_4, %dma_start3A] : memref<2560x128xi32, #tpu.memory_space<hbm>> -> memref<80x128xi32, #tpu.memory_space<hbm>>
      %dma_start3A_15 = arith.constant 0 : i32
      %dma_start3A_16 = tpu.memref_slice %arg2[%mul3A_4, %dma_start3A_15] : memref<2560x128xi32, #tpu.memory_space<hbm>> -> memref<80x128xi32, #tpu.memory_space<hbm>>
      tpu.enqueue_dma source(%dma_start3A_16 : memref<80x128xi32, #tpu.memory_space<hbm>>) target(%arg6 : memref<80x128xi32, #tpu.memory_space<vmem>>) target_semaphore(%run_scoped3A : memref<!tpu.dma_semaphore, #tpu.memory_space<semaphore_mem>>)
      %dma_wait3A = arith.constant 0 : i32
      %dma_wait3A_17 = tpu.memref_slice %arg2[%mul3A_4, %dma_wait3A] : memref<2560x128xi32, #tpu.memory_space<hbm>> -> memref<80x128xi32, #tpu.memory_space<hbm>>
      %dma_wait3A_18 = arith.constant 0 : i32
      %dma_wait3A_19 = tpu.memref_slice %arg2[%mul3A_4, %dma_wait3A_18] : memref<2560x128xi32, #tpu.memory_space<hbm>> -> memref<80x128xi32, #tpu.memory_space<hbm>>
      tpu.wait_dma2 semaphore(%run_scoped3A : memref<!tpu.dma_semaphore, #tpu.memory_space<semaphore_mem>>) src(%dma_wait3A_19 : memref<80x128xi32, #tpu.memory_space<hbm>>) dst(%arg6 : memref<80x128xi32, #tpu.memory_space<vmem>>)
      tpu.yield
    }) : () -> ()
    "tpu.region"() ({
      %run_scoped3A = tpu.sem_alloc : memref<!tpu.dma_semaphore, #tpu.memory_space<semaphore_mem>>
      tpu.enqueue_dma source(%arg3 : memref<128x128xf32, #tpu.memory_space<hbm>>) target(%arg7 : memref<128x128xf32, #tpu.memory_space<vmem>>) target_semaphore(%run_scoped3A : memref<!tpu.dma_semaphore, #tpu.memory_space<semaphore_mem>>)
      tpu.wait_dma2 semaphore(%run_scoped3A : memref<!tpu.dma_semaphore, #tpu.memory_space<semaphore_mem>>) src(%arg3 : memref<128x128xf32, #tpu.memory_space<hbm>>) dst(%arg7 : memref<128x128xf32, #tpu.memory_space<vmem>>)
      tpu.yield
    }) : () -> ()
    %barrier3A = arith.constant 0 : index
    tpu.barrier barrier_id(%barrier3A)
    %scan3A = arith.constant 0 : i32
    %scan3A_5 = arith.constant 80 : i32
    %scan3A_6 = arith.addi %scan3A, %scan3A_5 : i32
    %scan3A_7 = arith.constant 1 : i32
    scf.for %scan3A_14 = %scan3A to %scan3A_6 step %scan3A_7  : i32 {
      %mul3A_15 = arith.constant 1 : i32
      %mul3A_16 = arith.muli %scan3A_14, %mul3A_15 : i32
      %add3A_17 = arith.constant 0 : i32
      %add3A_18 = arith.addi %add3A_17, %mul3A_16 : i32
      "tpu.region"() ({
        %run_scoped3A = tpu.sem_alloc : memref<!tpu.dma_semaphore, #tpu.memory_space<semaphore_mem>>
        %dma_start3A = arith.constant 0 : i32
        %dma_start3A_19 = tpu.memref_slice %arg6[%add3A_18, %dma_start3A] : memref<80x128xi32, #tpu.memory_space<vmem>> -> memref<1x128xi32, #tpu.memory_space<vmem>>
        %dma_start3A_20 = tpu.memref_squeeze %dma_start3A_19 : memref<1x128xi32, #tpu.memory_space<vmem>> -> memref<128xi32, #tpu.memory_space<vmem>>
        %dma_start3A_21 = arith.constant 0 : i32
        %dma_start3A_22 = arith.constant 0 : i32
        %dma_start3A_23 = tpu.memref_slice %arg8[%dma_start3A_21, %dma_start3A_22] : memref<10112x128xf32, #tpu.memory_space<vmem_shared>> -> memref<10112x128xf32, #tpu.memory_space<vmem_shared>>
        tpu.enqueue_indirect_dma source(%arg7 : memref<128x128xf32, #tpu.memory_space<vmem>>) target(%dma_start3A_23 : memref<10112x128xf32, #tpu.memory_space<vmem_shared>>) offsets(%dma_start3A_20 : memref<128xi32, #tpu.memory_space<vmem>>) semaphore(%run_scoped3A : memref<!tpu.dma_semaphore, #tpu.memory_space<semaphore_mem>>) {add = true}
        %dma_wait3A = arith.constant 0 : i32
        %dma_wait3A_24 = tpu.memref_slice %arg6[%add3A_18, %dma_wait3A] : memref<80x128xi32, #tpu.memory_space<vmem>> -> memref<1x128xi32, #tpu.memory_space<vmem>>
        %dma_wait3A_25 = tpu.memref_squeeze %dma_wait3A_24 : memref<1x128xi32, #tpu.memory_space<vmem>> -> memref<128xi32, #tpu.memory_space<vmem>>
        %dma_wait3A_26 = arith.constant 0 : i32
        %dma_wait3A_27 = arith.constant 0 : i32
        %dma_wait3A_28 = tpu.memref_slice %arg8[%dma_wait3A_26, %dma_wait3A_27] : memref<10112x128xf32, #tpu.memory_space<vmem_shared>> -> memref<10112x128xf32, #tpu.memory_space<vmem_shared>>
        tpu.wait_indirect_dma semaphore(%run_scoped3A : memref<!tpu.dma_semaphore, #tpu.memory_space<semaphore_mem>>) src(%arg7 : memref<128x128xf32, #tpu.memory_space<vmem>>) dst(%dma_wait3A_28 : memref<10112x128xf32, #tpu.memory_space<vmem_shared>>)
        tpu.yield
      }) : () -> ()
    }
    %scan3A_8 = arith.constant 80 : i32
    %barrier3A_9 = arith.constant 0 : index
    tpu.barrier barrier_id(%barrier3A_9)
    %mul3A_10 = arith.constant 632 : i32
    %mul3A_11 = arith.muli %arg1, %mul3A_10 : i32
    %mul3A_12 = arith.constant 632 : i32
    %mul3A_13 = arith.muli %arg1, %mul3A_12 : i32
    "tpu.region"() ({
      %run_scoped3A = tpu.sem_alloc : memref<!tpu.dma_semaphore, #tpu.memory_space<semaphore_mem>>
      %dma_start3A = arith.constant 0 : i32
      %dma_start3A_14 = tpu.memref_slice %arg5[%arg0, %mul3A_13, %dma_start3A] : memref<2x10112x128xf32, #tpu.memory_space<hbm>> -> memref<1x632x128xf32, #tpu.memory_space<hbm>>
      %dma_start3A_15 = tpu.memref_squeeze %dma_start3A_14 : memref<1x632x128xf32, #tpu.memory_space<hbm>> -> memref<632x128xf32, #tpu.memory_space<hbm>>
      %dma_start3A_16 = arith.constant 0 : i32
      %dma_start3A_17 = tpu.memref_slice %arg8[%mul3A_11, %dma_start3A_16] : memref<10112x128xf32, #tpu.memory_space<vmem_shared>> -> memref<632x128xf32, #tpu.memory_space<vmem_shared>>
      tpu.enqueue_dma source(%dma_start3A_17 : memref<632x128xf32, #tpu.memory_space<vmem_shared>>) target(%dma_start3A_15 : memref<632x128xf32, #tpu.memory_space<hbm>>) target_semaphore(%run_scoped3A : memref<!tpu.dma_semaphore, #tpu.memory_space<semaphore_mem>>)
      %dma_wait3A = arith.constant 0 : i32
      %dma_wait3A_18 = tpu.memref_slice %arg5[%arg0, %mul3A_13, %dma_wait3A] : memref<2x10112x128xf32, #tpu.memory_space<hbm>> -> memref<1x632x128xf32, #tpu.memory_space<hbm>>
      %dma_wait3A_19 = tpu.memref_squeeze %dma_wait3A_18 : memref<1x632x128xf32, #tpu.memory_space<hbm>> -> memref<632x128xf32, #tpu.memory_space<hbm>>
      %dma_wait3A_20 = arith.constant 0 : i32
      %dma_wait3A_21 = tpu.memref_slice %arg8[%mul3A_11, %dma_wait3A_20] : memref<10112x128xf32, #tpu.memory_space<vmem_shared>> -> memref<632x128xf32, #tpu.memory_space<vmem_shared>>
      tpu.wait_dma2 semaphore(%run_scoped3A : memref<!tpu.dma_semaphore, #tpu.memory_space<semaphore_mem>>) src(%dma_wait3A_21 : memref<632x128xf32, #tpu.memory_space<vmem_shared>>) dst(%dma_wait3A_19 : memref<632x128xf32, #tpu.memory_space<hbm>>)
      tpu.yield
    }) : () -> ()
    return
  }
}

#map = affine_map<(d0, d1) -> (0, 0)>
#map1 = affine_map<(d0, d1) -> (0, 0, 0)>
module attributes {stable_mosaic.version = 14 : i64} {
  func.func @k(%arg0: i32, %arg1: i32, %arg2: memref<10000x128xf32, #tpu.memory_space<hbm>>, %arg3: memref<2560x128xi32, #tpu.memory_space<hbm>>, %arg4: memref<2560x128xi32, #tpu.memory_space<hbm>>, %arg5: memref<632x128xf32, #tpu.memory_space<hbm>>, %arg6: memref<2x10112x128xf32, #tpu.memory_space<hbm>>, %arg7: memref<40x128xi32, #tpu.memory_space<vmem>>, %arg8: memref<40x128xi32, #tpu.memory_space<vmem>>, %arg9: memref<128x128xf32, #tpu.memory_space<vmem>>, %arg10: memref<128x128xf32, #tpu.memory_space<vmem>>, %arg11: memref<10112x128xf32, #tpu.memory_space<vmem_shared>>, %arg12: memref<!tpu.dma_semaphore, #tpu.memory_space<semaphore_mem>>, %arg13: memref<!tpu.dma_semaphore, #tpu.memory_space<semaphore_mem>>) attributes {dimension_semantics = [#tpu.dimension_semantics<core_parallel>, #tpu.dimension_semantics<subcore_parallel>], iteration_bounds = array<i64: 2, 16>, scalar_prefetch = 0 : i64, scratch_operands = 7 : i64, tpu.core_type = #tpu.core_type<sc_vector_subcore>, window_params = [{transform_indices = #map}, {transform_indices = #map}, {transform_indices = #map}, {transform_indices = #map}, {transform_indices = #map1}]} {
    %mul3A = arith.constant 632 : i32
    %mul3A_0 = arith.muli %arg1, %mul3A : i32
    "tpu.region"() ({
      %run_scoped3A = tpu.sem_alloc : memref<!tpu.dma_semaphore, #tpu.memory_space<semaphore_mem>>
      %dma_start3A = arith.constant 0 : i32
      %dma_start3A_13 = tpu.memref_slice %arg11[%mul3A_0, %dma_start3A] : memref<10112x128xf32, #tpu.memory_space<vmem_shared>> -> memref<632x128xf32, #tpu.memory_space<vmem_shared>>
      tpu.enqueue_dma source(%arg5 : memref<632x128xf32, #tpu.memory_space<hbm>>) target(%dma_start3A_13 : memref<632x128xf32, #tpu.memory_space<vmem_shared>>) target_semaphore(%run_scoped3A : memref<!tpu.dma_semaphore, #tpu.memory_space<semaphore_mem>>)
      %dma_wait3A = arith.constant 0 : i32
      %dma_wait3A_14 = tpu.memref_slice %arg11[%mul3A_0, %dma_wait3A] : memref<10112x128xf32, #tpu.memory_space<vmem_shared>> -> memref<632x128xf32, #tpu.memory_space<vmem_shared>>
      tpu.wait_dma2 semaphore(%run_scoped3A : memref<!tpu.dma_semaphore, #tpu.memory_space<semaphore_mem>>) src(%arg5 : memref<632x128xf32, #tpu.memory_space<hbm>>) dst(%dma_wait3A_14 : memref<632x128xf32, #tpu.memory_space<vmem_shared>>)
      tpu.yield
    }) : () -> ()
    %barrier3A = arith.constant 0 : index
    tpu.barrier barrier_id(%barrier3A)
    %eq3A = arith.constant 0 : i32
    %eq3A_1 = arith.cmpi eq, %arg0, %eq3A : i32
    %convert_element_type3A = arith.extui %eq3A_1 : i1 to i32
    %cond3A = arith.constant 0 : i32
    %cond3A_2 = arith.cmpi ne, %convert_element_type3A, %cond3A : i32
    scf.if %cond3A_2 {
      %mul3A_13 = arith.constant 80 : i32
      %mul3A_14 = arith.muli %arg1, %mul3A_13 : i32
      %add3A = arith.constant 0 : i32
      %add3A_15 = arith.addi %mul3A_14, %add3A : i32
      "tpu.region"() ({
        %run_scoped3A = tpu.sem_alloc : memref<!tpu.dma_semaphore, #tpu.memory_space<semaphore_mem>>
        %dma_start3A_42 = arith.constant 0 : i32
        %dma_start3A_43 = tpu.memref_slice %arg3[%add3A_15, %dma_start3A_42] : memref<2560x128xi32, #tpu.memory_space<hbm>> -> memref<40x128xi32, #tpu.memory_space<hbm>>
        %dma_start3A_44 = arith.constant 0 : i32
        %dma_start3A_45 = tpu.memref_slice %arg3[%add3A_15, %dma_start3A_44] : memref<2560x128xi32, #tpu.memory_space<hbm>> -> memref<40x128xi32, #tpu.memory_space<hbm>>
        tpu.enqueue_dma source(%dma_start3A_45 : memref<40x128xi32, #tpu.memory_space<hbm>>) target(%arg7 : memref<40x128xi32, #tpu.memory_space<vmem>>) target_semaphore(%run_scoped3A : memref<!tpu.dma_semaphore, #tpu.memory_space<semaphore_mem>>)
        %dma_wait3A = arith.constant 0 : i32
        %dma_wait3A_46 = tpu.memref_slice %arg3[%add3A_15, %dma_wait3A] : memref<2560x128xi32, #tpu.memory_space<hbm>> -> memref<40x128xi32, #tpu.memory_space<hbm>>
        %dma_wait3A_47 = arith.constant 0 : i32
        %dma_wait3A_48 = tpu.memref_slice %arg3[%add3A_15, %dma_wait3A_47] : memref<2560x128xi32, #tpu.memory_space<hbm>> -> memref<40x128xi32, #tpu.memory_space<hbm>>
        tpu.wait_dma2 semaphore(%run_scoped3A : memref<!tpu.dma_semaphore, #tpu.memory_space<semaphore_mem>>) src(%dma_wait3A_48 : memref<40x128xi32, #tpu.memory_space<hbm>>) dst(%arg7 : memref<40x128xi32, #tpu.memory_space<vmem>>)
        tpu.yield
      }) : () -> ()
      "tpu.region"() ({
        %run_scoped3A = tpu.sem_alloc : memref<!tpu.dma_semaphore, #tpu.memory_space<semaphore_mem>>
        %dma_start3A_42 = arith.constant 0 : i32
        %dma_start3A_43 = tpu.memref_slice %arg4[%add3A_15, %dma_start3A_42] : memref<2560x128xi32, #tpu.memory_space<hbm>> -> memref<40x128xi32, #tpu.memory_space<hbm>>
        %dma_start3A_44 = arith.constant 0 : i32
        %dma_start3A_45 = tpu.memref_slice %arg4[%add3A_15, %dma_start3A_44] : memref<2560x128xi32, #tpu.memory_space<hbm>> -> memref<40x128xi32, #tpu.memory_space<hbm>>
        tpu.enqueue_dma source(%dma_start3A_45 : memref<40x128xi32, #tpu.memory_space<hbm>>) target(%arg8 : memref<40x128xi32, #tpu.memory_space<vmem>>) target_semaphore(%run_scoped3A : memref<!tpu.dma_semaphore, #tpu.memory_space<semaphore_mem>>)
        %dma_wait3A = arith.constant 0 : i32
        %dma_wait3A_46 = tpu.memref_slice %arg4[%add3A_15, %dma_wait3A] : memref<2560x128xi32, #tpu.memory_space<hbm>> -> memref<40x128xi32, #tpu.memory_space<hbm>>
        %dma_wait3A_47 = arith.constant 0 : i32
        %dma_wait3A_48 = tpu.memref_slice %arg4[%add3A_15, %dma_wait3A_47] : memref<2560x128xi32, #tpu.memory_space<hbm>> -> memref<40x128xi32, #tpu.memory_space<hbm>>
        tpu.wait_dma2 semaphore(%run_scoped3A : memref<!tpu.dma_semaphore, #tpu.memory_space<semaphore_mem>>) src(%dma_wait3A_48 : memref<40x128xi32, #tpu.memory_space<hbm>>) dst(%arg8 : memref<40x128xi32, #tpu.memory_space<vmem>>)
        tpu.yield
      }) : () -> ()
      %dma_start3A = arith.constant 0 : i32
      %dma_start3A_16 = arith.constant 0 : i32
      %dma_start3A_17 = tpu.memref_slice %arg7[%dma_start3A, %dma_start3A_16] : memref<40x128xi32, #tpu.memory_space<vmem>> -> memref<1x128xi32, #tpu.memory_space<vmem>>
      %dma_start3A_18 = tpu.memref_squeeze %dma_start3A_17 : memref<1x128xi32, #tpu.memory_space<vmem>> -> memref<128xi32, #tpu.memory_space<vmem>>
      %dma_start3A_19 = arith.constant 0 : i32
      %dma_start3A_20 = arith.constant 0 : i32
      %dma_start3A_21 = tpu.memref_slice %arg2[%dma_start3A_19, %dma_start3A_20] : memref<10000x128xf32, #tpu.memory_space<hbm>> -> memref<10000x128xf32, #tpu.memory_space<hbm>>
      tpu.enqueue_indirect_dma source(%dma_start3A_21 : memref<10000x128xf32, #tpu.memory_space<hbm>>) target(%arg9 : memref<128x128xf32, #tpu.memory_space<vmem>>) offsets(%dma_start3A_18 : memref<128xi32, #tpu.memory_space<vmem>>) semaphore(%arg12 : memref<!tpu.dma_semaphore, #tpu.memory_space<semaphore_mem>>)
      %scan3A = arith.constant 0 : i32
      %scan3A_22 = arith.constant 20 : i32
      %scan3A_23 = arith.addi %scan3A, %scan3A_22 : i32
      %scan3A_24 = arith.constant 1 : i32
      scf.for %scan3A_42 = %scan3A to %scan3A_23 step %scan3A_24  : i32 {
        %mul3A_43 = arith.constant 2 : i32
        %mul3A_44 = arith.muli %scan3A_42, %mul3A_43 : i32
        %add3A_45 = arith.constant 0 : i32
        %add3A_46 = arith.addi %add3A_45, %mul3A_44 : i32
        %add3A_47 = arith.constant 1 : i32
        %add3A_48 = arith.addi %add3A_46, %add3A_47 : i32
        %dma_start3A_49 = arith.constant 0 : i32
        %dma_start3A_50 = tpu.memref_slice %arg7[%add3A_48, %dma_start3A_49] : memref<40x128xi32, #tpu.memory_space<vmem>> -> memref<1x128xi32, #tpu.memory_space<vmem>>
        %dma_start3A_51 = tpu.memref_squeeze %dma_start3A_50 : memref<1x128xi32, #tpu.memory_space<vmem>> -> memref<128xi32, #tpu.memory_space<vmem>>
        %dma_start3A_52 = arith.constant 0 : i32
        %dma_start3A_53 = arith.constant 0 : i32
        %dma_start3A_54 = tpu.memref_slice %arg2[%dma_start3A_52, %dma_start3A_53] : memref<10000x128xf32, #tpu.memory_space<hbm>> -> memref<10000x128xf32, #tpu.memory_space<hbm>>
        tpu.enqueue_indirect_dma source(%dma_start3A_54 : memref<10000x128xf32, #tpu.memory_space<hbm>>) target(%arg10 : memref<128x128xf32, #tpu.memory_space<vmem>>) offsets(%dma_start3A_51 : memref<128xi32, #tpu.memory_space<vmem>>) semaphore(%arg13 : memref<!tpu.dma_semaphore, #tpu.memory_space<semaphore_mem>>)
        %dma_wait3A = arith.constant 0 : i32
        %dma_wait3A_55 = tpu.memref_slice %arg7[%add3A_46, %dma_wait3A] : memref<40x128xi32, #tpu.memory_space<vmem>> -> memref<1x128xi32, #tpu.memory_space<vmem>>
        %dma_wait3A_56 = tpu.memref_squeeze %dma_wait3A_55 : memref<1x128xi32, #tpu.memory_space<vmem>> -> memref<128xi32, #tpu.memory_space<vmem>>
        %dma_wait3A_57 = arith.constant 0 : i32
        %dma_wait3A_58 = arith.constant 0 : i32
        %dma_wait3A_59 = tpu.memref_slice %arg2[%dma_wait3A_57, %dma_wait3A_58] : memref<10000x128xf32, #tpu.memory_space<hbm>> -> memref<10000x128xf32, #tpu.memory_space<hbm>>
        tpu.wait_indirect_dma semaphore(%arg12 : memref<!tpu.dma_semaphore, #tpu.memory_space<semaphore_mem>>) src(%dma_wait3A_59 : memref<10000x128xf32, #tpu.memory_space<hbm>>) dst(%arg9 : memref<128x128xf32, #tpu.memory_space<vmem>>)
        "tpu.region"() ({
          %run_scoped3A = tpu.sem_alloc : memref<!tpu.dma_semaphore, #tpu.memory_space<semaphore_mem>>
          %dma_start3A_76 = arith.constant 0 : i32
          %dma_start3A_77 = tpu.memref_slice %arg8[%add3A_46, %dma_start3A_76] : memref<40x128xi32, #tpu.memory_space<vmem>> -> memref<1x128xi32, #tpu.memory_space<vmem>>
          %dma_start3A_78 = tpu.memref_squeeze %dma_start3A_77 : memref<1x128xi32, #tpu.memory_space<vmem>> -> memref<128xi32, #tpu.memory_space<vmem>>
          %dma_start3A_79 = arith.constant 0 : i32
          %dma_start3A_80 = arith.constant 0 : i32
          %dma_start3A_81 = tpu.memref_slice %arg11[%dma_start3A_79, %dma_start3A_80] : memref<10112x128xf32, #tpu.memory_space<vmem_shared>> -> memref<10112x128xf32, #tpu.memory_space<vmem_shared>>
          tpu.enqueue_indirect_dma source(%arg9 : memref<128x128xf32, #tpu.memory_space<vmem>>) target(%dma_start3A_81 : memref<10112x128xf32, #tpu.memory_space<vmem_shared>>) offsets(%dma_start3A_78 : memref<128xi32, #tpu.memory_space<vmem>>) semaphore(%run_scoped3A : memref<!tpu.dma_semaphore, #tpu.memory_space<semaphore_mem>>) {add = true}
          %dma_wait3A_82 = arith.constant 0 : i32
          %dma_wait3A_83 = tpu.memref_slice %arg8[%add3A_46, %dma_wait3A_82] : memref<40x128xi32, #tpu.memory_space<vmem>> -> memref<1x128xi32, #tpu.memory_space<vmem>>
          %dma_wait3A_84 = tpu.memref_squeeze %dma_wait3A_83 : memref<1x128xi32, #tpu.memory_space<vmem>> -> memref<128xi32, #tpu.memory_space<vmem>>
          %dma_wait3A_85 = arith.constant 0 : i32
          %dma_wait3A_86 = arith.constant 0 : i32
          %dma_wait3A_87 = tpu.memref_slice %arg11[%dma_wait3A_85, %dma_wait3A_86] : memref<10112x128xf32, #tpu.memory_space<vmem_shared>> -> memref<10112x128xf32, #tpu.memory_space<vmem_shared>>
          tpu.wait_indirect_dma semaphore(%run_scoped3A : memref<!tpu.dma_semaphore, #tpu.memory_space<semaphore_mem>>) src(%arg9 : memref<128x128xf32, #tpu.memory_space<vmem>>) dst(%dma_wait3A_87 : memref<10112x128xf32, #tpu.memory_space<vmem_shared>>)
          tpu.yield
        }) : () -> ()
        %add3A_60 = arith.constant 2 : i32
        %add3A_61 = arith.addi %add3A_46, %add3A_60 : i32
        %lt3A = arith.constant 40 : i32
        %lt3A_62 = arith.cmpi slt, %add3A_61, %lt3A : i32
        %convert_element_type3A_63 = arith.extui %lt3A_62 : i1 to i32
        %cond3A_64 = arith.constant 0 : i32
        %cond3A_65 = arith.cmpi ne, %convert_element_type3A_63, %cond3A_64 : i32
        scf.if %cond3A_65 {
          %add3A_76 = arith.constant 2 : i32
          %add3A_77 = arith.addi %add3A_46, %add3A_76 : i32
          %dma_start3A_78 = arith.constant 0 : i32
          %dma_start3A_79 = tpu.memref_slice %arg7[%add3A_77, %dma_start3A_78] : memref<40x128xi32, #tpu.memory_space<vmem>> -> memref<1x128xi32, #tpu.memory_space<vmem>>
          %dma_start3A_80 = tpu.memref_squeeze %dma_start3A_79 : memref<1x128xi32, #tpu.memory_space<vmem>> -> memref<128xi32, #tpu.memory_space<vmem>>
          %dma_start3A_81 = arith.constant 0 : i32
          %dma_start3A_82 = arith.constant 0 : i32
          %dma_start3A_83 = tpu.memref_slice %arg2[%dma_start3A_81, %dma_start3A_82] : memref<10000x128xf32, #tpu.memory_space<hbm>> -> memref<10000x128xf32, #tpu.memory_space<hbm>>
          tpu.enqueue_indirect_dma source(%dma_start3A_83 : memref<10000x128xf32, #tpu.memory_space<hbm>>) target(%arg9 : memref<128x128xf32, #tpu.memory_space<vmem>>) offsets(%dma_start3A_80 : memref<128xi32, #tpu.memory_space<vmem>>) semaphore(%arg12 : memref<!tpu.dma_semaphore, #tpu.memory_space<semaphore_mem>>)
        } else {
        }
        %add3A_66 = arith.constant 1 : i32
        %add3A_67 = arith.addi %add3A_46, %add3A_66 : i32
        %dma_wait3A_68 = arith.constant 0 : i32
        %dma_wait3A_69 = tpu.memref_slice %arg7[%add3A_67, %dma_wait3A_68] : memref<40x128xi32, #tpu.memory_space<vmem>> -> memref<1x128xi32, #tpu.memory_space<vmem>>
        %dma_wait3A_70 = tpu.memref_squeeze %dma_wait3A_69 : memref<1x128xi32, #tpu.memory_space<vmem>> -> memref<128xi32, #tpu.memory_space<vmem>>
        %dma_wait3A_71 = arith.constant 0 : i32
        %dma_wait3A_72 = arith.constant 0 : i32
        %dma_wait3A_73 = tpu.memref_slice %arg2[%dma_wait3A_71, %dma_wait3A_72] : memref<10000x128xf32, #tpu.memory_space<hbm>> -> memref<10000x128xf32, #tpu.memory_space<hbm>>
        tpu.wait_indirect_dma semaphore(%arg13 : memref<!tpu.dma_semaphore, #tpu.memory_space<semaphore_mem>>) src(%dma_wait3A_73 : memref<10000x128xf32, #tpu.memory_space<hbm>>) dst(%arg10 : memref<128x128xf32, #tpu.memory_space<vmem>>)
        %add3A_74 = arith.constant 1 : i32
        %add3A_75 = arith.addi %add3A_46, %add3A_74 : i32
        "tpu.region"() ({
          %run_scoped3A = tpu.sem_alloc : memref<!tpu.dma_semaphore, #tpu.memory_space<semaphore_mem>>
          %dma_start3A_76 = arith.constant 0 : i32
          %dma_start3A_77 = tpu.memref_slice %arg8[%add3A_75, %dma_start3A_76] : memref<40x128xi32, #tpu.memory_space<vmem>> -> memref<1x128xi32, #tpu.memory_space<vmem>>
          %dma_start3A_78 = tpu.memref_squeeze %dma_start3A_77 : memref<1x128xi32, #tpu.memory_space<vmem>> -> memref<128xi32, #tpu.memory_space<vmem>>
          %dma_start3A_79 = arith.constant 0 : i32
          %dma_start3A_80 = arith.constant 0 : i32
          %dma_start3A_81 = tpu.memref_slice %arg11[%dma_start3A_79, %dma_start3A_80] : memref<10112x128xf32, #tpu.memory_space<vmem_shared>> -> memref<10112x128xf32, #tpu.memory_space<vmem_shared>>
          tpu.enqueue_indirect_dma source(%arg10 : memref<128x128xf32, #tpu.memory_space<vmem>>) target(%dma_start3A_81 : memref<10112x128xf32, #tpu.memory_space<vmem_shared>>) offsets(%dma_start3A_78 : memref<128xi32, #tpu.memory_space<vmem>>) semaphore(%run_scoped3A : memref<!tpu.dma_semaphore, #tpu.memory_space<semaphore_mem>>) {add = true}
          %dma_wait3A_82 = arith.constant 0 : i32
          %dma_wait3A_83 = tpu.memref_slice %arg8[%add3A_75, %dma_wait3A_82] : memref<40x128xi32, #tpu.memory_space<vmem>> -> memref<1x128xi32, #tpu.memory_space<vmem>>
          %dma_wait3A_84 = tpu.memref_squeeze %dma_wait3A_83 : memref<1x128xi32, #tpu.memory_space<vmem>> -> memref<128xi32, #tpu.memory_space<vmem>>
          %dma_wait3A_85 = arith.constant 0 : i32
          %dma_wait3A_86 = arith.constant 0 : i32
          %dma_wait3A_87 = tpu.memref_slice %arg11[%dma_wait3A_85, %dma_wait3A_86] : memref<10112x128xf32, #tpu.memory_space<vmem_shared>> -> memref<10112x128xf32, #tpu.memory_space<vmem_shared>>
          tpu.wait_indirect_dma semaphore(%run_scoped3A : memref<!tpu.dma_semaphore, #tpu.memory_space<semaphore_mem>>) src(%arg10 : memref<128x128xf32, #tpu.memory_space<vmem>>) dst(%dma_wait3A_87 : memref<10112x128xf32, #tpu.memory_space<vmem_shared>>)
          tpu.yield
        }) : () -> ()
      }
      %scan3A_25 = arith.constant 20 : i32
      %mul3A_26 = arith.constant 80 : i32
      %mul3A_27 = arith.muli %arg1, %mul3A_26 : i32
      %add3A_28 = arith.constant 40 : i32
      %add3A_29 = arith.addi %mul3A_27, %add3A_28 : i32
      "tpu.region"() ({
        %run_scoped3A = tpu.sem_alloc : memref<!tpu.dma_semaphore, #tpu.memory_space<semaphore_mem>>
        %dma_start3A_42 = arith.constant 0 : i32
        %dma_start3A_43 = tpu.memref_slice %arg3[%add3A_29, %dma_start3A_42] : memref<2560x128xi32, #tpu.memory_space<hbm>> -> memref<40x128xi32, #tpu.memory_space<hbm>>
        %dma_start3A_44 = arith.constant 0 : i32
        %dma_start3A_45 = tpu.memref_slice %arg3[%add3A_29, %dma_start3A_44] : memref<2560x128xi32, #tpu.memory_space<hbm>> -> memref<40x128xi32, #tpu.memory_space<hbm>>
        tpu.enqueue_dma source(%dma_start3A_45 : memref<40x128xi32, #tpu.memory_space<hbm>>) target(%arg7 : memref<40x128xi32, #tpu.memory_space<vmem>>) target_semaphore(%run_scoped3A : memref<!tpu.dma_semaphore, #tpu.memory_space<semaphore_mem>>)
        %dma_wait3A = arith.constant 0 : i32
        %dma_wait3A_46 = tpu.memref_slice %arg3[%add3A_29, %dma_wait3A] : memref<2560x128xi32, #tpu.memory_space<hbm>> -> memref<40x128xi32, #tpu.memory_space<hbm>>
        %dma_wait3A_47 = arith.constant 0 : i32
        %dma_wait3A_48 = tpu.memref_slice %arg3[%add3A_29, %dma_wait3A_47] : memref<2560x128xi32, #tpu.memory_space<hbm>> -> memref<40x128xi32, #tpu.memory_space<hbm>>
        tpu.wait_dma2 semaphore(%run_scoped3A : memref<!tpu.dma_semaphore, #tpu.memory_space<semaphore_mem>>) src(%dma_wait3A_48 : memref<40x128xi32, #tpu.memory_space<hbm>>) dst(%arg7 : memref<40x128xi32, #tpu.memory_space<vmem>>)
        tpu.yield
      }) : () -> ()
      "tpu.region"() ({
        %run_scoped3A = tpu.sem_alloc : memref<!tpu.dma_semaphore, #tpu.memory_space<semaphore_mem>>
        %dma_start3A_42 = arith.constant 0 : i32
        %dma_start3A_43 = tpu.memref_slice %arg4[%add3A_29, %dma_start3A_42] : memref<2560x128xi32, #tpu.memory_space<hbm>> -> memref<40x128xi32, #tpu.memory_space<hbm>>
        %dma_start3A_44 = arith.constant 0 : i32
        %dma_start3A_45 = tpu.memref_slice %arg4[%add3A_29, %dma_start3A_44] : memref<2560x128xi32, #tpu.memory_space<hbm>> -> memref<40x128xi32, #tpu.memory_space<hbm>>
        tpu.enqueue_dma source(%dma_start3A_45 : memref<40x128xi32, #tpu.memory_space<hbm>>) target(%arg8 : memref<40x128xi32, #tpu.memory_space<vmem>>) target_semaphore(%run_scoped3A : memref<!tpu.dma_semaphore, #tpu.memory_space<semaphore_mem>>)
        %dma_wait3A = arith.constant 0 : i32
        %dma_wait3A_46 = tpu.memref_slice %arg4[%add3A_29, %dma_wait3A] : memref<2560x128xi32, #tpu.memory_space<hbm>> -> memref<40x128xi32, #tpu.memory_space<hbm>>
        %dma_wait3A_47 = arith.constant 0 : i32
        %dma_wait3A_48 = tpu.memref_slice %arg4[%add3A_29, %dma_wait3A_47] : memref<2560x128xi32, #tpu.memory_space<hbm>> -> memref<40x128xi32, #tpu.memory_space<hbm>>
        tpu.wait_dma2 semaphore(%run_scoped3A : memref<!tpu.dma_semaphore, #tpu.memory_space<semaphore_mem>>) src(%dma_wait3A_48 : memref<40x128xi32, #tpu.memory_space<hbm>>) dst(%arg8 : memref<40x128xi32, #tpu.memory_space<vmem>>)
        tpu.yield
      }) : () -> ()
      %dma_start3A_30 = arith.constant 0 : i32
      %dma_start3A_31 = arith.constant 0 : i32
      %dma_start3A_32 = tpu.memref_slice %arg7[%dma_start3A_30, %dma_start3A_31] : memref<40x128xi32, #tpu.memory_space<vmem>> -> memref<1x128xi32, #tpu.memory_space<vmem>>
      %dma_start3A_33 = tpu.memref_squeeze %dma_start3A_32 : memref<1x128xi32, #tpu.memory_space<vmem>> -> memref<128xi32, #tpu.memory_space<vmem>>
      %dma_start3A_34 = arith.constant 0 : i32
      %dma_start3A_35 = arith.constant 0 : i32
      %dma_start3A_36 = tpu.memref_slice %arg2[%dma_start3A_34, %dma_start3A_35] : memref<10000x128xf32, #tpu.memory_space<hbm>> -> memref<10000x128xf32, #tpu.memory_space<hbm>>
      tpu.enqueue_indirect_dma source(%dma_start3A_36 : memref<10000x128xf32, #tpu.memory_space<hbm>>) target(%arg9 : memref<128x128xf32, #tpu.memory_space<vmem>>) offsets(%dma_start3A_33 : memref<128xi32, #tpu.memory_space<vmem>>) semaphore(%arg12 : memref<!tpu.dma_semaphore, #tpu.memory_space<semaphore_mem>>)
      %scan3A_37 = arith.constant 0 : i32
      %scan3A_38 = arith.constant 20 : i32
      %scan3A_39 = arith.addi %scan3A_37, %scan3A_38 : i32
      %scan3A_40 = arith.constant 1 : i32
      scf.for %scan3A_42 = %scan3A_37 to %scan3A_39 step %scan3A_40  : i32 {
        %mul3A_43 = arith.constant 2 : i32
        %mul3A_44 = arith.muli %scan3A_42, %mul3A_43 : i32
        %add3A_45 = arith.constant 0 : i32
        %add3A_46 = arith.addi %add3A_45, %mul3A_44 : i32
        %add3A_47 = arith.constant 1 : i32
        %add3A_48 = arith.addi %add3A_46, %add3A_47 : i32
        %dma_start3A_49 = arith.constant 0 : i32
        %dma_start3A_50 = tpu.memref_slice %arg7[%add3A_48, %dma_start3A_49] : memref<40x128xi32, #tpu.memory_space<vmem>> -> memref<1x128xi32, #tpu.memory_space<vmem>>
        %dma_start3A_51 = tpu.memref_squeeze %dma_start3A_50 : memref<1x128xi32, #tpu.memory_space<vmem>> -> memref<128xi32, #tpu.memory_space<vmem>>
        %dma_start3A_52 = arith.constant 0 : i32
        %dma_start3A_53 = arith.constant 0 : i32
        %dma_start3A_54 = tpu.memref_slice %arg2[%dma_start3A_52, %dma_start3A_53] : memref<10000x128xf32, #tpu.memory_space<hbm>> -> memref<10000x128xf32, #tpu.memory_space<hbm>>
        tpu.enqueue_indirect_dma source(%dma_start3A_54 : memref<10000x128xf32, #tpu.memory_space<hbm>>) target(%arg10 : memref<128x128xf32, #tpu.memory_space<vmem>>) offsets(%dma_start3A_51 : memref<128xi32, #tpu.memory_space<vmem>>) semaphore(%arg13 : memref<!tpu.dma_semaphore, #tpu.memory_space<semaphore_mem>>)
        %dma_wait3A = arith.constant 0 : i32
        %dma_wait3A_55 = tpu.memref_slice %arg7[%add3A_46, %dma_wait3A] : memref<40x128xi32, #tpu.memory_space<vmem>> -> memref<1x128xi32, #tpu.memory_space<vmem>>
        %dma_wait3A_56 = tpu.memref_squeeze %dma_wait3A_55 : memref<1x128xi32, #tpu.memory_space<vmem>> -> memref<128xi32, #tpu.memory_space<vmem>>
        %dma_wait3A_57 = arith.constant 0 : i32
        %dma_wait3A_58 = arith.constant 0 : i32
        %dma_wait3A_59 = tpu.memref_slice %arg2[%dma_wait3A_57, %dma_wait3A_58] : memref<10000x128xf32, #tpu.memory_space<hbm>> -> memref<10000x128xf32, #tpu.memory_space<hbm>>
        tpu.wait_indirect_dma semaphore(%arg12 : memref<!tpu.dma_semaphore, #tpu.memory_space<semaphore_mem>>) src(%dma_wait3A_59 : memref<10000x128xf32, #tpu.memory_space<hbm>>) dst(%arg9 : memref<128x128xf32, #tpu.memory_space<vmem>>)
        "tpu.region"() ({
          %run_scoped3A = tpu.sem_alloc : memref<!tpu.dma_semaphore, #tpu.memory_space<semaphore_mem>>
          %dma_start3A_76 = arith.constant 0 : i32
          %dma_start3A_77 = tpu.memref_slice %arg8[%add3A_46, %dma_start3A_76] : memref<40x128xi32, #tpu.memory_space<vmem>> -> memref<1x128xi32, #tpu.memory_space<vmem>>
          %dma_start3A_78 = tpu.memref_squeeze %dma_start3A_77 : memref<1x128xi32, #tpu.memory_space<vmem>> -> memref<128xi32, #tpu.memory_space<vmem>>
          %dma_start3A_79 = arith.constant 0 : i32
          %dma_start3A_80 = arith.constant 0 : i32
          %dma_start3A_81 = tpu.memref_slice %arg11[%dma_start3A_79, %dma_start3A_80] : memref<10112x128xf32, #tpu.memory_space<vmem_shared>> -> memref<10112x128xf32, #tpu.memory_space<vmem_shared>>
          tpu.enqueue_indirect_dma source(%arg9 : memref<128x128xf32, #tpu.memory_space<vmem>>) target(%dma_start3A_81 : memref<10112x128xf32, #tpu.memory_space<vmem_shared>>) offsets(%dma_start3A_78 : memref<128xi32, #tpu.memory_space<vmem>>) semaphore(%run_scoped3A : memref<!tpu.dma_semaphore, #tpu.memory_space<semaphore_mem>>) {add = true}
          %dma_wait3A_82 = arith.constant 0 : i32
          %dma_wait3A_83 = tpu.memref_slice %arg8[%add3A_46, %dma_wait3A_82] : memref<40x128xi32, #tpu.memory_space<vmem>> -> memref<1x128xi32, #tpu.memory_space<vmem>>
          %dma_wait3A_84 = tpu.memref_squeeze %dma_wait3A_83 : memref<1x128xi32, #tpu.memory_space<vmem>> -> memref<128xi32, #tpu.memory_space<vmem>>
          %dma_wait3A_85 = arith.constant 0 : i32
          %dma_wait3A_86 = arith.constant 0 : i32
          %dma_wait3A_87 = tpu.memref_slice %arg11[%dma_wait3A_85, %dma_wait3A_86] : memref<10112x128xf32, #tpu.memory_space<vmem_shared>> -> memref<10112x128xf32, #tpu.memory_space<vmem_shared>>
          tpu.wait_indirect_dma semaphore(%run_scoped3A : memref<!tpu.dma_semaphore, #tpu.memory_space<semaphore_mem>>) src(%arg9 : memref<128x128xf32, #tpu.memory_space<vmem>>) dst(%dma_wait3A_87 : memref<10112x128xf32, #tpu.memory_space<vmem_shared>>)
          tpu.yield
        }) : () -> ()
        %add3A_60 = arith.constant 2 : i32
        %add3A_61 = arith.addi %add3A_46, %add3A_60 : i32
        %lt3A = arith.constant 40 : i32
        %lt3A_62 = arith.cmpi slt, %add3A_61, %lt3A : i32
        %convert_element_type3A_63 = arith.extui %lt3A_62 : i1 to i32
        %cond3A_64 = arith.constant 0 : i32
        %cond3A_65 = arith.cmpi ne, %convert_element_type3A_63, %cond3A_64 : i32
        scf.if %cond3A_65 {
          %add3A_76 = arith.constant 2 : i32
          %add3A_77 = arith.addi %add3A_46, %add3A_76 : i32
          %dma_start3A_78 = arith.constant 0 : i32
          %dma_start3A_79 = tpu.memref_slice %arg7[%add3A_77, %dma_start3A_78] : memref<40x128xi32, #tpu.memory_space<vmem>> -> memref<1x128xi32, #tpu.memory_space<vmem>>
          %dma_start3A_80 = tpu.memref_squeeze %dma_start3A_79 : memref<1x128xi32, #tpu.memory_space<vmem>> -> memref<128xi32, #tpu.memory_space<vmem>>
          %dma_start3A_81 = arith.constant 0 : i32
          %dma_start3A_82 = arith.constant 0 : i32
          %dma_start3A_83 = tpu.memref_slice %arg2[%dma_start3A_81, %dma_start3A_82] : memref<10000x128xf32, #tpu.memory_space<hbm>> -> memref<10000x128xf32, #tpu.memory_space<hbm>>
          tpu.enqueue_indirect_dma source(%dma_start3A_83 : memref<10000x128xf32, #tpu.memory_space<hbm>>) target(%arg9 : memref<128x128xf32, #tpu.memory_space<vmem>>) offsets(%dma_start3A_80 : memref<128xi32, #tpu.memory_space<vmem>>) semaphore(%arg12 : memref<!tpu.dma_semaphore, #tpu.memory_space<semaphore_mem>>)
        } else {
        }
        %add3A_66 = arith.constant 1 : i32
        %add3A_67 = arith.addi %add3A_46, %add3A_66 : i32
        %dma_wait3A_68 = arith.constant 0 : i32
        %dma_wait3A_69 = tpu.memref_slice %arg7[%add3A_67, %dma_wait3A_68] : memref<40x128xi32, #tpu.memory_space<vmem>> -> memref<1x128xi32, #tpu.memory_space<vmem>>
        %dma_wait3A_70 = tpu.memref_squeeze %dma_wait3A_69 : memref<1x128xi32, #tpu.memory_space<vmem>> -> memref<128xi32, #tpu.memory_space<vmem>>
        %dma_wait3A_71 = arith.constant 0 : i32
        %dma_wait3A_72 = arith.constant 0 : i32
        %dma_wait3A_73 = tpu.memref_slice %arg2[%dma_wait3A_71, %dma_wait3A_72] : memref<10000x128xf32, #tpu.memory_space<hbm>> -> memref<10000x128xf32, #tpu.memory_space<hbm>>
        tpu.wait_indirect_dma semaphore(%arg13 : memref<!tpu.dma_semaphore, #tpu.memory_space<semaphore_mem>>) src(%dma_wait3A_73 : memref<10000x128xf32, #tpu.memory_space<hbm>>) dst(%arg10 : memref<128x128xf32, #tpu.memory_space<vmem>>)
        %add3A_74 = arith.constant 1 : i32
        %add3A_75 = arith.addi %add3A_46, %add3A_74 : i32
        "tpu.region"() ({
          %run_scoped3A = tpu.sem_alloc : memref<!tpu.dma_semaphore, #tpu.memory_space<semaphore_mem>>
          %dma_start3A_76 = arith.constant 0 : i32
          %dma_start3A_77 = tpu.memref_slice %arg8[%add3A_75, %dma_start3A_76] : memref<40x128xi32, #tpu.memory_space<vmem>> -> memref<1x128xi32, #tpu.memory_space<vmem>>
          %dma_start3A_78 = tpu.memref_squeeze %dma_start3A_77 : memref<1x128xi32, #tpu.memory_space<vmem>> -> memref<128xi32, #tpu.memory_space<vmem>>
          %dma_start3A_79 = arith.constant 0 : i32
          %dma_start3A_80 = arith.constant 0 : i32
          %dma_start3A_81 = tpu.memref_slice %arg11[%dma_start3A_79, %dma_start3A_80] : memref<10112x128xf32, #tpu.memory_space<vmem_shared>> -> memref<10112x128xf32, #tpu.memory_space<vmem_shared>>
          tpu.enqueue_indirect_dma source(%arg10 : memref<128x128xf32, #tpu.memory_space<vmem>>) target(%dma_start3A_81 : memref<10112x128xf32, #tpu.memory_space<vmem_shared>>) offsets(%dma_start3A_78 : memref<128xi32, #tpu.memory_space<vmem>>) semaphore(%run_scoped3A : memref<!tpu.dma_semaphore, #tpu.memory_space<semaphore_mem>>) {add = true}
          %dma_wait3A_82 = arith.constant 0 : i32
          %dma_wait3A_83 = tpu.memref_slice %arg8[%add3A_75, %dma_wait3A_82] : memref<40x128xi32, #tpu.memory_space<vmem>> -> memref<1x128xi32, #tpu.memory_space<vmem>>
          %dma_wait3A_84 = tpu.memref_squeeze %dma_wait3A_83 : memref<1x128xi32, #tpu.memory_space<vmem>> -> memref<128xi32, #tpu.memory_space<vmem>>
          %dma_wait3A_85 = arith.constant 0 : i32
          %dma_wait3A_86 = arith.constant 0 : i32
          %dma_wait3A_87 = tpu.memref_slice %arg11[%dma_wait3A_85, %dma_wait3A_86] : memref<10112x128xf32, #tpu.memory_space<vmem_shared>> -> memref<10112x128xf32, #tpu.memory_space<vmem_shared>>
          tpu.wait_indirect_dma semaphore(%run_scoped3A : memref<!tpu.dma_semaphore, #tpu.memory_space<semaphore_mem>>) src(%arg10 : memref<128x128xf32, #tpu.memory_space<vmem>>) dst(%dma_wait3A_87 : memref<10112x128xf32, #tpu.memory_space<vmem_shared>>)
          tpu.yield
        }) : () -> ()
      }
      %scan3A_41 = arith.constant 20 : i32
    } else {
    }
    %eq3A_3 = arith.constant 1 : i32
    %eq3A_4 = arith.cmpi eq, %arg0, %eq3A_3 : i32
    %convert_element_type3A_5 = arith.extui %eq3A_4 : i1 to i32
    %cond3A_6 = arith.constant 0 : i32
    %cond3A_7 = arith.cmpi ne, %convert_element_type3A_5, %cond3A_6 : i32
    scf.if %cond3A_7 {
      %mul3A_13 = arith.constant 80 : i32
      %mul3A_14 = arith.muli %arg1, %mul3A_13 : i32
      %add3A = arith.constant 1280 : i32
      %add3A_15 = arith.addi %add3A, %mul3A_14 : i32
      %add3A_16 = arith.constant 0 : i32
      %add3A_17 = arith.addi %add3A_15, %add3A_16 : i32
      "tpu.region"() ({
        %run_scoped3A = tpu.sem_alloc : memref<!tpu.dma_semaphore, #tpu.memory_space<semaphore_mem>>
        %dma_start3A_46 = arith.constant 0 : i32
        %dma_start3A_47 = tpu.memref_slice %arg3[%add3A_17, %dma_start3A_46] : memref<2560x128xi32, #tpu.memory_space<hbm>> -> memref<40x128xi32, #tpu.memory_space<hbm>>
        %dma_start3A_48 = arith.constant 0 : i32
        %dma_start3A_49 = tpu.memref_slice %arg3[%add3A_17, %dma_start3A_48] : memref<2560x128xi32, #tpu.memory_space<hbm>> -> memref<40x128xi32, #tpu.memory_space<hbm>>
        tpu.enqueue_dma source(%dma_start3A_49 : memref<40x128xi32, #tpu.memory_space<hbm>>) target(%arg7 : memref<40x128xi32, #tpu.memory_space<vmem>>) target_semaphore(%run_scoped3A : memref<!tpu.dma_semaphore, #tpu.memory_space<semaphore_mem>>)
        %dma_wait3A = arith.constant 0 : i32
        %dma_wait3A_50 = tpu.memref_slice %arg3[%add3A_17, %dma_wait3A] : memref<2560x128xi32, #tpu.memory_space<hbm>> -> memref<40x128xi32, #tpu.memory_space<hbm>>
        %dma_wait3A_51 = arith.constant 0 : i32
        %dma_wait3A_52 = tpu.memref_slice %arg3[%add3A_17, %dma_wait3A_51] : memref<2560x128xi32, #tpu.memory_space<hbm>> -> memref<40x128xi32, #tpu.memory_space<hbm>>
        tpu.wait_dma2 semaphore(%run_scoped3A : memref<!tpu.dma_semaphore, #tpu.memory_space<semaphore_mem>>) src(%dma_wait3A_52 : memref<40x128xi32, #tpu.memory_space<hbm>>) dst(%arg7 : memref<40x128xi32, #tpu.memory_space<vmem>>)
        tpu.yield
      }) : () -> ()
      "tpu.region"() ({
        %run_scoped3A = tpu.sem_alloc : memref<!tpu.dma_semaphore, #tpu.memory_space<semaphore_mem>>
        %dma_start3A_46 = arith.constant 0 : i32
        %dma_start3A_47 = tpu.memref_slice %arg4[%add3A_17, %dma_start3A_46] : memref<2560x128xi32, #tpu.memory_space<hbm>> -> memref<40x128xi32, #tpu.memory_space<hbm>>
        %dma_start3A_48 = arith.constant 0 : i32
        %dma_start3A_49 = tpu.memref_slice %arg4[%add3A_17, %dma_start3A_48] : memref<2560x128xi32, #tpu.memory_space<hbm>> -> memref<40x128xi32, #tpu.memory_space<hbm>>
        tpu.enqueue_dma source(%dma_start3A_49 : memref<40x128xi32, #tpu.memory_space<hbm>>) target(%arg8 : memref<40x128xi32, #tpu.memory_space<vmem>>) target_semaphore(%run_scoped3A : memref<!tpu.dma_semaphore, #tpu.memory_space<semaphore_mem>>)
        %dma_wait3A = arith.constant 0 : i32
        %dma_wait3A_50 = tpu.memref_slice %arg4[%add3A_17, %dma_wait3A] : memref<2560x128xi32, #tpu.memory_space<hbm>> -> memref<40x128xi32, #tpu.memory_space<hbm>>
        %dma_wait3A_51 = arith.constant 0 : i32
        %dma_wait3A_52 = tpu.memref_slice %arg4[%add3A_17, %dma_wait3A_51] : memref<2560x128xi32, #tpu.memory_space<hbm>> -> memref<40x128xi32, #tpu.memory_space<hbm>>
        tpu.wait_dma2 semaphore(%run_scoped3A : memref<!tpu.dma_semaphore, #tpu.memory_space<semaphore_mem>>) src(%dma_wait3A_52 : memref<40x128xi32, #tpu.memory_space<hbm>>) dst(%arg8 : memref<40x128xi32, #tpu.memory_space<vmem>>)
        tpu.yield
      }) : () -> ()
      %dma_start3A = arith.constant 0 : i32
      %dma_start3A_18 = arith.constant 0 : i32
      %dma_start3A_19 = tpu.memref_slice %arg7[%dma_start3A, %dma_start3A_18] : memref<40x128xi32, #tpu.memory_space<vmem>> -> memref<1x128xi32, #tpu.memory_space<vmem>>
      %dma_start3A_20 = tpu.memref_squeeze %dma_start3A_19 : memref<1x128xi32, #tpu.memory_space<vmem>> -> memref<128xi32, #tpu.memory_space<vmem>>
      %dma_start3A_21 = arith.constant 0 : i32
      %dma_start3A_22 = arith.constant 0 : i32
      %dma_start3A_23 = tpu.memref_slice %arg2[%dma_start3A_21, %dma_start3A_22] : memref<10000x128xf32, #tpu.memory_space<hbm>> -> memref<10000x128xf32, #tpu.memory_space<hbm>>
      tpu.enqueue_indirect_dma source(%dma_start3A_23 : memref<10000x128xf32, #tpu.memory_space<hbm>>) target(%arg9 : memref<128x128xf32, #tpu.memory_space<vmem>>) offsets(%dma_start3A_20 : memref<128xi32, #tpu.memory_space<vmem>>) semaphore(%arg12 : memref<!tpu.dma_semaphore, #tpu.memory_space<semaphore_mem>>)
      %scan3A = arith.constant 0 : i32
      %scan3A_24 = arith.constant 20 : i32
      %scan3A_25 = arith.addi %scan3A, %scan3A_24 : i32
      %scan3A_26 = arith.constant 1 : i32
      scf.for %scan3A_46 = %scan3A to %scan3A_25 step %scan3A_26  : i32 {
        %mul3A_47 = arith.constant 2 : i32
        %mul3A_48 = arith.muli %scan3A_46, %mul3A_47 : i32
        %add3A_49 = arith.constant 0 : i32
        %add3A_50 = arith.addi %add3A_49, %mul3A_48 : i32
        %add3A_51 = arith.constant 1 : i32
        %add3A_52 = arith.addi %add3A_50, %add3A_51 : i32
        %dma_start3A_53 = arith.constant 0 : i32
        %dma_start3A_54 = tpu.memref_slice %arg7[%add3A_52, %dma_start3A_53] : memref<40x128xi32, #tpu.memory_space<vmem>> -> memref<1x128xi32, #tpu.memory_space<vmem>>
        %dma_start3A_55 = tpu.memref_squeeze %dma_start3A_54 : memref<1x128xi32, #tpu.memory_space<vmem>> -> memref<128xi32, #tpu.memory_space<vmem>>
        %dma_start3A_56 = arith.constant 0 : i32
        %dma_start3A_57 = arith.constant 0 : i32
        %dma_start3A_58 = tpu.memref_slice %arg2[%dma_start3A_56, %dma_start3A_57] : memref<10000x128xf32, #tpu.memory_space<hbm>> -> memref<10000x128xf32, #tpu.memory_space<hbm>>
        tpu.enqueue_indirect_dma source(%dma_start3A_58 : memref<10000x128xf32, #tpu.memory_space<hbm>>) target(%arg10 : memref<128x128xf32, #tpu.memory_space<vmem>>) offsets(%dma_start3A_55 : memref<128xi32, #tpu.memory_space<vmem>>) semaphore(%arg13 : memref<!tpu.dma_semaphore, #tpu.memory_space<semaphore_mem>>)
        %dma_wait3A = arith.constant 0 : i32
        %dma_wait3A_59 = tpu.memref_slice %arg7[%add3A_50, %dma_wait3A] : memref<40x128xi32, #tpu.memory_space<vmem>> -> memref<1x128xi32, #tpu.memory_space<vmem>>
        %dma_wait3A_60 = tpu.memref_squeeze %dma_wait3A_59 : memref<1x128xi32, #tpu.memory_space<vmem>> -> memref<128xi32, #tpu.memory_space<vmem>>
        %dma_wait3A_61 = arith.constant 0 : i32
        %dma_wait3A_62 = arith.constant 0 : i32
        %dma_wait3A_63 = tpu.memref_slice %arg2[%dma_wait3A_61, %dma_wait3A_62] : memref<10000x128xf32, #tpu.memory_space<hbm>> -> memref<10000x128xf32, #tpu.memory_space<hbm>>
        tpu.wait_indirect_dma semaphore(%arg12 : memref<!tpu.dma_semaphore, #tpu.memory_space<semaphore_mem>>) src(%dma_wait3A_63 : memref<10000x128xf32, #tpu.memory_space<hbm>>) dst(%arg9 : memref<128x128xf32, #tpu.memory_space<vmem>>)
        "tpu.region"() ({
          %run_scoped3A = tpu.sem_alloc : memref<!tpu.dma_semaphore, #tpu.memory_space<semaphore_mem>>
          %dma_start3A_80 = arith.constant 0 : i32
          %dma_start3A_81 = tpu.memref_slice %arg8[%add3A_50, %dma_start3A_80] : memref<40x128xi32, #tpu.memory_space<vmem>> -> memref<1x128xi32, #tpu.memory_space<vmem>>
          %dma_start3A_82 = tpu.memref_squeeze %dma_start3A_81 : memref<1x128xi32, #tpu.memory_space<vmem>> -> memref<128xi32, #tpu.memory_space<vmem>>
          %dma_start3A_83 = arith.constant 0 : i32
          %dma_start3A_84 = arith.constant 0 : i32
          %dma_start3A_85 = tpu.memref_slice %arg11[%dma_start3A_83, %dma_start3A_84] : memref<10112x128xf32, #tpu.memory_space<vmem_shared>> -> memref<10112x128xf32, #tpu.memory_space<vmem_shared>>
          tpu.enqueue_indirect_dma source(%arg9 : memref<128x128xf32, #tpu.memory_space<vmem>>) target(%dma_start3A_85 : memref<10112x128xf32, #tpu.memory_space<vmem_shared>>) offsets(%dma_start3A_82 : memref<128xi32, #tpu.memory_space<vmem>>) semaphore(%run_scoped3A : memref<!tpu.dma_semaphore, #tpu.memory_space<semaphore_mem>>) {add = true}
          %dma_wait3A_86 = arith.constant 0 : i32
          %dma_wait3A_87 = tpu.memref_slice %arg8[%add3A_50, %dma_wait3A_86] : memref<40x128xi32, #tpu.memory_space<vmem>> -> memref<1x128xi32, #tpu.memory_space<vmem>>
          %dma_wait3A_88 = tpu.memref_squeeze %dma_wait3A_87 : memref<1x128xi32, #tpu.memory_space<vmem>> -> memref<128xi32, #tpu.memory_space<vmem>>
          %dma_wait3A_89 = arith.constant 0 : i32
          %dma_wait3A_90 = arith.constant 0 : i32
          %dma_wait3A_91 = tpu.memref_slice %arg11[%dma_wait3A_89, %dma_wait3A_90] : memref<10112x128xf32, #tpu.memory_space<vmem_shared>> -> memref<10112x128xf32, #tpu.memory_space<vmem_shared>>
          tpu.wait_indirect_dma semaphore(%run_scoped3A : memref<!tpu.dma_semaphore, #tpu.memory_space<semaphore_mem>>) src(%arg9 : memref<128x128xf32, #tpu.memory_space<vmem>>) dst(%dma_wait3A_91 : memref<10112x128xf32, #tpu.memory_space<vmem_shared>>)
          tpu.yield
        }) : () -> ()
        %add3A_64 = arith.constant 2 : i32
        %add3A_65 = arith.addi %add3A_50, %add3A_64 : i32
        %lt3A = arith.constant 40 : i32
        %lt3A_66 = arith.cmpi slt, %add3A_65, %lt3A : i32
        %convert_element_type3A_67 = arith.extui %lt3A_66 : i1 to i32
        %cond3A_68 = arith.constant 0 : i32
        %cond3A_69 = arith.cmpi ne, %convert_element_type3A_67, %cond3A_68 : i32
        scf.if %cond3A_69 {
          %add3A_80 = arith.constant 2 : i32
          %add3A_81 = arith.addi %add3A_50, %add3A_80 : i32
          %dma_start3A_82 = arith.constant 0 : i32
          %dma_start3A_83 = tpu.memref_slice %arg7[%add3A_81, %dma_start3A_82] : memref<40x128xi32, #tpu.memory_space<vmem>> -> memref<1x128xi32, #tpu.memory_space<vmem>>
          %dma_start3A_84 = tpu.memref_squeeze %dma_start3A_83 : memref<1x128xi32, #tpu.memory_space<vmem>> -> memref<128xi32, #tpu.memory_space<vmem>>
          %dma_start3A_85 = arith.constant 0 : i32
          %dma_start3A_86 = arith.constant 0 : i32
          %dma_start3A_87 = tpu.memref_slice %arg2[%dma_start3A_85, %dma_start3A_86] : memref<10000x128xf32, #tpu.memory_space<hbm>> -> memref<10000x128xf32, #tpu.memory_space<hbm>>
          tpu.enqueue_indirect_dma source(%dma_start3A_87 : memref<10000x128xf32, #tpu.memory_space<hbm>>) target(%arg9 : memref<128x128xf32, #tpu.memory_space<vmem>>) offsets(%dma_start3A_84 : memref<128xi32, #tpu.memory_space<vmem>>) semaphore(%arg12 : memref<!tpu.dma_semaphore, #tpu.memory_space<semaphore_mem>>)
        } else {
        }
        %add3A_70 = arith.constant 1 : i32
        %add3A_71 = arith.addi %add3A_50, %add3A_70 : i32
        %dma_wait3A_72 = arith.constant 0 : i32
        %dma_wait3A_73 = tpu.memref_slice %arg7[%add3A_71, %dma_wait3A_72] : memref<40x128xi32, #tpu.memory_space<vmem>> -> memref<1x128xi32, #tpu.memory_space<vmem>>
        %dma_wait3A_74 = tpu.memref_squeeze %dma_wait3A_73 : memref<1x128xi32, #tpu.memory_space<vmem>> -> memref<128xi32, #tpu.memory_space<vmem>>
        %dma_wait3A_75 = arith.constant 0 : i32
        %dma_wait3A_76 = arith.constant 0 : i32
        %dma_wait3A_77 = tpu.memref_slice %arg2[%dma_wait3A_75, %dma_wait3A_76] : memref<10000x128xf32, #tpu.memory_space<hbm>> -> memref<10000x128xf32, #tpu.memory_space<hbm>>
        tpu.wait_indirect_dma semaphore(%arg13 : memref<!tpu.dma_semaphore, #tpu.memory_space<semaphore_mem>>) src(%dma_wait3A_77 : memref<10000x128xf32, #tpu.memory_space<hbm>>) dst(%arg10 : memref<128x128xf32, #tpu.memory_space<vmem>>)
        %add3A_78 = arith.constant 1 : i32
        %add3A_79 = arith.addi %add3A_50, %add3A_78 : i32
        "tpu.region"() ({
          %run_scoped3A = tpu.sem_alloc : memref<!tpu.dma_semaphore, #tpu.memory_space<semaphore_mem>>
          %dma_start3A_80 = arith.constant 0 : i32
          %dma_start3A_81 = tpu.memref_slice %arg8[%add3A_79, %dma_start3A_80] : memref<40x128xi32, #tpu.memory_space<vmem>> -> memref<1x128xi32, #tpu.memory_space<vmem>>
          %dma_start3A_82 = tpu.memref_squeeze %dma_start3A_81 : memref<1x128xi32, #tpu.memory_space<vmem>> -> memref<128xi32, #tpu.memory_space<vmem>>
          %dma_start3A_83 = arith.constant 0 : i32
          %dma_start3A_84 = arith.constant 0 : i32
          %dma_start3A_85 = tpu.memref_slice %arg11[%dma_start3A_83, %dma_start3A_84] : memref<10112x128xf32, #tpu.memory_space<vmem_shared>> -> memref<10112x128xf32, #tpu.memory_space<vmem_shared>>
          tpu.enqueue_indirect_dma source(%arg10 : memref<128x128xf32, #tpu.memory_space<vmem>>) target(%dma_start3A_85 : memref<10112x128xf32, #tpu.memory_space<vmem_shared>>) offsets(%dma_start3A_82 : memref<128xi32, #tpu.memory_space<vmem>>) semaphore(%run_scoped3A : memref<!tpu.dma_semaphore, #tpu.memory_space<semaphore_mem>>) {add = true}
          %dma_wait3A_86 = arith.constant 0 : i32
          %dma_wait3A_87 = tpu.memref_slice %arg8[%add3A_79, %dma_wait3A_86] : memref<40x128xi32, #tpu.memory_space<vmem>> -> memref<1x128xi32, #tpu.memory_space<vmem>>
          %dma_wait3A_88 = tpu.memref_squeeze %dma_wait3A_87 : memref<1x128xi32, #tpu.memory_space<vmem>> -> memref<128xi32, #tpu.memory_space<vmem>>
          %dma_wait3A_89 = arith.constant 0 : i32
          %dma_wait3A_90 = arith.constant 0 : i32
          %dma_wait3A_91 = tpu.memref_slice %arg11[%dma_wait3A_89, %dma_wait3A_90] : memref<10112x128xf32, #tpu.memory_space<vmem_shared>> -> memref<10112x128xf32, #tpu.memory_space<vmem_shared>>
          tpu.wait_indirect_dma semaphore(%run_scoped3A : memref<!tpu.dma_semaphore, #tpu.memory_space<semaphore_mem>>) src(%arg10 : memref<128x128xf32, #tpu.memory_space<vmem>>) dst(%dma_wait3A_91 : memref<10112x128xf32, #tpu.memory_space<vmem_shared>>)
          tpu.yield
        }) : () -> ()
      }
      %scan3A_27 = arith.constant 20 : i32
      %mul3A_28 = arith.constant 80 : i32
      %mul3A_29 = arith.muli %arg1, %mul3A_28 : i32
      %add3A_30 = arith.constant 1280 : i32
      %add3A_31 = arith.addi %add3A_30, %mul3A_29 : i32
      %add3A_32 = arith.constant 40 : i32
      %add3A_33 = arith.addi %add3A_31, %add3A_32 : i32
      "tpu.region"() ({
        %run_scoped3A = tpu.sem_alloc : memref<!tpu.dma_semaphore, #tpu.memory_space<semaphore_mem>>
        %dma_start3A_46 = arith.constant 0 : i32
        %dma_start3A_47 = tpu.memref_slice %arg3[%add3A_33, %dma_start3A_46] : memref<2560x128xi32, #tpu.memory_space<hbm>> -> memref<40x128xi32, #tpu.memory_space<hbm>>
        %dma_start3A_48 = arith.constant 0 : i32
        %dma_start3A_49 = tpu.memref_slice %arg3[%add3A_33, %dma_start3A_48] : memref<2560x128xi32, #tpu.memory_space<hbm>> -> memref<40x128xi32, #tpu.memory_space<hbm>>
        tpu.enqueue_dma source(%dma_start3A_49 : memref<40x128xi32, #tpu.memory_space<hbm>>) target(%arg7 : memref<40x128xi32, #tpu.memory_space<vmem>>) target_semaphore(%run_scoped3A : memref<!tpu.dma_semaphore, #tpu.memory_space<semaphore_mem>>)
        %dma_wait3A = arith.constant 0 : i32
        %dma_wait3A_50 = tpu.memref_slice %arg3[%add3A_33, %dma_wait3A] : memref<2560x128xi32, #tpu.memory_space<hbm>> -> memref<40x128xi32, #tpu.memory_space<hbm>>
        %dma_wait3A_51 = arith.constant 0 : i32
        %dma_wait3A_52 = tpu.memref_slice %arg3[%add3A_33, %dma_wait3A_51] : memref<2560x128xi32, #tpu.memory_space<hbm>> -> memref<40x128xi32, #tpu.memory_space<hbm>>
        tpu.wait_dma2 semaphore(%run_scoped3A : memref<!tpu.dma_semaphore, #tpu.memory_space<semaphore_mem>>) src(%dma_wait3A_52 : memref<40x128xi32, #tpu.memory_space<hbm>>) dst(%arg7 : memref<40x128xi32, #tpu.memory_space<vmem>>)
        tpu.yield
      }) : () -> ()
      "tpu.region"() ({
        %run_scoped3A = tpu.sem_alloc : memref<!tpu.dma_semaphore, #tpu.memory_space<semaphore_mem>>
        %dma_start3A_46 = arith.constant 0 : i32
        %dma_start3A_47 = tpu.memref_slice %arg4[%add3A_33, %dma_start3A_46] : memref<2560x128xi32, #tpu.memory_space<hbm>> -> memref<40x128xi32, #tpu.memory_space<hbm>>
        %dma_start3A_48 = arith.constant 0 : i32
        %dma_start3A_49 = tpu.memref_slice %arg4[%add3A_33, %dma_start3A_48] : memref<2560x128xi32, #tpu.memory_space<hbm>> -> memref<40x128xi32, #tpu.memory_space<hbm>>
        tpu.enqueue_dma source(%dma_start3A_49 : memref<40x128xi32, #tpu.memory_space<hbm>>) target(%arg8 : memref<40x128xi32, #tpu.memory_space<vmem>>) target_semaphore(%run_scoped3A : memref<!tpu.dma_semaphore, #tpu.memory_space<semaphore_mem>>)
        %dma_wait3A = arith.constant 0 : i32
        %dma_wait3A_50 = tpu.memref_slice %arg4[%add3A_33, %dma_wait3A] : memref<2560x128xi32, #tpu.memory_space<hbm>> -> memref<40x128xi32, #tpu.memory_space<hbm>>
        %dma_wait3A_51 = arith.constant 0 : i32
        %dma_wait3A_52 = tpu.memref_slice %arg4[%add3A_33, %dma_wait3A_51] : memref<2560x128xi32, #tpu.memory_space<hbm>> -> memref<40x128xi32, #tpu.memory_space<hbm>>
        tpu.wait_dma2 semaphore(%run_scoped3A : memref<!tpu.dma_semaphore, #tpu.memory_space<semaphore_mem>>) src(%dma_wait3A_52 : memref<40x128xi32, #tpu.memory_space<hbm>>) dst(%arg8 : memref<40x128xi32, #tpu.memory_space<vmem>>)
        tpu.yield
      }) : () -> ()
      %dma_start3A_34 = arith.constant 0 : i32
      %dma_start3A_35 = arith.constant 0 : i32
      %dma_start3A_36 = tpu.memref_slice %arg7[%dma_start3A_34, %dma_start3A_35] : memref<40x128xi32, #tpu.memory_space<vmem>> -> memref<1x128xi32, #tpu.memory_space<vmem>>
      %dma_start3A_37 = tpu.memref_squeeze %dma_start3A_36 : memref<1x128xi32, #tpu.memory_space<vmem>> -> memref<128xi32, #tpu.memory_space<vmem>>
      %dma_start3A_38 = arith.constant 0 : i32
      %dma_start3A_39 = arith.constant 0 : i32
      %dma_start3A_40 = tpu.memref_slice %arg2[%dma_start3A_38, %dma_start3A_39] : memref<10000x128xf32, #tpu.memory_space<hbm>> -> memref<10000x128xf32, #tpu.memory_space<hbm>>
      tpu.enqueue_indirect_dma source(%dma_start3A_40 : memref<10000x128xf32, #tpu.memory_space<hbm>>) target(%arg9 : memref<128x128xf32, #tpu.memory_space<vmem>>) offsets(%dma_start3A_37 : memref<128xi32, #tpu.memory_space<vmem>>) semaphore(%arg12 : memref<!tpu.dma_semaphore, #tpu.memory_space<semaphore_mem>>)
      %scan3A_41 = arith.constant 0 : i32
      %scan3A_42 = arith.constant 20 : i32
      %scan3A_43 = arith.addi %scan3A_41, %scan3A_42 : i32
      %scan3A_44 = arith.constant 1 : i32
      scf.for %scan3A_46 = %scan3A_41 to %scan3A_43 step %scan3A_44  : i32 {
        %mul3A_47 = arith.constant 2 : i32
        %mul3A_48 = arith.muli %scan3A_46, %mul3A_47 : i32
        %add3A_49 = arith.constant 0 : i32
        %add3A_50 = arith.addi %add3A_49, %mul3A_48 : i32
        %add3A_51 = arith.constant 1 : i32
        %add3A_52 = arith.addi %add3A_50, %add3A_51 : i32
        %dma_start3A_53 = arith.constant 0 : i32
        %dma_start3A_54 = tpu.memref_slice %arg7[%add3A_52, %dma_start3A_53] : memref<40x128xi32, #tpu.memory_space<vmem>> -> memref<1x128xi32, #tpu.memory_space<vmem>>
        %dma_start3A_55 = tpu.memref_squeeze %dma_start3A_54 : memref<1x128xi32, #tpu.memory_space<vmem>> -> memref<128xi32, #tpu.memory_space<vmem>>
        %dma_start3A_56 = arith.constant 0 : i32
        %dma_start3A_57 = arith.constant 0 : i32
        %dma_start3A_58 = tpu.memref_slice %arg2[%dma_start3A_56, %dma_start3A_57] : memref<10000x128xf32, #tpu.memory_space<hbm>> -> memref<10000x128xf32, #tpu.memory_space<hbm>>
        tpu.enqueue_indirect_dma source(%dma_start3A_58 : memref<10000x128xf32, #tpu.memory_space<hbm>>) target(%arg10 : memref<128x128xf32, #tpu.memory_space<vmem>>) offsets(%dma_start3A_55 : memref<128xi32, #tpu.memory_space<vmem>>) semaphore(%arg13 : memref<!tpu.dma_semaphore, #tpu.memory_space<semaphore_mem>>)
        %dma_wait3A = arith.constant 0 : i32
        %dma_wait3A_59 = tpu.memref_slice %arg7[%add3A_50, %dma_wait3A] : memref<40x128xi32, #tpu.memory_space<vmem>> -> memref<1x128xi32, #tpu.memory_space<vmem>>
        %dma_wait3A_60 = tpu.memref_squeeze %dma_wait3A_59 : memref<1x128xi32, #tpu.memory_space<vmem>> -> memref<128xi32, #tpu.memory_space<vmem>>
        %dma_wait3A_61 = arith.constant 0 : i32
        %dma_wait3A_62 = arith.constant 0 : i32
        %dma_wait3A_63 = tpu.memref_slice %arg2[%dma_wait3A_61, %dma_wait3A_62] : memref<10000x128xf32, #tpu.memory_space<hbm>> -> memref<10000x128xf32, #tpu.memory_space<hbm>>
        tpu.wait_indirect_dma semaphore(%arg12 : memref<!tpu.dma_semaphore, #tpu.memory_space<semaphore_mem>>) src(%dma_wait3A_63 : memref<10000x128xf32, #tpu.memory_space<hbm>>) dst(%arg9 : memref<128x128xf32, #tpu.memory_space<vmem>>)
        "tpu.region"() ({
          %run_scoped3A = tpu.sem_alloc : memref<!tpu.dma_semaphore, #tpu.memory_space<semaphore_mem>>
          %dma_start3A_80 = arith.constant 0 : i32
          %dma_start3A_81 = tpu.memref_slice %arg8[%add3A_50, %dma_start3A_80] : memref<40x128xi32, #tpu.memory_space<vmem>> -> memref<1x128xi32, #tpu.memory_space<vmem>>
          %dma_start3A_82 = tpu.memref_squeeze %dma_start3A_81 : memref<1x128xi32, #tpu.memory_space<vmem>> -> memref<128xi32, #tpu.memory_space<vmem>>
          %dma_start3A_83 = arith.constant 0 : i32
          %dma_start3A_84 = arith.constant 0 : i32
          %dma_start3A_85 = tpu.memref_slice %arg11[%dma_start3A_83, %dma_start3A_84] : memref<10112x128xf32, #tpu.memory_space<vmem_shared>> -> memref<10112x128xf32, #tpu.memory_space<vmem_shared>>
          tpu.enqueue_indirect_dma source(%arg9 : memref<128x128xf32, #tpu.memory_space<vmem>>) target(%dma_start3A_85 : memref<10112x128xf32, #tpu.memory_space<vmem_shared>>) offsets(%dma_start3A_82 : memref<128xi32, #tpu.memory_space<vmem>>) semaphore(%run_scoped3A : memref<!tpu.dma_semaphore, #tpu.memory_space<semaphore_mem>>) {add = true}
          %dma_wait3A_86 = arith.constant 0 : i32
          %dma_wait3A_87 = tpu.memref_slice %arg8[%add3A_50, %dma_wait3A_86] : memref<40x128xi32, #tpu.memory_space<vmem>> -> memref<1x128xi32, #tpu.memory_space<vmem>>
          %dma_wait3A_88 = tpu.memref_squeeze %dma_wait3A_87 : memref<1x128xi32, #tpu.memory_space<vmem>> -> memref<128xi32, #tpu.memory_space<vmem>>
          %dma_wait3A_89 = arith.constant 0 : i32
          %dma_wait3A_90 = arith.constant 0 : i32
          %dma_wait3A_91 = tpu.memref_slice %arg11[%dma_wait3A_89, %dma_wait3A_90] : memref<10112x128xf32, #tpu.memory_space<vmem_shared>> -> memref<10112x128xf32, #tpu.memory_space<vmem_shared>>
          tpu.wait_indirect_dma semaphore(%run_scoped3A : memref<!tpu.dma_semaphore, #tpu.memory_space<semaphore_mem>>) src(%arg9 : memref<128x128xf32, #tpu.memory_space<vmem>>) dst(%dma_wait3A_91 : memref<10112x128xf32, #tpu.memory_space<vmem_shared>>)
          tpu.yield
        }) : () -> ()
        %add3A_64 = arith.constant 2 : i32
        %add3A_65 = arith.addi %add3A_50, %add3A_64 : i32
        %lt3A = arith.constant 40 : i32
        %lt3A_66 = arith.cmpi slt, %add3A_65, %lt3A : i32
        %convert_element_type3A_67 = arith.extui %lt3A_66 : i1 to i32
        %cond3A_68 = arith.constant 0 : i32
        %cond3A_69 = arith.cmpi ne, %convert_element_type3A_67, %cond3A_68 : i32
        scf.if %cond3A_69 {
          %add3A_80 = arith.constant 2 : i32
          %add3A_81 = arith.addi %add3A_50, %add3A_80 : i32
          %dma_start3A_82 = arith.constant 0 : i32
          %dma_start3A_83 = tpu.memref_slice %arg7[%add3A_81, %dma_start3A_82] : memref<40x128xi32, #tpu.memory_space<vmem>> -> memref<1x128xi32, #tpu.memory_space<vmem>>
          %dma_start3A_84 = tpu.memref_squeeze %dma_start3A_83 : memref<1x128xi32, #tpu.memory_space<vmem>> -> memref<128xi32, #tpu.memory_space<vmem>>
          %dma_start3A_85 = arith.constant 0 : i32
          %dma_start3A_86 = arith.constant 0 : i32
          %dma_start3A_87 = tpu.memref_slice %arg2[%dma_start3A_85, %dma_start3A_86] : memref<10000x128xf32, #tpu.memory_space<hbm>> -> memref<10000x128xf32, #tpu.memory_space<hbm>>
          tpu.enqueue_indirect_dma source(%dma_start3A_87 : memref<10000x128xf32, #tpu.memory_space<hbm>>) target(%arg9 : memref<128x128xf32, #tpu.memory_space<vmem>>) offsets(%dma_start3A_84 : memref<128xi32, #tpu.memory_space<vmem>>) semaphore(%arg12 : memref<!tpu.dma_semaphore, #tpu.memory_space<semaphore_mem>>)
        } else {
        }
        %add3A_70 = arith.constant 1 : i32
        %add3A_71 = arith.addi %add3A_50, %add3A_70 : i32
        %dma_wait3A_72 = arith.constant 0 : i32
        %dma_wait3A_73 = tpu.memref_slice %arg7[%add3A_71, %dma_wait3A_72] : memref<40x128xi32, #tpu.memory_space<vmem>> -> memref<1x128xi32, #tpu.memory_space<vmem>>
        %dma_wait3A_74 = tpu.memref_squeeze %dma_wait3A_73 : memref<1x128xi32, #tpu.memory_space<vmem>> -> memref<128xi32, #tpu.memory_space<vmem>>
        %dma_wait3A_75 = arith.constant 0 : i32
        %dma_wait3A_76 = arith.constant 0 : i32
        %dma_wait3A_77 = tpu.memref_slice %arg2[%dma_wait3A_75, %dma_wait3A_76] : memref<10000x128xf32, #tpu.memory_space<hbm>> -> memref<10000x128xf32, #tpu.memory_space<hbm>>
        tpu.wait_indirect_dma semaphore(%arg13 : memref<!tpu.dma_semaphore, #tpu.memory_space<semaphore_mem>>) src(%dma_wait3A_77 : memref<10000x128xf32, #tpu.memory_space<hbm>>) dst(%arg10 : memref<128x128xf32, #tpu.memory_space<vmem>>)
        %add3A_78 = arith.constant 1 : i32
        %add3A_79 = arith.addi %add3A_50, %add3A_78 : i32
        "tpu.region"() ({
          %run_scoped3A = tpu.sem_alloc : memref<!tpu.dma_semaphore, #tpu.memory_space<semaphore_mem>>
          %dma_start3A_80 = arith.constant 0 : i32
          %dma_start3A_81 = tpu.memref_slice %arg8[%add3A_79, %dma_start3A_80] : memref<40x128xi32, #tpu.memory_space<vmem>> -> memref<1x128xi32, #tpu.memory_space<vmem>>
          %dma_start3A_82 = tpu.memref_squeeze %dma_start3A_81 : memref<1x128xi32, #tpu.memory_space<vmem>> -> memref<128xi32, #tpu.memory_space<vmem>>
          %dma_start3A_83 = arith.constant 0 : i32
          %dma_start3A_84 = arith.constant 0 : i32
          %dma_start3A_85 = tpu.memref_slice %arg11[%dma_start3A_83, %dma_start3A_84] : memref<10112x128xf32, #tpu.memory_space<vmem_shared>> -> memref<10112x128xf32, #tpu.memory_space<vmem_shared>>
          tpu.enqueue_indirect_dma source(%arg10 : memref<128x128xf32, #tpu.memory_space<vmem>>) target(%dma_start3A_85 : memref<10112x128xf32, #tpu.memory_space<vmem_shared>>) offsets(%dma_start3A_82 : memref<128xi32, #tpu.memory_space<vmem>>) semaphore(%run_scoped3A : memref<!tpu.dma_semaphore, #tpu.memory_space<semaphore_mem>>) {add = true}
          %dma_wait3A_86 = arith.constant 0 : i32
          %dma_wait3A_87 = tpu.memref_slice %arg8[%add3A_79, %dma_wait3A_86] : memref<40x128xi32, #tpu.memory_space<vmem>> -> memref<1x128xi32, #tpu.memory_space<vmem>>
          %dma_wait3A_88 = tpu.memref_squeeze %dma_wait3A_87 : memref<1x128xi32, #tpu.memory_space<vmem>> -> memref<128xi32, #tpu.memory_space<vmem>>
          %dma_wait3A_89 = arith.constant 0 : i32
          %dma_wait3A_90 = arith.constant 0 : i32
          %dma_wait3A_91 = tpu.memref_slice %arg11[%dma_wait3A_89, %dma_wait3A_90] : memref<10112x128xf32, #tpu.memory_space<vmem_shared>> -> memref<10112x128xf32, #tpu.memory_space<vmem_shared>>
          tpu.wait_indirect_dma semaphore(%run_scoped3A : memref<!tpu.dma_semaphore, #tpu.memory_space<semaphore_mem>>) src(%arg10 : memref<128x128xf32, #tpu.memory_space<vmem>>) dst(%dma_wait3A_91 : memref<10112x128xf32, #tpu.memory_space<vmem_shared>>)
          tpu.yield
        }) : () -> ()
      }
      %scan3A_45 = arith.constant 20 : i32
    } else {
    }
    %barrier3A_8 = arith.constant 0 : index
    tpu.barrier barrier_id(%barrier3A_8)
    %mul3A_9 = arith.constant 632 : i32
    %mul3A_10 = arith.muli %arg1, %mul3A_9 : i32
    %mul3A_11 = arith.constant 632 : i32
    %mul3A_12 = arith.muli %arg1, %mul3A_11 : i32
    "tpu.region"() ({
      %run_scoped3A = tpu.sem_alloc : memref<!tpu.dma_semaphore, #tpu.memory_space<semaphore_mem>>
      %dma_start3A = arith.constant 0 : i32
      %dma_start3A_13 = tpu.memref_slice %arg6[%arg0, %mul3A_12, %dma_start3A] : memref<2x10112x128xf32, #tpu.memory_space<hbm>> -> memref<1x632x128xf32, #tpu.memory_space<hbm>>
      %dma_start3A_14 = tpu.memref_squeeze %dma_start3A_13 : memref<1x632x128xf32, #tpu.memory_space<hbm>> -> memref<632x128xf32, #tpu.memory_space<hbm>>
      %dma_start3A_15 = arith.constant 0 : i32
      %dma_start3A_16 = tpu.memref_slice %arg11[%mul3A_10, %dma_start3A_15] : memref<10112x128xf32, #tpu.memory_space<vmem_shared>> -> memref<632x128xf32, #tpu.memory_space<vmem_shared>>
      tpu.enqueue_dma source(%dma_start3A_16 : memref<632x128xf32, #tpu.memory_space<vmem_shared>>) target(%dma_start3A_14 : memref<632x128xf32, #tpu.memory_space<hbm>>) target_semaphore(%run_scoped3A : memref<!tpu.dma_semaphore, #tpu.memory_space<semaphore_mem>>)
      %dma_wait3A = arith.constant 0 : i32
      %dma_wait3A_17 = tpu.memref_slice %arg6[%arg0, %mul3A_12, %dma_wait3A] : memref<2x10112x128xf32, #tpu.memory_space<hbm>> -> memref<1x632x128xf32, #tpu.memory_space<hbm>>
      %dma_wait3A_18 = tpu.memref_squeeze %dma_wait3A_17 : memref<1x632x128xf32, #tpu.memory_space<hbm>> -> memref<632x128xf32, #tpu.memory_space<hbm>>
      %dma_wait3A_19 = arith.constant 0 : i32
      %dma_wait3A_20 = tpu.memref_slice %arg11[%mul3A_10, %dma_wait3A_19] : memref<10112x128xf32, #tpu.memory_space<vmem_shared>> -> memref<632x128xf32, #tpu.memory_space<vmem_shared>>
      tpu.wait_dma2 semaphore(%run_scoped3A : memref<!tpu.dma_semaphore, #tpu.memory_space<semaphore_mem>>) src(%dma_wait3A_20 : memref<632x128xf32, #tpu.memory_space<vmem_shared>>) dst(%dma_wait3A_18 : memref<632x128xf32, #tpu.memory_space<hbm>>)
      tpu.yield
    }) : () -> ()
    return
  }
}

#map = affine_map<(d0, d1) -> (0, 0)>
#map1 = affine_map<(d0, d1) -> (0, 0, 0)>
module attributes {stable_mosaic.version = 14 : i64} {
  func.func @k(%arg0: i32, %arg1: i32, %arg2: memref<10000x128xf32, #tpu.memory_space<hbm>>, %arg3: memref<2560x128xi32, #tpu.memory_space<hbm>>, %arg4: memref<2560x128xi32, #tpu.memory_space<hbm>>, %arg5: memref<632x128xf32, #tpu.memory_space<hbm>>, %arg6: memref<2x10112x128xf32, #tpu.memory_space<hbm>>, %arg7: memref<40x128xi32, #tpu.memory_space<vmem>>, %arg8: memref<40x128xi32, #tpu.memory_space<vmem>>, %arg9: memref<128x128xf32, #tpu.memory_space<vmem>>, %arg10: memref<128x128xf32, #tpu.memory_space<vmem>>, %arg11: memref<10112x128xf32, #tpu.memory_space<vmem_shared>>, %arg12: memref<!tpu.dma_semaphore, #tpu.memory_space<semaphore_mem>>, %arg13: memref<!tpu.dma_semaphore, #tpu.memory_space<semaphore_mem>>) attributes {dimension_semantics = [#tpu.dimension_semantics<core_parallel>, #tpu.dimension_semantics<subcore_parallel>], iteration_bounds = array<i64: 2, 16>, scalar_prefetch = 0 : i64, scratch_operands = 7 : i64, tpu.core_type = #tpu.core_type<sc_vector_subcore>, window_params = [{transform_indices = #map}, {transform_indices = #map}, {transform_indices = #map}, {transform_indices = #map}, {transform_indices = #map1}]} {
    %mul3A = arith.constant 632 : i32
    %mul3A_0 = arith.muli %arg1, %mul3A : i32
    "tpu.region"() ({
      %run_scoped3A = tpu.sem_alloc : memref<!tpu.dma_semaphore, #tpu.memory_space<semaphore_mem>>
      %dma_start3A = arith.constant 0 : i32
      %dma_start3A_13 = tpu.memref_slice %arg11[%mul3A_0, %dma_start3A] : memref<10112x128xf32, #tpu.memory_space<vmem_shared>> -> memref<632x128xf32, #tpu.memory_space<vmem_shared>>
      tpu.enqueue_dma source(%arg5 : memref<632x128xf32, #tpu.memory_space<hbm>>) target(%dma_start3A_13 : memref<632x128xf32, #tpu.memory_space<vmem_shared>>) target_semaphore(%run_scoped3A : memref<!tpu.dma_semaphore, #tpu.memory_space<semaphore_mem>>)
      %dma_wait3A = arith.constant 0 : i32
      %dma_wait3A_14 = tpu.memref_slice %arg11[%mul3A_0, %dma_wait3A] : memref<10112x128xf32, #tpu.memory_space<vmem_shared>> -> memref<632x128xf32, #tpu.memory_space<vmem_shared>>
      tpu.wait_dma2 semaphore(%run_scoped3A : memref<!tpu.dma_semaphore, #tpu.memory_space<semaphore_mem>>) src(%arg5 : memref<632x128xf32, #tpu.memory_space<hbm>>) dst(%dma_wait3A_14 : memref<632x128xf32, #tpu.memory_space<vmem_shared>>)
      tpu.yield
    }) : () -> ()
    %barrier3A = arith.constant 0 : index
    tpu.barrier barrier_id(%barrier3A)
    %eq3A = arith.constant 0 : i32
    %eq3A_1 = arith.cmpi eq, %arg0, %eq3A : i32
    %convert_element_type3A = arith.extui %eq3A_1 : i1 to i32
    %cond3A = arith.constant 0 : i32
    %cond3A_2 = arith.cmpi ne, %convert_element_type3A, %cond3A : i32
    scf.if %cond3A_2 {
      %mul3A_13 = arith.constant 80 : i32
      %mul3A_14 = arith.muli %arg1, %mul3A_13 : i32
      %add3A = arith.constant 0 : i32
      %add3A_15 = arith.addi %mul3A_14, %add3A : i32
      "tpu.region"() ({
        %run_scoped3A = tpu.sem_alloc : memref<!tpu.dma_semaphore, #tpu.memory_space<semaphore_mem>>
        %dma_start3A_42 = arith.constant 0 : i32
        %dma_start3A_43 = tpu.memref_slice %arg3[%add3A_15, %dma_start3A_42] : memref<2560x128xi32, #tpu.memory_space<hbm>> -> memref<40x128xi32, #tpu.memory_space<hbm>>
        %dma_start3A_44 = arith.constant 0 : i32
        %dma_start3A_45 = tpu.memref_slice %arg3[%add3A_15, %dma_start3A_44] : memref<2560x128xi32, #tpu.memory_space<hbm>> -> memref<40x128xi32, #tpu.memory_space<hbm>>
        tpu.enqueue_dma source(%dma_start3A_45 : memref<40x128xi32, #tpu.memory_space<hbm>>) target(%arg7 : memref<40x128xi32, #tpu.memory_space<vmem>>) target_semaphore(%run_scoped3A : memref<!tpu.dma_semaphore, #tpu.memory_space<semaphore_mem>>)
        %dma_wait3A = arith.constant 0 : i32
        %dma_wait3A_46 = tpu.memref_slice %arg3[%add3A_15, %dma_wait3A] : memref<2560x128xi32, #tpu.memory_space<hbm>> -> memref<40x128xi32, #tpu.memory_space<hbm>>
        %dma_wait3A_47 = arith.constant 0 : i32
        %dma_wait3A_48 = tpu.memref_slice %arg3[%add3A_15, %dma_wait3A_47] : memref<2560x128xi32, #tpu.memory_space<hbm>> -> memref<40x128xi32, #tpu.memory_space<hbm>>
        tpu.wait_dma2 semaphore(%run_scoped3A : memref<!tpu.dma_semaphore, #tpu.memory_space<semaphore_mem>>) src(%dma_wait3A_48 : memref<40x128xi32, #tpu.memory_space<hbm>>) dst(%arg7 : memref<40x128xi32, #tpu.memory_space<vmem>>)
        tpu.yield
      }) : () -> ()
      "tpu.region"() ({
        %run_scoped3A = tpu.sem_alloc : memref<!tpu.dma_semaphore, #tpu.memory_space<semaphore_mem>>
        %dma_start3A_42 = arith.constant 0 : i32
        %dma_start3A_43 = tpu.memref_slice %arg4[%add3A_15, %dma_start3A_42] : memref<2560x128xi32, #tpu.memory_space<hbm>> -> memref<40x128xi32, #tpu.memory_space<hbm>>
        %dma_start3A_44 = arith.constant 0 : i32
        %dma_start3A_45 = tpu.memref_slice %arg4[%add3A_15, %dma_start3A_44] : memref<2560x128xi32, #tpu.memory_space<hbm>> -> memref<40x128xi32, #tpu.memory_space<hbm>>
        tpu.enqueue_dma source(%dma_start3A_45 : memref<40x128xi32, #tpu.memory_space<hbm>>) target(%arg8 : memref<40x128xi32, #tpu.memory_space<vmem>>) target_semaphore(%run_scoped3A : memref<!tpu.dma_semaphore, #tpu.memory_space<semaphore_mem>>)
        %dma_wait3A = arith.constant 0 : i32
        %dma_wait3A_46 = tpu.memref_slice %arg4[%add3A_15, %dma_wait3A] : memref<2560x128xi32, #tpu.memory_space<hbm>> -> memref<40x128xi32, #tpu.memory_space<hbm>>
        %dma_wait3A_47 = arith.constant 0 : i32
        %dma_wait3A_48 = tpu.memref_slice %arg4[%add3A_15, %dma_wait3A_47] : memref<2560x128xi32, #tpu.memory_space<hbm>> -> memref<40x128xi32, #tpu.memory_space<hbm>>
        tpu.wait_dma2 semaphore(%run_scoped3A : memref<!tpu.dma_semaphore, #tpu.memory_space<semaphore_mem>>) src(%dma_wait3A_48 : memref<40x128xi32, #tpu.memory_space<hbm>>) dst(%arg8 : memref<40x128xi32, #tpu.memory_space<vmem>>)
        tpu.yield
      }) : () -> ()
      %dma_start3A = arith.constant 0 : i32
      %dma_start3A_16 = arith.constant 0 : i32
      %dma_start3A_17 = tpu.memref_slice %arg7[%dma_start3A, %dma_start3A_16] : memref<40x128xi32, #tpu.memory_space<vmem>> -> memref<1x128xi32, #tpu.memory_space<vmem>>
      %dma_start3A_18 = tpu.memref_squeeze %dma_start3A_17 : memref<1x128xi32, #tpu.memory_space<vmem>> -> memref<128xi32, #tpu.memory_space<vmem>>
      %dma_start3A_19 = arith.constant 0 : i32
      %dma_start3A_20 = arith.constant 0 : i32
      %dma_start3A_21 = tpu.memref_slice %arg2[%dma_start3A_19, %dma_start3A_20] : memref<10000x128xf32, #tpu.memory_space<hbm>> -> memref<10000x128xf32, #tpu.memory_space<hbm>>
      tpu.enqueue_indirect_dma source(%dma_start3A_21 : memref<10000x128xf32, #tpu.memory_space<hbm>>) target(%arg9 : memref<128x128xf32, #tpu.memory_space<vmem>>) offsets(%dma_start3A_18 : memref<128xi32, #tpu.memory_space<vmem>>) semaphore(%arg12 : memref<!tpu.dma_semaphore, #tpu.memory_space<semaphore_mem>>)
      %scan3A = arith.constant 0 : i32
      %scan3A_22 = arith.constant 20 : i32
      %scan3A_23 = arith.addi %scan3A, %scan3A_22 : i32
      %scan3A_24 = arith.constant 1 : i32
      scf.for %scan3A_42 = %scan3A to %scan3A_23 step %scan3A_24  : i32 {
        %mul3A_43 = arith.constant 2 : i32
        %mul3A_44 = arith.muli %scan3A_42, %mul3A_43 : i32
        %add3A_45 = arith.constant 0 : i32
        %add3A_46 = arith.addi %add3A_45, %mul3A_44 : i32
        %add3A_47 = arith.constant 1 : i32
        %add3A_48 = arith.addi %add3A_46, %add3A_47 : i32
        %dma_start3A_49 = arith.constant 0 : i32
        %dma_start3A_50 = tpu.memref_slice %arg7[%add3A_48, %dma_start3A_49] : memref<40x128xi32, #tpu.memory_space<vmem>> -> memref<1x128xi32, #tpu.memory_space<vmem>>
        %dma_start3A_51 = tpu.memref_squeeze %dma_start3A_50 : memref<1x128xi32, #tpu.memory_space<vmem>> -> memref<128xi32, #tpu.memory_space<vmem>>
        %dma_start3A_52 = arith.constant 0 : i32
        %dma_start3A_53 = arith.constant 0 : i32
        %dma_start3A_54 = tpu.memref_slice %arg2[%dma_start3A_52, %dma_start3A_53] : memref<10000x128xf32, #tpu.memory_space<hbm>> -> memref<10000x128xf32, #tpu.memory_space<hbm>>
        tpu.enqueue_indirect_dma source(%dma_start3A_54 : memref<10000x128xf32, #tpu.memory_space<hbm>>) target(%arg10 : memref<128x128xf32, #tpu.memory_space<vmem>>) offsets(%dma_start3A_51 : memref<128xi32, #tpu.memory_space<vmem>>) semaphore(%arg13 : memref<!tpu.dma_semaphore, #tpu.memory_space<semaphore_mem>>)
        %dma_wait3A = arith.constant 0 : i32
        %dma_wait3A_55 = tpu.memref_slice %arg7[%add3A_46, %dma_wait3A] : memref<40x128xi32, #tpu.memory_space<vmem>> -> memref<1x128xi32, #tpu.memory_space<vmem>>
        %dma_wait3A_56 = tpu.memref_squeeze %dma_wait3A_55 : memref<1x128xi32, #tpu.memory_space<vmem>> -> memref<128xi32, #tpu.memory_space<vmem>>
        %dma_wait3A_57 = arith.constant 0 : i32
        %dma_wait3A_58 = arith.constant 0 : i32
        %dma_wait3A_59 = tpu.memref_slice %arg2[%dma_wait3A_57, %dma_wait3A_58] : memref<10000x128xf32, #tpu.memory_space<hbm>> -> memref<10000x128xf32, #tpu.memory_space<hbm>>
        tpu.wait_indirect_dma semaphore(%arg12 : memref<!tpu.dma_semaphore, #tpu.memory_space<semaphore_mem>>) src(%dma_wait3A_59 : memref<10000x128xf32, #tpu.memory_space<hbm>>) dst(%arg9 : memref<128x128xf32, #tpu.memory_space<vmem>>)
        "tpu.region"() ({
          %run_scoped3A = tpu.sem_alloc : memref<!tpu.dma_semaphore, #tpu.memory_space<semaphore_mem>>
          %dma_start3A_76 = arith.constant 0 : i32
          %dma_start3A_77 = tpu.memref_slice %arg8[%add3A_46, %dma_start3A_76] : memref<40x128xi32, #tpu.memory_space<vmem>> -> memref<1x128xi32, #tpu.memory_space<vmem>>
          %dma_start3A_78 = tpu.memref_squeeze %dma_start3A_77 : memref<1x128xi32, #tpu.memory_space<vmem>> -> memref<128xi32, #tpu.memory_space<vmem>>
          %dma_start3A_79 = arith.constant 0 : i32
          %dma_start3A_80 = arith.constant 0 : i32
          %dma_start3A_81 = tpu.memref_slice %arg11[%dma_start3A_79, %dma_start3A_80] : memref<10112x128xf32, #tpu.memory_space<vmem_shared>> -> memref<10112x128xf32, #tpu.memory_space<vmem_shared>>
          tpu.enqueue_indirect_dma source(%arg9 : memref<128x128xf32, #tpu.memory_space<vmem>>) target(%dma_start3A_81 : memref<10112x128xf32, #tpu.memory_space<vmem_shared>>) offsets(%dma_start3A_78 : memref<128xi32, #tpu.memory_space<vmem>>) semaphore(%run_scoped3A : memref<!tpu.dma_semaphore, #tpu.memory_space<semaphore_mem>>) {add = true}
          %dma_wait3A_82 = arith.constant 0 : i32
          %dma_wait3A_83 = tpu.memref_slice %arg8[%add3A_46, %dma_wait3A_82] : memref<40x128xi32, #tpu.memory_space<vmem>> -> memref<1x128xi32, #tpu.memory_space<vmem>>
          %dma_wait3A_84 = tpu.memref_squeeze %dma_wait3A_83 : memref<1x128xi32, #tpu.memory_space<vmem>> -> memref<128xi32, #tpu.memory_space<vmem>>
          %dma_wait3A_85 = arith.constant 0 : i32
          %dma_wait3A_86 = arith.constant 0 : i32
          %dma_wait3A_87 = tpu.memref_slice %arg11[%dma_wait3A_85, %dma_wait3A_86] : memref<10112x128xf32, #tpu.memory_space<vmem_shared>> -> memref<10112x128xf32, #tpu.memory_space<vmem_shared>>
          tpu.wait_indirect_dma semaphore(%run_scoped3A : memref<!tpu.dma_semaphore, #tpu.memory_space<semaphore_mem>>) src(%arg9 : memref<128x128xf32, #tpu.memory_space<vmem>>) dst(%dma_wait3A_87 : memref<10112x128xf32, #tpu.memory_space<vmem_shared>>)
          tpu.yield
        }) : () -> ()
        %add3A_60 = arith.constant 2 : i32
        %add3A_61 = arith.addi %add3A_46, %add3A_60 : i32
        %lt3A = arith.constant 40 : i32
        %lt3A_62 = arith.cmpi slt, %add3A_61, %lt3A : i32
        %convert_element_type3A_63 = arith.extui %lt3A_62 : i1 to i32
        %cond3A_64 = arith.constant 0 : i32
        %cond3A_65 = arith.cmpi ne, %convert_element_type3A_63, %cond3A_64 : i32
        scf.if %cond3A_65 {
          %add3A_76 = arith.constant 2 : i32
          %add3A_77 = arith.addi %add3A_46, %add3A_76 : i32
          %dma_start3A_78 = arith.constant 0 : i32
          %dma_start3A_79 = tpu.memref_slice %arg7[%add3A_77, %dma_start3A_78] : memref<40x128xi32, #tpu.memory_space<vmem>> -> memref<1x128xi32, #tpu.memory_space<vmem>>
          %dma_start3A_80 = tpu.memref_squeeze %dma_start3A_79 : memref<1x128xi32, #tpu.memory_space<vmem>> -> memref<128xi32, #tpu.memory_space<vmem>>
          %dma_start3A_81 = arith.constant 0 : i32
          %dma_start3A_82 = arith.constant 0 : i32
          %dma_start3A_83 = tpu.memref_slice %arg2[%dma_start3A_81, %dma_start3A_82] : memref<10000x128xf32, #tpu.memory_space<hbm>> -> memref<10000x128xf32, #tpu.memory_space<hbm>>
          tpu.enqueue_indirect_dma source(%dma_start3A_83 : memref<10000x128xf32, #tpu.memory_space<hbm>>) target(%arg9 : memref<128x128xf32, #tpu.memory_space<vmem>>) offsets(%dma_start3A_80 : memref<128xi32, #tpu.memory_space<vmem>>) semaphore(%arg12 : memref<!tpu.dma_semaphore, #tpu.memory_space<semaphore_mem>>)
        } else {
        }
        %add3A_66 = arith.constant 1 : i32
        %add3A_67 = arith.addi %add3A_46, %add3A_66 : i32
        %dma_wait3A_68 = arith.constant 0 : i32
        %dma_wait3A_69 = tpu.memref_slice %arg7[%add3A_67, %dma_wait3A_68] : memref<40x128xi32, #tpu.memory_space<vmem>> -> memref<1x128xi32, #tpu.memory_space<vmem>>
        %dma_wait3A_70 = tpu.memref_squeeze %dma_wait3A_69 : memref<1x128xi32, #tpu.memory_space<vmem>> -> memref<128xi32, #tpu.memory_space<vmem>>
        %dma_wait3A_71 = arith.constant 0 : i32
        %dma_wait3A_72 = arith.constant 0 : i32
        %dma_wait3A_73 = tpu.memref_slice %arg2[%dma_wait3A_71, %dma_wait3A_72] : memref<10000x128xf32, #tpu.memory_space<hbm>> -> memref<10000x128xf32, #tpu.memory_space<hbm>>
        tpu.wait_indirect_dma semaphore(%arg13 : memref<!tpu.dma_semaphore, #tpu.memory_space<semaphore_mem>>) src(%dma_wait3A_73 : memref<10000x128xf32, #tpu.memory_space<hbm>>) dst(%arg10 : memref<128x128xf32, #tpu.memory_space<vmem>>)
        %add3A_74 = arith.constant 1 : i32
        %add3A_75 = arith.addi %add3A_46, %add3A_74 : i32
        "tpu.region"() ({
          %run_scoped3A = tpu.sem_alloc : memref<!tpu.dma_semaphore, #tpu.memory_space<semaphore_mem>>
          %dma_start3A_76 = arith.constant 0 : i32
          %dma_start3A_77 = tpu.memref_slice %arg8[%add3A_75, %dma_start3A_76] : memref<40x128xi32, #tpu.memory_space<vmem>> -> memref<1x128xi32, #tpu.memory_space<vmem>>
          %dma_start3A_78 = tpu.memref_squeeze %dma_start3A_77 : memref<1x128xi32, #tpu.memory_space<vmem>> -> memref<128xi32, #tpu.memory_space<vmem>>
          %dma_start3A_79 = arith.constant 0 : i32
          %dma_start3A_80 = arith.constant 0 : i32
          %dma_start3A_81 = tpu.memref_slice %arg11[%dma_start3A_79, %dma_start3A_80] : memref<10112x128xf32, #tpu.memory_space<vmem_shared>> -> memref<10112x128xf32, #tpu.memory_space<vmem_shared>>
          tpu.enqueue_indirect_dma source(%arg10 : memref<128x128xf32, #tpu.memory_space<vmem>>) target(%dma_start3A_81 : memref<10112x128xf32, #tpu.memory_space<vmem_shared>>) offsets(%dma_start3A_78 : memref<128xi32, #tpu.memory_space<vmem>>) semaphore(%run_scoped3A : memref<!tpu.dma_semaphore, #tpu.memory_space<semaphore_mem>>) {add = true}
          %dma_wait3A_82 = arith.constant 0 : i32
          %dma_wait3A_83 = tpu.memref_slice %arg8[%add3A_75, %dma_wait3A_82] : memref<40x128xi32, #tpu.memory_space<vmem>> -> memref<1x128xi32, #tpu.memory_space<vmem>>
          %dma_wait3A_84 = tpu.memref_squeeze %dma_wait3A_83 : memref<1x128xi32, #tpu.memory_space<vmem>> -> memref<128xi32, #tpu.memory_space<vmem>>
          %dma_wait3A_85 = arith.constant 0 : i32
          %dma_wait3A_86 = arith.constant 0 : i32
          %dma_wait3A_87 = tpu.memref_slice %arg11[%dma_wait3A_85, %dma_wait3A_86] : memref<10112x128xf32, #tpu.memory_space<vmem_shared>> -> memref<10112x128xf32, #tpu.memory_space<vmem_shared>>
          tpu.wait_indirect_dma semaphore(%run_scoped3A : memref<!tpu.dma_semaphore, #tpu.memory_space<semaphore_mem>>) src(%arg10 : memref<128x128xf32, #tpu.memory_space<vmem>>) dst(%dma_wait3A_87 : memref<10112x128xf32, #tpu.memory_space<vmem_shared>>)
          tpu.yield
        }) : () -> ()
      }
      %scan3A_25 = arith.constant 20 : i32
      %mul3A_26 = arith.constant 80 : i32
      %mul3A_27 = arith.muli %arg1, %mul3A_26 : i32
      %add3A_28 = arith.constant 40 : i32
      %add3A_29 = arith.addi %mul3A_27, %add3A_28 : i32
      "tpu.region"() ({
        %run_scoped3A = tpu.sem_alloc : memref<!tpu.dma_semaphore, #tpu.memory_space<semaphore_mem>>
        %dma_start3A_42 = arith.constant 0 : i32
        %dma_start3A_43 = tpu.memref_slice %arg3[%add3A_29, %dma_start3A_42] : memref<2560x128xi32, #tpu.memory_space<hbm>> -> memref<40x128xi32, #tpu.memory_space<hbm>>
        %dma_start3A_44 = arith.constant 0 : i32
        %dma_start3A_45 = tpu.memref_slice %arg3[%add3A_29, %dma_start3A_44] : memref<2560x128xi32, #tpu.memory_space<hbm>> -> memref<40x128xi32, #tpu.memory_space<hbm>>
        tpu.enqueue_dma source(%dma_start3A_45 : memref<40x128xi32, #tpu.memory_space<hbm>>) target(%arg7 : memref<40x128xi32, #tpu.memory_space<vmem>>) target_semaphore(%run_scoped3A : memref<!tpu.dma_semaphore, #tpu.memory_space<semaphore_mem>>)
        %dma_wait3A = arith.constant 0 : i32
        %dma_wait3A_46 = tpu.memref_slice %arg3[%add3A_29, %dma_wait3A] : memref<2560x128xi32, #tpu.memory_space<hbm>> -> memref<40x128xi32, #tpu.memory_space<hbm>>
        %dma_wait3A_47 = arith.constant 0 : i32
        %dma_wait3A_48 = tpu.memref_slice %arg3[%add3A_29, %dma_wait3A_47] : memref<2560x128xi32, #tpu.memory_space<hbm>> -> memref<40x128xi32, #tpu.memory_space<hbm>>
        tpu.wait_dma2 semaphore(%run_scoped3A : memref<!tpu.dma_semaphore, #tpu.memory_space<semaphore_mem>>) src(%dma_wait3A_48 : memref<40x128xi32, #tpu.memory_space<hbm>>) dst(%arg7 : memref<40x128xi32, #tpu.memory_space<vmem>>)
        tpu.yield
      }) : () -> ()
      "tpu.region"() ({
        %run_scoped3A = tpu.sem_alloc : memref<!tpu.dma_semaphore, #tpu.memory_space<semaphore_mem>>
        %dma_start3A_42 = arith.constant 0 : i32
        %dma_start3A_43 = tpu.memref_slice %arg4[%add3A_29, %dma_start3A_42] : memref<2560x128xi32, #tpu.memory_space<hbm>> -> memref<40x128xi32, #tpu.memory_space<hbm>>
        %dma_start3A_44 = arith.constant 0 : i32
        %dma_start3A_45 = tpu.memref_slice %arg4[%add3A_29, %dma_start3A_44] : memref<2560x128xi32, #tpu.memory_space<hbm>> -> memref<40x128xi32, #tpu.memory_space<hbm>>
        tpu.enqueue_dma source(%dma_start3A_45 : memref<40x128xi32, #tpu.memory_space<hbm>>) target(%arg8 : memref<40x128xi32, #tpu.memory_space<vmem>>) target_semaphore(%run_scoped3A : memref<!tpu.dma_semaphore, #tpu.memory_space<semaphore_mem>>)
        %dma_wait3A = arith.constant 0 : i32
        %dma_wait3A_46 = tpu.memref_slice %arg4[%add3A_29, %dma_wait3A] : memref<2560x128xi32, #tpu.memory_space<hbm>> -> memref<40x128xi32, #tpu.memory_space<hbm>>
        %dma_wait3A_47 = arith.constant 0 : i32
        %dma_wait3A_48 = tpu.memref_slice %arg4[%add3A_29, %dma_wait3A_47] : memref<2560x128xi32, #tpu.memory_space<hbm>> -> memref<40x128xi32, #tpu.memory_space<hbm>>
        tpu.wait_dma2 semaphore(%run_scoped3A : memref<!tpu.dma_semaphore, #tpu.memory_space<semaphore_mem>>) src(%dma_wait3A_48 : memref<40x128xi32, #tpu.memory_space<hbm>>) dst(%arg8 : memref<40x128xi32, #tpu.memory_space<vmem>>)
        tpu.yield
      }) : () -> ()
      %dma_start3A_30 = arith.constant 0 : i32
      %dma_start3A_31 = arith.constant 0 : i32
      %dma_start3A_32 = tpu.memref_slice %arg7[%dma_start3A_30, %dma_start3A_31] : memref<40x128xi32, #tpu.memory_space<vmem>> -> memref<1x128xi32, #tpu.memory_space<vmem>>
      %dma_start3A_33 = tpu.memref_squeeze %dma_start3A_32 : memref<1x128xi32, #tpu.memory_space<vmem>> -> memref<128xi32, #tpu.memory_space<vmem>>
      %dma_start3A_34 = arith.constant 0 : i32
      %dma_start3A_35 = arith.constant 0 : i32
      %dma_start3A_36 = tpu.memref_slice %arg2[%dma_start3A_34, %dma_start3A_35] : memref<10000x128xf32, #tpu.memory_space<hbm>> -> memref<10000x128xf32, #tpu.memory_space<hbm>>
      tpu.enqueue_indirect_dma source(%dma_start3A_36 : memref<10000x128xf32, #tpu.memory_space<hbm>>) target(%arg9 : memref<128x128xf32, #tpu.memory_space<vmem>>) offsets(%dma_start3A_33 : memref<128xi32, #tpu.memory_space<vmem>>) semaphore(%arg12 : memref<!tpu.dma_semaphore, #tpu.memory_space<semaphore_mem>>)
      %scan3A_37 = arith.constant 0 : i32
      %scan3A_38 = arith.constant 20 : i32
      %scan3A_39 = arith.addi %scan3A_37, %scan3A_38 : i32
      %scan3A_40 = arith.constant 1 : i32
      scf.for %scan3A_42 = %scan3A_37 to %scan3A_39 step %scan3A_40  : i32 {
        %mul3A_43 = arith.constant 2 : i32
        %mul3A_44 = arith.muli %scan3A_42, %mul3A_43 : i32
        %add3A_45 = arith.constant 0 : i32
        %add3A_46 = arith.addi %add3A_45, %mul3A_44 : i32
        %add3A_47 = arith.constant 1 : i32
        %add3A_48 = arith.addi %add3A_46, %add3A_47 : i32
        %dma_start3A_49 = arith.constant 0 : i32
        %dma_start3A_50 = tpu.memref_slice %arg7[%add3A_48, %dma_start3A_49] : memref<40x128xi32, #tpu.memory_space<vmem>> -> memref<1x128xi32, #tpu.memory_space<vmem>>
        %dma_start3A_51 = tpu.memref_squeeze %dma_start3A_50 : memref<1x128xi32, #tpu.memory_space<vmem>> -> memref<128xi32, #tpu.memory_space<vmem>>
        %dma_start3A_52 = arith.constant 0 : i32
        %dma_start3A_53 = arith.constant 0 : i32
        %dma_start3A_54 = tpu.memref_slice %arg2[%dma_start3A_52, %dma_start3A_53] : memref<10000x128xf32, #tpu.memory_space<hbm>> -> memref<10000x128xf32, #tpu.memory_space<hbm>>
        tpu.enqueue_indirect_dma source(%dma_start3A_54 : memref<10000x128xf32, #tpu.memory_space<hbm>>) target(%arg10 : memref<128x128xf32, #tpu.memory_space<vmem>>) offsets(%dma_start3A_51 : memref<128xi32, #tpu.memory_space<vmem>>) semaphore(%arg13 : memref<!tpu.dma_semaphore, #tpu.memory_space<semaphore_mem>>)
        %dma_wait3A = arith.constant 0 : i32
        %dma_wait3A_55 = tpu.memref_slice %arg7[%add3A_46, %dma_wait3A] : memref<40x128xi32, #tpu.memory_space<vmem>> -> memref<1x128xi32, #tpu.memory_space<vmem>>
        %dma_wait3A_56 = tpu.memref_squeeze %dma_wait3A_55 : memref<1x128xi32, #tpu.memory_space<vmem>> -> memref<128xi32, #tpu.memory_space<vmem>>
        %dma_wait3A_57 = arith.constant 0 : i32
        %dma_wait3A_58 = arith.constant 0 : i32
        %dma_wait3A_59 = tpu.memref_slice %arg2[%dma_wait3A_57, %dma_wait3A_58] : memref<10000x128xf32, #tpu.memory_space<hbm>> -> memref<10000x128xf32, #tpu.memory_space<hbm>>
        tpu.wait_indirect_dma semaphore(%arg12 : memref<!tpu.dma_semaphore, #tpu.memory_space<semaphore_mem>>) src(%dma_wait3A_59 : memref<10000x128xf32, #tpu.memory_space<hbm>>) dst(%arg9 : memref<128x128xf32, #tpu.memory_space<vmem>>)
        "tpu.region"() ({
          %run_scoped3A = tpu.sem_alloc : memref<!tpu.dma_semaphore, #tpu.memory_space<semaphore_mem>>
          %dma_start3A_76 = arith.constant 0 : i32
          %dma_start3A_77 = tpu.memref_slice %arg8[%add3A_46, %dma_start3A_76] : memref<40x128xi32, #tpu.memory_space<vmem>> -> memref<1x128xi32, #tpu.memory_space<vmem>>
          %dma_start3A_78 = tpu.memref_squeeze %dma_start3A_77 : memref<1x128xi32, #tpu.memory_space<vmem>> -> memref<128xi32, #tpu.memory_space<vmem>>
          %dma_start3A_79 = arith.constant 0 : i32
          %dma_start3A_80 = arith.constant 0 : i32
          %dma_start3A_81 = tpu.memref_slice %arg11[%dma_start3A_79, %dma_start3A_80] : memref<10112x128xf32, #tpu.memory_space<vmem_shared>> -> memref<10112x128xf32, #tpu.memory_space<vmem_shared>>
          tpu.enqueue_indirect_dma source(%arg9 : memref<128x128xf32, #tpu.memory_space<vmem>>) target(%dma_start3A_81 : memref<10112x128xf32, #tpu.memory_space<vmem_shared>>) offsets(%dma_start3A_78 : memref<128xi32, #tpu.memory_space<vmem>>) semaphore(%run_scoped3A : memref<!tpu.dma_semaphore, #tpu.memory_space<semaphore_mem>>) {add = true}
          %dma_wait3A_82 = arith.constant 0 : i32
          %dma_wait3A_83 = tpu.memref_slice %arg8[%add3A_46, %dma_wait3A_82] : memref<40x128xi32, #tpu.memory_space<vmem>> -> memref<1x128xi32, #tpu.memory_space<vmem>>
          %dma_wait3A_84 = tpu.memref_squeeze %dma_wait3A_83 : memref<1x128xi32, #tpu.memory_space<vmem>> -> memref<128xi32, #tpu.memory_space<vmem>>
          %dma_wait3A_85 = arith.constant 0 : i32
          %dma_wait3A_86 = arith.constant 0 : i32
          %dma_wait3A_87 = tpu.memref_slice %arg11[%dma_wait3A_85, %dma_wait3A_86] : memref<10112x128xf32, #tpu.memory_space<vmem_shared>> -> memref<10112x128xf32, #tpu.memory_space<vmem_shared>>
          tpu.wait_indirect_dma semaphore(%run_scoped3A : memref<!tpu.dma_semaphore, #tpu.memory_space<semaphore_mem>>) src(%arg9 : memref<128x128xf32, #tpu.memory_space<vmem>>) dst(%dma_wait3A_87 : memref<10112x128xf32, #tpu.memory_space<vmem_shared>>)
          tpu.yield
        }) : () -> ()
        %add3A_60 = arith.constant 2 : i32
        %add3A_61 = arith.addi %add3A_46, %add3A_60 : i32
        %lt3A = arith.constant 40 : i32
        %lt3A_62 = arith.cmpi slt, %add3A_61, %lt3A : i32
        %convert_element_type3A_63 = arith.extui %lt3A_62 : i1 to i32
        %cond3A_64 = arith.constant 0 : i32
        %cond3A_65 = arith.cmpi ne, %convert_element_type3A_63, %cond3A_64 : i32
        scf.if %cond3A_65 {
          %add3A_76 = arith.constant 2 : i32
          %add3A_77 = arith.addi %add3A_46, %add3A_76 : i32
          %dma_start3A_78 = arith.constant 0 : i32
          %dma_start3A_79 = tpu.memref_slice %arg7[%add3A_77, %dma_start3A_78] : memref<40x128xi32, #tpu.memory_space<vmem>> -> memref<1x128xi32, #tpu.memory_space<vmem>>
          %dma_start3A_80 = tpu.memref_squeeze %dma_start3A_79 : memref<1x128xi32, #tpu.memory_space<vmem>> -> memref<128xi32, #tpu.memory_space<vmem>>
          %dma_start3A_81 = arith.constant 0 : i32
          %dma_start3A_82 = arith.constant 0 : i32
          %dma_start3A_83 = tpu.memref_slice %arg2[%dma_start3A_81, %dma_start3A_82] : memref<10000x128xf32, #tpu.memory_space<hbm>> -> memref<10000x128xf32, #tpu.memory_space<hbm>>
          tpu.enqueue_indirect_dma source(%dma_start3A_83 : memref<10000x128xf32, #tpu.memory_space<hbm>>) target(%arg9 : memref<128x128xf32, #tpu.memory_space<vmem>>) offsets(%dma_start3A_80 : memref<128xi32, #tpu.memory_space<vmem>>) semaphore(%arg12 : memref<!tpu.dma_semaphore, #tpu.memory_space<semaphore_mem>>)
        } else {
        }
        %add3A_66 = arith.constant 1 : i32
        %add3A_67 = arith.addi %add3A_46, %add3A_66 : i32
        %dma_wait3A_68 = arith.constant 0 : i32
        %dma_wait3A_69 = tpu.memref_slice %arg7[%add3A_67, %dma_wait3A_68] : memref<40x128xi32, #tpu.memory_space<vmem>> -> memref<1x128xi32, #tpu.memory_space<vmem>>
        %dma_wait3A_70 = tpu.memref_squeeze %dma_wait3A_69 : memref<1x128xi32, #tpu.memory_space<vmem>> -> memref<128xi32, #tpu.memory_space<vmem>>
        %dma_wait3A_71 = arith.constant 0 : i32
        %dma_wait3A_72 = arith.constant 0 : i32
        %dma_wait3A_73 = tpu.memref_slice %arg2[%dma_wait3A_71, %dma_wait3A_72] : memref<10000x128xf32, #tpu.memory_space<hbm>> -> memref<10000x128xf32, #tpu.memory_space<hbm>>
        tpu.wait_indirect_dma semaphore(%arg13 : memref<!tpu.dma_semaphore, #tpu.memory_space<semaphore_mem>>) src(%dma_wait3A_73 : memref<10000x128xf32, #tpu.memory_space<hbm>>) dst(%arg10 : memref<128x128xf32, #tpu.memory_space<vmem>>)
        %add3A_74 = arith.constant 1 : i32
        %add3A_75 = arith.addi %add3A_46, %add3A_74 : i32
        "tpu.region"() ({
          %run_scoped3A = tpu.sem_alloc : memref<!tpu.dma_semaphore, #tpu.memory_space<semaphore_mem>>
          %dma_start3A_76 = arith.constant 0 : i32
          %dma_start3A_77 = tpu.memref_slice %arg8[%add3A_75, %dma_start3A_76] : memref<40x128xi32, #tpu.memory_space<vmem>> -> memref<1x128xi32, #tpu.memory_space<vmem>>
          %dma_start3A_78 = tpu.memref_squeeze %dma_start3A_77 : memref<1x128xi32, #tpu.memory_space<vmem>> -> memref<128xi32, #tpu.memory_space<vmem>>
          %dma_start3A_79 = arith.constant 0 : i32
          %dma_start3A_80 = arith.constant 0 : i32
          %dma_start3A_81 = tpu.memref_slice %arg11[%dma_start3A_79, %dma_start3A_80] : memref<10112x128xf32, #tpu.memory_space<vmem_shared>> -> memref<10112x128xf32, #tpu.memory_space<vmem_shared>>
          tpu.enqueue_indirect_dma source(%arg10 : memref<128x128xf32, #tpu.memory_space<vmem>>) target(%dma_start3A_81 : memref<10112x128xf32, #tpu.memory_space<vmem_shared>>) offsets(%dma_start3A_78 : memref<128xi32, #tpu.memory_space<vmem>>) semaphore(%run_scoped3A : memref<!tpu.dma_semaphore, #tpu.memory_space<semaphore_mem>>) {add = true}
          %dma_wait3A_82 = arith.constant 0 : i32
          %dma_wait3A_83 = tpu.memref_slice %arg8[%add3A_75, %dma_wait3A_82] : memref<40x128xi32, #tpu.memory_space<vmem>> -> memref<1x128xi32, #tpu.memory_space<vmem>>
          %dma_wait3A_84 = tpu.memref_squeeze %dma_wait3A_83 : memref<1x128xi32, #tpu.memory_space<vmem>> -> memref<128xi32, #tpu.memory_space<vmem>>
          %dma_wait3A_85 = arith.constant 0 : i32
          %dma_wait3A_86 = arith.constant 0 : i32
          %dma_wait3A_87 = tpu.memref_slice %arg11[%dma_wait3A_85, %dma_wait3A_86] : memref<10112x128xf32, #tpu.memory_space<vmem_shared>> -> memref<10112x128xf32, #tpu.memory_space<vmem_shared>>
          tpu.wait_indirect_dma semaphore(%run_scoped3A : memref<!tpu.dma_semaphore, #tpu.memory_space<semaphore_mem>>) src(%arg10 : memref<128x128xf32, #tpu.memory_space<vmem>>) dst(%dma_wait3A_87 : memref<10112x128xf32, #tpu.memory_space<vmem_shared>>)
          tpu.yield
        }) : () -> ()
      }
      %scan3A_41 = arith.constant 20 : i32
    } else {
    }
    %eq3A_3 = arith.constant 1 : i32
    %eq3A_4 = arith.cmpi eq, %arg0, %eq3A_3 : i32
    %convert_element_type3A_5 = arith.extui %eq3A_4 : i1 to i32
    %cond3A_6 = arith.constant 0 : i32
    %cond3A_7 = arith.cmpi ne, %convert_element_type3A_5, %cond3A_6 : i32
    scf.if %cond3A_7 {
      %mul3A_13 = arith.constant 80 : i32
      %mul3A_14 = arith.muli %arg1, %mul3A_13 : i32
      %add3A = arith.constant 1280 : i32
      %add3A_15 = arith.addi %add3A, %mul3A_14 : i32
      %add3A_16 = arith.constant 0 : i32
      %add3A_17 = arith.addi %add3A_15, %add3A_16 : i32
      "tpu.region"() ({
        %run_scoped3A = tpu.sem_alloc : memref<!tpu.dma_semaphore, #tpu.memory_space<semaphore_mem>>
        %dma_start3A_46 = arith.constant 0 : i32
        %dma_start3A_47 = tpu.memref_slice %arg3[%add3A_17, %dma_start3A_46] : memref<2560x128xi32, #tpu.memory_space<hbm>> -> memref<40x128xi32, #tpu.memory_space<hbm>>
        %dma_start3A_48 = arith.constant 0 : i32
        %dma_start3A_49 = tpu.memref_slice %arg3[%add3A_17, %dma_start3A_48] : memref<2560x128xi32, #tpu.memory_space<hbm>> -> memref<40x128xi32, #tpu.memory_space<hbm>>
        tpu.enqueue_dma source(%dma_start3A_49 : memref<40x128xi32, #tpu.memory_space<hbm>>) target(%arg7 : memref<40x128xi32, #tpu.memory_space<vmem>>) target_semaphore(%run_scoped3A : memref<!tpu.dma_semaphore, #tpu.memory_space<semaphore_mem>>)
        %dma_wait3A = arith.constant 0 : i32
        %dma_wait3A_50 = tpu.memref_slice %arg3[%add3A_17, %dma_wait3A] : memref<2560x128xi32, #tpu.memory_space<hbm>> -> memref<40x128xi32, #tpu.memory_space<hbm>>
        %dma_wait3A_51 = arith.constant 0 : i32
        %dma_wait3A_52 = tpu.memref_slice %arg3[%add3A_17, %dma_wait3A_51] : memref<2560x128xi32, #tpu.memory_space<hbm>> -> memref<40x128xi32, #tpu.memory_space<hbm>>
        tpu.wait_dma2 semaphore(%run_scoped3A : memref<!tpu.dma_semaphore, #tpu.memory_space<semaphore_mem>>) src(%dma_wait3A_52 : memref<40x128xi32, #tpu.memory_space<hbm>>) dst(%arg7 : memref<40x128xi32, #tpu.memory_space<vmem>>)
        tpu.yield
      }) : () -> ()
      "tpu.region"() ({
        %run_scoped3A = tpu.sem_alloc : memref<!tpu.dma_semaphore, #tpu.memory_space<semaphore_mem>>
        %dma_start3A_46 = arith.constant 0 : i32
        %dma_start3A_47 = tpu.memref_slice %arg4[%add3A_17, %dma_start3A_46] : memref<2560x128xi32, #tpu.memory_space<hbm>> -> memref<40x128xi32, #tpu.memory_space<hbm>>
        %dma_start3A_48 = arith.constant 0 : i32
        %dma_start3A_49 = tpu.memref_slice %arg4[%add3A_17, %dma_start3A_48] : memref<2560x128xi32, #tpu.memory_space<hbm>> -> memref<40x128xi32, #tpu.memory_space<hbm>>
        tpu.enqueue_dma source(%dma_start3A_49 : memref<40x128xi32, #tpu.memory_space<hbm>>) target(%arg8 : memref<40x128xi32, #tpu.memory_space<vmem>>) target_semaphore(%run_scoped3A : memref<!tpu.dma_semaphore, #tpu.memory_space<semaphore_mem>>)
        %dma_wait3A = arith.constant 0 : i32
        %dma_wait3A_50 = tpu.memref_slice %arg4[%add3A_17, %dma_wait3A] : memref<2560x128xi32, #tpu.memory_space<hbm>> -> memref<40x128xi32, #tpu.memory_space<hbm>>
        %dma_wait3A_51 = arith.constant 0 : i32
        %dma_wait3A_52 = tpu.memref_slice %arg4[%add3A_17, %dma_wait3A_51] : memref<2560x128xi32, #tpu.memory_space<hbm>> -> memref<40x128xi32, #tpu.memory_space<hbm>>
        tpu.wait_dma2 semaphore(%run_scoped3A : memref<!tpu.dma_semaphore, #tpu.memory_space<semaphore_mem>>) src(%dma_wait3A_52 : memref<40x128xi32, #tpu.memory_space<hbm>>) dst(%arg8 : memref<40x128xi32, #tpu.memory_space<vmem>>)
        tpu.yield
      }) : () -> ()
      %dma_start3A = arith.constant 0 : i32
      %dma_start3A_18 = arith.constant 0 : i32
      %dma_start3A_19 = tpu.memref_slice %arg7[%dma_start3A, %dma_start3A_18] : memref<40x128xi32, #tpu.memory_space<vmem>> -> memref<1x128xi32, #tpu.memory_space<vmem>>
      %dma_start3A_20 = tpu.memref_squeeze %dma_start3A_19 : memref<1x128xi32, #tpu.memory_space<vmem>> -> memref<128xi32, #tpu.memory_space<vmem>>
      %dma_start3A_21 = arith.constant 0 : i32
      %dma_start3A_22 = arith.constant 0 : i32
      %dma_start3A_23 = tpu.memref_slice %arg2[%dma_start3A_21, %dma_start3A_22] : memref<10000x128xf32, #tpu.memory_space<hbm>> -> memref<10000x128xf32, #tpu.memory_space<hbm>>
      tpu.enqueue_indirect_dma source(%dma_start3A_23 : memref<10000x128xf32, #tpu.memory_space<hbm>>) target(%arg9 : memref<128x128xf32, #tpu.memory_space<vmem>>) offsets(%dma_start3A_20 : memref<128xi32, #tpu.memory_space<vmem>>) semaphore(%arg12 : memref<!tpu.dma_semaphore, #tpu.memory_space<semaphore_mem>>)
      %scan3A = arith.constant 0 : i32
      %scan3A_24 = arith.constant 20 : i32
      %scan3A_25 = arith.addi %scan3A, %scan3A_24 : i32
      %scan3A_26 = arith.constant 1 : i32
      scf.for %scan3A_46 = %scan3A to %scan3A_25 step %scan3A_26  : i32 {
        %mul3A_47 = arith.constant 2 : i32
        %mul3A_48 = arith.muli %scan3A_46, %mul3A_47 : i32
        %add3A_49 = arith.constant 0 : i32
        %add3A_50 = arith.addi %add3A_49, %mul3A_48 : i32
        %add3A_51 = arith.constant 1 : i32
        %add3A_52 = arith.addi %add3A_50, %add3A_51 : i32
        %dma_start3A_53 = arith.constant 0 : i32
        %dma_start3A_54 = tpu.memref_slice %arg7[%add3A_52, %dma_start3A_53] : memref<40x128xi32, #tpu.memory_space<vmem>> -> memref<1x128xi32, #tpu.memory_space<vmem>>
        %dma_start3A_55 = tpu.memref_squeeze %dma_start3A_54 : memref<1x128xi32, #tpu.memory_space<vmem>> -> memref<128xi32, #tpu.memory_space<vmem>>
        %dma_start3A_56 = arith.constant 0 : i32
        %dma_start3A_57 = arith.constant 0 : i32
        %dma_start3A_58 = tpu.memref_slice %arg2[%dma_start3A_56, %dma_start3A_57] : memref<10000x128xf32, #tpu.memory_space<hbm>> -> memref<10000x128xf32, #tpu.memory_space<hbm>>
        tpu.enqueue_indirect_dma source(%dma_start3A_58 : memref<10000x128xf32, #tpu.memory_space<hbm>>) target(%arg10 : memref<128x128xf32, #tpu.memory_space<vmem>>) offsets(%dma_start3A_55 : memref<128xi32, #tpu.memory_space<vmem>>) semaphore(%arg13 : memref<!tpu.dma_semaphore, #tpu.memory_space<semaphore_mem>>)
        %dma_wait3A = arith.constant 0 : i32
        %dma_wait3A_59 = tpu.memref_slice %arg7[%add3A_50, %dma_wait3A] : memref<40x128xi32, #tpu.memory_space<vmem>> -> memref<1x128xi32, #tpu.memory_space<vmem>>
        %dma_wait3A_60 = tpu.memref_squeeze %dma_wait3A_59 : memref<1x128xi32, #tpu.memory_space<vmem>> -> memref<128xi32, #tpu.memory_space<vmem>>
        %dma_wait3A_61 = arith.constant 0 : i32
        %dma_wait3A_62 = arith.constant 0 : i32
        %dma_wait3A_63 = tpu.memref_slice %arg2[%dma_wait3A_61, %dma_wait3A_62] : memref<10000x128xf32, #tpu.memory_space<hbm>> -> memref<10000x128xf32, #tpu.memory_space<hbm>>
        tpu.wait_indirect_dma semaphore(%arg12 : memref<!tpu.dma_semaphore, #tpu.memory_space<semaphore_mem>>) src(%dma_wait3A_63 : memref<10000x128xf32, #tpu.memory_space<hbm>>) dst(%arg9 : memref<128x128xf32, #tpu.memory_space<vmem>>)
        "tpu.region"() ({
          %run_scoped3A = tpu.sem_alloc : memref<!tpu.dma_semaphore, #tpu.memory_space<semaphore_mem>>
          %dma_start3A_80 = arith.constant 0 : i32
          %dma_start3A_81 = tpu.memref_slice %arg8[%add3A_50, %dma_start3A_80] : memref<40x128xi32, #tpu.memory_space<vmem>> -> memref<1x128xi32, #tpu.memory_space<vmem>>
          %dma_start3A_82 = tpu.memref_squeeze %dma_start3A_81 : memref<1x128xi32, #tpu.memory_space<vmem>> -> memref<128xi32, #tpu.memory_space<vmem>>
          %dma_start3A_83 = arith.constant 0 : i32
          %dma_start3A_84 = arith.constant 0 : i32
          %dma_start3A_85 = tpu.memref_slice %arg11[%dma_start3A_83, %dma_start3A_84] : memref<10112x128xf32, #tpu.memory_space<vmem_shared>> -> memref<10112x128xf32, #tpu.memory_space<vmem_shared>>
          tpu.enqueue_indirect_dma source(%arg9 : memref<128x128xf32, #tpu.memory_space<vmem>>) target(%dma_start3A_85 : memref<10112x128xf32, #tpu.memory_space<vmem_shared>>) offsets(%dma_start3A_82 : memref<128xi32, #tpu.memory_space<vmem>>) semaphore(%run_scoped3A : memref<!tpu.dma_semaphore, #tpu.memory_space<semaphore_mem>>) {add = true}
          %dma_wait3A_86 = arith.constant 0 : i32
          %dma_wait3A_87 = tpu.memref_slice %arg8[%add3A_50, %dma_wait3A_86] : memref<40x128xi32, #tpu.memory_space<vmem>> -> memref<1x128xi32, #tpu.memory_space<vmem>>
          %dma_wait3A_88 = tpu.memref_squeeze %dma_wait3A_87 : memref<1x128xi32, #tpu.memory_space<vmem>> -> memref<128xi32, #tpu.memory_space<vmem>>
          %dma_wait3A_89 = arith.constant 0 : i32
          %dma_wait3A_90 = arith.constant 0 : i32
          %dma_wait3A_91 = tpu.memref_slice %arg11[%dma_wait3A_89, %dma_wait3A_90] : memref<10112x128xf32, #tpu.memory_space<vmem_shared>> -> memref<10112x128xf32, #tpu.memory_space<vmem_shared>>
          tpu.wait_indirect_dma semaphore(%run_scoped3A : memref<!tpu.dma_semaphore, #tpu.memory_space<semaphore_mem>>) src(%arg9 : memref<128x128xf32, #tpu.memory_space<vmem>>) dst(%dma_wait3A_91 : memref<10112x128xf32, #tpu.memory_space<vmem_shared>>)
          tpu.yield
        }) : () -> ()
        %add3A_64 = arith.constant 2 : i32
        %add3A_65 = arith.addi %add3A_50, %add3A_64 : i32
        %lt3A = arith.constant 40 : i32
        %lt3A_66 = arith.cmpi slt, %add3A_65, %lt3A : i32
        %convert_element_type3A_67 = arith.extui %lt3A_66 : i1 to i32
        %cond3A_68 = arith.constant 0 : i32
        %cond3A_69 = arith.cmpi ne, %convert_element_type3A_67, %cond3A_68 : i32
        scf.if %cond3A_69 {
          %add3A_80 = arith.constant 2 : i32
          %add3A_81 = arith.addi %add3A_50, %add3A_80 : i32
          %dma_start3A_82 = arith.constant 0 : i32
          %dma_start3A_83 = tpu.memref_slice %arg7[%add3A_81, %dma_start3A_82] : memref<40x128xi32, #tpu.memory_space<vmem>> -> memref<1x128xi32, #tpu.memory_space<vmem>>
          %dma_start3A_84 = tpu.memref_squeeze %dma_start3A_83 : memref<1x128xi32, #tpu.memory_space<vmem>> -> memref<128xi32, #tpu.memory_space<vmem>>
          %dma_start3A_85 = arith.constant 0 : i32
          %dma_start3A_86 = arith.constant 0 : i32
          %dma_start3A_87 = tpu.memref_slice %arg2[%dma_start3A_85, %dma_start3A_86] : memref<10000x128xf32, #tpu.memory_space<hbm>> -> memref<10000x128xf32, #tpu.memory_space<hbm>>
          tpu.enqueue_indirect_dma source(%dma_start3A_87 : memref<10000x128xf32, #tpu.memory_space<hbm>>) target(%arg9 : memref<128x128xf32, #tpu.memory_space<vmem>>) offsets(%dma_start3A_84 : memref<128xi32, #tpu.memory_space<vmem>>) semaphore(%arg12 : memref<!tpu.dma_semaphore, #tpu.memory_space<semaphore_mem>>)
        } else {
        }
        %add3A_70 = arith.constant 1 : i32
        %add3A_71 = arith.addi %add3A_50, %add3A_70 : i32
        %dma_wait3A_72 = arith.constant 0 : i32
        %dma_wait3A_73 = tpu.memref_slice %arg7[%add3A_71, %dma_wait3A_72] : memref<40x128xi32, #tpu.memory_space<vmem>> -> memref<1x128xi32, #tpu.memory_space<vmem>>
        %dma_wait3A_74 = tpu.memref_squeeze %dma_wait3A_73 : memref<1x128xi32, #tpu.memory_space<vmem>> -> memref<128xi32, #tpu.memory_space<vmem>>
        %dma_wait3A_75 = arith.constant 0 : i32
        %dma_wait3A_76 = arith.constant 0 : i32
        %dma_wait3A_77 = tpu.memref_slice %arg2[%dma_wait3A_75, %dma_wait3A_76] : memref<10000x128xf32, #tpu.memory_space<hbm>> -> memref<10000x128xf32, #tpu.memory_space<hbm>>
        tpu.wait_indirect_dma semaphore(%arg13 : memref<!tpu.dma_semaphore, #tpu.memory_space<semaphore_mem>>) src(%dma_wait3A_77 : memref<10000x128xf32, #tpu.memory_space<hbm>>) dst(%arg10 : memref<128x128xf32, #tpu.memory_space<vmem>>)
        %add3A_78 = arith.constant 1 : i32
        %add3A_79 = arith.addi %add3A_50, %add3A_78 : i32
        "tpu.region"() ({
          %run_scoped3A = tpu.sem_alloc : memref<!tpu.dma_semaphore, #tpu.memory_space<semaphore_mem>>
          %dma_start3A_80 = arith.constant 0 : i32
          %dma_start3A_81 = tpu.memref_slice %arg8[%add3A_79, %dma_start3A_80] : memref<40x128xi32, #tpu.memory_space<vmem>> -> memref<1x128xi32, #tpu.memory_space<vmem>>
          %dma_start3A_82 = tpu.memref_squeeze %dma_start3A_81 : memref<1x128xi32, #tpu.memory_space<vmem>> -> memref<128xi32, #tpu.memory_space<vmem>>
          %dma_start3A_83 = arith.constant 0 : i32
          %dma_start3A_84 = arith.constant 0 : i32
          %dma_start3A_85 = tpu.memref_slice %arg11[%dma_start3A_83, %dma_start3A_84] : memref<10112x128xf32, #tpu.memory_space<vmem_shared>> -> memref<10112x128xf32, #tpu.memory_space<vmem_shared>>
          tpu.enqueue_indirect_dma source(%arg10 : memref<128x128xf32, #tpu.memory_space<vmem>>) target(%dma_start3A_85 : memref<10112x128xf32, #tpu.memory_space<vmem_shared>>) offsets(%dma_start3A_82 : memref<128xi32, #tpu.memory_space<vmem>>) semaphore(%run_scoped3A : memref<!tpu.dma_semaphore, #tpu.memory_space<semaphore_mem>>) {add = true}
          %dma_wait3A_86 = arith.constant 0 : i32
          %dma_wait3A_87 = tpu.memref_slice %arg8[%add3A_79, %dma_wait3A_86] : memref<40x128xi32, #tpu.memory_space<vmem>> -> memref<1x128xi32, #tpu.memory_space<vmem>>
          %dma_wait3A_88 = tpu.memref_squeeze %dma_wait3A_87 : memref<1x128xi32, #tpu.memory_space<vmem>> -> memref<128xi32, #tpu.memory_space<vmem>>
          %dma_wait3A_89 = arith.constant 0 : i32
          %dma_wait3A_90 = arith.constant 0 : i32
          %dma_wait3A_91 = tpu.memref_slice %arg11[%dma_wait3A_89, %dma_wait3A_90] : memref<10112x128xf32, #tpu.memory_space<vmem_shared>> -> memref<10112x128xf32, #tpu.memory_space<vmem_shared>>
          tpu.wait_indirect_dma semaphore(%run_scoped3A : memref<!tpu.dma_semaphore, #tpu.memory_space<semaphore_mem>>) src(%arg10 : memref<128x128xf32, #tpu.memory_space<vmem>>) dst(%dma_wait3A_91 : memref<10112x128xf32, #tpu.memory_space<vmem_shared>>)
          tpu.yield
        }) : () -> ()
      }
      %scan3A_27 = arith.constant 20 : i32
      %mul3A_28 = arith.constant 80 : i32
      %mul3A_29 = arith.muli %arg1, %mul3A_28 : i32
      %add3A_30 = arith.constant 1280 : i32
      %add3A_31 = arith.addi %add3A_30, %mul3A_29 : i32
      %add3A_32 = arith.constant 40 : i32
      %add3A_33 = arith.addi %add3A_31, %add3A_32 : i32
      "tpu.region"() ({
        %run_scoped3A = tpu.sem_alloc : memref<!tpu.dma_semaphore, #tpu.memory_space<semaphore_mem>>
        %dma_start3A_46 = arith.constant 0 : i32
        %dma_start3A_47 = tpu.memref_slice %arg3[%add3A_33, %dma_start3A_46] : memref<2560x128xi32, #tpu.memory_space<hbm>> -> memref<40x128xi32, #tpu.memory_space<hbm>>
        %dma_start3A_48 = arith.constant 0 : i32
        %dma_start3A_49 = tpu.memref_slice %arg3[%add3A_33, %dma_start3A_48] : memref<2560x128xi32, #tpu.memory_space<hbm>> -> memref<40x128xi32, #tpu.memory_space<hbm>>
        tpu.enqueue_dma source(%dma_start3A_49 : memref<40x128xi32, #tpu.memory_space<hbm>>) target(%arg7 : memref<40x128xi32, #tpu.memory_space<vmem>>) target_semaphore(%run_scoped3A : memref<!tpu.dma_semaphore, #tpu.memory_space<semaphore_mem>>)
        %dma_wait3A = arith.constant 0 : i32
        %dma_wait3A_50 = tpu.memref_slice %arg3[%add3A_33, %dma_wait3A] : memref<2560x128xi32, #tpu.memory_space<hbm>> -> memref<40x128xi32, #tpu.memory_space<hbm>>
        %dma_wait3A_51 = arith.constant 0 : i32
        %dma_wait3A_52 = tpu.memref_slice %arg3[%add3A_33, %dma_wait3A_51] : memref<2560x128xi32, #tpu.memory_space<hbm>> -> memref<40x128xi32, #tpu.memory_space<hbm>>
        tpu.wait_dma2 semaphore(%run_scoped3A : memref<!tpu.dma_semaphore, #tpu.memory_space<semaphore_mem>>) src(%dma_wait3A_52 : memref<40x128xi32, #tpu.memory_space<hbm>>) dst(%arg7 : memref<40x128xi32, #tpu.memory_space<vmem>>)
        tpu.yield
      }) : () -> ()
      "tpu.region"() ({
        %run_scoped3A = tpu.sem_alloc : memref<!tpu.dma_semaphore, #tpu.memory_space<semaphore_mem>>
        %dma_start3A_46 = arith.constant 0 : i32
        %dma_start3A_47 = tpu.memref_slice %arg4[%add3A_33, %dma_start3A_46] : memref<2560x128xi32, #tpu.memory_space<hbm>> -> memref<40x128xi32, #tpu.memory_space<hbm>>
        %dma_start3A_48 = arith.constant 0 : i32
        %dma_start3A_49 = tpu.memref_slice %arg4[%add3A_33, %dma_start3A_48] : memref<2560x128xi32, #tpu.memory_space<hbm>> -> memref<40x128xi32, #tpu.memory_space<hbm>>
        tpu.enqueue_dma source(%dma_start3A_49 : memref<40x128xi32, #tpu.memory_space<hbm>>) target(%arg8 : memref<40x128xi32, #tpu.memory_space<vmem>>) target_semaphore(%run_scoped3A : memref<!tpu.dma_semaphore, #tpu.memory_space<semaphore_mem>>)
        %dma_wait3A = arith.constant 0 : i32
        %dma_wait3A_50 = tpu.memref_slice %arg4[%add3A_33, %dma_wait3A] : memref<2560x128xi32, #tpu.memory_space<hbm>> -> memref<40x128xi32, #tpu.memory_space<hbm>>
        %dma_wait3A_51 = arith.constant 0 : i32
        %dma_wait3A_52 = tpu.memref_slice %arg4[%add3A_33, %dma_wait3A_51] : memref<2560x128xi32, #tpu.memory_space<hbm>> -> memref<40x128xi32, #tpu.memory_space<hbm>>
        tpu.wait_dma2 semaphore(%run_scoped3A : memref<!tpu.dma_semaphore, #tpu.memory_space<semaphore_mem>>) src(%dma_wait3A_52 : memref<40x128xi32, #tpu.memory_space<hbm>>) dst(%arg8 : memref<40x128xi32, #tpu.memory_space<vmem>>)
        tpu.yield
      }) : () -> ()
      %dma_start3A_34 = arith.constant 0 : i32
      %dma_start3A_35 = arith.constant 0 : i32
      %dma_start3A_36 = tpu.memref_slice %arg7[%dma_start3A_34, %dma_start3A_35] : memref<40x128xi32, #tpu.memory_space<vmem>> -> memref<1x128xi32, #tpu.memory_space<vmem>>
      %dma_start3A_37 = tpu.memref_squeeze %dma_start3A_36 : memref<1x128xi32, #tpu.memory_space<vmem>> -> memref<128xi32, #tpu.memory_space<vmem>>
      %dma_start3A_38 = arith.constant 0 : i32
      %dma_start3A_39 = arith.constant 0 : i32
      %dma_start3A_40 = tpu.memref_slice %arg2[%dma_start3A_38, %dma_start3A_39] : memref<10000x128xf32, #tpu.memory_space<hbm>> -> memref<10000x128xf32, #tpu.memory_space<hbm>>
      tpu.enqueue_indirect_dma source(%dma_start3A_40 : memref<10000x128xf32, #tpu.memory_space<hbm>>) target(%arg9 : memref<128x128xf32, #tpu.memory_space<vmem>>) offsets(%dma_start3A_37 : memref<128xi32, #tpu.memory_space<vmem>>) semaphore(%arg12 : memref<!tpu.dma_semaphore, #tpu.memory_space<semaphore_mem>>)
      %scan3A_41 = arith.constant 0 : i32
      %scan3A_42 = arith.constant 20 : i32
      %scan3A_43 = arith.addi %scan3A_41, %scan3A_42 : i32
      %scan3A_44 = arith.constant 1 : i32
      scf.for %scan3A_46 = %scan3A_41 to %scan3A_43 step %scan3A_44  : i32 {
        %mul3A_47 = arith.constant 2 : i32
        %mul3A_48 = arith.muli %scan3A_46, %mul3A_47 : i32
        %add3A_49 = arith.constant 0 : i32
        %add3A_50 = arith.addi %add3A_49, %mul3A_48 : i32
        %add3A_51 = arith.constant 1 : i32
        %add3A_52 = arith.addi %add3A_50, %add3A_51 : i32
        %dma_start3A_53 = arith.constant 0 : i32
        %dma_start3A_54 = tpu.memref_slice %arg7[%add3A_52, %dma_start3A_53] : memref<40x128xi32, #tpu.memory_space<vmem>> -> memref<1x128xi32, #tpu.memory_space<vmem>>
        %dma_start3A_55 = tpu.memref_squeeze %dma_start3A_54 : memref<1x128xi32, #tpu.memory_space<vmem>> -> memref<128xi32, #tpu.memory_space<vmem>>
        %dma_start3A_56 = arith.constant 0 : i32
        %dma_start3A_57 = arith.constant 0 : i32
        %dma_start3A_58 = tpu.memref_slice %arg2[%dma_start3A_56, %dma_start3A_57] : memref<10000x128xf32, #tpu.memory_space<hbm>> -> memref<10000x128xf32, #tpu.memory_space<hbm>>
        tpu.enqueue_indirect_dma source(%dma_start3A_58 : memref<10000x128xf32, #tpu.memory_space<hbm>>) target(%arg10 : memref<128x128xf32, #tpu.memory_space<vmem>>) offsets(%dma_start3A_55 : memref<128xi32, #tpu.memory_space<vmem>>) semaphore(%arg13 : memref<!tpu.dma_semaphore, #tpu.memory_space<semaphore_mem>>)
        %dma_wait3A = arith.constant 0 : i32
        %dma_wait3A_59 = tpu.memref_slice %arg7[%add3A_50, %dma_wait3A] : memref<40x128xi32, #tpu.memory_space<vmem>> -> memref<1x128xi32, #tpu.memory_space<vmem>>
        %dma_wait3A_60 = tpu.memref_squeeze %dma_wait3A_59 : memref<1x128xi32, #tpu.memory_space<vmem>> -> memref<128xi32, #tpu.memory_space<vmem>>
        %dma_wait3A_61 = arith.constant 0 : i32
        %dma_wait3A_62 = arith.constant 0 : i32
        %dma_wait3A_63 = tpu.memref_slice %arg2[%dma_wait3A_61, %dma_wait3A_62] : memref<10000x128xf32, #tpu.memory_space<hbm>> -> memref<10000x128xf32, #tpu.memory_space<hbm>>
        tpu.wait_indirect_dma semaphore(%arg12 : memref<!tpu.dma_semaphore, #tpu.memory_space<semaphore_mem>>) src(%dma_wait3A_63 : memref<10000x128xf32, #tpu.memory_space<hbm>>) dst(%arg9 : memref<128x128xf32, #tpu.memory_space<vmem>>)
        "tpu.region"() ({
          %run_scoped3A = tpu.sem_alloc : memref<!tpu.dma_semaphore, #tpu.memory_space<semaphore_mem>>
          %dma_start3A_80 = arith.constant 0 : i32
          %dma_start3A_81 = tpu.memref_slice %arg8[%add3A_50, %dma_start3A_80] : memref<40x128xi32, #tpu.memory_space<vmem>> -> memref<1x128xi32, #tpu.memory_space<vmem>>
          %dma_start3A_82 = tpu.memref_squeeze %dma_start3A_81 : memref<1x128xi32, #tpu.memory_space<vmem>> -> memref<128xi32, #tpu.memory_space<vmem>>
          %dma_start3A_83 = arith.constant 0 : i32
          %dma_start3A_84 = arith.constant 0 : i32
          %dma_start3A_85 = tpu.memref_slice %arg11[%dma_start3A_83, %dma_start3A_84] : memref<10112x128xf32, #tpu.memory_space<vmem_shared>> -> memref<10112x128xf32, #tpu.memory_space<vmem_shared>>
          tpu.enqueue_indirect_dma source(%arg9 : memref<128x128xf32, #tpu.memory_space<vmem>>) target(%dma_start3A_85 : memref<10112x128xf32, #tpu.memory_space<vmem_shared>>) offsets(%dma_start3A_82 : memref<128xi32, #tpu.memory_space<vmem>>) semaphore(%run_scoped3A : memref<!tpu.dma_semaphore, #tpu.memory_space<semaphore_mem>>) {add = true}
          %dma_wait3A_86 = arith.constant 0 : i32
          %dma_wait3A_87 = tpu.memref_slice %arg8[%add3A_50, %dma_wait3A_86] : memref<40x128xi32, #tpu.memory_space<vmem>> -> memref<1x128xi32, #tpu.memory_space<vmem>>
          %dma_wait3A_88 = tpu.memref_squeeze %dma_wait3A_87 : memref<1x128xi32, #tpu.memory_space<vmem>> -> memref<128xi32, #tpu.memory_space<vmem>>
          %dma_wait3A_89 = arith.constant 0 : i32
          %dma_wait3A_90 = arith.constant 0 : i32
          %dma_wait3A_91 = tpu.memref_slice %arg11[%dma_wait3A_89, %dma_wait3A_90] : memref<10112x128xf32, #tpu.memory_space<vmem_shared>> -> memref<10112x128xf32, #tpu.memory_space<vmem_shared>>
          tpu.wait_indirect_dma semaphore(%run_scoped3A : memref<!tpu.dma_semaphore, #tpu.memory_space<semaphore_mem>>) src(%arg9 : memref<128x128xf32, #tpu.memory_space<vmem>>) dst(%dma_wait3A_91 : memref<10112x128xf32, #tpu.memory_space<vmem_shared>>)
          tpu.yield
        }) : () -> ()
        %add3A_64 = arith.constant 2 : i32
        %add3A_65 = arith.addi %add3A_50, %add3A_64 : i32
        %lt3A = arith.constant 40 : i32
        %lt3A_66 = arith.cmpi slt, %add3A_65, %lt3A : i32
        %convert_element_type3A_67 = arith.extui %lt3A_66 : i1 to i32
        %cond3A_68 = arith.constant 0 : i32
        %cond3A_69 = arith.cmpi ne, %convert_element_type3A_67, %cond3A_68 : i32
        scf.if %cond3A_69 {
          %add3A_80 = arith.constant 2 : i32
          %add3A_81 = arith.addi %add3A_50, %add3A_80 : i32
          %dma_start3A_82 = arith.constant 0 : i32
          %dma_start3A_83 = tpu.memref_slice %arg7[%add3A_81, %dma_start3A_82] : memref<40x128xi32, #tpu.memory_space<vmem>> -> memref<1x128xi32, #tpu.memory_space<vmem>>
          %dma_start3A_84 = tpu.memref_squeeze %dma_start3A_83 : memref<1x128xi32, #tpu.memory_space<vmem>> -> memref<128xi32, #tpu.memory_space<vmem>>
          %dma_start3A_85 = arith.constant 0 : i32
          %dma_start3A_86 = arith.constant 0 : i32
          %dma_start3A_87 = tpu.memref_slice %arg2[%dma_start3A_85, %dma_start3A_86] : memref<10000x128xf32, #tpu.memory_space<hbm>> -> memref<10000x128xf32, #tpu.memory_space<hbm>>
          tpu.enqueue_indirect_dma source(%dma_start3A_87 : memref<10000x128xf32, #tpu.memory_space<hbm>>) target(%arg9 : memref<128x128xf32, #tpu.memory_space<vmem>>) offsets(%dma_start3A_84 : memref<128xi32, #tpu.memory_space<vmem>>) semaphore(%arg12 : memref<!tpu.dma_semaphore, #tpu.memory_space<semaphore_mem>>)
        } else {
        }
        %add3A_70 = arith.constant 1 : i32
        %add3A_71 = arith.addi %add3A_50, %add3A_70 : i32
        %dma_wait3A_72 = arith.constant 0 : i32
        %dma_wait3A_73 = tpu.memref_slice %arg7[%add3A_71, %dma_wait3A_72] : memref<40x128xi32, #tpu.memory_space<vmem>> -> memref<1x128xi32, #tpu.memory_space<vmem>>
        %dma_wait3A_74 = tpu.memref_squeeze %dma_wait3A_73 : memref<1x128xi32, #tpu.memory_space<vmem>> -> memref<128xi32, #tpu.memory_space<vmem>>
        %dma_wait3A_75 = arith.constant 0 : i32
        %dma_wait3A_76 = arith.constant 0 : i32
        %dma_wait3A_77 = tpu.memref_slice %arg2[%dma_wait3A_75, %dma_wait3A_76] : memref<10000x128xf32, #tpu.memory_space<hbm>> -> memref<10000x128xf32, #tpu.memory_space<hbm>>
        tpu.wait_indirect_dma semaphore(%arg13 : memref<!tpu.dma_semaphore, #tpu.memory_space<semaphore_mem>>) src(%dma_wait3A_77 : memref<10000x128xf32, #tpu.memory_space<hbm>>) dst(%arg10 : memref<128x128xf32, #tpu.memory_space<vmem>>)
        %add3A_78 = arith.constant 1 : i32
        %add3A_79 = arith.addi %add3A_50, %add3A_78 : i32
        "tpu.region"() ({
          %run_scoped3A = tpu.sem_alloc : memref<!tpu.dma_semaphore, #tpu.memory_space<semaphore_mem>>
          %dma_start3A_80 = arith.constant 0 : i32
          %dma_start3A_81 = tpu.memref_slice %arg8[%add3A_79, %dma_start3A_80] : memref<40x128xi32, #tpu.memory_space<vmem>> -> memref<1x128xi32, #tpu.memory_space<vmem>>
          %dma_start3A_82 = tpu.memref_squeeze %dma_start3A_81 : memref<1x128xi32, #tpu.memory_space<vmem>> -> memref<128xi32, #tpu.memory_space<vmem>>
          %dma_start3A_83 = arith.constant 0 : i32
          %dma_start3A_84 = arith.constant 0 : i32
          %dma_start3A_85 = tpu.memref_slice %arg11[%dma_start3A_83, %dma_start3A_84] : memref<10112x128xf32, #tpu.memory_space<vmem_shared>> -> memref<10112x128xf32, #tpu.memory_space<vmem_shared>>
          tpu.enqueue_indirect_dma source(%arg10 : memref<128x128xf32, #tpu.memory_space<vmem>>) target(%dma_start3A_85 : memref<10112x128xf32, #tpu.memory_space<vmem_shared>>) offsets(%dma_start3A_82 : memref<128xi32, #tpu.memory_space<vmem>>) semaphore(%run_scoped3A : memref<!tpu.dma_semaphore, #tpu.memory_space<semaphore_mem>>) {add = true}
          %dma_wait3A_86 = arith.constant 0 : i32
          %dma_wait3A_87 = tpu.memref_slice %arg8[%add3A_79, %dma_wait3A_86] : memref<40x128xi32, #tpu.memory_space<vmem>> -> memref<1x128xi32, #tpu.memory_space<vmem>>
          %dma_wait3A_88 = tpu.memref_squeeze %dma_wait3A_87 : memref<1x128xi32, #tpu.memory_space<vmem>> -> memref<128xi32, #tpu.memory_space<vmem>>
          %dma_wait3A_89 = arith.constant 0 : i32
          %dma_wait3A_90 = arith.constant 0 : i32
          %dma_wait3A_91 = tpu.memref_slice %arg11[%dma_wait3A_89, %dma_wait3A_90] : memref<10112x128xf32, #tpu.memory_space<vmem_shared>> -> memref<10112x128xf32, #tpu.memory_space<vmem_shared>>
          tpu.wait_indirect_dma semaphore(%run_scoped3A : memref<!tpu.dma_semaphore, #tpu.memory_space<semaphore_mem>>) src(%arg10 : memref<128x128xf32, #tpu.memory_space<vmem>>) dst(%dma_wait3A_91 : memref<10112x128xf32, #tpu.memory_space<vmem_shared>>)
          tpu.yield
        }) : () -> ()
      }
      %scan3A_45 = arith.constant 20 : i32
    } else {
    }
    %barrier3A_8 = arith.constant 0 : index
    tpu.barrier barrier_id(%barrier3A_8)
    %mul3A_9 = arith.constant 632 : i32
    %mul3A_10 = arith.muli %arg1, %mul3A_9 : i32
    %mul3A_11 = arith.constant 632 : i32
    %mul3A_12 = arith.muli %arg1, %mul3A_11 : i32
    "tpu.region"() ({
      %run_scoped3A = tpu.sem_alloc : memref<!tpu.dma_semaphore, #tpu.memory_space<semaphore_mem>>
      %dma_start3A = arith.constant 0 : i32
      %dma_start3A_13 = tpu.memref_slice %arg6[%arg0, %mul3A_12, %dma_start3A] : memref<2x10112x128xf32, #tpu.memory_space<hbm>> -> memref<1x632x128xf32, #tpu.memory_space<hbm>>
      %dma_start3A_14 = tpu.memref_squeeze %dma_start3A_13 : memref<1x632x128xf32, #tpu.memory_space<hbm>> -> memref<632x128xf32, #tpu.memory_space<hbm>>
      %dma_start3A_15 = arith.constant 0 : i32
      %dma_start3A_16 = tpu.memref_slice %arg11[%mul3A_10, %dma_start3A_15] : memref<10112x128xf32, #tpu.memory_space<vmem_shared>> -> memref<632x128xf32, #tpu.memory_space<vmem_shared>>
      tpu.enqueue_dma source(%dma_start3A_16 : memref<632x128xf32, #tpu.memory_space<vmem_shared>>) target(%dma_start3A_14 : memref<632x128xf32, #tpu.memory_space<hbm>>) target_semaphore(%run_scoped3A : memref<!tpu.dma_semaphore, #tpu.memory_space<semaphore_mem>>)
      %dma_wait3A = arith.constant 0 : i32
      %dma_wait3A_17 = tpu.memref_slice %arg6[%arg0, %mul3A_12, %dma_wait3A] : memref<2x10112x128xf32, #tpu.memory_space<hbm>> -> memref<1x632x128xf32, #tpu.memory_space<hbm>>
      %dma_wait3A_18 = tpu.memref_squeeze %dma_wait3A_17 : memref<1x632x128xf32, #tpu.memory_space<hbm>> -> memref<632x128xf32, #tpu.memory_space<hbm>>
      %dma_wait3A_19 = arith.constant 0 : i32
      %dma_wait3A_20 = tpu.memref_slice %arg11[%mul3A_10, %dma_wait3A_19] : memref<10112x128xf32, #tpu.memory_space<vmem_shared>> -> memref<632x128xf32, #tpu.memory_space<vmem_shared>>
      tpu.wait_dma2 semaphore(%run_scoped3A : memref<!tpu.dma_semaphore, #tpu.memory_space<semaphore_mem>>) src(%dma_wait3A_20 : memref<632x128xf32, #tpu.memory_space<vmem_shared>>) dst(%dma_wait3A_18 : memref<632x128xf32, #tpu.memory_space<hbm>>)
      tpu.yield
    }) : () -> ()
    return
  }
}

#map = affine_map<(d0, d1) -> (0, 0)>
#map1 = affine_map<(d0, d1) -> (0, 0, 0)>
module attributes {stable_mosaic.version = 14 : i64} {
  func.func @k(%arg0: i32, %arg1: i32, %arg2: memref<10000x128xf32, #tpu.memory_space<hbm>>, %arg3: memref<2560x128xi32, #tpu.memory_space<hbm>>, %arg4: memref<2560x128xi32, #tpu.memory_space<hbm>>, %arg5: memref<632x128xf32, #tpu.memory_space<hbm>>, %arg6: memref<2x10112x128xf32, #tpu.memory_space<hbm>>, %arg7: memref<40x128xi32, #tpu.memory_space<vmem>>, %arg8: memref<40x128xi32, #tpu.memory_space<vmem>>, %arg9: memref<128x128xf32, #tpu.memory_space<vmem>>, %arg10: memref<128x128xf32, #tpu.memory_space<vmem>>, %arg11: memref<10112x128xf32, #tpu.memory_space<vmem_shared>>, %arg12: memref<!tpu.dma_semaphore, #tpu.memory_space<semaphore_mem>>, %arg13: memref<!tpu.dma_semaphore, #tpu.memory_space<semaphore_mem>>) attributes {dimension_semantics = [#tpu.dimension_semantics<core_parallel>, #tpu.dimension_semantics<subcore_parallel>], iteration_bounds = array<i64: 2, 16>, scalar_prefetch = 0 : i64, scratch_operands = 7 : i64, tpu.core_type = #tpu.core_type<sc_vector_subcore>, window_params = [{transform_indices = #map}, {transform_indices = #map}, {transform_indices = #map}, {transform_indices = #map}, {transform_indices = #map1}]} {
    %mul3A = arith.constant 632 : i32
    %mul3A_0 = arith.muli %arg1, %mul3A : i32
    "tpu.region"() ({
      %run_scoped3A = tpu.sem_alloc : memref<!tpu.dma_semaphore, #tpu.memory_space<semaphore_mem>>
      %dma_start3A = arith.constant 0 : i32
      %dma_start3A_13 = tpu.memref_slice %arg11[%mul3A_0, %dma_start3A] : memref<10112x128xf32, #tpu.memory_space<vmem_shared>> -> memref<632x128xf32, #tpu.memory_space<vmem_shared>>
      tpu.enqueue_dma source(%arg5 : memref<632x128xf32, #tpu.memory_space<hbm>>) target(%dma_start3A_13 : memref<632x128xf32, #tpu.memory_space<vmem_shared>>) target_semaphore(%run_scoped3A : memref<!tpu.dma_semaphore, #tpu.memory_space<semaphore_mem>>)
      %dma_wait3A = arith.constant 0 : i32
      %dma_wait3A_14 = tpu.memref_slice %arg11[%mul3A_0, %dma_wait3A] : memref<10112x128xf32, #tpu.memory_space<vmem_shared>> -> memref<632x128xf32, #tpu.memory_space<vmem_shared>>
      tpu.wait_dma2 semaphore(%run_scoped3A : memref<!tpu.dma_semaphore, #tpu.memory_space<semaphore_mem>>) src(%arg5 : memref<632x128xf32, #tpu.memory_space<hbm>>) dst(%dma_wait3A_14 : memref<632x128xf32, #tpu.memory_space<vmem_shared>>)
      tpu.yield
    }) : () -> ()
    %barrier3A = arith.constant 0 : index
    tpu.barrier barrier_id(%barrier3A)
    %eq3A = arith.constant 0 : i32
    %eq3A_1 = arith.cmpi eq, %arg0, %eq3A : i32
    %convert_element_type3A = arith.extui %eq3A_1 : i1 to i32
    %cond3A = arith.constant 0 : i32
    %cond3A_2 = arith.cmpi ne, %convert_element_type3A, %cond3A : i32
    scf.if %cond3A_2 {
      %mul3A_13 = arith.constant 80 : i32
      %mul3A_14 = arith.muli %arg1, %mul3A_13 : i32
      %add3A = arith.constant 0 : i32
      %add3A_15 = arith.addi %mul3A_14, %add3A : i32
      "tpu.region"() ({
        %run_scoped3A = tpu.sem_alloc : memref<!tpu.dma_semaphore, #tpu.memory_space<semaphore_mem>>
        %dma_start3A_42 = arith.constant 0 : i32
        %dma_start3A_43 = tpu.memref_slice %arg3[%add3A_15, %dma_start3A_42] : memref<2560x128xi32, #tpu.memory_space<hbm>> -> memref<40x128xi32, #tpu.memory_space<hbm>>
        %dma_start3A_44 = arith.constant 0 : i32
        %dma_start3A_45 = tpu.memref_slice %arg3[%add3A_15, %dma_start3A_44] : memref<2560x128xi32, #tpu.memory_space<hbm>> -> memref<40x128xi32, #tpu.memory_space<hbm>>
        tpu.enqueue_dma source(%dma_start3A_45 : memref<40x128xi32, #tpu.memory_space<hbm>>) target(%arg7 : memref<40x128xi32, #tpu.memory_space<vmem>>) target_semaphore(%run_scoped3A : memref<!tpu.dma_semaphore, #tpu.memory_space<semaphore_mem>>)
        %dma_wait3A = arith.constant 0 : i32
        %dma_wait3A_46 = tpu.memref_slice %arg3[%add3A_15, %dma_wait3A] : memref<2560x128xi32, #tpu.memory_space<hbm>> -> memref<40x128xi32, #tpu.memory_space<hbm>>
        %dma_wait3A_47 = arith.constant 0 : i32
        %dma_wait3A_48 = tpu.memref_slice %arg3[%add3A_15, %dma_wait3A_47] : memref<2560x128xi32, #tpu.memory_space<hbm>> -> memref<40x128xi32, #tpu.memory_space<hbm>>
        tpu.wait_dma2 semaphore(%run_scoped3A : memref<!tpu.dma_semaphore, #tpu.memory_space<semaphore_mem>>) src(%dma_wait3A_48 : memref<40x128xi32, #tpu.memory_space<hbm>>) dst(%arg7 : memref<40x128xi32, #tpu.memory_space<vmem>>)
        tpu.yield
      }) : () -> ()
      "tpu.region"() ({
        %run_scoped3A = tpu.sem_alloc : memref<!tpu.dma_semaphore, #tpu.memory_space<semaphore_mem>>
        %dma_start3A_42 = arith.constant 0 : i32
        %dma_start3A_43 = tpu.memref_slice %arg4[%add3A_15, %dma_start3A_42] : memref<2560x128xi32, #tpu.memory_space<hbm>> -> memref<40x128xi32, #tpu.memory_space<hbm>>
        %dma_start3A_44 = arith.constant 0 : i32
        %dma_start3A_45 = tpu.memref_slice %arg4[%add3A_15, %dma_start3A_44] : memref<2560x128xi32, #tpu.memory_space<hbm>> -> memref<40x128xi32, #tpu.memory_space<hbm>>
        tpu.enqueue_dma source(%dma_start3A_45 : memref<40x128xi32, #tpu.memory_space<hbm>>) target(%arg8 : memref<40x128xi32, #tpu.memory_space<vmem>>) target_semaphore(%run_scoped3A : memref<!tpu.dma_semaphore, #tpu.memory_space<semaphore_mem>>)
        %dma_wait3A = arith.constant 0 : i32
        %dma_wait3A_46 = tpu.memref_slice %arg4[%add3A_15, %dma_wait3A] : memref<2560x128xi32, #tpu.memory_space<hbm>> -> memref<40x128xi32, #tpu.memory_space<hbm>>
        %dma_wait3A_47 = arith.constant 0 : i32
        %dma_wait3A_48 = tpu.memref_slice %arg4[%add3A_15, %dma_wait3A_47] : memref<2560x128xi32, #tpu.memory_space<hbm>> -> memref<40x128xi32, #tpu.memory_space<hbm>>
        tpu.wait_dma2 semaphore(%run_scoped3A : memref<!tpu.dma_semaphore, #tpu.memory_space<semaphore_mem>>) src(%dma_wait3A_48 : memref<40x128xi32, #tpu.memory_space<hbm>>) dst(%arg8 : memref<40x128xi32, #tpu.memory_space<vmem>>)
        tpu.yield
      }) : () -> ()
      %dma_start3A = arith.constant 0 : i32
      %dma_start3A_16 = arith.constant 0 : i32
      %dma_start3A_17 = tpu.memref_slice %arg7[%dma_start3A, %dma_start3A_16] : memref<40x128xi32, #tpu.memory_space<vmem>> -> memref<1x128xi32, #tpu.memory_space<vmem>>
      %dma_start3A_18 = tpu.memref_squeeze %dma_start3A_17 : memref<1x128xi32, #tpu.memory_space<vmem>> -> memref<128xi32, #tpu.memory_space<vmem>>
      %dma_start3A_19 = arith.constant 0 : i32
      %dma_start3A_20 = arith.constant 0 : i32
      %dma_start3A_21 = tpu.memref_slice %arg2[%dma_start3A_19, %dma_start3A_20] : memref<10000x128xf32, #tpu.memory_space<hbm>> -> memref<10000x128xf32, #tpu.memory_space<hbm>>
      tpu.enqueue_indirect_dma source(%dma_start3A_21 : memref<10000x128xf32, #tpu.memory_space<hbm>>) target(%arg9 : memref<128x128xf32, #tpu.memory_space<vmem>>) offsets(%dma_start3A_18 : memref<128xi32, #tpu.memory_space<vmem>>) semaphore(%arg12 : memref<!tpu.dma_semaphore, #tpu.memory_space<semaphore_mem>>)
      %scan3A = arith.constant 0 : i32
      %scan3A_22 = arith.constant 20 : i32
      %scan3A_23 = arith.addi %scan3A, %scan3A_22 : i32
      %scan3A_24 = arith.constant 1 : i32
      scf.for %scan3A_42 = %scan3A to %scan3A_23 step %scan3A_24  : i32 {
        %mul3A_43 = arith.constant 2 : i32
        %mul3A_44 = arith.muli %scan3A_42, %mul3A_43 : i32
        %add3A_45 = arith.constant 0 : i32
        %add3A_46 = arith.addi %add3A_45, %mul3A_44 : i32
        %add3A_47 = arith.constant 1 : i32
        %add3A_48 = arith.addi %add3A_46, %add3A_47 : i32
        %dma_start3A_49 = arith.constant 0 : i32
        %dma_start3A_50 = tpu.memref_slice %arg7[%add3A_48, %dma_start3A_49] : memref<40x128xi32, #tpu.memory_space<vmem>> -> memref<1x128xi32, #tpu.memory_space<vmem>>
        %dma_start3A_51 = tpu.memref_squeeze %dma_start3A_50 : memref<1x128xi32, #tpu.memory_space<vmem>> -> memref<128xi32, #tpu.memory_space<vmem>>
        %dma_start3A_52 = arith.constant 0 : i32
        %dma_start3A_53 = arith.constant 0 : i32
        %dma_start3A_54 = tpu.memref_slice %arg2[%dma_start3A_52, %dma_start3A_53] : memref<10000x128xf32, #tpu.memory_space<hbm>> -> memref<10000x128xf32, #tpu.memory_space<hbm>>
        tpu.enqueue_indirect_dma source(%dma_start3A_54 : memref<10000x128xf32, #tpu.memory_space<hbm>>) target(%arg10 : memref<128x128xf32, #tpu.memory_space<vmem>>) offsets(%dma_start3A_51 : memref<128xi32, #tpu.memory_space<vmem>>) semaphore(%arg13 : memref<!tpu.dma_semaphore, #tpu.memory_space<semaphore_mem>>)
        %dma_wait3A = arith.constant 0 : i32
        %dma_wait3A_55 = tpu.memref_slice %arg7[%add3A_46, %dma_wait3A] : memref<40x128xi32, #tpu.memory_space<vmem>> -> memref<1x128xi32, #tpu.memory_space<vmem>>
        %dma_wait3A_56 = tpu.memref_squeeze %dma_wait3A_55 : memref<1x128xi32, #tpu.memory_space<vmem>> -> memref<128xi32, #tpu.memory_space<vmem>>
        %dma_wait3A_57 = arith.constant 0 : i32
        %dma_wait3A_58 = arith.constant 0 : i32
        %dma_wait3A_59 = tpu.memref_slice %arg2[%dma_wait3A_57, %dma_wait3A_58] : memref<10000x128xf32, #tpu.memory_space<hbm>> -> memref<10000x128xf32, #tpu.memory_space<hbm>>
        tpu.wait_indirect_dma semaphore(%arg12 : memref<!tpu.dma_semaphore, #tpu.memory_space<semaphore_mem>>) src(%dma_wait3A_59 : memref<10000x128xf32, #tpu.memory_space<hbm>>) dst(%arg9 : memref<128x128xf32, #tpu.memory_space<vmem>>)
        "tpu.region"() ({
          %run_scoped3A = tpu.sem_alloc : memref<!tpu.dma_semaphore, #tpu.memory_space<semaphore_mem>>
          %dma_start3A_76 = arith.constant 0 : i32
          %dma_start3A_77 = tpu.memref_slice %arg8[%add3A_46, %dma_start3A_76] : memref<40x128xi32, #tpu.memory_space<vmem>> -> memref<1x128xi32, #tpu.memory_space<vmem>>
          %dma_start3A_78 = tpu.memref_squeeze %dma_start3A_77 : memref<1x128xi32, #tpu.memory_space<vmem>> -> memref<128xi32, #tpu.memory_space<vmem>>
          %dma_start3A_79 = arith.constant 0 : i32
          %dma_start3A_80 = arith.constant 0 : i32
          %dma_start3A_81 = tpu.memref_slice %arg11[%dma_start3A_79, %dma_start3A_80] : memref<10112x128xf32, #tpu.memory_space<vmem_shared>> -> memref<10112x128xf32, #tpu.memory_space<vmem_shared>>
          tpu.enqueue_indirect_dma source(%arg9 : memref<128x128xf32, #tpu.memory_space<vmem>>) target(%dma_start3A_81 : memref<10112x128xf32, #tpu.memory_space<vmem_shared>>) offsets(%dma_start3A_78 : memref<128xi32, #tpu.memory_space<vmem>>) semaphore(%run_scoped3A : memref<!tpu.dma_semaphore, #tpu.memory_space<semaphore_mem>>) {add = true}
          %dma_wait3A_82 = arith.constant 0 : i32
          %dma_wait3A_83 = tpu.memref_slice %arg8[%add3A_46, %dma_wait3A_82] : memref<40x128xi32, #tpu.memory_space<vmem>> -> memref<1x128xi32, #tpu.memory_space<vmem>>
          %dma_wait3A_84 = tpu.memref_squeeze %dma_wait3A_83 : memref<1x128xi32, #tpu.memory_space<vmem>> -> memref<128xi32, #tpu.memory_space<vmem>>
          %dma_wait3A_85 = arith.constant 0 : i32
          %dma_wait3A_86 = arith.constant 0 : i32
          %dma_wait3A_87 = tpu.memref_slice %arg11[%dma_wait3A_85, %dma_wait3A_86] : memref<10112x128xf32, #tpu.memory_space<vmem_shared>> -> memref<10112x128xf32, #tpu.memory_space<vmem_shared>>
          tpu.wait_indirect_dma semaphore(%run_scoped3A : memref<!tpu.dma_semaphore, #tpu.memory_space<semaphore_mem>>) src(%arg9 : memref<128x128xf32, #tpu.memory_space<vmem>>) dst(%dma_wait3A_87 : memref<10112x128xf32, #tpu.memory_space<vmem_shared>>)
          tpu.yield
        }) : () -> ()
        %add3A_60 = arith.constant 2 : i32
        %add3A_61 = arith.addi %add3A_46, %add3A_60 : i32
        %lt3A = arith.constant 40 : i32
        %lt3A_62 = arith.cmpi slt, %add3A_61, %lt3A : i32
        %convert_element_type3A_63 = arith.extui %lt3A_62 : i1 to i32
        %cond3A_64 = arith.constant 0 : i32
        %cond3A_65 = arith.cmpi ne, %convert_element_type3A_63, %cond3A_64 : i32
        scf.if %cond3A_65 {
          %add3A_76 = arith.constant 2 : i32
          %add3A_77 = arith.addi %add3A_46, %add3A_76 : i32
          %dma_start3A_78 = arith.constant 0 : i32
          %dma_start3A_79 = tpu.memref_slice %arg7[%add3A_77, %dma_start3A_78] : memref<40x128xi32, #tpu.memory_space<vmem>> -> memref<1x128xi32, #tpu.memory_space<vmem>>
          %dma_start3A_80 = tpu.memref_squeeze %dma_start3A_79 : memref<1x128xi32, #tpu.memory_space<vmem>> -> memref<128xi32, #tpu.memory_space<vmem>>
          %dma_start3A_81 = arith.constant 0 : i32
          %dma_start3A_82 = arith.constant 0 : i32
          %dma_start3A_83 = tpu.memref_slice %arg2[%dma_start3A_81, %dma_start3A_82] : memref<10000x128xf32, #tpu.memory_space<hbm>> -> memref<10000x128xf32, #tpu.memory_space<hbm>>
          tpu.enqueue_indirect_dma source(%dma_start3A_83 : memref<10000x128xf32, #tpu.memory_space<hbm>>) target(%arg9 : memref<128x128xf32, #tpu.memory_space<vmem>>) offsets(%dma_start3A_80 : memref<128xi32, #tpu.memory_space<vmem>>) semaphore(%arg12 : memref<!tpu.dma_semaphore, #tpu.memory_space<semaphore_mem>>)
        } else {
        }
        %add3A_66 = arith.constant 1 : i32
        %add3A_67 = arith.addi %add3A_46, %add3A_66 : i32
        %dma_wait3A_68 = arith.constant 0 : i32
        %dma_wait3A_69 = tpu.memref_slice %arg7[%add3A_67, %dma_wait3A_68] : memref<40x128xi32, #tpu.memory_space<vmem>> -> memref<1x128xi32, #tpu.memory_space<vmem>>
        %dma_wait3A_70 = tpu.memref_squeeze %dma_wait3A_69 : memref<1x128xi32, #tpu.memory_space<vmem>> -> memref<128xi32, #tpu.memory_space<vmem>>
        %dma_wait3A_71 = arith.constant 0 : i32
        %dma_wait3A_72 = arith.constant 0 : i32
        %dma_wait3A_73 = tpu.memref_slice %arg2[%dma_wait3A_71, %dma_wait3A_72] : memref<10000x128xf32, #tpu.memory_space<hbm>> -> memref<10000x128xf32, #tpu.memory_space<hbm>>
        tpu.wait_indirect_dma semaphore(%arg13 : memref<!tpu.dma_semaphore, #tpu.memory_space<semaphore_mem>>) src(%dma_wait3A_73 : memref<10000x128xf32, #tpu.memory_space<hbm>>) dst(%arg10 : memref<128x128xf32, #tpu.memory_space<vmem>>)
        %add3A_74 = arith.constant 1 : i32
        %add3A_75 = arith.addi %add3A_46, %add3A_74 : i32
        "tpu.region"() ({
          %run_scoped3A = tpu.sem_alloc : memref<!tpu.dma_semaphore, #tpu.memory_space<semaphore_mem>>
          %dma_start3A_76 = arith.constant 0 : i32
          %dma_start3A_77 = tpu.memref_slice %arg8[%add3A_75, %dma_start3A_76] : memref<40x128xi32, #tpu.memory_space<vmem>> -> memref<1x128xi32, #tpu.memory_space<vmem>>
          %dma_start3A_78 = tpu.memref_squeeze %dma_start3A_77 : memref<1x128xi32, #tpu.memory_space<vmem>> -> memref<128xi32, #tpu.memory_space<vmem>>
          %dma_start3A_79 = arith.constant 0 : i32
          %dma_start3A_80 = arith.constant 0 : i32
          %dma_start3A_81 = tpu.memref_slice %arg11[%dma_start3A_79, %dma_start3A_80] : memref<10112x128xf32, #tpu.memory_space<vmem_shared>> -> memref<10112x128xf32, #tpu.memory_space<vmem_shared>>
          tpu.enqueue_indirect_dma source(%arg10 : memref<128x128xf32, #tpu.memory_space<vmem>>) target(%dma_start3A_81 : memref<10112x128xf32, #tpu.memory_space<vmem_shared>>) offsets(%dma_start3A_78 : memref<128xi32, #tpu.memory_space<vmem>>) semaphore(%run_scoped3A : memref<!tpu.dma_semaphore, #tpu.memory_space<semaphore_mem>>) {add = true}
          %dma_wait3A_82 = arith.constant 0 : i32
          %dma_wait3A_83 = tpu.memref_slice %arg8[%add3A_75, %dma_wait3A_82] : memref<40x128xi32, #tpu.memory_space<vmem>> -> memref<1x128xi32, #tpu.memory_space<vmem>>
          %dma_wait3A_84 = tpu.memref_squeeze %dma_wait3A_83 : memref<1x128xi32, #tpu.memory_space<vmem>> -> memref<128xi32, #tpu.memory_space<vmem>>
          %dma_wait3A_85 = arith.constant 0 : i32
          %dma_wait3A_86 = arith.constant 0 : i32
          %dma_wait3A_87 = tpu.memref_slice %arg11[%dma_wait3A_85, %dma_wait3A_86] : memref<10112x128xf32, #tpu.memory_space<vmem_shared>> -> memref<10112x128xf32, #tpu.memory_space<vmem_shared>>
          tpu.wait_indirect_dma semaphore(%run_scoped3A : memref<!tpu.dma_semaphore, #tpu.memory_space<semaphore_mem>>) src(%arg10 : memref<128x128xf32, #tpu.memory_space<vmem>>) dst(%dma_wait3A_87 : memref<10112x128xf32, #tpu.memory_space<vmem_shared>>)
          tpu.yield
        }) : () -> ()
      }
      %scan3A_25 = arith.constant 20 : i32
      %mul3A_26 = arith.constant 80 : i32
      %mul3A_27 = arith.muli %arg1, %mul3A_26 : i32
      %add3A_28 = arith.constant 40 : i32
      %add3A_29 = arith.addi %mul3A_27, %add3A_28 : i32
      "tpu.region"() ({
        %run_scoped3A = tpu.sem_alloc : memref<!tpu.dma_semaphore, #tpu.memory_space<semaphore_mem>>
        %dma_start3A_42 = arith.constant 0 : i32
        %dma_start3A_43 = tpu.memref_slice %arg3[%add3A_29, %dma_start3A_42] : memref<2560x128xi32, #tpu.memory_space<hbm>> -> memref<40x128xi32, #tpu.memory_space<hbm>>
        %dma_start3A_44 = arith.constant 0 : i32
        %dma_start3A_45 = tpu.memref_slice %arg3[%add3A_29, %dma_start3A_44] : memref<2560x128xi32, #tpu.memory_space<hbm>> -> memref<40x128xi32, #tpu.memory_space<hbm>>
        tpu.enqueue_dma source(%dma_start3A_45 : memref<40x128xi32, #tpu.memory_space<hbm>>) target(%arg7 : memref<40x128xi32, #tpu.memory_space<vmem>>) target_semaphore(%run_scoped3A : memref<!tpu.dma_semaphore, #tpu.memory_space<semaphore_mem>>)
        %dma_wait3A = arith.constant 0 : i32
        %dma_wait3A_46 = tpu.memref_slice %arg3[%add3A_29, %dma_wait3A] : memref<2560x128xi32, #tpu.memory_space<hbm>> -> memref<40x128xi32, #tpu.memory_space<hbm>>
        %dma_wait3A_47 = arith.constant 0 : i32
        %dma_wait3A_48 = tpu.memref_slice %arg3[%add3A_29, %dma_wait3A_47] : memref<2560x128xi32, #tpu.memory_space<hbm>> -> memref<40x128xi32, #tpu.memory_space<hbm>>
        tpu.wait_dma2 semaphore(%run_scoped3A : memref<!tpu.dma_semaphore, #tpu.memory_space<semaphore_mem>>) src(%dma_wait3A_48 : memref<40x128xi32, #tpu.memory_space<hbm>>) dst(%arg7 : memref<40x128xi32, #tpu.memory_space<vmem>>)
        tpu.yield
      }) : () -> ()
      "tpu.region"() ({
        %run_scoped3A = tpu.sem_alloc : memref<!tpu.dma_semaphore, #tpu.memory_space<semaphore_mem>>
        %dma_start3A_42 = arith.constant 0 : i32
        %dma_start3A_43 = tpu.memref_slice %arg4[%add3A_29, %dma_start3A_42] : memref<2560x128xi32, #tpu.memory_space<hbm>> -> memref<40x128xi32, #tpu.memory_space<hbm>>
        %dma_start3A_44 = arith.constant 0 : i32
        %dma_start3A_45 = tpu.memref_slice %arg4[%add3A_29, %dma_start3A_44] : memref<2560x128xi32, #tpu.memory_space<hbm>> -> memref<40x128xi32, #tpu.memory_space<hbm>>
        tpu.enqueue_dma source(%dma_start3A_45 : memref<40x128xi32, #tpu.memory_space<hbm>>) target(%arg8 : memref<40x128xi32, #tpu.memory_space<vmem>>) target_semaphore(%run_scoped3A : memref<!tpu.dma_semaphore, #tpu.memory_space<semaphore_mem>>)
        %dma_wait3A = arith.constant 0 : i32
        %dma_wait3A_46 = tpu.memref_slice %arg4[%add3A_29, %dma_wait3A] : memref<2560x128xi32, #tpu.memory_space<hbm>> -> memref<40x128xi32, #tpu.memory_space<hbm>>
        %dma_wait3A_47 = arith.constant 0 : i32
        %dma_wait3A_48 = tpu.memref_slice %arg4[%add3A_29, %dma_wait3A_47] : memref<2560x128xi32, #tpu.memory_space<hbm>> -> memref<40x128xi32, #tpu.memory_space<hbm>>
        tpu.wait_dma2 semaphore(%run_scoped3A : memref<!tpu.dma_semaphore, #tpu.memory_space<semaphore_mem>>) src(%dma_wait3A_48 : memref<40x128xi32, #tpu.memory_space<hbm>>) dst(%arg8 : memref<40x128xi32, #tpu.memory_space<vmem>>)
        tpu.yield
      }) : () -> ()
      %dma_start3A_30 = arith.constant 0 : i32
      %dma_start3A_31 = arith.constant 0 : i32
      %dma_start3A_32 = tpu.memref_slice %arg7[%dma_start3A_30, %dma_start3A_31] : memref<40x128xi32, #tpu.memory_space<vmem>> -> memref<1x128xi32, #tpu.memory_space<vmem>>
      %dma_start3A_33 = tpu.memref_squeeze %dma_start3A_32 : memref<1x128xi32, #tpu.memory_space<vmem>> -> memref<128xi32, #tpu.memory_space<vmem>>
      %dma_start3A_34 = arith.constant 0 : i32
      %dma_start3A_35 = arith.constant 0 : i32
      %dma_start3A_36 = tpu.memref_slice %arg2[%dma_start3A_34, %dma_start3A_35] : memref<10000x128xf32, #tpu.memory_space<hbm>> -> memref<10000x128xf32, #tpu.memory_space<hbm>>
      tpu.enqueue_indirect_dma source(%dma_start3A_36 : memref<10000x128xf32, #tpu.memory_space<hbm>>) target(%arg9 : memref<128x128xf32, #tpu.memory_space<vmem>>) offsets(%dma_start3A_33 : memref<128xi32, #tpu.memory_space<vmem>>) semaphore(%arg12 : memref<!tpu.dma_semaphore, #tpu.memory_space<semaphore_mem>>)
      %scan3A_37 = arith.constant 0 : i32
      %scan3A_38 = arith.constant 20 : i32
      %scan3A_39 = arith.addi %scan3A_37, %scan3A_38 : i32
      %scan3A_40 = arith.constant 1 : i32
      scf.for %scan3A_42 = %scan3A_37 to %scan3A_39 step %scan3A_40  : i32 {
        %mul3A_43 = arith.constant 2 : i32
        %mul3A_44 = arith.muli %scan3A_42, %mul3A_43 : i32
        %add3A_45 = arith.constant 0 : i32
        %add3A_46 = arith.addi %add3A_45, %mul3A_44 : i32
        %add3A_47 = arith.constant 1 : i32
        %add3A_48 = arith.addi %add3A_46, %add3A_47 : i32
        %dma_start3A_49 = arith.constant 0 : i32
        %dma_start3A_50 = tpu.memref_slice %arg7[%add3A_48, %dma_start3A_49] : memref<40x128xi32, #tpu.memory_space<vmem>> -> memref<1x128xi32, #tpu.memory_space<vmem>>
        %dma_start3A_51 = tpu.memref_squeeze %dma_start3A_50 : memref<1x128xi32, #tpu.memory_space<vmem>> -> memref<128xi32, #tpu.memory_space<vmem>>
        %dma_start3A_52 = arith.constant 0 : i32
        %dma_start3A_53 = arith.constant 0 : i32
        %dma_start3A_54 = tpu.memref_slice %arg2[%dma_start3A_52, %dma_start3A_53] : memref<10000x128xf32, #tpu.memory_space<hbm>> -> memref<10000x128xf32, #tpu.memory_space<hbm>>
        tpu.enqueue_indirect_dma source(%dma_start3A_54 : memref<10000x128xf32, #tpu.memory_space<hbm>>) target(%arg10 : memref<128x128xf32, #tpu.memory_space<vmem>>) offsets(%dma_start3A_51 : memref<128xi32, #tpu.memory_space<vmem>>) semaphore(%arg13 : memref<!tpu.dma_semaphore, #tpu.memory_space<semaphore_mem>>)
        %dma_wait3A = arith.constant 0 : i32
        %dma_wait3A_55 = tpu.memref_slice %arg7[%add3A_46, %dma_wait3A] : memref<40x128xi32, #tpu.memory_space<vmem>> -> memref<1x128xi32, #tpu.memory_space<vmem>>
        %dma_wait3A_56 = tpu.memref_squeeze %dma_wait3A_55 : memref<1x128xi32, #tpu.memory_space<vmem>> -> memref<128xi32, #tpu.memory_space<vmem>>
        %dma_wait3A_57 = arith.constant 0 : i32
        %dma_wait3A_58 = arith.constant 0 : i32
        %dma_wait3A_59 = tpu.memref_slice %arg2[%dma_wait3A_57, %dma_wait3A_58] : memref<10000x128xf32, #tpu.memory_space<hbm>> -> memref<10000x128xf32, #tpu.memory_space<hbm>>
        tpu.wait_indirect_dma semaphore(%arg12 : memref<!tpu.dma_semaphore, #tpu.memory_space<semaphore_mem>>) src(%dma_wait3A_59 : memref<10000x128xf32, #tpu.memory_space<hbm>>) dst(%arg9 : memref<128x128xf32, #tpu.memory_space<vmem>>)
        "tpu.region"() ({
          %run_scoped3A = tpu.sem_alloc : memref<!tpu.dma_semaphore, #tpu.memory_space<semaphore_mem>>
          %dma_start3A_76 = arith.constant 0 : i32
          %dma_start3A_77 = tpu.memref_slice %arg8[%add3A_46, %dma_start3A_76] : memref<40x128xi32, #tpu.memory_space<vmem>> -> memref<1x128xi32, #tpu.memory_space<vmem>>
          %dma_start3A_78 = tpu.memref_squeeze %dma_start3A_77 : memref<1x128xi32, #tpu.memory_space<vmem>> -> memref<128xi32, #tpu.memory_space<vmem>>
          %dma_start3A_79 = arith.constant 0 : i32
          %dma_start3A_80 = arith.constant 0 : i32
          %dma_start3A_81 = tpu.memref_slice %arg11[%dma_start3A_79, %dma_start3A_80] : memref<10112x128xf32, #tpu.memory_space<vmem_shared>> -> memref<10112x128xf32, #tpu.memory_space<vmem_shared>>
          tpu.enqueue_indirect_dma source(%arg9 : memref<128x128xf32, #tpu.memory_space<vmem>>) target(%dma_start3A_81 : memref<10112x128xf32, #tpu.memory_space<vmem_shared>>) offsets(%dma_start3A_78 : memref<128xi32, #tpu.memory_space<vmem>>) semaphore(%run_scoped3A : memref<!tpu.dma_semaphore, #tpu.memory_space<semaphore_mem>>) {add = true}
          %dma_wait3A_82 = arith.constant 0 : i32
          %dma_wait3A_83 = tpu.memref_slice %arg8[%add3A_46, %dma_wait3A_82] : memref<40x128xi32, #tpu.memory_space<vmem>> -> memref<1x128xi32, #tpu.memory_space<vmem>>
          %dma_wait3A_84 = tpu.memref_squeeze %dma_wait3A_83 : memref<1x128xi32, #tpu.memory_space<vmem>> -> memref<128xi32, #tpu.memory_space<vmem>>
          %dma_wait3A_85 = arith.constant 0 : i32
          %dma_wait3A_86 = arith.constant 0 : i32
          %dma_wait3A_87 = tpu.memref_slice %arg11[%dma_wait3A_85, %dma_wait3A_86] : memref<10112x128xf32, #tpu.memory_space<vmem_shared>> -> memref<10112x128xf32, #tpu.memory_space<vmem_shared>>
          tpu.wait_indirect_dma semaphore(%run_scoped3A : memref<!tpu.dma_semaphore, #tpu.memory_space<semaphore_mem>>) src(%arg9 : memref<128x128xf32, #tpu.memory_space<vmem>>) dst(%dma_wait3A_87 : memref<10112x128xf32, #tpu.memory_space<vmem_shared>>)
          tpu.yield
        }) : () -> ()
        %add3A_60 = arith.constant 2 : i32
        %add3A_61 = arith.addi %add3A_46, %add3A_60 : i32
        %lt3A = arith.constant 40 : i32
        %lt3A_62 = arith.cmpi slt, %add3A_61, %lt3A : i32
        %convert_element_type3A_63 = arith.extui %lt3A_62 : i1 to i32
        %cond3A_64 = arith.constant 0 : i32
        %cond3A_65 = arith.cmpi ne, %convert_element_type3A_63, %cond3A_64 : i32
        scf.if %cond3A_65 {
          %add3A_76 = arith.constant 2 : i32
          %add3A_77 = arith.addi %add3A_46, %add3A_76 : i32
          %dma_start3A_78 = arith.constant 0 : i32
          %dma_start3A_79 = tpu.memref_slice %arg7[%add3A_77, %dma_start3A_78] : memref<40x128xi32, #tpu.memory_space<vmem>> -> memref<1x128xi32, #tpu.memory_space<vmem>>
          %dma_start3A_80 = tpu.memref_squeeze %dma_start3A_79 : memref<1x128xi32, #tpu.memory_space<vmem>> -> memref<128xi32, #tpu.memory_space<vmem>>
          %dma_start3A_81 = arith.constant 0 : i32
          %dma_start3A_82 = arith.constant 0 : i32
          %dma_start3A_83 = tpu.memref_slice %arg2[%dma_start3A_81, %dma_start3A_82] : memref<10000x128xf32, #tpu.memory_space<hbm>> -> memref<10000x128xf32, #tpu.memory_space<hbm>>
          tpu.enqueue_indirect_dma source(%dma_start3A_83 : memref<10000x128xf32, #tpu.memory_space<hbm>>) target(%arg9 : memref<128x128xf32, #tpu.memory_space<vmem>>) offsets(%dma_start3A_80 : memref<128xi32, #tpu.memory_space<vmem>>) semaphore(%arg12 : memref<!tpu.dma_semaphore, #tpu.memory_space<semaphore_mem>>)
        } else {
        }
        %add3A_66 = arith.constant 1 : i32
        %add3A_67 = arith.addi %add3A_46, %add3A_66 : i32
        %dma_wait3A_68 = arith.constant 0 : i32
        %dma_wait3A_69 = tpu.memref_slice %arg7[%add3A_67, %dma_wait3A_68] : memref<40x128xi32, #tpu.memory_space<vmem>> -> memref<1x128xi32, #tpu.memory_space<vmem>>
        %dma_wait3A_70 = tpu.memref_squeeze %dma_wait3A_69 : memref<1x128xi32, #tpu.memory_space<vmem>> -> memref<128xi32, #tpu.memory_space<vmem>>
        %dma_wait3A_71 = arith.constant 0 : i32
        %dma_wait3A_72 = arith.constant 0 : i32
        %dma_wait3A_73 = tpu.memref_slice %arg2[%dma_wait3A_71, %dma_wait3A_72] : memref<10000x128xf32, #tpu.memory_space<hbm>> -> memref<10000x128xf32, #tpu.memory_space<hbm>>
        tpu.wait_indirect_dma semaphore(%arg13 : memref<!tpu.dma_semaphore, #tpu.memory_space<semaphore_mem>>) src(%dma_wait3A_73 : memref<10000x128xf32, #tpu.memory_space<hbm>>) dst(%arg10 : memref<128x128xf32, #tpu.memory_space<vmem>>)
        %add3A_74 = arith.constant 1 : i32
        %add3A_75 = arith.addi %add3A_46, %add3A_74 : i32
        "tpu.region"() ({
          %run_scoped3A = tpu.sem_alloc : memref<!tpu.dma_semaphore, #tpu.memory_space<semaphore_mem>>
          %dma_start3A_76 = arith.constant 0 : i32
          %dma_start3A_77 = tpu.memref_slice %arg8[%add3A_75, %dma_start3A_76] : memref<40x128xi32, #tpu.memory_space<vmem>> -> memref<1x128xi32, #tpu.memory_space<vmem>>
          %dma_start3A_78 = tpu.memref_squeeze %dma_start3A_77 : memref<1x128xi32, #tpu.memory_space<vmem>> -> memref<128xi32, #tpu.memory_space<vmem>>
          %dma_start3A_79 = arith.constant 0 : i32
          %dma_start3A_80 = arith.constant 0 : i32
          %dma_start3A_81 = tpu.memref_slice %arg11[%dma_start3A_79, %dma_start3A_80] : memref<10112x128xf32, #tpu.memory_space<vmem_shared>> -> memref<10112x128xf32, #tpu.memory_space<vmem_shared>>
          tpu.enqueue_indirect_dma source(%arg10 : memref<128x128xf32, #tpu.memory_space<vmem>>) target(%dma_start3A_81 : memref<10112x128xf32, #tpu.memory_space<vmem_shared>>) offsets(%dma_start3A_78 : memref<128xi32, #tpu.memory_space<vmem>>) semaphore(%run_scoped3A : memref<!tpu.dma_semaphore, #tpu.memory_space<semaphore_mem>>) {add = true}
          %dma_wait3A_82 = arith.constant 0 : i32
          %dma_wait3A_83 = tpu.memref_slice %arg8[%add3A_75, %dma_wait3A_82] : memref<40x128xi32, #tpu.memory_space<vmem>> -> memref<1x128xi32, #tpu.memory_space<vmem>>
          %dma_wait3A_84 = tpu.memref_squeeze %dma_wait3A_83 : memref<1x128xi32, #tpu.memory_space<vmem>> -> memref<128xi32, #tpu.memory_space<vmem>>
          %dma_wait3A_85 = arith.constant 0 : i32
          %dma_wait3A_86 = arith.constant 0 : i32
          %dma_wait3A_87 = tpu.memref_slice %arg11[%dma_wait3A_85, %dma_wait3A_86] : memref<10112x128xf32, #tpu.memory_space<vmem_shared>> -> memref<10112x128xf32, #tpu.memory_space<vmem_shared>>
          tpu.wait_indirect_dma semaphore(%run_scoped3A : memref<!tpu.dma_semaphore, #tpu.memory_space<semaphore_mem>>) src(%arg10 : memref<128x128xf32, #tpu.memory_space<vmem>>) dst(%dma_wait3A_87 : memref<10112x128xf32, #tpu.memory_space<vmem_shared>>)
          tpu.yield
        }) : () -> ()
      }
      %scan3A_41 = arith.constant 20 : i32
    } else {
    }
    %eq3A_3 = arith.constant 1 : i32
    %eq3A_4 = arith.cmpi eq, %arg0, %eq3A_3 : i32
    %convert_element_type3A_5 = arith.extui %eq3A_4 : i1 to i32
    %cond3A_6 = arith.constant 0 : i32
    %cond3A_7 = arith.cmpi ne, %convert_element_type3A_5, %cond3A_6 : i32
    scf.if %cond3A_7 {
      %mul3A_13 = arith.constant 80 : i32
      %mul3A_14 = arith.muli %arg1, %mul3A_13 : i32
      %add3A = arith.constant 1280 : i32
      %add3A_15 = arith.addi %add3A, %mul3A_14 : i32
      %add3A_16 = arith.constant 0 : i32
      %add3A_17 = arith.addi %add3A_15, %add3A_16 : i32
      "tpu.region"() ({
        %run_scoped3A = tpu.sem_alloc : memref<!tpu.dma_semaphore, #tpu.memory_space<semaphore_mem>>
        %dma_start3A_46 = arith.constant 0 : i32
        %dma_start3A_47 = tpu.memref_slice %arg3[%add3A_17, %dma_start3A_46] : memref<2560x128xi32, #tpu.memory_space<hbm>> -> memref<40x128xi32, #tpu.memory_space<hbm>>
        %dma_start3A_48 = arith.constant 0 : i32
        %dma_start3A_49 = tpu.memref_slice %arg3[%add3A_17, %dma_start3A_48] : memref<2560x128xi32, #tpu.memory_space<hbm>> -> memref<40x128xi32, #tpu.memory_space<hbm>>
        tpu.enqueue_dma source(%dma_start3A_49 : memref<40x128xi32, #tpu.memory_space<hbm>>) target(%arg7 : memref<40x128xi32, #tpu.memory_space<vmem>>) target_semaphore(%run_scoped3A : memref<!tpu.dma_semaphore, #tpu.memory_space<semaphore_mem>>)
        %dma_wait3A = arith.constant 0 : i32
        %dma_wait3A_50 = tpu.memref_slice %arg3[%add3A_17, %dma_wait3A] : memref<2560x128xi32, #tpu.memory_space<hbm>> -> memref<40x128xi32, #tpu.memory_space<hbm>>
        %dma_wait3A_51 = arith.constant 0 : i32
        %dma_wait3A_52 = tpu.memref_slice %arg3[%add3A_17, %dma_wait3A_51] : memref<2560x128xi32, #tpu.memory_space<hbm>> -> memref<40x128xi32, #tpu.memory_space<hbm>>
        tpu.wait_dma2 semaphore(%run_scoped3A : memref<!tpu.dma_semaphore, #tpu.memory_space<semaphore_mem>>) src(%dma_wait3A_52 : memref<40x128xi32, #tpu.memory_space<hbm>>) dst(%arg7 : memref<40x128xi32, #tpu.memory_space<vmem>>)
        tpu.yield
      }) : () -> ()
      "tpu.region"() ({
        %run_scoped3A = tpu.sem_alloc : memref<!tpu.dma_semaphore, #tpu.memory_space<semaphore_mem>>
        %dma_start3A_46 = arith.constant 0 : i32
        %dma_start3A_47 = tpu.memref_slice %arg4[%add3A_17, %dma_start3A_46] : memref<2560x128xi32, #tpu.memory_space<hbm>> -> memref<40x128xi32, #tpu.memory_space<hbm>>
        %dma_start3A_48 = arith.constant 0 : i32
        %dma_start3A_49 = tpu.memref_slice %arg4[%add3A_17, %dma_start3A_48] : memref<2560x128xi32, #tpu.memory_space<hbm>> -> memref<40x128xi32, #tpu.memory_space<hbm>>
        tpu.enqueue_dma source(%dma_start3A_49 : memref<40x128xi32, #tpu.memory_space<hbm>>) target(%arg8 : memref<40x128xi32, #tpu.memory_space<vmem>>) target_semaphore(%run_scoped3A : memref<!tpu.dma_semaphore, #tpu.memory_space<semaphore_mem>>)
        %dma_wait3A = arith.constant 0 : i32
        %dma_wait3A_50 = tpu.memref_slice %arg4[%add3A_17, %dma_wait3A] : memref<2560x128xi32, #tpu.memory_space<hbm>> -> memref<40x128xi32, #tpu.memory_space<hbm>>
        %dma_wait3A_51 = arith.constant 0 : i32
        %dma_wait3A_52 = tpu.memref_slice %arg4[%add3A_17, %dma_wait3A_51] : memref<2560x128xi32, #tpu.memory_space<hbm>> -> memref<40x128xi32, #tpu.memory_space<hbm>>
        tpu.wait_dma2 semaphore(%run_scoped3A : memref<!tpu.dma_semaphore, #tpu.memory_space<semaphore_mem>>) src(%dma_wait3A_52 : memref<40x128xi32, #tpu.memory_space<hbm>>) dst(%arg8 : memref<40x128xi32, #tpu.memory_space<vmem>>)
        tpu.yield
      }) : () -> ()
      %dma_start3A = arith.constant 0 : i32
      %dma_start3A_18 = arith.constant 0 : i32
      %dma_start3A_19 = tpu.memref_slice %arg7[%dma_start3A, %dma_start3A_18] : memref<40x128xi32, #tpu.memory_space<vmem>> -> memref<1x128xi32, #tpu.memory_space<vmem>>
      %dma_start3A_20 = tpu.memref_squeeze %dma_start3A_19 : memref<1x128xi32, #tpu.memory_space<vmem>> -> memref<128xi32, #tpu.memory_space<vmem>>
      %dma_start3A_21 = arith.constant 0 : i32
      %dma_start3A_22 = arith.constant 0 : i32
      %dma_start3A_23 = tpu.memref_slice %arg2[%dma_start3A_21, %dma_start3A_22] : memref<10000x128xf32, #tpu.memory_space<hbm>> -> memref<10000x128xf32, #tpu.memory_space<hbm>>
      tpu.enqueue_indirect_dma source(%dma_start3A_23 : memref<10000x128xf32, #tpu.memory_space<hbm>>) target(%arg9 : memref<128x128xf32, #tpu.memory_space<vmem>>) offsets(%dma_start3A_20 : memref<128xi32, #tpu.memory_space<vmem>>) semaphore(%arg12 : memref<!tpu.dma_semaphore, #tpu.memory_space<semaphore_mem>>)
      %scan3A = arith.constant 0 : i32
      %scan3A_24 = arith.constant 20 : i32
      %scan3A_25 = arith.addi %scan3A, %scan3A_24 : i32
      %scan3A_26 = arith.constant 1 : i32
      scf.for %scan3A_46 = %scan3A to %scan3A_25 step %scan3A_26  : i32 {
        %mul3A_47 = arith.constant 2 : i32
        %mul3A_48 = arith.muli %scan3A_46, %mul3A_47 : i32
        %add3A_49 = arith.constant 0 : i32
        %add3A_50 = arith.addi %add3A_49, %mul3A_48 : i32
        %add3A_51 = arith.constant 1 : i32
        %add3A_52 = arith.addi %add3A_50, %add3A_51 : i32
        %dma_start3A_53 = arith.constant 0 : i32
        %dma_start3A_54 = tpu.memref_slice %arg7[%add3A_52, %dma_start3A_53] : memref<40x128xi32, #tpu.memory_space<vmem>> -> memref<1x128xi32, #tpu.memory_space<vmem>>
        %dma_start3A_55 = tpu.memref_squeeze %dma_start3A_54 : memref<1x128xi32, #tpu.memory_space<vmem>> -> memref<128xi32, #tpu.memory_space<vmem>>
        %dma_start3A_56 = arith.constant 0 : i32
        %dma_start3A_57 = arith.constant 0 : i32
        %dma_start3A_58 = tpu.memref_slice %arg2[%dma_start3A_56, %dma_start3A_57] : memref<10000x128xf32, #tpu.memory_space<hbm>> -> memref<10000x128xf32, #tpu.memory_space<hbm>>
        tpu.enqueue_indirect_dma source(%dma_start3A_58 : memref<10000x128xf32, #tpu.memory_space<hbm>>) target(%arg10 : memref<128x128xf32, #tpu.memory_space<vmem>>) offsets(%dma_start3A_55 : memref<128xi32, #tpu.memory_space<vmem>>) semaphore(%arg13 : memref<!tpu.dma_semaphore, #tpu.memory_space<semaphore_mem>>)
        %dma_wait3A = arith.constant 0 : i32
        %dma_wait3A_59 = tpu.memref_slice %arg7[%add3A_50, %dma_wait3A] : memref<40x128xi32, #tpu.memory_space<vmem>> -> memref<1x128xi32, #tpu.memory_space<vmem>>
        %dma_wait3A_60 = tpu.memref_squeeze %dma_wait3A_59 : memref<1x128xi32, #tpu.memory_space<vmem>> -> memref<128xi32, #tpu.memory_space<vmem>>
        %dma_wait3A_61 = arith.constant 0 : i32
        %dma_wait3A_62 = arith.constant 0 : i32
        %dma_wait3A_63 = tpu.memref_slice %arg2[%dma_wait3A_61, %dma_wait3A_62] : memref<10000x128xf32, #tpu.memory_space<hbm>> -> memref<10000x128xf32, #tpu.memory_space<hbm>>
        tpu.wait_indirect_dma semaphore(%arg12 : memref<!tpu.dma_semaphore, #tpu.memory_space<semaphore_mem>>) src(%dma_wait3A_63 : memref<10000x128xf32, #tpu.memory_space<hbm>>) dst(%arg9 : memref<128x128xf32, #tpu.memory_space<vmem>>)
        "tpu.region"() ({
          %run_scoped3A = tpu.sem_alloc : memref<!tpu.dma_semaphore, #tpu.memory_space<semaphore_mem>>
          %dma_start3A_80 = arith.constant 0 : i32
          %dma_start3A_81 = tpu.memref_slice %arg8[%add3A_50, %dma_start3A_80] : memref<40x128xi32, #tpu.memory_space<vmem>> -> memref<1x128xi32, #tpu.memory_space<vmem>>
          %dma_start3A_82 = tpu.memref_squeeze %dma_start3A_81 : memref<1x128xi32, #tpu.memory_space<vmem>> -> memref<128xi32, #tpu.memory_space<vmem>>
          %dma_start3A_83 = arith.constant 0 : i32
          %dma_start3A_84 = arith.constant 0 : i32
          %dma_start3A_85 = tpu.memref_slice %arg11[%dma_start3A_83, %dma_start3A_84] : memref<10112x128xf32, #tpu.memory_space<vmem_shared>> -> memref<10112x128xf32, #tpu.memory_space<vmem_shared>>
          tpu.enqueue_indirect_dma source(%arg9 : memref<128x128xf32, #tpu.memory_space<vmem>>) target(%dma_start3A_85 : memref<10112x128xf32, #tpu.memory_space<vmem_shared>>) offsets(%dma_start3A_82 : memref<128xi32, #tpu.memory_space<vmem>>) semaphore(%run_scoped3A : memref<!tpu.dma_semaphore, #tpu.memory_space<semaphore_mem>>) {add = true}
          %dma_wait3A_86 = arith.constant 0 : i32
          %dma_wait3A_87 = tpu.memref_slice %arg8[%add3A_50, %dma_wait3A_86] : memref<40x128xi32, #tpu.memory_space<vmem>> -> memref<1x128xi32, #tpu.memory_space<vmem>>
          %dma_wait3A_88 = tpu.memref_squeeze %dma_wait3A_87 : memref<1x128xi32, #tpu.memory_space<vmem>> -> memref<128xi32, #tpu.memory_space<vmem>>
          %dma_wait3A_89 = arith.constant 0 : i32
          %dma_wait3A_90 = arith.constant 0 : i32
          %dma_wait3A_91 = tpu.memref_slice %arg11[%dma_wait3A_89, %dma_wait3A_90] : memref<10112x128xf32, #tpu.memory_space<vmem_shared>> -> memref<10112x128xf32, #tpu.memory_space<vmem_shared>>
          tpu.wait_indirect_dma semaphore(%run_scoped3A : memref<!tpu.dma_semaphore, #tpu.memory_space<semaphore_mem>>) src(%arg9 : memref<128x128xf32, #tpu.memory_space<vmem>>) dst(%dma_wait3A_91 : memref<10112x128xf32, #tpu.memory_space<vmem_shared>>)
          tpu.yield
        }) : () -> ()
        %add3A_64 = arith.constant 2 : i32
        %add3A_65 = arith.addi %add3A_50, %add3A_64 : i32
        %lt3A = arith.constant 40 : i32
        %lt3A_66 = arith.cmpi slt, %add3A_65, %lt3A : i32
        %convert_element_type3A_67 = arith.extui %lt3A_66 : i1 to i32
        %cond3A_68 = arith.constant 0 : i32
        %cond3A_69 = arith.cmpi ne, %convert_element_type3A_67, %cond3A_68 : i32
        scf.if %cond3A_69 {
          %add3A_80 = arith.constant 2 : i32
          %add3A_81 = arith.addi %add3A_50, %add3A_80 : i32
          %dma_start3A_82 = arith.constant 0 : i32
          %dma_start3A_83 = tpu.memref_slice %arg7[%add3A_81, %dma_start3A_82] : memref<40x128xi32, #tpu.memory_space<vmem>> -> memref<1x128xi32, #tpu.memory_space<vmem>>
          %dma_start3A_84 = tpu.memref_squeeze %dma_start3A_83 : memref<1x128xi32, #tpu.memory_space<vmem>> -> memref<128xi32, #tpu.memory_space<vmem>>
          %dma_start3A_85 = arith.constant 0 : i32
          %dma_start3A_86 = arith.constant 0 : i32
          %dma_start3A_87 = tpu.memref_slice %arg2[%dma_start3A_85, %dma_start3A_86] : memref<10000x128xf32, #tpu.memory_space<hbm>> -> memref<10000x128xf32, #tpu.memory_space<hbm>>
          tpu.enqueue_indirect_dma source(%dma_start3A_87 : memref<10000x128xf32, #tpu.memory_space<hbm>>) target(%arg9 : memref<128x128xf32, #tpu.memory_space<vmem>>) offsets(%dma_start3A_84 : memref<128xi32, #tpu.memory_space<vmem>>) semaphore(%arg12 : memref<!tpu.dma_semaphore, #tpu.memory_space<semaphore_mem>>)
        } else {
        }
        %add3A_70 = arith.constant 1 : i32
        %add3A_71 = arith.addi %add3A_50, %add3A_70 : i32
        %dma_wait3A_72 = arith.constant 0 : i32
        %dma_wait3A_73 = tpu.memref_slice %arg7[%add3A_71, %dma_wait3A_72] : memref<40x128xi32, #tpu.memory_space<vmem>> -> memref<1x128xi32, #tpu.memory_space<vmem>>
        %dma_wait3A_74 = tpu.memref_squeeze %dma_wait3A_73 : memref<1x128xi32, #tpu.memory_space<vmem>> -> memref<128xi32, #tpu.memory_space<vmem>>
        %dma_wait3A_75 = arith.constant 0 : i32
        %dma_wait3A_76 = arith.constant 0 : i32
        %dma_wait3A_77 = tpu.memref_slice %arg2[%dma_wait3A_75, %dma_wait3A_76] : memref<10000x128xf32, #tpu.memory_space<hbm>> -> memref<10000x128xf32, #tpu.memory_space<hbm>>
        tpu.wait_indirect_dma semaphore(%arg13 : memref<!tpu.dma_semaphore, #tpu.memory_space<semaphore_mem>>) src(%dma_wait3A_77 : memref<10000x128xf32, #tpu.memory_space<hbm>>) dst(%arg10 : memref<128x128xf32, #tpu.memory_space<vmem>>)
        %add3A_78 = arith.constant 1 : i32
        %add3A_79 = arith.addi %add3A_50, %add3A_78 : i32
        "tpu.region"() ({
          %run_scoped3A = tpu.sem_alloc : memref<!tpu.dma_semaphore, #tpu.memory_space<semaphore_mem>>
          %dma_start3A_80 = arith.constant 0 : i32
          %dma_start3A_81 = tpu.memref_slice %arg8[%add3A_79, %dma_start3A_80] : memref<40x128xi32, #tpu.memory_space<vmem>> -> memref<1x128xi32, #tpu.memory_space<vmem>>
          %dma_start3A_82 = tpu.memref_squeeze %dma_start3A_81 : memref<1x128xi32, #tpu.memory_space<vmem>> -> memref<128xi32, #tpu.memory_space<vmem>>
          %dma_start3A_83 = arith.constant 0 : i32
          %dma_start3A_84 = arith.constant 0 : i32
          %dma_start3A_85 = tpu.memref_slice %arg11[%dma_start3A_83, %dma_start3A_84] : memref<10112x128xf32, #tpu.memory_space<vmem_shared>> -> memref<10112x128xf32, #tpu.memory_space<vmem_shared>>
          tpu.enqueue_indirect_dma source(%arg10 : memref<128x128xf32, #tpu.memory_space<vmem>>) target(%dma_start3A_85 : memref<10112x128xf32, #tpu.memory_space<vmem_shared>>) offsets(%dma_start3A_82 : memref<128xi32, #tpu.memory_space<vmem>>) semaphore(%run_scoped3A : memref<!tpu.dma_semaphore, #tpu.memory_space<semaphore_mem>>) {add = true}
          %dma_wait3A_86 = arith.constant 0 : i32
          %dma_wait3A_87 = tpu.memref_slice %arg8[%add3A_79, %dma_wait3A_86] : memref<40x128xi32, #tpu.memory_space<vmem>> -> memref<1x128xi32, #tpu.memory_space<vmem>>
          %dma_wait3A_88 = tpu.memref_squeeze %dma_wait3A_87 : memref<1x128xi32, #tpu.memory_space<vmem>> -> memref<128xi32, #tpu.memory_space<vmem>>
          %dma_wait3A_89 = arith.constant 0 : i32
          %dma_wait3A_90 = arith.constant 0 : i32
          %dma_wait3A_91 = tpu.memref_slice %arg11[%dma_wait3A_89, %dma_wait3A_90] : memref<10112x128xf32, #tpu.memory_space<vmem_shared>> -> memref<10112x128xf32, #tpu.memory_space<vmem_shared>>
          tpu.wait_indirect_dma semaphore(%run_scoped3A : memref<!tpu.dma_semaphore, #tpu.memory_space<semaphore_mem>>) src(%arg10 : memref<128x128xf32, #tpu.memory_space<vmem>>) dst(%dma_wait3A_91 : memref<10112x128xf32, #tpu.memory_space<vmem_shared>>)
          tpu.yield
        }) : () -> ()
      }
      %scan3A_27 = arith.constant 20 : i32
      %mul3A_28 = arith.constant 80 : i32
      %mul3A_29 = arith.muli %arg1, %mul3A_28 : i32
      %add3A_30 = arith.constant 1280 : i32
      %add3A_31 = arith.addi %add3A_30, %mul3A_29 : i32
      %add3A_32 = arith.constant 40 : i32
      %add3A_33 = arith.addi %add3A_31, %add3A_32 : i32
      "tpu.region"() ({
        %run_scoped3A = tpu.sem_alloc : memref<!tpu.dma_semaphore, #tpu.memory_space<semaphore_mem>>
        %dma_start3A_46 = arith.constant 0 : i32
        %dma_start3A_47 = tpu.memref_slice %arg3[%add3A_33, %dma_start3A_46] : memref<2560x128xi32, #tpu.memory_space<hbm>> -> memref<40x128xi32, #tpu.memory_space<hbm>>
        %dma_start3A_48 = arith.constant 0 : i32
        %dma_start3A_49 = tpu.memref_slice %arg3[%add3A_33, %dma_start3A_48] : memref<2560x128xi32, #tpu.memory_space<hbm>> -> memref<40x128xi32, #tpu.memory_space<hbm>>
        tpu.enqueue_dma source(%dma_start3A_49 : memref<40x128xi32, #tpu.memory_space<hbm>>) target(%arg7 : memref<40x128xi32, #tpu.memory_space<vmem>>) target_semaphore(%run_scoped3A : memref<!tpu.dma_semaphore, #tpu.memory_space<semaphore_mem>>)
        %dma_wait3A = arith.constant 0 : i32
        %dma_wait3A_50 = tpu.memref_slice %arg3[%add3A_33, %dma_wait3A] : memref<2560x128xi32, #tpu.memory_space<hbm>> -> memref<40x128xi32, #tpu.memory_space<hbm>>
        %dma_wait3A_51 = arith.constant 0 : i32
        %dma_wait3A_52 = tpu.memref_slice %arg3[%add3A_33, %dma_wait3A_51] : memref<2560x128xi32, #tpu.memory_space<hbm>> -> memref<40x128xi32, #tpu.memory_space<hbm>>
        tpu.wait_dma2 semaphore(%run_scoped3A : memref<!tpu.dma_semaphore, #tpu.memory_space<semaphore_mem>>) src(%dma_wait3A_52 : memref<40x128xi32, #tpu.memory_space<hbm>>) dst(%arg7 : memref<40x128xi32, #tpu.memory_space<vmem>>)
        tpu.yield
      }) : () -> ()
      "tpu.region"() ({
        %run_scoped3A = tpu.sem_alloc : memref<!tpu.dma_semaphore, #tpu.memory_space<semaphore_mem>>
        %dma_start3A_46 = arith.constant 0 : i32
        %dma_start3A_47 = tpu.memref_slice %arg4[%add3A_33, %dma_start3A_46] : memref<2560x128xi32, #tpu.memory_space<hbm>> -> memref<40x128xi32, #tpu.memory_space<hbm>>
        %dma_start3A_48 = arith.constant 0 : i32
        %dma_start3A_49 = tpu.memref_slice %arg4[%add3A_33, %dma_start3A_48] : memref<2560x128xi32, #tpu.memory_space<hbm>> -> memref<40x128xi32, #tpu.memory_space<hbm>>
        tpu.enqueue_dma source(%dma_start3A_49 : memref<40x128xi32, #tpu.memory_space<hbm>>) target(%arg8 : memref<40x128xi32, #tpu.memory_space<vmem>>) target_semaphore(%run_scoped3A : memref<!tpu.dma_semaphore, #tpu.memory_space<semaphore_mem>>)
        %dma_wait3A = arith.constant 0 : i32
        %dma_wait3A_50 = tpu.memref_slice %arg4[%add3A_33, %dma_wait3A] : memref<2560x128xi32, #tpu.memory_space<hbm>> -> memref<40x128xi32, #tpu.memory_space<hbm>>
        %dma_wait3A_51 = arith.constant 0 : i32
        %dma_wait3A_52 = tpu.memref_slice %arg4[%add3A_33, %dma_wait3A_51] : memref<2560x128xi32, #tpu.memory_space<hbm>> -> memref<40x128xi32, #tpu.memory_space<hbm>>
        tpu.wait_dma2 semaphore(%run_scoped3A : memref<!tpu.dma_semaphore, #tpu.memory_space<semaphore_mem>>) src(%dma_wait3A_52 : memref<40x128xi32, #tpu.memory_space<hbm>>) dst(%arg8 : memref<40x128xi32, #tpu.memory_space<vmem>>)
        tpu.yield
      }) : () -> ()
      %dma_start3A_34 = arith.constant 0 : i32
      %dma_start3A_35 = arith.constant 0 : i32
      %dma_start3A_36 = tpu.memref_slice %arg7[%dma_start3A_34, %dma_start3A_35] : memref<40x128xi32, #tpu.memory_space<vmem>> -> memref<1x128xi32, #tpu.memory_space<vmem>>
      %dma_start3A_37 = tpu.memref_squeeze %dma_start3A_36 : memref<1x128xi32, #tpu.memory_space<vmem>> -> memref<128xi32, #tpu.memory_space<vmem>>
      %dma_start3A_38 = arith.constant 0 : i32
      %dma_start3A_39 = arith.constant 0 : i32
      %dma_start3A_40 = tpu.memref_slice %arg2[%dma_start3A_38, %dma_start3A_39] : memref<10000x128xf32, #tpu.memory_space<hbm>> -> memref<10000x128xf32, #tpu.memory_space<hbm>>
      tpu.enqueue_indirect_dma source(%dma_start3A_40 : memref<10000x128xf32, #tpu.memory_space<hbm>>) target(%arg9 : memref<128x128xf32, #tpu.memory_space<vmem>>) offsets(%dma_start3A_37 : memref<128xi32, #tpu.memory_space<vmem>>) semaphore(%arg12 : memref<!tpu.dma_semaphore, #tpu.memory_space<semaphore_mem>>)
      %scan3A_41 = arith.constant 0 : i32
      %scan3A_42 = arith.constant 20 : i32
      %scan3A_43 = arith.addi %scan3A_41, %scan3A_42 : i32
      %scan3A_44 = arith.constant 1 : i32
      scf.for %scan3A_46 = %scan3A_41 to %scan3A_43 step %scan3A_44  : i32 {
        %mul3A_47 = arith.constant 2 : i32
        %mul3A_48 = arith.muli %scan3A_46, %mul3A_47 : i32
        %add3A_49 = arith.constant 0 : i32
        %add3A_50 = arith.addi %add3A_49, %mul3A_48 : i32
        %add3A_51 = arith.constant 1 : i32
        %add3A_52 = arith.addi %add3A_50, %add3A_51 : i32
        %dma_start3A_53 = arith.constant 0 : i32
        %dma_start3A_54 = tpu.memref_slice %arg7[%add3A_52, %dma_start3A_53] : memref<40x128xi32, #tpu.memory_space<vmem>> -> memref<1x128xi32, #tpu.memory_space<vmem>>
        %dma_start3A_55 = tpu.memref_squeeze %dma_start3A_54 : memref<1x128xi32, #tpu.memory_space<vmem>> -> memref<128xi32, #tpu.memory_space<vmem>>
        %dma_start3A_56 = arith.constant 0 : i32
        %dma_start3A_57 = arith.constant 0 : i32
        %dma_start3A_58 = tpu.memref_slice %arg2[%dma_start3A_56, %dma_start3A_57] : memref<10000x128xf32, #tpu.memory_space<hbm>> -> memref<10000x128xf32, #tpu.memory_space<hbm>>
        tpu.enqueue_indirect_dma source(%dma_start3A_58 : memref<10000x128xf32, #tpu.memory_space<hbm>>) target(%arg10 : memref<128x128xf32, #tpu.memory_space<vmem>>) offsets(%dma_start3A_55 : memref<128xi32, #tpu.memory_space<vmem>>) semaphore(%arg13 : memref<!tpu.dma_semaphore, #tpu.memory_space<semaphore_mem>>)
        %dma_wait3A = arith.constant 0 : i32
        %dma_wait3A_59 = tpu.memref_slice %arg7[%add3A_50, %dma_wait3A] : memref<40x128xi32, #tpu.memory_space<vmem>> -> memref<1x128xi32, #tpu.memory_space<vmem>>
        %dma_wait3A_60 = tpu.memref_squeeze %dma_wait3A_59 : memref<1x128xi32, #tpu.memory_space<vmem>> -> memref<128xi32, #tpu.memory_space<vmem>>
        %dma_wait3A_61 = arith.constant 0 : i32
        %dma_wait3A_62 = arith.constant 0 : i32
        %dma_wait3A_63 = tpu.memref_slice %arg2[%dma_wait3A_61, %dma_wait3A_62] : memref<10000x128xf32, #tpu.memory_space<hbm>> -> memref<10000x128xf32, #tpu.memory_space<hbm>>
        tpu.wait_indirect_dma semaphore(%arg12 : memref<!tpu.dma_semaphore, #tpu.memory_space<semaphore_mem>>) src(%dma_wait3A_63 : memref<10000x128xf32, #tpu.memory_space<hbm>>) dst(%arg9 : memref<128x128xf32, #tpu.memory_space<vmem>>)
        "tpu.region"() ({
          %run_scoped3A = tpu.sem_alloc : memref<!tpu.dma_semaphore, #tpu.memory_space<semaphore_mem>>
          %dma_start3A_80 = arith.constant 0 : i32
          %dma_start3A_81 = tpu.memref_slice %arg8[%add3A_50, %dma_start3A_80] : memref<40x128xi32, #tpu.memory_space<vmem>> -> memref<1x128xi32, #tpu.memory_space<vmem>>
          %dma_start3A_82 = tpu.memref_squeeze %dma_start3A_81 : memref<1x128xi32, #tpu.memory_space<vmem>> -> memref<128xi32, #tpu.memory_space<vmem>>
          %dma_start3A_83 = arith.constant 0 : i32
          %dma_start3A_84 = arith.constant 0 : i32
          %dma_start3A_85 = tpu.memref_slice %arg11[%dma_start3A_83, %dma_start3A_84] : memref<10112x128xf32, #tpu.memory_space<vmem_shared>> -> memref<10112x128xf32, #tpu.memory_space<vmem_shared>>
          tpu.enqueue_indirect_dma source(%arg9 : memref<128x128xf32, #tpu.memory_space<vmem>>) target(%dma_start3A_85 : memref<10112x128xf32, #tpu.memory_space<vmem_shared>>) offsets(%dma_start3A_82 : memref<128xi32, #tpu.memory_space<vmem>>) semaphore(%run_scoped3A : memref<!tpu.dma_semaphore, #tpu.memory_space<semaphore_mem>>) {add = true}
          %dma_wait3A_86 = arith.constant 0 : i32
          %dma_wait3A_87 = tpu.memref_slice %arg8[%add3A_50, %dma_wait3A_86] : memref<40x128xi32, #tpu.memory_space<vmem>> -> memref<1x128xi32, #tpu.memory_space<vmem>>
          %dma_wait3A_88 = tpu.memref_squeeze %dma_wait3A_87 : memref<1x128xi32, #tpu.memory_space<vmem>> -> memref<128xi32, #tpu.memory_space<vmem>>
          %dma_wait3A_89 = arith.constant 0 : i32
          %dma_wait3A_90 = arith.constant 0 : i32
          %dma_wait3A_91 = tpu.memref_slice %arg11[%dma_wait3A_89, %dma_wait3A_90] : memref<10112x128xf32, #tpu.memory_space<vmem_shared>> -> memref<10112x128xf32, #tpu.memory_space<vmem_shared>>
          tpu.wait_indirect_dma semaphore(%run_scoped3A : memref<!tpu.dma_semaphore, #tpu.memory_space<semaphore_mem>>) src(%arg9 : memref<128x128xf32, #tpu.memory_space<vmem>>) dst(%dma_wait3A_91 : memref<10112x128xf32, #tpu.memory_space<vmem_shared>>)
          tpu.yield
        }) : () -> ()
        %add3A_64 = arith.constant 2 : i32
        %add3A_65 = arith.addi %add3A_50, %add3A_64 : i32
        %lt3A = arith.constant 40 : i32
        %lt3A_66 = arith.cmpi slt, %add3A_65, %lt3A : i32
        %convert_element_type3A_67 = arith.extui %lt3A_66 : i1 to i32
        %cond3A_68 = arith.constant 0 : i32
        %cond3A_69 = arith.cmpi ne, %convert_element_type3A_67, %cond3A_68 : i32
        scf.if %cond3A_69 {
          %add3A_80 = arith.constant 2 : i32
          %add3A_81 = arith.addi %add3A_50, %add3A_80 : i32
          %dma_start3A_82 = arith.constant 0 : i32
          %dma_start3A_83 = tpu.memref_slice %arg7[%add3A_81, %dma_start3A_82] : memref<40x128xi32, #tpu.memory_space<vmem>> -> memref<1x128xi32, #tpu.memory_space<vmem>>
          %dma_start3A_84 = tpu.memref_squeeze %dma_start3A_83 : memref<1x128xi32, #tpu.memory_space<vmem>> -> memref<128xi32, #tpu.memory_space<vmem>>
          %dma_start3A_85 = arith.constant 0 : i32
          %dma_start3A_86 = arith.constant 0 : i32
          %dma_start3A_87 = tpu.memref_slice %arg2[%dma_start3A_85, %dma_start3A_86] : memref<10000x128xf32, #tpu.memory_space<hbm>> -> memref<10000x128xf32, #tpu.memory_space<hbm>>
          tpu.enqueue_indirect_dma source(%dma_start3A_87 : memref<10000x128xf32, #tpu.memory_space<hbm>>) target(%arg9 : memref<128x128xf32, #tpu.memory_space<vmem>>) offsets(%dma_start3A_84 : memref<128xi32, #tpu.memory_space<vmem>>) semaphore(%arg12 : memref<!tpu.dma_semaphore, #tpu.memory_space<semaphore_mem>>)
        } else {
        }
        %add3A_70 = arith.constant 1 : i32
        %add3A_71 = arith.addi %add3A_50, %add3A_70 : i32
        %dma_wait3A_72 = arith.constant 0 : i32
        %dma_wait3A_73 = tpu.memref_slice %arg7[%add3A_71, %dma_wait3A_72] : memref<40x128xi32, #tpu.memory_space<vmem>> -> memref<1x128xi32, #tpu.memory_space<vmem>>
        %dma_wait3A_74 = tpu.memref_squeeze %dma_wait3A_73 : memref<1x128xi32, #tpu.memory_space<vmem>> -> memref<128xi32, #tpu.memory_space<vmem>>
        %dma_wait3A_75 = arith.constant 0 : i32
        %dma_wait3A_76 = arith.constant 0 : i32
        %dma_wait3A_77 = tpu.memref_slice %arg2[%dma_wait3A_75, %dma_wait3A_76] : memref<10000x128xf32, #tpu.memory_space<hbm>> -> memref<10000x128xf32, #tpu.memory_space<hbm>>
        tpu.wait_indirect_dma semaphore(%arg13 : memref<!tpu.dma_semaphore, #tpu.memory_space<semaphore_mem>>) src(%dma_wait3A_77 : memref<10000x128xf32, #tpu.memory_space<hbm>>) dst(%arg10 : memref<128x128xf32, #tpu.memory_space<vmem>>)
        %add3A_78 = arith.constant 1 : i32
        %add3A_79 = arith.addi %add3A_50, %add3A_78 : i32
        "tpu.region"() ({
          %run_scoped3A = tpu.sem_alloc : memref<!tpu.dma_semaphore, #tpu.memory_space<semaphore_mem>>
          %dma_start3A_80 = arith.constant 0 : i32
          %dma_start3A_81 = tpu.memref_slice %arg8[%add3A_79, %dma_start3A_80] : memref<40x128xi32, #tpu.memory_space<vmem>> -> memref<1x128xi32, #tpu.memory_space<vmem>>
          %dma_start3A_82 = tpu.memref_squeeze %dma_start3A_81 : memref<1x128xi32, #tpu.memory_space<vmem>> -> memref<128xi32, #tpu.memory_space<vmem>>
          %dma_start3A_83 = arith.constant 0 : i32
          %dma_start3A_84 = arith.constant 0 : i32
          %dma_start3A_85 = tpu.memref_slice %arg11[%dma_start3A_83, %dma_start3A_84] : memref<10112x128xf32, #tpu.memory_space<vmem_shared>> -> memref<10112x128xf32, #tpu.memory_space<vmem_shared>>
          tpu.enqueue_indirect_dma source(%arg10 : memref<128x128xf32, #tpu.memory_space<vmem>>) target(%dma_start3A_85 : memref<10112x128xf32, #tpu.memory_space<vmem_shared>>) offsets(%dma_start3A_82 : memref<128xi32, #tpu.memory_space<vmem>>) semaphore(%run_scoped3A : memref<!tpu.dma_semaphore, #tpu.memory_space<semaphore_mem>>) {add = true}
          %dma_wait3A_86 = arith.constant 0 : i32
          %dma_wait3A_87 = tpu.memref_slice %arg8[%add3A_79, %dma_wait3A_86] : memref<40x128xi32, #tpu.memory_space<vmem>> -> memref<1x128xi32, #tpu.memory_space<vmem>>
          %dma_wait3A_88 = tpu.memref_squeeze %dma_wait3A_87 : memref<1x128xi32, #tpu.memory_space<vmem>> -> memref<128xi32, #tpu.memory_space<vmem>>
          %dma_wait3A_89 = arith.constant 0 : i32
          %dma_wait3A_90 = arith.constant 0 : i32
          %dma_wait3A_91 = tpu.memref_slice %arg11[%dma_wait3A_89, %dma_wait3A_90] : memref<10112x128xf32, #tpu.memory_space<vmem_shared>> -> memref<10112x128xf32, #tpu.memory_space<vmem_shared>>
          tpu.wait_indirect_dma semaphore(%run_scoped3A : memref<!tpu.dma_semaphore, #tpu.memory_space<semaphore_mem>>) src(%arg10 : memref<128x128xf32, #tpu.memory_space<vmem>>) dst(%dma_wait3A_91 : memref<10112x128xf32, #tpu.memory_space<vmem_shared>>)
          tpu.yield
        }) : () -> ()
      }
      %scan3A_45 = arith.constant 20 : i32
    } else {
    }
    %barrier3A_8 = arith.constant 0 : index
    tpu.barrier barrier_id(%barrier3A_8)
    %mul3A_9 = arith.constant 632 : i32
    %mul3A_10 = arith.muli %arg1, %mul3A_9 : i32
    %mul3A_11 = arith.constant 632 : i32
    %mul3A_12 = arith.muli %arg1, %mul3A_11 : i32
    "tpu.region"() ({
      %run_scoped3A = tpu.sem_alloc : memref<!tpu.dma_semaphore, #tpu.memory_space<semaphore_mem>>
      %dma_start3A = arith.constant 0 : i32
      %dma_start3A_13 = tpu.memref_slice %arg6[%arg0, %mul3A_12, %dma_start3A] : memref<2x10112x128xf32, #tpu.memory_space<hbm>> -> memref<1x632x128xf32, #tpu.memory_space<hbm>>
      %dma_start3A_14 = tpu.memref_squeeze %dma_start3A_13 : memref<1x632x128xf32, #tpu.memory_space<hbm>> -> memref<632x128xf32, #tpu.memory_space<hbm>>
      %dma_start3A_15 = arith.constant 0 : i32
      %dma_start3A_16 = tpu.memref_slice %arg11[%mul3A_10, %dma_start3A_15] : memref<10112x128xf32, #tpu.memory_space<vmem_shared>> -> memref<632x128xf32, #tpu.memory_space<vmem_shared>>
      tpu.enqueue_dma source(%dma_start3A_16 : memref<632x128xf32, #tpu.memory_space<vmem_shared>>) target(%dma_start3A_14 : memref<632x128xf32, #tpu.memory_space<hbm>>) target_semaphore(%run_scoped3A : memref<!tpu.dma_semaphore, #tpu.memory_space<semaphore_mem>>)
      %dma_wait3A = arith.constant 0 : i32
      %dma_wait3A_17 = tpu.memref_slice %arg6[%arg0, %mul3A_12, %dma_wait3A] : memref<2x10112x128xf32, #tpu.memory_space<hbm>> -> memref<1x632x128xf32, #tpu.memory_space<hbm>>
      %dma_wait3A_18 = tpu.memref_squeeze %dma_wait3A_17 : memref<1x632x128xf32, #tpu.memory_space<hbm>> -> memref<632x128xf32, #tpu.memory_space<hbm>>
      %dma_wait3A_19 = arith.constant 0 : i32
      %dma_wait3A_20 = tpu.memref_slice %arg11[%mul3A_10, %dma_wait3A_19] : memref<10112x128xf32, #tpu.memory_space<vmem_shared>> -> memref<632x128xf32, #tpu.memory_space<vmem_shared>>
      tpu.wait_dma2 semaphore(%run_scoped3A : memref<!tpu.dma_semaphore, #tpu.memory_space<semaphore_mem>>) src(%dma_wait3A_20 : memref<632x128xf32, #tpu.memory_space<vmem_shared>>) dst(%dma_wait3A_18 : memref<632x128xf32, #tpu.memory_space<hbm>>)
      tpu.yield
    }) : () -> ()
    return
  }
}

#map = affine_map<(d0, d1) -> (0, 0)>
#map1 = affine_map<(d0, d1) -> (0, 0, 0)>
module attributes {stable_mosaic.version = 14 : i64} {
  func.func @k(%arg0: i32, %arg1: i32, %arg2: memref<10000x128xf32, #tpu.memory_space<hbm>>, %arg3: memref<2560x128xi32, #tpu.memory_space<hbm>>, %arg4: memref<2560x128xi32, #tpu.memory_space<hbm>>, %arg5: memref<632x128xf32, #tpu.memory_space<hbm>>, %arg6: memref<2x10112x128xf32, #tpu.memory_space<hbm>>, %arg7: memref<40x128xi32, #tpu.memory_space<vmem>>, %arg8: memref<40x128xi32, #tpu.memory_space<vmem>>, %arg9: memref<128x128xf32, #tpu.memory_space<vmem>>, %arg10: memref<128x128xf32, #tpu.memory_space<vmem>>, %arg11: memref<10112x128xf32, #tpu.memory_space<vmem_shared>>, %arg12: memref<!tpu.dma_semaphore, #tpu.memory_space<semaphore_mem>>, %arg13: memref<!tpu.dma_semaphore, #tpu.memory_space<semaphore_mem>>) attributes {dimension_semantics = [#tpu.dimension_semantics<core_parallel>, #tpu.dimension_semantics<subcore_parallel>], iteration_bounds = array<i64: 2, 16>, scalar_prefetch = 0 : i64, scratch_operands = 7 : i64, tpu.core_type = #tpu.core_type<sc_vector_subcore>, window_params = [{transform_indices = #map}, {transform_indices = #map}, {transform_indices = #map}, {transform_indices = #map}, {transform_indices = #map1}]} {
    %mul3A = arith.constant 632 : i32
    %mul3A_0 = arith.muli %arg1, %mul3A : i32
    "tpu.region"() ({
      %run_scoped3A = tpu.sem_alloc : memref<!tpu.dma_semaphore, #tpu.memory_space<semaphore_mem>>
      %dma_start3A = arith.constant 0 : i32
      %dma_start3A_13 = tpu.memref_slice %arg11[%mul3A_0, %dma_start3A] : memref<10112x128xf32, #tpu.memory_space<vmem_shared>> -> memref<632x128xf32, #tpu.memory_space<vmem_shared>>
      tpu.enqueue_dma source(%arg5 : memref<632x128xf32, #tpu.memory_space<hbm>>) target(%dma_start3A_13 : memref<632x128xf32, #tpu.memory_space<vmem_shared>>) target_semaphore(%run_scoped3A : memref<!tpu.dma_semaphore, #tpu.memory_space<semaphore_mem>>)
      %dma_wait3A = arith.constant 0 : i32
      %dma_wait3A_14 = tpu.memref_slice %arg11[%mul3A_0, %dma_wait3A] : memref<10112x128xf32, #tpu.memory_space<vmem_shared>> -> memref<632x128xf32, #tpu.memory_space<vmem_shared>>
      tpu.wait_dma2 semaphore(%run_scoped3A : memref<!tpu.dma_semaphore, #tpu.memory_space<semaphore_mem>>) src(%arg5 : memref<632x128xf32, #tpu.memory_space<hbm>>) dst(%dma_wait3A_14 : memref<632x128xf32, #tpu.memory_space<vmem_shared>>)
      tpu.yield
    }) : () -> ()
    %barrier3A = arith.constant 0 : index
    tpu.barrier barrier_id(%barrier3A)
    %eq3A = arith.constant 0 : i32
    %eq3A_1 = arith.cmpi eq, %arg0, %eq3A : i32
    %convert_element_type3A = arith.extui %eq3A_1 : i1 to i32
    %cond3A = arith.constant 0 : i32
    %cond3A_2 = arith.cmpi ne, %convert_element_type3A, %cond3A : i32
    scf.if %cond3A_2 {
      %mul3A_13 = arith.constant 80 : i32
      %mul3A_14 = arith.muli %arg1, %mul3A_13 : i32
      %add3A = arith.constant 0 : i32
      %add3A_15 = arith.addi %mul3A_14, %add3A : i32
      "tpu.region"() ({
        %run_scoped3A = tpu.sem_alloc : memref<!tpu.dma_semaphore, #tpu.memory_space<semaphore_mem>>
        %dma_start3A_42 = arith.constant 0 : i32
        %dma_start3A_43 = tpu.memref_slice %arg3[%add3A_15, %dma_start3A_42] : memref<2560x128xi32, #tpu.memory_space<hbm>> -> memref<40x128xi32, #tpu.memory_space<hbm>>
        %dma_start3A_44 = arith.constant 0 : i32
        %dma_start3A_45 = tpu.memref_slice %arg3[%add3A_15, %dma_start3A_44] : memref<2560x128xi32, #tpu.memory_space<hbm>> -> memref<40x128xi32, #tpu.memory_space<hbm>>
        tpu.enqueue_dma source(%dma_start3A_45 : memref<40x128xi32, #tpu.memory_space<hbm>>) target(%arg7 : memref<40x128xi32, #tpu.memory_space<vmem>>) target_semaphore(%run_scoped3A : memref<!tpu.dma_semaphore, #tpu.memory_space<semaphore_mem>>)
        %dma_wait3A = arith.constant 0 : i32
        %dma_wait3A_46 = tpu.memref_slice %arg3[%add3A_15, %dma_wait3A] : memref<2560x128xi32, #tpu.memory_space<hbm>> -> memref<40x128xi32, #tpu.memory_space<hbm>>
        %dma_wait3A_47 = arith.constant 0 : i32
        %dma_wait3A_48 = tpu.memref_slice %arg3[%add3A_15, %dma_wait3A_47] : memref<2560x128xi32, #tpu.memory_space<hbm>> -> memref<40x128xi32, #tpu.memory_space<hbm>>
        tpu.wait_dma2 semaphore(%run_scoped3A : memref<!tpu.dma_semaphore, #tpu.memory_space<semaphore_mem>>) src(%dma_wait3A_48 : memref<40x128xi32, #tpu.memory_space<hbm>>) dst(%arg7 : memref<40x128xi32, #tpu.memory_space<vmem>>)
        tpu.yield
      }) : () -> ()
      "tpu.region"() ({
        %run_scoped3A = tpu.sem_alloc : memref<!tpu.dma_semaphore, #tpu.memory_space<semaphore_mem>>
        %dma_start3A_42 = arith.constant 0 : i32
        %dma_start3A_43 = tpu.memref_slice %arg4[%add3A_15, %dma_start3A_42] : memref<2560x128xi32, #tpu.memory_space<hbm>> -> memref<40x128xi32, #tpu.memory_space<hbm>>
        %dma_start3A_44 = arith.constant 0 : i32
        %dma_start3A_45 = tpu.memref_slice %arg4[%add3A_15, %dma_start3A_44] : memref<2560x128xi32, #tpu.memory_space<hbm>> -> memref<40x128xi32, #tpu.memory_space<hbm>>
        tpu.enqueue_dma source(%dma_start3A_45 : memref<40x128xi32, #tpu.memory_space<hbm>>) target(%arg8 : memref<40x128xi32, #tpu.memory_space<vmem>>) target_semaphore(%run_scoped3A : memref<!tpu.dma_semaphore, #tpu.memory_space<semaphore_mem>>)
        %dma_wait3A = arith.constant 0 : i32
        %dma_wait3A_46 = tpu.memref_slice %arg4[%add3A_15, %dma_wait3A] : memref<2560x128xi32, #tpu.memory_space<hbm>> -> memref<40x128xi32, #tpu.memory_space<hbm>>
        %dma_wait3A_47 = arith.constant 0 : i32
        %dma_wait3A_48 = tpu.memref_slice %arg4[%add3A_15, %dma_wait3A_47] : memref<2560x128xi32, #tpu.memory_space<hbm>> -> memref<40x128xi32, #tpu.memory_space<hbm>>
        tpu.wait_dma2 semaphore(%run_scoped3A : memref<!tpu.dma_semaphore, #tpu.memory_space<semaphore_mem>>) src(%dma_wait3A_48 : memref<40x128xi32, #tpu.memory_space<hbm>>) dst(%arg8 : memref<40x128xi32, #tpu.memory_space<vmem>>)
        tpu.yield
      }) : () -> ()
      %dma_start3A = arith.constant 0 : i32
      %dma_start3A_16 = arith.constant 0 : i32
      %dma_start3A_17 = tpu.memref_slice %arg7[%dma_start3A, %dma_start3A_16] : memref<40x128xi32, #tpu.memory_space<vmem>> -> memref<1x128xi32, #tpu.memory_space<vmem>>
      %dma_start3A_18 = tpu.memref_squeeze %dma_start3A_17 : memref<1x128xi32, #tpu.memory_space<vmem>> -> memref<128xi32, #tpu.memory_space<vmem>>
      %dma_start3A_19 = arith.constant 0 : i32
      %dma_start3A_20 = arith.constant 0 : i32
      %dma_start3A_21 = tpu.memref_slice %arg2[%dma_start3A_19, %dma_start3A_20] : memref<10000x128xf32, #tpu.memory_space<hbm>> -> memref<10000x128xf32, #tpu.memory_space<hbm>>
      tpu.enqueue_indirect_dma source(%dma_start3A_21 : memref<10000x128xf32, #tpu.memory_space<hbm>>) target(%arg9 : memref<128x128xf32, #tpu.memory_space<vmem>>) offsets(%dma_start3A_18 : memref<128xi32, #tpu.memory_space<vmem>>) semaphore(%arg12 : memref<!tpu.dma_semaphore, #tpu.memory_space<semaphore_mem>>)
      %scan3A = arith.constant 0 : i32
      %scan3A_22 = arith.constant 20 : i32
      %scan3A_23 = arith.addi %scan3A, %scan3A_22 : i32
      %scan3A_24 = arith.constant 1 : i32
      scf.for %scan3A_42 = %scan3A to %scan3A_23 step %scan3A_24  : i32 {
        %mul3A_43 = arith.constant 2 : i32
        %mul3A_44 = arith.muli %scan3A_42, %mul3A_43 : i32
        %add3A_45 = arith.constant 0 : i32
        %add3A_46 = arith.addi %add3A_45, %mul3A_44 : i32
        %add3A_47 = arith.constant 1 : i32
        %add3A_48 = arith.addi %add3A_46, %add3A_47 : i32
        %dma_start3A_49 = arith.constant 0 : i32
        %dma_start3A_50 = tpu.memref_slice %arg7[%add3A_48, %dma_start3A_49] : memref<40x128xi32, #tpu.memory_space<vmem>> -> memref<1x128xi32, #tpu.memory_space<vmem>>
        %dma_start3A_51 = tpu.memref_squeeze %dma_start3A_50 : memref<1x128xi32, #tpu.memory_space<vmem>> -> memref<128xi32, #tpu.memory_space<vmem>>
        %dma_start3A_52 = arith.constant 0 : i32
        %dma_start3A_53 = arith.constant 0 : i32
        %dma_start3A_54 = tpu.memref_slice %arg2[%dma_start3A_52, %dma_start3A_53] : memref<10000x128xf32, #tpu.memory_space<hbm>> -> memref<10000x128xf32, #tpu.memory_space<hbm>>
        tpu.enqueue_indirect_dma source(%dma_start3A_54 : memref<10000x128xf32, #tpu.memory_space<hbm>>) target(%arg10 : memref<128x128xf32, #tpu.memory_space<vmem>>) offsets(%dma_start3A_51 : memref<128xi32, #tpu.memory_space<vmem>>) semaphore(%arg13 : memref<!tpu.dma_semaphore, #tpu.memory_space<semaphore_mem>>)
        %dma_wait3A = arith.constant 0 : i32
        %dma_wait3A_55 = tpu.memref_slice %arg7[%add3A_46, %dma_wait3A] : memref<40x128xi32, #tpu.memory_space<vmem>> -> memref<1x128xi32, #tpu.memory_space<vmem>>
        %dma_wait3A_56 = tpu.memref_squeeze %dma_wait3A_55 : memref<1x128xi32, #tpu.memory_space<vmem>> -> memref<128xi32, #tpu.memory_space<vmem>>
        %dma_wait3A_57 = arith.constant 0 : i32
        %dma_wait3A_58 = arith.constant 0 : i32
        %dma_wait3A_59 = tpu.memref_slice %arg2[%dma_wait3A_57, %dma_wait3A_58] : memref<10000x128xf32, #tpu.memory_space<hbm>> -> memref<10000x128xf32, #tpu.memory_space<hbm>>
        tpu.wait_indirect_dma semaphore(%arg12 : memref<!tpu.dma_semaphore, #tpu.memory_space<semaphore_mem>>) src(%dma_wait3A_59 : memref<10000x128xf32, #tpu.memory_space<hbm>>) dst(%arg9 : memref<128x128xf32, #tpu.memory_space<vmem>>)
        "tpu.region"() ({
          %run_scoped3A = tpu.sem_alloc : memref<!tpu.dma_semaphore, #tpu.memory_space<semaphore_mem>>
          %dma_start3A_76 = arith.constant 0 : i32
          %dma_start3A_77 = tpu.memref_slice %arg8[%add3A_46, %dma_start3A_76] : memref<40x128xi32, #tpu.memory_space<vmem>> -> memref<1x128xi32, #tpu.memory_space<vmem>>
          %dma_start3A_78 = tpu.memref_squeeze %dma_start3A_77 : memref<1x128xi32, #tpu.memory_space<vmem>> -> memref<128xi32, #tpu.memory_space<vmem>>
          %dma_start3A_79 = arith.constant 0 : i32
          %dma_start3A_80 = arith.constant 0 : i32
          %dma_start3A_81 = tpu.memref_slice %arg11[%dma_start3A_79, %dma_start3A_80] : memref<10112x128xf32, #tpu.memory_space<vmem_shared>> -> memref<10112x128xf32, #tpu.memory_space<vmem_shared>>
          tpu.enqueue_indirect_dma source(%arg9 : memref<128x128xf32, #tpu.memory_space<vmem>>) target(%dma_start3A_81 : memref<10112x128xf32, #tpu.memory_space<vmem_shared>>) offsets(%dma_start3A_78 : memref<128xi32, #tpu.memory_space<vmem>>) semaphore(%run_scoped3A : memref<!tpu.dma_semaphore, #tpu.memory_space<semaphore_mem>>) {add = true}
          %dma_wait3A_82 = arith.constant 0 : i32
          %dma_wait3A_83 = tpu.memref_slice %arg8[%add3A_46, %dma_wait3A_82] : memref<40x128xi32, #tpu.memory_space<vmem>> -> memref<1x128xi32, #tpu.memory_space<vmem>>
          %dma_wait3A_84 = tpu.memref_squeeze %dma_wait3A_83 : memref<1x128xi32, #tpu.memory_space<vmem>> -> memref<128xi32, #tpu.memory_space<vmem>>
          %dma_wait3A_85 = arith.constant 0 : i32
          %dma_wait3A_86 = arith.constant 0 : i32
          %dma_wait3A_87 = tpu.memref_slice %arg11[%dma_wait3A_85, %dma_wait3A_86] : memref<10112x128xf32, #tpu.memory_space<vmem_shared>> -> memref<10112x128xf32, #tpu.memory_space<vmem_shared>>
          tpu.wait_indirect_dma semaphore(%run_scoped3A : memref<!tpu.dma_semaphore, #tpu.memory_space<semaphore_mem>>) src(%arg9 : memref<128x128xf32, #tpu.memory_space<vmem>>) dst(%dma_wait3A_87 : memref<10112x128xf32, #tpu.memory_space<vmem_shared>>)
          tpu.yield
        }) : () -> ()
        %add3A_60 = arith.constant 2 : i32
        %add3A_61 = arith.addi %add3A_46, %add3A_60 : i32
        %lt3A = arith.constant 40 : i32
        %lt3A_62 = arith.cmpi slt, %add3A_61, %lt3A : i32
        %convert_element_type3A_63 = arith.extui %lt3A_62 : i1 to i32
        %cond3A_64 = arith.constant 0 : i32
        %cond3A_65 = arith.cmpi ne, %convert_element_type3A_63, %cond3A_64 : i32
        scf.if %cond3A_65 {
          %add3A_76 = arith.constant 2 : i32
          %add3A_77 = arith.addi %add3A_46, %add3A_76 : i32
          %dma_start3A_78 = arith.constant 0 : i32
          %dma_start3A_79 = tpu.memref_slice %arg7[%add3A_77, %dma_start3A_78] : memref<40x128xi32, #tpu.memory_space<vmem>> -> memref<1x128xi32, #tpu.memory_space<vmem>>
          %dma_start3A_80 = tpu.memref_squeeze %dma_start3A_79 : memref<1x128xi32, #tpu.memory_space<vmem>> -> memref<128xi32, #tpu.memory_space<vmem>>
          %dma_start3A_81 = arith.constant 0 : i32
          %dma_start3A_82 = arith.constant 0 : i32
          %dma_start3A_83 = tpu.memref_slice %arg2[%dma_start3A_81, %dma_start3A_82] : memref<10000x128xf32, #tpu.memory_space<hbm>> -> memref<10000x128xf32, #tpu.memory_space<hbm>>
          tpu.enqueue_indirect_dma source(%dma_start3A_83 : memref<10000x128xf32, #tpu.memory_space<hbm>>) target(%arg9 : memref<128x128xf32, #tpu.memory_space<vmem>>) offsets(%dma_start3A_80 : memref<128xi32, #tpu.memory_space<vmem>>) semaphore(%arg12 : memref<!tpu.dma_semaphore, #tpu.memory_space<semaphore_mem>>)
        } else {
        }
        %add3A_66 = arith.constant 1 : i32
        %add3A_67 = arith.addi %add3A_46, %add3A_66 : i32
        %dma_wait3A_68 = arith.constant 0 : i32
        %dma_wait3A_69 = tpu.memref_slice %arg7[%add3A_67, %dma_wait3A_68] : memref<40x128xi32, #tpu.memory_space<vmem>> -> memref<1x128xi32, #tpu.memory_space<vmem>>
        %dma_wait3A_70 = tpu.memref_squeeze %dma_wait3A_69 : memref<1x128xi32, #tpu.memory_space<vmem>> -> memref<128xi32, #tpu.memory_space<vmem>>
        %dma_wait3A_71 = arith.constant 0 : i32
        %dma_wait3A_72 = arith.constant 0 : i32
        %dma_wait3A_73 = tpu.memref_slice %arg2[%dma_wait3A_71, %dma_wait3A_72] : memref<10000x128xf32, #tpu.memory_space<hbm>> -> memref<10000x128xf32, #tpu.memory_space<hbm>>
        tpu.wait_indirect_dma semaphore(%arg13 : memref<!tpu.dma_semaphore, #tpu.memory_space<semaphore_mem>>) src(%dma_wait3A_73 : memref<10000x128xf32, #tpu.memory_space<hbm>>) dst(%arg10 : memref<128x128xf32, #tpu.memory_space<vmem>>)
        %add3A_74 = arith.constant 1 : i32
        %add3A_75 = arith.addi %add3A_46, %add3A_74 : i32
        "tpu.region"() ({
          %run_scoped3A = tpu.sem_alloc : memref<!tpu.dma_semaphore, #tpu.memory_space<semaphore_mem>>
          %dma_start3A_76 = arith.constant 0 : i32
          %dma_start3A_77 = tpu.memref_slice %arg8[%add3A_75, %dma_start3A_76] : memref<40x128xi32, #tpu.memory_space<vmem>> -> memref<1x128xi32, #tpu.memory_space<vmem>>
          %dma_start3A_78 = tpu.memref_squeeze %dma_start3A_77 : memref<1x128xi32, #tpu.memory_space<vmem>> -> memref<128xi32, #tpu.memory_space<vmem>>
          %dma_start3A_79 = arith.constant 0 : i32
          %dma_start3A_80 = arith.constant 0 : i32
          %dma_start3A_81 = tpu.memref_slice %arg11[%dma_start3A_79, %dma_start3A_80] : memref<10112x128xf32, #tpu.memory_space<vmem_shared>> -> memref<10112x128xf32, #tpu.memory_space<vmem_shared>>
          tpu.enqueue_indirect_dma source(%arg10 : memref<128x128xf32, #tpu.memory_space<vmem>>) target(%dma_start3A_81 : memref<10112x128xf32, #tpu.memory_space<vmem_shared>>) offsets(%dma_start3A_78 : memref<128xi32, #tpu.memory_space<vmem>>) semaphore(%run_scoped3A : memref<!tpu.dma_semaphore, #tpu.memory_space<semaphore_mem>>) {add = true}
          %dma_wait3A_82 = arith.constant 0 : i32
          %dma_wait3A_83 = tpu.memref_slice %arg8[%add3A_75, %dma_wait3A_82] : memref<40x128xi32, #tpu.memory_space<vmem>> -> memref<1x128xi32, #tpu.memory_space<vmem>>
          %dma_wait3A_84 = tpu.memref_squeeze %dma_wait3A_83 : memref<1x128xi32, #tpu.memory_space<vmem>> -> memref<128xi32, #tpu.memory_space<vmem>>
          %dma_wait3A_85 = arith.constant 0 : i32
          %dma_wait3A_86 = arith.constant 0 : i32
          %dma_wait3A_87 = tpu.memref_slice %arg11[%dma_wait3A_85, %dma_wait3A_86] : memref<10112x128xf32, #tpu.memory_space<vmem_shared>> -> memref<10112x128xf32, #tpu.memory_space<vmem_shared>>
          tpu.wait_indirect_dma semaphore(%run_scoped3A : memref<!tpu.dma_semaphore, #tpu.memory_space<semaphore_mem>>) src(%arg10 : memref<128x128xf32, #tpu.memory_space<vmem>>) dst(%dma_wait3A_87 : memref<10112x128xf32, #tpu.memory_space<vmem_shared>>)
          tpu.yield
        }) : () -> ()
      }
      %scan3A_25 = arith.constant 20 : i32
      %mul3A_26 = arith.constant 80 : i32
      %mul3A_27 = arith.muli %arg1, %mul3A_26 : i32
      %add3A_28 = arith.constant 40 : i32
      %add3A_29 = arith.addi %mul3A_27, %add3A_28 : i32
      "tpu.region"() ({
        %run_scoped3A = tpu.sem_alloc : memref<!tpu.dma_semaphore, #tpu.memory_space<semaphore_mem>>
        %dma_start3A_42 = arith.constant 0 : i32
        %dma_start3A_43 = tpu.memref_slice %arg3[%add3A_29, %dma_start3A_42] : memref<2560x128xi32, #tpu.memory_space<hbm>> -> memref<40x128xi32, #tpu.memory_space<hbm>>
        %dma_start3A_44 = arith.constant 0 : i32
        %dma_start3A_45 = tpu.memref_slice %arg3[%add3A_29, %dma_start3A_44] : memref<2560x128xi32, #tpu.memory_space<hbm>> -> memref<40x128xi32, #tpu.memory_space<hbm>>
        tpu.enqueue_dma source(%dma_start3A_45 : memref<40x128xi32, #tpu.memory_space<hbm>>) target(%arg7 : memref<40x128xi32, #tpu.memory_space<vmem>>) target_semaphore(%run_scoped3A : memref<!tpu.dma_semaphore, #tpu.memory_space<semaphore_mem>>)
        %dma_wait3A = arith.constant 0 : i32
        %dma_wait3A_46 = tpu.memref_slice %arg3[%add3A_29, %dma_wait3A] : memref<2560x128xi32, #tpu.memory_space<hbm>> -> memref<40x128xi32, #tpu.memory_space<hbm>>
        %dma_wait3A_47 = arith.constant 0 : i32
        %dma_wait3A_48 = tpu.memref_slice %arg3[%add3A_29, %dma_wait3A_47] : memref<2560x128xi32, #tpu.memory_space<hbm>> -> memref<40x128xi32, #tpu.memory_space<hbm>>
        tpu.wait_dma2 semaphore(%run_scoped3A : memref<!tpu.dma_semaphore, #tpu.memory_space<semaphore_mem>>) src(%dma_wait3A_48 : memref<40x128xi32, #tpu.memory_space<hbm>>) dst(%arg7 : memref<40x128xi32, #tpu.memory_space<vmem>>)
        tpu.yield
      }) : () -> ()
      "tpu.region"() ({
        %run_scoped3A = tpu.sem_alloc : memref<!tpu.dma_semaphore, #tpu.memory_space<semaphore_mem>>
        %dma_start3A_42 = arith.constant 0 : i32
        %dma_start3A_43 = tpu.memref_slice %arg4[%add3A_29, %dma_start3A_42] : memref<2560x128xi32, #tpu.memory_space<hbm>> -> memref<40x128xi32, #tpu.memory_space<hbm>>
        %dma_start3A_44 = arith.constant 0 : i32
        %dma_start3A_45 = tpu.memref_slice %arg4[%add3A_29, %dma_start3A_44] : memref<2560x128xi32, #tpu.memory_space<hbm>> -> memref<40x128xi32, #tpu.memory_space<hbm>>
        tpu.enqueue_dma source(%dma_start3A_45 : memref<40x128xi32, #tpu.memory_space<hbm>>) target(%arg8 : memref<40x128xi32, #tpu.memory_space<vmem>>) target_semaphore(%run_scoped3A : memref<!tpu.dma_semaphore, #tpu.memory_space<semaphore_mem>>)
        %dma_wait3A = arith.constant 0 : i32
        %dma_wait3A_46 = tpu.memref_slice %arg4[%add3A_29, %dma_wait3A] : memref<2560x128xi32, #tpu.memory_space<hbm>> -> memref<40x128xi32, #tpu.memory_space<hbm>>
        %dma_wait3A_47 = arith.constant 0 : i32
        %dma_wait3A_48 = tpu.memref_slice %arg4[%add3A_29, %dma_wait3A_47] : memref<2560x128xi32, #tpu.memory_space<hbm>> -> memref<40x128xi32, #tpu.memory_space<hbm>>
        tpu.wait_dma2 semaphore(%run_scoped3A : memref<!tpu.dma_semaphore, #tpu.memory_space<semaphore_mem>>) src(%dma_wait3A_48 : memref<40x128xi32, #tpu.memory_space<hbm>>) dst(%arg8 : memref<40x128xi32, #tpu.memory_space<vmem>>)
        tpu.yield
      }) : () -> ()
      %dma_start3A_30 = arith.constant 0 : i32
      %dma_start3A_31 = arith.constant 0 : i32
      %dma_start3A_32 = tpu.memref_slice %arg7[%dma_start3A_30, %dma_start3A_31] : memref<40x128xi32, #tpu.memory_space<vmem>> -> memref<1x128xi32, #tpu.memory_space<vmem>>
      %dma_start3A_33 = tpu.memref_squeeze %dma_start3A_32 : memref<1x128xi32, #tpu.memory_space<vmem>> -> memref<128xi32, #tpu.memory_space<vmem>>
      %dma_start3A_34 = arith.constant 0 : i32
      %dma_start3A_35 = arith.constant 0 : i32
      %dma_start3A_36 = tpu.memref_slice %arg2[%dma_start3A_34, %dma_start3A_35] : memref<10000x128xf32, #tpu.memory_space<hbm>> -> memref<10000x128xf32, #tpu.memory_space<hbm>>
      tpu.enqueue_indirect_dma source(%dma_start3A_36 : memref<10000x128xf32, #tpu.memory_space<hbm>>) target(%arg9 : memref<128x128xf32, #tpu.memory_space<vmem>>) offsets(%dma_start3A_33 : memref<128xi32, #tpu.memory_space<vmem>>) semaphore(%arg12 : memref<!tpu.dma_semaphore, #tpu.memory_space<semaphore_mem>>)
      %scan3A_37 = arith.constant 0 : i32
      %scan3A_38 = arith.constant 20 : i32
      %scan3A_39 = arith.addi %scan3A_37, %scan3A_38 : i32
      %scan3A_40 = arith.constant 1 : i32
      scf.for %scan3A_42 = %scan3A_37 to %scan3A_39 step %scan3A_40  : i32 {
        %mul3A_43 = arith.constant 2 : i32
        %mul3A_44 = arith.muli %scan3A_42, %mul3A_43 : i32
        %add3A_45 = arith.constant 0 : i32
        %add3A_46 = arith.addi %add3A_45, %mul3A_44 : i32
        %add3A_47 = arith.constant 1 : i32
        %add3A_48 = arith.addi %add3A_46, %add3A_47 : i32
        %dma_start3A_49 = arith.constant 0 : i32
        %dma_start3A_50 = tpu.memref_slice %arg7[%add3A_48, %dma_start3A_49] : memref<40x128xi32, #tpu.memory_space<vmem>> -> memref<1x128xi32, #tpu.memory_space<vmem>>
        %dma_start3A_51 = tpu.memref_squeeze %dma_start3A_50 : memref<1x128xi32, #tpu.memory_space<vmem>> -> memref<128xi32, #tpu.memory_space<vmem>>
        %dma_start3A_52 = arith.constant 0 : i32
        %dma_start3A_53 = arith.constant 0 : i32
        %dma_start3A_54 = tpu.memref_slice %arg2[%dma_start3A_52, %dma_start3A_53] : memref<10000x128xf32, #tpu.memory_space<hbm>> -> memref<10000x128xf32, #tpu.memory_space<hbm>>
        tpu.enqueue_indirect_dma source(%dma_start3A_54 : memref<10000x128xf32, #tpu.memory_space<hbm>>) target(%arg10 : memref<128x128xf32, #tpu.memory_space<vmem>>) offsets(%dma_start3A_51 : memref<128xi32, #tpu.memory_space<vmem>>) semaphore(%arg13 : memref<!tpu.dma_semaphore, #tpu.memory_space<semaphore_mem>>)
        %dma_wait3A = arith.constant 0 : i32
        %dma_wait3A_55 = tpu.memref_slice %arg7[%add3A_46, %dma_wait3A] : memref<40x128xi32, #tpu.memory_space<vmem>> -> memref<1x128xi32, #tpu.memory_space<vmem>>
        %dma_wait3A_56 = tpu.memref_squeeze %dma_wait3A_55 : memref<1x128xi32, #tpu.memory_space<vmem>> -> memref<128xi32, #tpu.memory_space<vmem>>
        %dma_wait3A_57 = arith.constant 0 : i32
        %dma_wait3A_58 = arith.constant 0 : i32
        %dma_wait3A_59 = tpu.memref_slice %arg2[%dma_wait3A_57, %dma_wait3A_58] : memref<10000x128xf32, #tpu.memory_space<hbm>> -> memref<10000x128xf32, #tpu.memory_space<hbm>>
        tpu.wait_indirect_dma semaphore(%arg12 : memref<!tpu.dma_semaphore, #tpu.memory_space<semaphore_mem>>) src(%dma_wait3A_59 : memref<10000x128xf32, #tpu.memory_space<hbm>>) dst(%arg9 : memref<128x128xf32, #tpu.memory_space<vmem>>)
        "tpu.region"() ({
          %run_scoped3A = tpu.sem_alloc : memref<!tpu.dma_semaphore, #tpu.memory_space<semaphore_mem>>
          %dma_start3A_76 = arith.constant 0 : i32
          %dma_start3A_77 = tpu.memref_slice %arg8[%add3A_46, %dma_start3A_76] : memref<40x128xi32, #tpu.memory_space<vmem>> -> memref<1x128xi32, #tpu.memory_space<vmem>>
          %dma_start3A_78 = tpu.memref_squeeze %dma_start3A_77 : memref<1x128xi32, #tpu.memory_space<vmem>> -> memref<128xi32, #tpu.memory_space<vmem>>
          %dma_start3A_79 = arith.constant 0 : i32
          %dma_start3A_80 = arith.constant 0 : i32
          %dma_start3A_81 = tpu.memref_slice %arg11[%dma_start3A_79, %dma_start3A_80] : memref<10112x128xf32, #tpu.memory_space<vmem_shared>> -> memref<10112x128xf32, #tpu.memory_space<vmem_shared>>
          tpu.enqueue_indirect_dma source(%arg9 : memref<128x128xf32, #tpu.memory_space<vmem>>) target(%dma_start3A_81 : memref<10112x128xf32, #tpu.memory_space<vmem_shared>>) offsets(%dma_start3A_78 : memref<128xi32, #tpu.memory_space<vmem>>) semaphore(%run_scoped3A : memref<!tpu.dma_semaphore, #tpu.memory_space<semaphore_mem>>) {add = true}
          %dma_wait3A_82 = arith.constant 0 : i32
          %dma_wait3A_83 = tpu.memref_slice %arg8[%add3A_46, %dma_wait3A_82] : memref<40x128xi32, #tpu.memory_space<vmem>> -> memref<1x128xi32, #tpu.memory_space<vmem>>
          %dma_wait3A_84 = tpu.memref_squeeze %dma_wait3A_83 : memref<1x128xi32, #tpu.memory_space<vmem>> -> memref<128xi32, #tpu.memory_space<vmem>>
          %dma_wait3A_85 = arith.constant 0 : i32
          %dma_wait3A_86 = arith.constant 0 : i32
          %dma_wait3A_87 = tpu.memref_slice %arg11[%dma_wait3A_85, %dma_wait3A_86] : memref<10112x128xf32, #tpu.memory_space<vmem_shared>> -> memref<10112x128xf32, #tpu.memory_space<vmem_shared>>
          tpu.wait_indirect_dma semaphore(%run_scoped3A : memref<!tpu.dma_semaphore, #tpu.memory_space<semaphore_mem>>) src(%arg9 : memref<128x128xf32, #tpu.memory_space<vmem>>) dst(%dma_wait3A_87 : memref<10112x128xf32, #tpu.memory_space<vmem_shared>>)
          tpu.yield
        }) : () -> ()
        %add3A_60 = arith.constant 2 : i32
        %add3A_61 = arith.addi %add3A_46, %add3A_60 : i32
        %lt3A = arith.constant 40 : i32
        %lt3A_62 = arith.cmpi slt, %add3A_61, %lt3A : i32
        %convert_element_type3A_63 = arith.extui %lt3A_62 : i1 to i32
        %cond3A_64 = arith.constant 0 : i32
        %cond3A_65 = arith.cmpi ne, %convert_element_type3A_63, %cond3A_64 : i32
        scf.if %cond3A_65 {
          %add3A_76 = arith.constant 2 : i32
          %add3A_77 = arith.addi %add3A_46, %add3A_76 : i32
          %dma_start3A_78 = arith.constant 0 : i32
          %dma_start3A_79 = tpu.memref_slice %arg7[%add3A_77, %dma_start3A_78] : memref<40x128xi32, #tpu.memory_space<vmem>> -> memref<1x128xi32, #tpu.memory_space<vmem>>
          %dma_start3A_80 = tpu.memref_squeeze %dma_start3A_79 : memref<1x128xi32, #tpu.memory_space<vmem>> -> memref<128xi32, #tpu.memory_space<vmem>>
          %dma_start3A_81 = arith.constant 0 : i32
          %dma_start3A_82 = arith.constant 0 : i32
          %dma_start3A_83 = tpu.memref_slice %arg2[%dma_start3A_81, %dma_start3A_82] : memref<10000x128xf32, #tpu.memory_space<hbm>> -> memref<10000x128xf32, #tpu.memory_space<hbm>>
          tpu.enqueue_indirect_dma source(%dma_start3A_83 : memref<10000x128xf32, #tpu.memory_space<hbm>>) target(%arg9 : memref<128x128xf32, #tpu.memory_space<vmem>>) offsets(%dma_start3A_80 : memref<128xi32, #tpu.memory_space<vmem>>) semaphore(%arg12 : memref<!tpu.dma_semaphore, #tpu.memory_space<semaphore_mem>>)
        } else {
        }
        %add3A_66 = arith.constant 1 : i32
        %add3A_67 = arith.addi %add3A_46, %add3A_66 : i32
        %dma_wait3A_68 = arith.constant 0 : i32
        %dma_wait3A_69 = tpu.memref_slice %arg7[%add3A_67, %dma_wait3A_68] : memref<40x128xi32, #tpu.memory_space<vmem>> -> memref<1x128xi32, #tpu.memory_space<vmem>>
        %dma_wait3A_70 = tpu.memref_squeeze %dma_wait3A_69 : memref<1x128xi32, #tpu.memory_space<vmem>> -> memref<128xi32, #tpu.memory_space<vmem>>
        %dma_wait3A_71 = arith.constant 0 : i32
        %dma_wait3A_72 = arith.constant 0 : i32
        %dma_wait3A_73 = tpu.memref_slice %arg2[%dma_wait3A_71, %dma_wait3A_72] : memref<10000x128xf32, #tpu.memory_space<hbm>> -> memref<10000x128xf32, #tpu.memory_space<hbm>>
        tpu.wait_indirect_dma semaphore(%arg13 : memref<!tpu.dma_semaphore, #tpu.memory_space<semaphore_mem>>) src(%dma_wait3A_73 : memref<10000x128xf32, #tpu.memory_space<hbm>>) dst(%arg10 : memref<128x128xf32, #tpu.memory_space<vmem>>)
        %add3A_74 = arith.constant 1 : i32
        %add3A_75 = arith.addi %add3A_46, %add3A_74 : i32
        "tpu.region"() ({
          %run_scoped3A = tpu.sem_alloc : memref<!tpu.dma_semaphore, #tpu.memory_space<semaphore_mem>>
          %dma_start3A_76 = arith.constant 0 : i32
          %dma_start3A_77 = tpu.memref_slice %arg8[%add3A_75, %dma_start3A_76] : memref<40x128xi32, #tpu.memory_space<vmem>> -> memref<1x128xi32, #tpu.memory_space<vmem>>
          %dma_start3A_78 = tpu.memref_squeeze %dma_start3A_77 : memref<1x128xi32, #tpu.memory_space<vmem>> -> memref<128xi32, #tpu.memory_space<vmem>>
          %dma_start3A_79 = arith.constant 0 : i32
          %dma_start3A_80 = arith.constant 0 : i32
          %dma_start3A_81 = tpu.memref_slice %arg11[%dma_start3A_79, %dma_start3A_80] : memref<10112x128xf32, #tpu.memory_space<vmem_shared>> -> memref<10112x128xf32, #tpu.memory_space<vmem_shared>>
          tpu.enqueue_indirect_dma source(%arg10 : memref<128x128xf32, #tpu.memory_space<vmem>>) target(%dma_start3A_81 : memref<10112x128xf32, #tpu.memory_space<vmem_shared>>) offsets(%dma_start3A_78 : memref<128xi32, #tpu.memory_space<vmem>>) semaphore(%run_scoped3A : memref<!tpu.dma_semaphore, #tpu.memory_space<semaphore_mem>>) {add = true}
          %dma_wait3A_82 = arith.constant 0 : i32
          %dma_wait3A_83 = tpu.memref_slice %arg8[%add3A_75, %dma_wait3A_82] : memref<40x128xi32, #tpu.memory_space<vmem>> -> memref<1x128xi32, #tpu.memory_space<vmem>>
          %dma_wait3A_84 = tpu.memref_squeeze %dma_wait3A_83 : memref<1x128xi32, #tpu.memory_space<vmem>> -> memref<128xi32, #tpu.memory_space<vmem>>
          %dma_wait3A_85 = arith.constant 0 : i32
          %dma_wait3A_86 = arith.constant 0 : i32
          %dma_wait3A_87 = tpu.memref_slice %arg11[%dma_wait3A_85, %dma_wait3A_86] : memref<10112x128xf32, #tpu.memory_space<vmem_shared>> -> memref<10112x128xf32, #tpu.memory_space<vmem_shared>>
          tpu.wait_indirect_dma semaphore(%run_scoped3A : memref<!tpu.dma_semaphore, #tpu.memory_space<semaphore_mem>>) src(%arg10 : memref<128x128xf32, #tpu.memory_space<vmem>>) dst(%dma_wait3A_87 : memref<10112x128xf32, #tpu.memory_space<vmem_shared>>)
          tpu.yield
        }) : () -> ()
      }
      %scan3A_41 = arith.constant 20 : i32
    } else {
    }
    %eq3A_3 = arith.constant 1 : i32
    %eq3A_4 = arith.cmpi eq, %arg0, %eq3A_3 : i32
    %convert_element_type3A_5 = arith.extui %eq3A_4 : i1 to i32
    %cond3A_6 = arith.constant 0 : i32
    %cond3A_7 = arith.cmpi ne, %convert_element_type3A_5, %cond3A_6 : i32
    scf.if %cond3A_7 {
      %mul3A_13 = arith.constant 80 : i32
      %mul3A_14 = arith.muli %arg1, %mul3A_13 : i32
      %add3A = arith.constant 1280 : i32
      %add3A_15 = arith.addi %add3A, %mul3A_14 : i32
      %add3A_16 = arith.constant 0 : i32
      %add3A_17 = arith.addi %add3A_15, %add3A_16 : i32
      "tpu.region"() ({
        %run_scoped3A = tpu.sem_alloc : memref<!tpu.dma_semaphore, #tpu.memory_space<semaphore_mem>>
        %dma_start3A_46 = arith.constant 0 : i32
        %dma_start3A_47 = tpu.memref_slice %arg3[%add3A_17, %dma_start3A_46] : memref<2560x128xi32, #tpu.memory_space<hbm>> -> memref<40x128xi32, #tpu.memory_space<hbm>>
        %dma_start3A_48 = arith.constant 0 : i32
        %dma_start3A_49 = tpu.memref_slice %arg3[%add3A_17, %dma_start3A_48] : memref<2560x128xi32, #tpu.memory_space<hbm>> -> memref<40x128xi32, #tpu.memory_space<hbm>>
        tpu.enqueue_dma source(%dma_start3A_49 : memref<40x128xi32, #tpu.memory_space<hbm>>) target(%arg7 : memref<40x128xi32, #tpu.memory_space<vmem>>) target_semaphore(%run_scoped3A : memref<!tpu.dma_semaphore, #tpu.memory_space<semaphore_mem>>)
        %dma_wait3A = arith.constant 0 : i32
        %dma_wait3A_50 = tpu.memref_slice %arg3[%add3A_17, %dma_wait3A] : memref<2560x128xi32, #tpu.memory_space<hbm>> -> memref<40x128xi32, #tpu.memory_space<hbm>>
        %dma_wait3A_51 = arith.constant 0 : i32
        %dma_wait3A_52 = tpu.memref_slice %arg3[%add3A_17, %dma_wait3A_51] : memref<2560x128xi32, #tpu.memory_space<hbm>> -> memref<40x128xi32, #tpu.memory_space<hbm>>
        tpu.wait_dma2 semaphore(%run_scoped3A : memref<!tpu.dma_semaphore, #tpu.memory_space<semaphore_mem>>) src(%dma_wait3A_52 : memref<40x128xi32, #tpu.memory_space<hbm>>) dst(%arg7 : memref<40x128xi32, #tpu.memory_space<vmem>>)
        tpu.yield
      }) : () -> ()
      "tpu.region"() ({
        %run_scoped3A = tpu.sem_alloc : memref<!tpu.dma_semaphore, #tpu.memory_space<semaphore_mem>>
        %dma_start3A_46 = arith.constant 0 : i32
        %dma_start3A_47 = tpu.memref_slice %arg4[%add3A_17, %dma_start3A_46] : memref<2560x128xi32, #tpu.memory_space<hbm>> -> memref<40x128xi32, #tpu.memory_space<hbm>>
        %dma_start3A_48 = arith.constant 0 : i32
        %dma_start3A_49 = tpu.memref_slice %arg4[%add3A_17, %dma_start3A_48] : memref<2560x128xi32, #tpu.memory_space<hbm>> -> memref<40x128xi32, #tpu.memory_space<hbm>>
        tpu.enqueue_dma source(%dma_start3A_49 : memref<40x128xi32, #tpu.memory_space<hbm>>) target(%arg8 : memref<40x128xi32, #tpu.memory_space<vmem>>) target_semaphore(%run_scoped3A : memref<!tpu.dma_semaphore, #tpu.memory_space<semaphore_mem>>)
        %dma_wait3A = arith.constant 0 : i32
        %dma_wait3A_50 = tpu.memref_slice %arg4[%add3A_17, %dma_wait3A] : memref<2560x128xi32, #tpu.memory_space<hbm>> -> memref<40x128xi32, #tpu.memory_space<hbm>>
        %dma_wait3A_51 = arith.constant 0 : i32
        %dma_wait3A_52 = tpu.memref_slice %arg4[%add3A_17, %dma_wait3A_51] : memref<2560x128xi32, #tpu.memory_space<hbm>> -> memref<40x128xi32, #tpu.memory_space<hbm>>
        tpu.wait_dma2 semaphore(%run_scoped3A : memref<!tpu.dma_semaphore, #tpu.memory_space<semaphore_mem>>) src(%dma_wait3A_52 : memref<40x128xi32, #tpu.memory_space<hbm>>) dst(%arg8 : memref<40x128xi32, #tpu.memory_space<vmem>>)
        tpu.yield
      }) : () -> ()
      %dma_start3A = arith.constant 0 : i32
      %dma_start3A_18 = arith.constant 0 : i32
      %dma_start3A_19 = tpu.memref_slice %arg7[%dma_start3A, %dma_start3A_18] : memref<40x128xi32, #tpu.memory_space<vmem>> -> memref<1x128xi32, #tpu.memory_space<vmem>>
      %dma_start3A_20 = tpu.memref_squeeze %dma_start3A_19 : memref<1x128xi32, #tpu.memory_space<vmem>> -> memref<128xi32, #tpu.memory_space<vmem>>
      %dma_start3A_21 = arith.constant 0 : i32
      %dma_start3A_22 = arith.constant 0 : i32
      %dma_start3A_23 = tpu.memref_slice %arg2[%dma_start3A_21, %dma_start3A_22] : memref<10000x128xf32, #tpu.memory_space<hbm>> -> memref<10000x128xf32, #tpu.memory_space<hbm>>
      tpu.enqueue_indirect_dma source(%dma_start3A_23 : memref<10000x128xf32, #tpu.memory_space<hbm>>) target(%arg9 : memref<128x128xf32, #tpu.memory_space<vmem>>) offsets(%dma_start3A_20 : memref<128xi32, #tpu.memory_space<vmem>>) semaphore(%arg12 : memref<!tpu.dma_semaphore, #tpu.memory_space<semaphore_mem>>)
      %scan3A = arith.constant 0 : i32
      %scan3A_24 = arith.constant 20 : i32
      %scan3A_25 = arith.addi %scan3A, %scan3A_24 : i32
      %scan3A_26 = arith.constant 1 : i32
      scf.for %scan3A_46 = %scan3A to %scan3A_25 step %scan3A_26  : i32 {
        %mul3A_47 = arith.constant 2 : i32
        %mul3A_48 = arith.muli %scan3A_46, %mul3A_47 : i32
        %add3A_49 = arith.constant 0 : i32
        %add3A_50 = arith.addi %add3A_49, %mul3A_48 : i32
        %add3A_51 = arith.constant 1 : i32
        %add3A_52 = arith.addi %add3A_50, %add3A_51 : i32
        %dma_start3A_53 = arith.constant 0 : i32
        %dma_start3A_54 = tpu.memref_slice %arg7[%add3A_52, %dma_start3A_53] : memref<40x128xi32, #tpu.memory_space<vmem>> -> memref<1x128xi32, #tpu.memory_space<vmem>>
        %dma_start3A_55 = tpu.memref_squeeze %dma_start3A_54 : memref<1x128xi32, #tpu.memory_space<vmem>> -> memref<128xi32, #tpu.memory_space<vmem>>
        %dma_start3A_56 = arith.constant 0 : i32
        %dma_start3A_57 = arith.constant 0 : i32
        %dma_start3A_58 = tpu.memref_slice %arg2[%dma_start3A_56, %dma_start3A_57] : memref<10000x128xf32, #tpu.memory_space<hbm>> -> memref<10000x128xf32, #tpu.memory_space<hbm>>
        tpu.enqueue_indirect_dma source(%dma_start3A_58 : memref<10000x128xf32, #tpu.memory_space<hbm>>) target(%arg10 : memref<128x128xf32, #tpu.memory_space<vmem>>) offsets(%dma_start3A_55 : memref<128xi32, #tpu.memory_space<vmem>>) semaphore(%arg13 : memref<!tpu.dma_semaphore, #tpu.memory_space<semaphore_mem>>)
        %dma_wait3A = arith.constant 0 : i32
        %dma_wait3A_59 = tpu.memref_slice %arg7[%add3A_50, %dma_wait3A] : memref<40x128xi32, #tpu.memory_space<vmem>> -> memref<1x128xi32, #tpu.memory_space<vmem>>
        %dma_wait3A_60 = tpu.memref_squeeze %dma_wait3A_59 : memref<1x128xi32, #tpu.memory_space<vmem>> -> memref<128xi32, #tpu.memory_space<vmem>>
        %dma_wait3A_61 = arith.constant 0 : i32
        %dma_wait3A_62 = arith.constant 0 : i32
        %dma_wait3A_63 = tpu.memref_slice %arg2[%dma_wait3A_61, %dma_wait3A_62] : memref<10000x128xf32, #tpu.memory_space<hbm>> -> memref<10000x128xf32, #tpu.memory_space<hbm>>
        tpu.wait_indirect_dma semaphore(%arg12 : memref<!tpu.dma_semaphore, #tpu.memory_space<semaphore_mem>>) src(%dma_wait3A_63 : memref<10000x128xf32, #tpu.memory_space<hbm>>) dst(%arg9 : memref<128x128xf32, #tpu.memory_space<vmem>>)
        "tpu.region"() ({
          %run_scoped3A = tpu.sem_alloc : memref<!tpu.dma_semaphore, #tpu.memory_space<semaphore_mem>>
          %dma_start3A_80 = arith.constant 0 : i32
          %dma_start3A_81 = tpu.memref_slice %arg8[%add3A_50, %dma_start3A_80] : memref<40x128xi32, #tpu.memory_space<vmem>> -> memref<1x128xi32, #tpu.memory_space<vmem>>
          %dma_start3A_82 = tpu.memref_squeeze %dma_start3A_81 : memref<1x128xi32, #tpu.memory_space<vmem>> -> memref<128xi32, #tpu.memory_space<vmem>>
          %dma_start3A_83 = arith.constant 0 : i32
          %dma_start3A_84 = arith.constant 0 : i32
          %dma_start3A_85 = tpu.memref_slice %arg11[%dma_start3A_83, %dma_start3A_84] : memref<10112x128xf32, #tpu.memory_space<vmem_shared>> -> memref<10112x128xf32, #tpu.memory_space<vmem_shared>>
          tpu.enqueue_indirect_dma source(%arg9 : memref<128x128xf32, #tpu.memory_space<vmem>>) target(%dma_start3A_85 : memref<10112x128xf32, #tpu.memory_space<vmem_shared>>) offsets(%dma_start3A_82 : memref<128xi32, #tpu.memory_space<vmem>>) semaphore(%run_scoped3A : memref<!tpu.dma_semaphore, #tpu.memory_space<semaphore_mem>>) {add = true}
          %dma_wait3A_86 = arith.constant 0 : i32
          %dma_wait3A_87 = tpu.memref_slice %arg8[%add3A_50, %dma_wait3A_86] : memref<40x128xi32, #tpu.memory_space<vmem>> -> memref<1x128xi32, #tpu.memory_space<vmem>>
          %dma_wait3A_88 = tpu.memref_squeeze %dma_wait3A_87 : memref<1x128xi32, #tpu.memory_space<vmem>> -> memref<128xi32, #tpu.memory_space<vmem>>
          %dma_wait3A_89 = arith.constant 0 : i32
          %dma_wait3A_90 = arith.constant 0 : i32
          %dma_wait3A_91 = tpu.memref_slice %arg11[%dma_wait3A_89, %dma_wait3A_90] : memref<10112x128xf32, #tpu.memory_space<vmem_shared>> -> memref<10112x128xf32, #tpu.memory_space<vmem_shared>>
          tpu.wait_indirect_dma semaphore(%run_scoped3A : memref<!tpu.dma_semaphore, #tpu.memory_space<semaphore_mem>>) src(%arg9 : memref<128x128xf32, #tpu.memory_space<vmem>>) dst(%dma_wait3A_91 : memref<10112x128xf32, #tpu.memory_space<vmem_shared>>)
          tpu.yield
        }) : () -> ()
        %add3A_64 = arith.constant 2 : i32
        %add3A_65 = arith.addi %add3A_50, %add3A_64 : i32
        %lt3A = arith.constant 40 : i32
        %lt3A_66 = arith.cmpi slt, %add3A_65, %lt3A : i32
        %convert_element_type3A_67 = arith.extui %lt3A_66 : i1 to i32
        %cond3A_68 = arith.constant 0 : i32
        %cond3A_69 = arith.cmpi ne, %convert_element_type3A_67, %cond3A_68 : i32
        scf.if %cond3A_69 {
          %add3A_80 = arith.constant 2 : i32
          %add3A_81 = arith.addi %add3A_50, %add3A_80 : i32
          %dma_start3A_82 = arith.constant 0 : i32
          %dma_start3A_83 = tpu.memref_slice %arg7[%add3A_81, %dma_start3A_82] : memref<40x128xi32, #tpu.memory_space<vmem>> -> memref<1x128xi32, #tpu.memory_space<vmem>>
          %dma_start3A_84 = tpu.memref_squeeze %dma_start3A_83 : memref<1x128xi32, #tpu.memory_space<vmem>> -> memref<128xi32, #tpu.memory_space<vmem>>
          %dma_start3A_85 = arith.constant 0 : i32
          %dma_start3A_86 = arith.constant 0 : i32
          %dma_start3A_87 = tpu.memref_slice %arg2[%dma_start3A_85, %dma_start3A_86] : memref<10000x128xf32, #tpu.memory_space<hbm>> -> memref<10000x128xf32, #tpu.memory_space<hbm>>
          tpu.enqueue_indirect_dma source(%dma_start3A_87 : memref<10000x128xf32, #tpu.memory_space<hbm>>) target(%arg9 : memref<128x128xf32, #tpu.memory_space<vmem>>) offsets(%dma_start3A_84 : memref<128xi32, #tpu.memory_space<vmem>>) semaphore(%arg12 : memref<!tpu.dma_semaphore, #tpu.memory_space<semaphore_mem>>)
        } else {
        }
        %add3A_70 = arith.constant 1 : i32
        %add3A_71 = arith.addi %add3A_50, %add3A_70 : i32
        %dma_wait3A_72 = arith.constant 0 : i32
        %dma_wait3A_73 = tpu.memref_slice %arg7[%add3A_71, %dma_wait3A_72] : memref<40x128xi32, #tpu.memory_space<vmem>> -> memref<1x128xi32, #tpu.memory_space<vmem>>
        %dma_wait3A_74 = tpu.memref_squeeze %dma_wait3A_73 : memref<1x128xi32, #tpu.memory_space<vmem>> -> memref<128xi32, #tpu.memory_space<vmem>>
        %dma_wait3A_75 = arith.constant 0 : i32
        %dma_wait3A_76 = arith.constant 0 : i32
        %dma_wait3A_77 = tpu.memref_slice %arg2[%dma_wait3A_75, %dma_wait3A_76] : memref<10000x128xf32, #tpu.memory_space<hbm>> -> memref<10000x128xf32, #tpu.memory_space<hbm>>
        tpu.wait_indirect_dma semaphore(%arg13 : memref<!tpu.dma_semaphore, #tpu.memory_space<semaphore_mem>>) src(%dma_wait3A_77 : memref<10000x128xf32, #tpu.memory_space<hbm>>) dst(%arg10 : memref<128x128xf32, #tpu.memory_space<vmem>>)
        %add3A_78 = arith.constant 1 : i32
        %add3A_79 = arith.addi %add3A_50, %add3A_78 : i32
        "tpu.region"() ({
          %run_scoped3A = tpu.sem_alloc : memref<!tpu.dma_semaphore, #tpu.memory_space<semaphore_mem>>
          %dma_start3A_80 = arith.constant 0 : i32
          %dma_start3A_81 = tpu.memref_slice %arg8[%add3A_79, %dma_start3A_80] : memref<40x128xi32, #tpu.memory_space<vmem>> -> memref<1x128xi32, #tpu.memory_space<vmem>>
          %dma_start3A_82 = tpu.memref_squeeze %dma_start3A_81 : memref<1x128xi32, #tpu.memory_space<vmem>> -> memref<128xi32, #tpu.memory_space<vmem>>
          %dma_start3A_83 = arith.constant 0 : i32
          %dma_start3A_84 = arith.constant 0 : i32
          %dma_start3A_85 = tpu.memref_slice %arg11[%dma_start3A_83, %dma_start3A_84] : memref<10112x128xf32, #tpu.memory_space<vmem_shared>> -> memref<10112x128xf32, #tpu.memory_space<vmem_shared>>
          tpu.enqueue_indirect_dma source(%arg10 : memref<128x128xf32, #tpu.memory_space<vmem>>) target(%dma_start3A_85 : memref<10112x128xf32, #tpu.memory_space<vmem_shared>>) offsets(%dma_start3A_82 : memref<128xi32, #tpu.memory_space<vmem>>) semaphore(%run_scoped3A : memref<!tpu.dma_semaphore, #tpu.memory_space<semaphore_mem>>) {add = true}
          %dma_wait3A_86 = arith.constant 0 : i32
          %dma_wait3A_87 = tpu.memref_slice %arg8[%add3A_79, %dma_wait3A_86] : memref<40x128xi32, #tpu.memory_space<vmem>> -> memref<1x128xi32, #tpu.memory_space<vmem>>
          %dma_wait3A_88 = tpu.memref_squeeze %dma_wait3A_87 : memref<1x128xi32, #tpu.memory_space<vmem>> -> memref<128xi32, #tpu.memory_space<vmem>>
          %dma_wait3A_89 = arith.constant 0 : i32
          %dma_wait3A_90 = arith.constant 0 : i32
          %dma_wait3A_91 = tpu.memref_slice %arg11[%dma_wait3A_89, %dma_wait3A_90] : memref<10112x128xf32, #tpu.memory_space<vmem_shared>> -> memref<10112x128xf32, #tpu.memory_space<vmem_shared>>
          tpu.wait_indirect_dma semaphore(%run_scoped3A : memref<!tpu.dma_semaphore, #tpu.memory_space<semaphore_mem>>) src(%arg10 : memref<128x128xf32, #tpu.memory_space<vmem>>) dst(%dma_wait3A_91 : memref<10112x128xf32, #tpu.memory_space<vmem_shared>>)
          tpu.yield
        }) : () -> ()
      }
      %scan3A_27 = arith.constant 20 : i32
      %mul3A_28 = arith.constant 80 : i32
      %mul3A_29 = arith.muli %arg1, %mul3A_28 : i32
      %add3A_30 = arith.constant 1280 : i32
      %add3A_31 = arith.addi %add3A_30, %mul3A_29 : i32
      %add3A_32 = arith.constant 40 : i32
      %add3A_33 = arith.addi %add3A_31, %add3A_32 : i32
      "tpu.region"() ({
        %run_scoped3A = tpu.sem_alloc : memref<!tpu.dma_semaphore, #tpu.memory_space<semaphore_mem>>
        %dma_start3A_46 = arith.constant 0 : i32
        %dma_start3A_47 = tpu.memref_slice %arg3[%add3A_33, %dma_start3A_46] : memref<2560x128xi32, #tpu.memory_space<hbm>> -> memref<40x128xi32, #tpu.memory_space<hbm>>
        %dma_start3A_48 = arith.constant 0 : i32
        %dma_start3A_49 = tpu.memref_slice %arg3[%add3A_33, %dma_start3A_48] : memref<2560x128xi32, #tpu.memory_space<hbm>> -> memref<40x128xi32, #tpu.memory_space<hbm>>
        tpu.enqueue_dma source(%dma_start3A_49 : memref<40x128xi32, #tpu.memory_space<hbm>>) target(%arg7 : memref<40x128xi32, #tpu.memory_space<vmem>>) target_semaphore(%run_scoped3A : memref<!tpu.dma_semaphore, #tpu.memory_space<semaphore_mem>>)
        %dma_wait3A = arith.constant 0 : i32
        %dma_wait3A_50 = tpu.memref_slice %arg3[%add3A_33, %dma_wait3A] : memref<2560x128xi32, #tpu.memory_space<hbm>> -> memref<40x128xi32, #tpu.memory_space<hbm>>
        %dma_wait3A_51 = arith.constant 0 : i32
        %dma_wait3A_52 = tpu.memref_slice %arg3[%add3A_33, %dma_wait3A_51] : memref<2560x128xi32, #tpu.memory_space<hbm>> -> memref<40x128xi32, #tpu.memory_space<hbm>>
        tpu.wait_dma2 semaphore(%run_scoped3A : memref<!tpu.dma_semaphore, #tpu.memory_space<semaphore_mem>>) src(%dma_wait3A_52 : memref<40x128xi32, #tpu.memory_space<hbm>>) dst(%arg7 : memref<40x128xi32, #tpu.memory_space<vmem>>)
        tpu.yield
      }) : () -> ()
      "tpu.region"() ({
        %run_scoped3A = tpu.sem_alloc : memref<!tpu.dma_semaphore, #tpu.memory_space<semaphore_mem>>
        %dma_start3A_46 = arith.constant 0 : i32
        %dma_start3A_47 = tpu.memref_slice %arg4[%add3A_33, %dma_start3A_46] : memref<2560x128xi32, #tpu.memory_space<hbm>> -> memref<40x128xi32, #tpu.memory_space<hbm>>
        %dma_start3A_48 = arith.constant 0 : i32
        %dma_start3A_49 = tpu.memref_slice %arg4[%add3A_33, %dma_start3A_48] : memref<2560x128xi32, #tpu.memory_space<hbm>> -> memref<40x128xi32, #tpu.memory_space<hbm>>
        tpu.enqueue_dma source(%dma_start3A_49 : memref<40x128xi32, #tpu.memory_space<hbm>>) target(%arg8 : memref<40x128xi32, #tpu.memory_space<vmem>>) target_semaphore(%run_scoped3A : memref<!tpu.dma_semaphore, #tpu.memory_space<semaphore_mem>>)
        %dma_wait3A = arith.constant 0 : i32
        %dma_wait3A_50 = tpu.memref_slice %arg4[%add3A_33, %dma_wait3A] : memref<2560x128xi32, #tpu.memory_space<hbm>> -> memref<40x128xi32, #tpu.memory_space<hbm>>
        %dma_wait3A_51 = arith.constant 0 : i32
        %dma_wait3A_52 = tpu.memref_slice %arg4[%add3A_33, %dma_wait3A_51] : memref<2560x128xi32, #tpu.memory_space<hbm>> -> memref<40x128xi32, #tpu.memory_space<hbm>>
        tpu.wait_dma2 semaphore(%run_scoped3A : memref<!tpu.dma_semaphore, #tpu.memory_space<semaphore_mem>>) src(%dma_wait3A_52 : memref<40x128xi32, #tpu.memory_space<hbm>>) dst(%arg8 : memref<40x128xi32, #tpu.memory_space<vmem>>)
        tpu.yield
      }) : () -> ()
      %dma_start3A_34 = arith.constant 0 : i32
      %dma_start3A_35 = arith.constant 0 : i32
      %dma_start3A_36 = tpu.memref_slice %arg7[%dma_start3A_34, %dma_start3A_35] : memref<40x128xi32, #tpu.memory_space<vmem>> -> memref<1x128xi32, #tpu.memory_space<vmem>>
      %dma_start3A_37 = tpu.memref_squeeze %dma_start3A_36 : memref<1x128xi32, #tpu.memory_space<vmem>> -> memref<128xi32, #tpu.memory_space<vmem>>
      %dma_start3A_38 = arith.constant 0 : i32
      %dma_start3A_39 = arith.constant 0 : i32
      %dma_start3A_40 = tpu.memref_slice %arg2[%dma_start3A_38, %dma_start3A_39] : memref<10000x128xf32, #tpu.memory_space<hbm>> -> memref<10000x128xf32, #tpu.memory_space<hbm>>
      tpu.enqueue_indirect_dma source(%dma_start3A_40 : memref<10000x128xf32, #tpu.memory_space<hbm>>) target(%arg9 : memref<128x128xf32, #tpu.memory_space<vmem>>) offsets(%dma_start3A_37 : memref<128xi32, #tpu.memory_space<vmem>>) semaphore(%arg12 : memref<!tpu.dma_semaphore, #tpu.memory_space<semaphore_mem>>)
      %scan3A_41 = arith.constant 0 : i32
      %scan3A_42 = arith.constant 20 : i32
      %scan3A_43 = arith.addi %scan3A_41, %scan3A_42 : i32
      %scan3A_44 = arith.constant 1 : i32
      scf.for %scan3A_46 = %scan3A_41 to %scan3A_43 step %scan3A_44  : i32 {
        %mul3A_47 = arith.constant 2 : i32
        %mul3A_48 = arith.muli %scan3A_46, %mul3A_47 : i32
        %add3A_49 = arith.constant 0 : i32
        %add3A_50 = arith.addi %add3A_49, %mul3A_48 : i32
        %add3A_51 = arith.constant 1 : i32
        %add3A_52 = arith.addi %add3A_50, %add3A_51 : i32
        %dma_start3A_53 = arith.constant 0 : i32
        %dma_start3A_54 = tpu.memref_slice %arg7[%add3A_52, %dma_start3A_53] : memref<40x128xi32, #tpu.memory_space<vmem>> -> memref<1x128xi32, #tpu.memory_space<vmem>>
        %dma_start3A_55 = tpu.memref_squeeze %dma_start3A_54 : memref<1x128xi32, #tpu.memory_space<vmem>> -> memref<128xi32, #tpu.memory_space<vmem>>
        %dma_start3A_56 = arith.constant 0 : i32
        %dma_start3A_57 = arith.constant 0 : i32
        %dma_start3A_58 = tpu.memref_slice %arg2[%dma_start3A_56, %dma_start3A_57] : memref<10000x128xf32, #tpu.memory_space<hbm>> -> memref<10000x128xf32, #tpu.memory_space<hbm>>
        tpu.enqueue_indirect_dma source(%dma_start3A_58 : memref<10000x128xf32, #tpu.memory_space<hbm>>) target(%arg10 : memref<128x128xf32, #tpu.memory_space<vmem>>) offsets(%dma_start3A_55 : memref<128xi32, #tpu.memory_space<vmem>>) semaphore(%arg13 : memref<!tpu.dma_semaphore, #tpu.memory_space<semaphore_mem>>)
        %dma_wait3A = arith.constant 0 : i32
        %dma_wait3A_59 = tpu.memref_slice %arg7[%add3A_50, %dma_wait3A] : memref<40x128xi32, #tpu.memory_space<vmem>> -> memref<1x128xi32, #tpu.memory_space<vmem>>
        %dma_wait3A_60 = tpu.memref_squeeze %dma_wait3A_59 : memref<1x128xi32, #tpu.memory_space<vmem>> -> memref<128xi32, #tpu.memory_space<vmem>>
        %dma_wait3A_61 = arith.constant 0 : i32
        %dma_wait3A_62 = arith.constant 0 : i32
        %dma_wait3A_63 = tpu.memref_slice %arg2[%dma_wait3A_61, %dma_wait3A_62] : memref<10000x128xf32, #tpu.memory_space<hbm>> -> memref<10000x128xf32, #tpu.memory_space<hbm>>
        tpu.wait_indirect_dma semaphore(%arg12 : memref<!tpu.dma_semaphore, #tpu.memory_space<semaphore_mem>>) src(%dma_wait3A_63 : memref<10000x128xf32, #tpu.memory_space<hbm>>) dst(%arg9 : memref<128x128xf32, #tpu.memory_space<vmem>>)
        "tpu.region"() ({
          %run_scoped3A = tpu.sem_alloc : memref<!tpu.dma_semaphore, #tpu.memory_space<semaphore_mem>>
          %dma_start3A_80 = arith.constant 0 : i32
          %dma_start3A_81 = tpu.memref_slice %arg8[%add3A_50, %dma_start3A_80] : memref<40x128xi32, #tpu.memory_space<vmem>> -> memref<1x128xi32, #tpu.memory_space<vmem>>
          %dma_start3A_82 = tpu.memref_squeeze %dma_start3A_81 : memref<1x128xi32, #tpu.memory_space<vmem>> -> memref<128xi32, #tpu.memory_space<vmem>>
          %dma_start3A_83 = arith.constant 0 : i32
          %dma_start3A_84 = arith.constant 0 : i32
          %dma_start3A_85 = tpu.memref_slice %arg11[%dma_start3A_83, %dma_start3A_84] : memref<10112x128xf32, #tpu.memory_space<vmem_shared>> -> memref<10112x128xf32, #tpu.memory_space<vmem_shared>>
          tpu.enqueue_indirect_dma source(%arg9 : memref<128x128xf32, #tpu.memory_space<vmem>>) target(%dma_start3A_85 : memref<10112x128xf32, #tpu.memory_space<vmem_shared>>) offsets(%dma_start3A_82 : memref<128xi32, #tpu.memory_space<vmem>>) semaphore(%run_scoped3A : memref<!tpu.dma_semaphore, #tpu.memory_space<semaphore_mem>>) {add = true}
          %dma_wait3A_86 = arith.constant 0 : i32
          %dma_wait3A_87 = tpu.memref_slice %arg8[%add3A_50, %dma_wait3A_86] : memref<40x128xi32, #tpu.memory_space<vmem>> -> memref<1x128xi32, #tpu.memory_space<vmem>>
          %dma_wait3A_88 = tpu.memref_squeeze %dma_wait3A_87 : memref<1x128xi32, #tpu.memory_space<vmem>> -> memref<128xi32, #tpu.memory_space<vmem>>
          %dma_wait3A_89 = arith.constant 0 : i32
          %dma_wait3A_90 = arith.constant 0 : i32
          %dma_wait3A_91 = tpu.memref_slice %arg11[%dma_wait3A_89, %dma_wait3A_90] : memref<10112x128xf32, #tpu.memory_space<vmem_shared>> -> memref<10112x128xf32, #tpu.memory_space<vmem_shared>>
          tpu.wait_indirect_dma semaphore(%run_scoped3A : memref<!tpu.dma_semaphore, #tpu.memory_space<semaphore_mem>>) src(%arg9 : memref<128x128xf32, #tpu.memory_space<vmem>>) dst(%dma_wait3A_91 : memref<10112x128xf32, #tpu.memory_space<vmem_shared>>)
          tpu.yield
        }) : () -> ()
        %add3A_64 = arith.constant 2 : i32
        %add3A_65 = arith.addi %add3A_50, %add3A_64 : i32
        %lt3A = arith.constant 40 : i32
        %lt3A_66 = arith.cmpi slt, %add3A_65, %lt3A : i32
        %convert_element_type3A_67 = arith.extui %lt3A_66 : i1 to i32
        %cond3A_68 = arith.constant 0 : i32
        %cond3A_69 = arith.cmpi ne, %convert_element_type3A_67, %cond3A_68 : i32
        scf.if %cond3A_69 {
          %add3A_80 = arith.constant 2 : i32
          %add3A_81 = arith.addi %add3A_50, %add3A_80 : i32
          %dma_start3A_82 = arith.constant 0 : i32
          %dma_start3A_83 = tpu.memref_slice %arg7[%add3A_81, %dma_start3A_82] : memref<40x128xi32, #tpu.memory_space<vmem>> -> memref<1x128xi32, #tpu.memory_space<vmem>>
          %dma_start3A_84 = tpu.memref_squeeze %dma_start3A_83 : memref<1x128xi32, #tpu.memory_space<vmem>> -> memref<128xi32, #tpu.memory_space<vmem>>
          %dma_start3A_85 = arith.constant 0 : i32
          %dma_start3A_86 = arith.constant 0 : i32
          %dma_start3A_87 = tpu.memref_slice %arg2[%dma_start3A_85, %dma_start3A_86] : memref<10000x128xf32, #tpu.memory_space<hbm>> -> memref<10000x128xf32, #tpu.memory_space<hbm>>
          tpu.enqueue_indirect_dma source(%dma_start3A_87 : memref<10000x128xf32, #tpu.memory_space<hbm>>) target(%arg9 : memref<128x128xf32, #tpu.memory_space<vmem>>) offsets(%dma_start3A_84 : memref<128xi32, #tpu.memory_space<vmem>>) semaphore(%arg12 : memref<!tpu.dma_semaphore, #tpu.memory_space<semaphore_mem>>)
        } else {
        }
        %add3A_70 = arith.constant 1 : i32
        %add3A_71 = arith.addi %add3A_50, %add3A_70 : i32
        %dma_wait3A_72 = arith.constant 0 : i32
        %dma_wait3A_73 = tpu.memref_slice %arg7[%add3A_71, %dma_wait3A_72] : memref<40x128xi32, #tpu.memory_space<vmem>> -> memref<1x128xi32, #tpu.memory_space<vmem>>
        %dma_wait3A_74 = tpu.memref_squeeze %dma_wait3A_73 : memref<1x128xi32, #tpu.memory_space<vmem>> -> memref<128xi32, #tpu.memory_space<vmem>>
        %dma_wait3A_75 = arith.constant 0 : i32
        %dma_wait3A_76 = arith.constant 0 : i32
        %dma_wait3A_77 = tpu.memref_slice %arg2[%dma_wait3A_75, %dma_wait3A_76] : memref<10000x128xf32, #tpu.memory_space<hbm>> -> memref<10000x128xf32, #tpu.memory_space<hbm>>
        tpu.wait_indirect_dma semaphore(%arg13 : memref<!tpu.dma_semaphore, #tpu.memory_space<semaphore_mem>>) src(%dma_wait3A_77 : memref<10000x128xf32, #tpu.memory_space<hbm>>) dst(%arg10 : memref<128x128xf32, #tpu.memory_space<vmem>>)
        %add3A_78 = arith.constant 1 : i32
        %add3A_79 = arith.addi %add3A_50, %add3A_78 : i32
        "tpu.region"() ({
          %run_scoped3A = tpu.sem_alloc : memref<!tpu.dma_semaphore, #tpu.memory_space<semaphore_mem>>
          %dma_start3A_80 = arith.constant 0 : i32
          %dma_start3A_81 = tpu.memref_slice %arg8[%add3A_79, %dma_start3A_80] : memref<40x128xi32, #tpu.memory_space<vmem>> -> memref<1x128xi32, #tpu.memory_space<vmem>>
          %dma_start3A_82 = tpu.memref_squeeze %dma_start3A_81 : memref<1x128xi32, #tpu.memory_space<vmem>> -> memref<128xi32, #tpu.memory_space<vmem>>
          %dma_start3A_83 = arith.constant 0 : i32
          %dma_start3A_84 = arith.constant 0 : i32
          %dma_start3A_85 = tpu.memref_slice %arg11[%dma_start3A_83, %dma_start3A_84] : memref<10112x128xf32, #tpu.memory_space<vmem_shared>> -> memref<10112x128xf32, #tpu.memory_space<vmem_shared>>
          tpu.enqueue_indirect_dma source(%arg10 : memref<128x128xf32, #tpu.memory_space<vmem>>) target(%dma_start3A_85 : memref<10112x128xf32, #tpu.memory_space<vmem_shared>>) offsets(%dma_start3A_82 : memref<128xi32, #tpu.memory_space<vmem>>) semaphore(%run_scoped3A : memref<!tpu.dma_semaphore, #tpu.memory_space<semaphore_mem>>) {add = true}
          %dma_wait3A_86 = arith.constant 0 : i32
          %dma_wait3A_87 = tpu.memref_slice %arg8[%add3A_79, %dma_wait3A_86] : memref<40x128xi32, #tpu.memory_space<vmem>> -> memref<1x128xi32, #tpu.memory_space<vmem>>
          %dma_wait3A_88 = tpu.memref_squeeze %dma_wait3A_87 : memref<1x128xi32, #tpu.memory_space<vmem>> -> memref<128xi32, #tpu.memory_space<vmem>>
          %dma_wait3A_89 = arith.constant 0 : i32
          %dma_wait3A_90 = arith.constant 0 : i32
          %dma_wait3A_91 = tpu.memref_slice %arg11[%dma_wait3A_89, %dma_wait3A_90] : memref<10112x128xf32, #tpu.memory_space<vmem_shared>> -> memref<10112x128xf32, #tpu.memory_space<vmem_shared>>
          tpu.wait_indirect_dma semaphore(%run_scoped3A : memref<!tpu.dma_semaphore, #tpu.memory_space<semaphore_mem>>) src(%arg10 : memref<128x128xf32, #tpu.memory_space<vmem>>) dst(%dma_wait3A_91 : memref<10112x128xf32, #tpu.memory_space<vmem_shared>>)
          tpu.yield
        }) : () -> ()
      }
      %scan3A_45 = arith.constant 20 : i32
    } else {
    }
    %barrier3A_8 = arith.constant 0 : index
    tpu.barrier barrier_id(%barrier3A_8)
    %mul3A_9 = arith.constant 632 : i32
    %mul3A_10 = arith.muli %arg1, %mul3A_9 : i32
    %mul3A_11 = arith.constant 632 : i32
    %mul3A_12 = arith.muli %arg1, %mul3A_11 : i32
    "tpu.region"() ({
      %run_scoped3A = tpu.sem_alloc : memref<!tpu.dma_semaphore, #tpu.memory_space<semaphore_mem>>
      %dma_start3A = arith.constant 0 : i32
      %dma_start3A_13 = tpu.memref_slice %arg6[%arg0, %mul3A_12, %dma_start3A] : memref<2x10112x128xf32, #tpu.memory_space<hbm>> -> memref<1x632x128xf32, #tpu.memory_space<hbm>>
      %dma_start3A_14 = tpu.memref_squeeze %dma_start3A_13 : memref<1x632x128xf32, #tpu.memory_space<hbm>> -> memref<632x128xf32, #tpu.memory_space<hbm>>
      %dma_start3A_15 = arith.constant 0 : i32
      %dma_start3A_16 = tpu.memref_slice %arg11[%mul3A_10, %dma_start3A_15] : memref<10112x128xf32, #tpu.memory_space<vmem_shared>> -> memref<632x128xf32, #tpu.memory_space<vmem_shared>>
      tpu.enqueue_dma source(%dma_start3A_16 : memref<632x128xf32, #tpu.memory_space<vmem_shared>>) target(%dma_start3A_14 : memref<632x128xf32, #tpu.memory_space<hbm>>) target_semaphore(%run_scoped3A : memref<!tpu.dma_semaphore, #tpu.memory_space<semaphore_mem>>)
      %dma_wait3A = arith.constant 0 : i32
      %dma_wait3A_17 = tpu.memref_slice %arg6[%arg0, %mul3A_12, %dma_wait3A] : memref<2x10112x128xf32, #tpu.memory_space<hbm>> -> memref<1x632x128xf32, #tpu.memory_space<hbm>>
      %dma_wait3A_18 = tpu.memref_squeeze %dma_wait3A_17 : memref<1x632x128xf32, #tpu.memory_space<hbm>> -> memref<632x128xf32, #tpu.memory_space<hbm>>
      %dma_wait3A_19 = arith.constant 0 : i32
      %dma_wait3A_20 = tpu.memref_slice %arg11[%mul3A_10, %dma_wait3A_19] : memref<10112x128xf32, #tpu.memory_space<vmem_shared>> -> memref<632x128xf32, #tpu.memory_space<vmem_shared>>
      tpu.wait_dma2 semaphore(%run_scoped3A : memref<!tpu.dma_semaphore, #tpu.memory_space<semaphore_mem>>) src(%dma_wait3A_20 : memref<632x128xf32, #tpu.memory_space<vmem_shared>>) dst(%dma_wait3A_18 : memref<632x128xf32, #tpu.memory_space<hbm>>)
      tpu.yield
    }) : () -> ()
    return
  }
}

module attributes {stable_mosaic.version = 14 : i64} {
  func.func @_dis_body(%arg0: i32, %arg1: memref<2x632x128xf32, #tpu.memory_space<vmem>>, %arg2: memref<632x1xf32, #tpu.memory_space<vmem>>) attributes {dimension_semantics = [#tpu.dimension_semantics<arbitrary>], iteration_bounds = array<i64: 16>, scalar_prefetch = 0 : i64, scratch_operands = 0 : i64, tpu.core_type = #tpu.core_type<tc>, window_params = [{transform_indices = @transform_0, window_bounds = array<i64: 2, 632, 128>}, {transform_indices = @transform_1, window_bounds = array<i64: 632, 1>}]} {
    %get3A = arith.constant 0 : index
    %get3A_0 = arith.constant 0 : index
    %get3A_1 = arith.constant 0 : index
    %get3A_2 = vector.load %arg1[%get3A, %get3A_0, %get3A_1] : memref<2x632x128xf32, #tpu.memory_space<vmem>>, vector<1x632x1xf32>
    %get3A_3 = vector.shape_cast %get3A_2 : vector<1x632x1xf32> to vector<632x1xf32>
    %get3A_4 = arith.constant 1 : index
    %get3A_5 = arith.constant 0 : index
    %get3A_6 = arith.constant 0 : index
    %get3A_7 = vector.load %arg1[%get3A_4, %get3A_5, %get3A_6] : memref<2x632x128xf32, #tpu.memory_space<vmem>>, vector<1x632x1xf32>
    %get3A_8 = vector.shape_cast %get3A_7 : vector<1x632x1xf32> to vector<632x1xf32>
    %add3A = arith.addf %get3A_3, %get3A_8 : vector<632x1xf32>
    %add3A_9 = arith.constant 1.000000e+00 : f32
    %add3A_10 = vector.broadcast %add3A_9 : f32 to vector<632x1xf32>
    %add3A_11 = arith.addf %add3A, %add3A_10 : vector<632x1xf32>
    %rsqrt3A = math.rsqrt %add3A_11 : vector<632x1xf32>
    %swap3A = arith.constant 0 : index
    %swap3A_12 = arith.constant 0 : index
    %swap3A_13 = vector.load %arg2[%swap3A, %swap3A_12] : memref<632x1xf32, #tpu.memory_space<vmem>>, vector<632x1xf32>
    tpu.vector_store %arg2[%swap3A, %swap3A_12], %rsqrt3A {strides = array<i32>} : memref<632x1xf32, #tpu.memory_space<vmem>>, vector<632x1xf32>,
    return
  }
  func.func @transform_0(%arg0: i32) -> (i32, i32, i32) {
    %c0_i32 = arith.constant 0 : i32
    %c0_i32_0 = arith.constant 0 : i32
    %c0_i32_1 = arith.constant 0 : i32
    return %c0_i32, %arg0, %c0_i32_0 : i32, i32, i32
  }
  func.func @transform_1(%arg0: i32) -> (i32, i32) {
    %c0_i32 = arith.constant 0 : i32
    %c0_i32_0 = arith.constant 0 : i32
    return %arg0, %c0_i32 : i32, i32
  }
}

module attributes {stable_mosaic.version = 14 : i64} {
  func.func @_mm1_body(%arg0: i32, %arg1: memref<1000x128xf32, #tpu.memory_space<vmem>>, %arg2: memref<128x128xf32, #tpu.memory_space<vmem>>, %arg3: memref<1000x1xf32, #tpu.memory_space<vmem>>, %arg4: memref<1000x128xf32, #tpu.memory_space<vmem>>) attributes {dimension_semantics = [#tpu.dimension_semantics<arbitrary>], iteration_bounds = array<i64: 10>, scalar_prefetch = 0 : i64, scratch_operands = 0 : i64, tpu.core_type = #tpu.core_type<tc>, window_params = [{transform_indices = @transform_0, window_bounds = array<i64: 1000, 128>}, {pipeline_mode = #tpu.pipeline_mode<synchronous>, transform_indices = @transform_1, window_bounds = array<i64: 128, 128>}, {transform_indices = @transform_2, window_bounds = array<i64: 1000, 1>}, {transform_indices = @transform_3, window_bounds = array<i64: 1000, 128>}]} {
    %get3A = arith.constant 0 : index
    %get3A_0 = arith.constant 0 : index
    %get3A_1 = vector.load %arg1[%get3A, %get3A_0] : memref<1000x128xf32, #tpu.memory_space<vmem>>, vector<1000x128xf32>
    %get3A_2 = arith.constant 0 : index
    %get3A_3 = arith.constant 0 : index
    %get3A_4 = vector.load %arg2[%get3A_2, %get3A_3] : memref<128x128xf32, #tpu.memory_space<vmem>>, vector<128x128xf32>
    %dot_general3A = arith.constant dense<0.000000e+00> : vector<1000x128xf32>
    %dot_general3A_5 = tpu.matmul %get3A_1, %get3A_4, %dot_general3A {dimension_numbers = #tpu.dot_dimension_numbers<[1], [0], [0], [1], [0, 0, 1, 1], [], []>, transpose_lhs_hint = false} : vector<1000x128xf32>, vector<128x128xf32>, vector<1000x128xf32> -> vector<1000x128xf32>
    %get3A_6 = arith.constant 0 : index
    %get3A_7 = arith.constant 0 : index
    %get3A_8 = vector.load %arg3[%get3A_6, %get3A_7] : memref<1000x1xf32, #tpu.memory_space<vmem>>, vector<1000x1xf32>
    %mul3A = vector.broadcast %get3A_8 : vector<1000x1xf32> to vector<1000x128xf32>
    %mul3A_9 = arith.mulf %dot_general3A_5, %mul3A : vector<1000x128xf32>
    %swap3A = arith.constant 0 : index
    %swap3A_10 = arith.constant 0 : index
    %swap3A_11 = vector.load %arg4[%swap3A, %swap3A_10] : memref<1000x128xf32, #tpu.memory_space<vmem>>, vector<1000x128xf32>
    tpu.vector_store %arg4[%swap3A, %swap3A_10], %mul3A_9 {strides = array<i32>} : memref<1000x128xf32, #tpu.memory_space<vmem>>, vector<1000x128xf32>,
    return
  }
  func.func @transform_0(%arg0: i32) -> (i32, i32) {
    %c0_i32 = arith.constant 0 : i32
    %c0_i32_0 = arith.constant 0 : i32
    return %arg0, %c0_i32 : i32, i32
  }
  func.func @transform_1(%arg0: i32) -> (i32, i32) {
    %c0_i32 = arith.constant 0 : i32
    %c0_i32_0 = arith.constant 0 : i32
    %c0_i32_1 = arith.constant 0 : i32
    return %c0_i32, %c0_i32_0 : i32, i32
  }
  func.func @transform_2(%arg0: i32) -> (i32, i32) {
    %c0_i32 = arith.constant 0 : i32
    %c0_i32_0 = arith.constant 0 : i32
    return %arg0, %c0_i32 : i32, i32
  }
  func.func @transform_3(%arg0: i32) -> (i32, i32) {
    %c0_i32 = arith.constant 0 : i32
    %c0_i32_0 = arith.constant 0 : i32
    return %arg0, %c0_i32 : i32, i32
  }
}

module attributes {stable_mosaic.version = 14 : i64} {
  func.func @_combine_mm_body(%arg0: i32, %arg1: memref<2x1000x128xf32, #tpu.memory_space<vmem>>, %arg2: memref<1000x128xf32, #tpu.memory_space<vmem>>, %arg3: memref<1000x1xf32, #tpu.memory_space<vmem>>, %arg4: memref<1x128xf32, #tpu.memory_space<vmem>>, %arg5: memref<128x128xf32, #tpu.memory_space<vmem>>, %arg6: memref<1000x128xf32, #tpu.memory_space<vmem>>) attributes {dimension_semantics = [#tpu.dimension_semantics<arbitrary>], iteration_bounds = array<i64: 10>, scalar_prefetch = 0 : i64, scratch_operands = 0 : i64, tpu.core_type = #tpu.core_type<tc>, window_params = [{transform_indices = @transform_0, window_bounds = array<i64: 2, 1000, 128>}, {transform_indices = @transform_1, window_bounds = array<i64: 1000, 128>}, {transform_indices = @transform_2, window_bounds = array<i64: 1000, 1>}, {pipeline_mode = #tpu.pipeline_mode<synchronous>, transform_indices = @transform_3, window_bounds = array<i64: 1, 128>}, {pipeline_mode = #tpu.pipeline_mode<synchronous>, transform_indices = @transform_4, window_bounds = array<i64: 128, 128>}, {transform_indices = @transform_5, window_bounds = array<i64: 1000, 128>}]} {
    %get3A = arith.constant 0 : index
    %get3A_0 = arith.constant 0 : index
    %get3A_1 = vector.load %arg3[%get3A, %get3A_0] : memref<1000x1xf32, #tpu.memory_space<vmem>>, vector<1000x1xf32>
    %get3A_2 = arith.constant 0 : index
    %get3A_3 = arith.constant 0 : index
    %get3A_4 = arith.constant 0 : index
    %get3A_5 = vector.load %arg1[%get3A_2, %get3A_3, %get3A_4] : memref<2x1000x128xf32, #tpu.memory_space<vmem>>, vector<1x1000x128xf32>
    %get3A_6 = vector.shape_cast %get3A_5 : vector<1x1000x128xf32> to vector<1000x128xf32>
    %get3A_7 = arith.constant 1 : index
    %get3A_8 = arith.constant 0 : index
    %get3A_9 = arith.constant 0 : index
    %get3A_10 = vector.load %arg1[%get3A_7, %get3A_8, %get3A_9] : memref<2x1000x128xf32, #tpu.memory_space<vmem>>, vector<1x1000x128xf32>
    %get3A_11 = vector.shape_cast %get3A_10 : vector<1x1000x128xf32> to vector<1000x128xf32>
    %add3A = arith.addf %get3A_6, %get3A_11 : vector<1000x128xf32>
    %get3A_12 = arith.constant 0 : index
    %get3A_13 = arith.constant 0 : index
    %get3A_14 = vector.load %arg2[%get3A_12, %get3A_13] : memref<1000x128xf32, #tpu.memory_space<vmem>>, vector<1000x128xf32>
    %add3A_15 = arith.addf %add3A, %get3A_14 : vector<1000x128xf32>
    %mul3A = vector.broadcast %get3A_1 : vector<1000x1xf32> to vector<1000x128xf32>
    %mul3A_16 = arith.mulf %mul3A, %add3A_15 : vector<1000x128xf32>
    %get3A_17 = arith.constant 0 : index
    %get3A_18 = arith.constant 0 : index
    %get3A_19 = vector.load %arg4[%get3A_17, %get3A_18] : memref<1x128xf32, #tpu.memory_space<vmem>>, vector<1x128xf32>
    %add3A_20 = vector.broadcast %get3A_19 : vector<1x128xf32> to vector<1000x128xf32>
    %add3A_21 = arith.addf %mul3A_16, %add3A_20 : vector<1000x128xf32>
    %max3A = arith.constant 0.000000e+00 : f32
    %max3A_22 = vector.broadcast %max3A : f32 to vector<1000x128xf32>
    %max3A_23 = arith.maximumf %add3A_21, %max3A_22 : vector<1000x128xf32>
    %get3A_24 = arith.constant 0 : index
    %get3A_25 = arith.constant 0 : index
    %get3A_26 = vector.load %arg5[%get3A_24, %get3A_25] : memref<128x128xf32, #tpu.memory_space<vmem>>, vector<128x128xf32>
    %dot_general3A = arith.constant dense<0.000000e+00> : vector<1000x128xf32>
    %dot_general3A_27 = tpu.matmul %max3A_23, %get3A_26, %dot_general3A {dimension_numbers = #tpu.dot_dimension_numbers<[1], [0], [0], [1], [0, 0, 1, 1], [], []>, transpose_lhs_hint = false} : vector<1000x128xf32>, vector<128x128xf32>, vector<1000x128xf32> -> vector<1000x128xf32>
    %get3A_28 = arith.constant 0 : index
    %get3A_29 = arith.constant 0 : index
    %get3A_30 = vector.load %arg3[%get3A_28, %get3A_29] : memref<1000x1xf32, #tpu.memory_space<vmem>>, vector<1000x1xf32>
    %mul3A_31 = vector.broadcast %get3A_30 : vector<1000x1xf32> to vector<1000x128xf32>
    %mul3A_32 = arith.mulf %dot_general3A_27, %mul3A_31 : vector<1000x128xf32>
    %swap3A = arith.constant 0 : index
    %swap3A_33 = arith.constant 0 : index
    %swap3A_34 = vector.load %arg6[%swap3A, %swap3A_33] : memref<1000x128xf32, #tpu.memory_space<vmem>>, vector<1000x128xf32>
    tpu.vector_store %arg6[%swap3A, %swap3A_33], %mul3A_32 {strides = array<i32>} : memref<1000x128xf32, #tpu.memory_space<vmem>>, vector<1000x128xf32>,
    return
  }
  func.func @transform_0(%arg0: i32) -> (i32, i32, i32) {
    %c0_i32 = arith.constant 0 : i32
    %c0_i32_0 = arith.constant 0 : i32
    %c0_i32_1 = arith.constant 0 : i32
    return %c0_i32, %arg0, %c0_i32_0 : i32, i32, i32
  }
  func.func @transform_1(%arg0: i32) -> (i32, i32) {
    %c0_i32 = arith.constant 0 : i32
    %c0_i32_0 = arith.constant 0 : i32
    return %arg0, %c0_i32 : i32, i32
  }
  func.func @transform_2(%arg0: i32) -> (i32, i32) {
    %c0_i32 = arith.constant 0 : i32
    %c0_i32_0 = arith.constant 0 : i32
    return %arg0, %c0_i32 : i32, i32
  }
  func.func @transform_3(%arg0: i32) -> (i32, i32) {
    %c0_i32 = arith.constant 0 : i32
    %c0_i32_0 = arith.constant 0 : i32
    %c0_i32_1 = arith.constant 0 : i32
    return %c0_i32, %c0_i32_0 : i32, i32
  }
  func.func @transform_4(%arg0: i32) -> (i32, i32) {
    %c0_i32 = arith.constant 0 : i32
    %c0_i32_0 = arith.constant 0 : i32
    %c0_i32_1 = arith.constant 0 : i32
    return %c0_i32, %c0_i32_0 : i32, i32
  }
  func.func @transform_5(%arg0: i32) -> (i32, i32) {
    %c0_i32 = arith.constant 0 : i32
    %c0_i32_0 = arith.constant 0 : i32
    return %arg0, %c0_i32 : i32, i32
  }
}

module attributes {stable_mosaic.version = 14 : i64} {
  func.func @_combine_scale_body(%arg0: i32, %arg1: memref<2x1000x128xf32, #tpu.memory_space<vmem>>, %arg2: memref<1000x128xf32, #tpu.memory_space<vmem>>, %arg3: memref<1000x1xf32, #tpu.memory_space<vmem>>, %arg4: memref<1x128xf32, #tpu.memory_space<vmem>>, %arg5: memref<1000x128xf32, #tpu.memory_space<vmem>>) attributes {dimension_semantics = [#tpu.dimension_semantics<arbitrary>], iteration_bounds = array<i64: 10>, scalar_prefetch = 0 : i64, scratch_operands = 0 : i64, tpu.core_type = #tpu.core_type<tc>, window_params = [{transform_indices = @transform_0, window_bounds = array<i64: 2, 1000, 128>}, {transform_indices = @transform_1, window_bounds = array<i64: 1000, 128>}, {transform_indices = @transform_2, window_bounds = array<i64: 1000, 1>}, {pipeline_mode = #tpu.pipeline_mode<synchronous>, transform_indices = @transform_3, window_bounds = array<i64: 1, 128>}, {transform_indices = @transform_4, window_bounds = array<i64: 1000, 128>}]} {
    %get3A = arith.constant 0 : index
    %get3A_0 = arith.constant 0 : index
    %get3A_1 = vector.load %arg3[%get3A, %get3A_0] : memref<1000x1xf32, #tpu.memory_space<vmem>>, vector<1000x1xf32>
    %get3A_2 = arith.constant 0 : index
    %get3A_3 = arith.constant 0 : index
    %get3A_4 = arith.constant 0 : index
    %get3A_5 = vector.load %arg1[%get3A_2, %get3A_3, %get3A_4] : memref<2x1000x128xf32, #tpu.memory_space<vmem>>, vector<1x1000x128xf32>
    %get3A_6 = vector.shape_cast %get3A_5 : vector<1x1000x128xf32> to vector<1000x128xf32>
    %get3A_7 = arith.constant 1 : index
    %get3A_8 = arith.constant 0 : index
    %get3A_9 = arith.constant 0 : index
    %get3A_10 = vector.load %arg1[%get3A_7, %get3A_8, %get3A_9] : memref<2x1000x128xf32, #tpu.memory_space<vmem>>, vector<1x1000x128xf32>
    %get3A_11 = vector.shape_cast %get3A_10 : vector<1x1000x128xf32> to vector<1000x128xf32>
    %add3A = arith.addf %get3A_6, %get3A_11 : vector<1000x128xf32>
    %get3A_12 = arith.constant 0 : index
    %get3A_13 = arith.constant 0 : index
    %get3A_14 = vector.load %arg2[%get3A_12, %get3A_13] : memref<1000x128xf32, #tpu.memory_space<vmem>>, vector<1000x128xf32>
    %add3A_15 = arith.addf %add3A, %get3A_14 : vector<1000x128xf32>
    %mul3A = vector.broadcast %get3A_1 : vector<1000x1xf32> to vector<1000x128xf32>
    %mul3A_16 = arith.mulf %mul3A, %add3A_15 : vector<1000x128xf32>
    %get3A_17 = arith.constant 0 : index
    %get3A_18 = arith.constant 0 : index
    %get3A_19 = vector.load %arg4[%get3A_17, %get3A_18] : memref<1x128xf32, #tpu.memory_space<vmem>>, vector<1x128xf32>
    %add3A_20 = vector.broadcast %get3A_19 : vector<1x128xf32> to vector<1000x128xf32>
    %add3A_21 = arith.addf %mul3A_16, %add3A_20 : vector<1000x128xf32>
    %max3A = arith.constant 0.000000e+00 : f32
    %max3A_22 = vector.broadcast %max3A : f32 to vector<1000x128xf32>
    %max3A_23 = arith.maximumf %add3A_21, %max3A_22 : vector<1000x128xf32>
    %get3A_24 = arith.constant 0 : index
    %get3A_25 = arith.constant 0 : index
    %get3A_26 = vector.load %arg3[%get3A_24, %get3A_25] : memref<1000x1xf32, #tpu.memory_space<vmem>>, vector<1000x1xf32>
    %mul3A_27 = vector.broadcast %get3A_26 : vector<1000x1xf32> to vector<1000x128xf32>
    %mul3A_28 = arith.mulf %max3A_23, %mul3A_27 : vector<1000x128xf32>
    %swap3A = arith.constant 0 : index
    %swap3A_29 = arith.constant 0 : index
    %swap3A_30 = vector.load %arg5[%swap3A, %swap3A_29] : memref<1000x128xf32, #tpu.memory_space<vmem>>, vector<1000x128xf32>
    tpu.vector_store %arg5[%swap3A, %swap3A_29], %mul3A_28 {strides = array<i32>} : memref<1000x128xf32, #tpu.memory_space<vmem>>, vector<1000x128xf32>,
    return
  }
  func.func @transform_0(%arg0: i32) -> (i32, i32, i32) {
    %c0_i32 = arith.constant 0 : i32
    %c0_i32_0 = arith.constant 0 : i32
    %c0_i32_1 = arith.constant 0 : i32
    return %c0_i32, %arg0, %c0_i32_0 : i32, i32, i32
  }
  func.func @transform_1(%arg0: i32) -> (i32, i32) {
    %c0_i32 = arith.constant 0 : i32
    %c0_i32_0 = arith.constant 0 : i32
    return %arg0, %c0_i32 : i32, i32
  }
  func.func @transform_2(%arg0: i32) -> (i32, i32) {
    %c0_i32 = arith.constant 0 : i32
    %c0_i32_0 = arith.constant 0 : i32
    return %arg0, %c0_i32 : i32, i32
  }
  func.func @transform_3(%arg0: i32) -> (i32, i32) {
    %c0_i32 = arith.constant 0 : i32
    %c0_i32_0 = arith.constant 0 : i32
    %c0_i32_1 = arith.constant 0 : i32
    return %c0_i32, %c0_i32_0 : i32, i32
  }
  func.func @transform_4(%arg0: i32) -> (i32, i32) {
    %c0_i32 = arith.constant 0 : i32
    %c0_i32_0 = arith.constant 0 : i32
    return %arg0, %c0_i32 : i32, i32
  }
}

module attributes {stable_mosaic.version = 14 : i64} {
  func.func @_final_body(%arg0: i32, %arg1: memref<2x1000x128xf32, #tpu.memory_space<vmem>>, %arg2: memref<1000x128xf32, #tpu.memory_space<vmem>>, %arg3: memref<1000x1xf32, #tpu.memory_space<vmem>>, %arg4: memref<128x40xf32, #tpu.memory_space<vmem>>, %arg5: memref<1x40xf32, #tpu.memory_space<vmem>>, %arg6: memref<1000x40xf32, #tpu.memory_space<vmem>>) attributes {dimension_semantics = [#tpu.dimension_semantics<arbitrary>], iteration_bounds = array<i64: 10>, scalar_prefetch = 0 : i64, scratch_operands = 0 : i64, tpu.core_type = #tpu.core_type<tc>, window_params = [{transform_indices = @transform_0, window_bounds = array<i64: 2, 1000, 128>}, {transform_indices = @transform_1, window_bounds = array<i64: 1000, 128>}, {transform_indices = @transform_2, window_bounds = array<i64: 1000, 1>}, {pipeline_mode = #tpu.pipeline_mode<synchronous>, transform_indices = @transform_3, window_bounds = array<i64: 128, 40>}, {pipeline_mode = #tpu.pipeline_mode<synchronous>, transform_indices = @transform_4, window_bounds = array<i64: 1, 40>}, {transform_indices = @transform_5, window_bounds = array<i64: 1000, 40>}]} {
    %get3A = arith.constant 0 : index
    %get3A_0 = arith.constant 0 : index
    %get3A_1 = arith.constant 0 : index
    %get3A_2 = vector.load %arg1[%get3A, %get3A_0, %get3A_1] : memref<2x1000x128xf32, #tpu.memory_space<vmem>>, vector<1x1000x128xf32>
    %get3A_3 = vector.shape_cast %get3A_2 : vector<1x1000x128xf32> to vector<1000x128xf32>
    %get3A_4 = arith.constant 1 : index
    %get3A_5 = arith.constant 0 : index
    %get3A_6 = arith.constant 0 : index
    %get3A_7 = vector.load %arg1[%get3A_4, %get3A_5, %get3A_6] : memref<2x1000x128xf32, #tpu.memory_space<vmem>>, vector<1x1000x128xf32>
    %get3A_8 = vector.shape_cast %get3A_7 : vector<1x1000x128xf32> to vector<1000x128xf32>
    %add3A = arith.addf %get3A_3, %get3A_8 : vector<1000x128xf32>
    %get3A_9 = arith.constant 0 : index
    %get3A_10 = arith.constant 0 : index
    %get3A_11 = vector.load %arg2[%get3A_9, %get3A_10] : memref<1000x128xf32, #tpu.memory_space<vmem>>, vector<1000x128xf32>
    %add3A_12 = arith.addf %add3A, %get3A_11 : vector<1000x128xf32>
    %get3A_13 = arith.constant 0 : index
    %get3A_14 = arith.constant 0 : index
    %get3A_15 = vector.load %arg4[%get3A_13, %get3A_14] : memref<128x40xf32, #tpu.memory_space<vmem>>, vector<128x40xf32>
    %dot_general3A = arith.constant dense<0.000000e+00> : vector<1000x40xf32>
    %dot_general3A_16 = tpu.matmul %add3A_12, %get3A_15, %dot_general3A {dimension_numbers = #tpu.dot_dimension_numbers<[1], [0], [0], [1], [0, 0, 1, 1], [], []>, transpose_lhs_hint = false} : vector<1000x128xf32>, vector<128x40xf32>, vector<1000x40xf32> -> vector<1000x40xf32>
    %get3A_17 = arith.constant 0 : index
    %get3A_18 = arith.constant 0 : index
    %get3A_19 = vector.load %arg3[%get3A_17, %get3A_18] : memref<1000x1xf32, #tpu.memory_space<vmem>>, vector<1000x1xf32>
    %mul3A = vector.broadcast %get3A_19 : vector<1000x1xf32> to vector<1000x40xf32>
    %mul3A_20 = arith.mulf %dot_general3A_16, %mul3A : vector<1000x40xf32>
    %get3A_21 = arith.constant 0 : index
    %get3A_22 = arith.constant 0 : index
    %get3A_23 = vector.load %arg5[%get3A_21, %get3A_22] : memref<1x40xf32, #tpu.memory_space<vmem>>, vector<1x40xf32>
    %add3A_24 = vector.broadcast %get3A_23 : vector<1x40xf32> to vector<1000x40xf32>
    %add3A_25 = arith.addf %mul3A_20, %add3A_24 : vector<1000x40xf32>
    %reduce_max3A = arith.constant dense<0xFF800000> : vector<1000xf32>
    %reduce_max3A_26 = vector.multi_reduction <maximumf>, %add3A_25, %reduce_max3A [1] : vector<1000x40xf32> to vector<1000xf32>
    %broadcast_in_dim3A = vector.shape_cast %reduce_max3A_26 : vector<1000xf32> to vector<1000x1xf32>
    %sub3A = vector.broadcast %broadcast_in_dim3A : vector<1000x1xf32> to vector<1000x40xf32>
    %sub3A_27 = arith.subf %add3A_25, %sub3A : vector<1000x40xf32>
    %exp3A = math.exp %sub3A_27 : vector<1000x40xf32>
    %reduce_sum3A = arith.constant dense<0.000000e+00> : vector<1000xf32>
    %reduce_sum3A_28 = vector.multi_reduction <add>, %exp3A, %reduce_sum3A [1] : vector<1000x40xf32> to vector<1000xf32>
    %broadcast_in_dim3A_29 = vector.shape_cast %reduce_sum3A_28 : vector<1000xf32> to vector<1000x1xf32>
    %log3A = math.log %broadcast_in_dim3A_29 : vector<1000x1xf32>
    %add3A_30 = arith.addf %log3A, %broadcast_in_dim3A : vector<1000x1xf32>
    %sub3A_31 = vector.broadcast %add3A_30 : vector<1000x1xf32> to vector<1000x40xf32>
    %sub3A_32 = arith.subf %add3A_25, %sub3A_31 : vector<1000x40xf32>
    %swap3A = arith.constant 0 : index
    %swap3A_33 = arith.constant 0 : index
    %swap3A_34 = vector.load %arg6[%swap3A, %swap3A_33] : memref<1000x40xf32, #tpu.memory_space<vmem>>, vector<1000x40xf32>
    tpu.vector_store %arg6[%swap3A, %swap3A_33], %sub3A_32 {strides = array<i32>} : memref<1000x40xf32, #tpu.memory_space<vmem>>, vector<1000x40xf32>,
    return
  }
  func.func @transform_0(%arg0: i32) -> (i32, i32, i32) {
    %c0_i32 = arith.constant 0 : i32
    %c0_i32_0 = arith.constant 0 : i32
    %c0_i32_1 = arith.constant 0 : i32
    return %c0_i32, %arg0, %c0_i32_0 : i32, i32, i32
  }
  func.func @transform_1(%arg0: i32) -> (i32, i32) {
    %c0_i32 = arith.constant 0 : i32
    %c0_i32_0 = arith.constant 0 : i32
    return %arg0, %c0_i32 : i32, i32
  }
  func.func @transform_2(%arg0: i32) -> (i32, i32) {
    %c0_i32 = arith.constant 0 : i32
    %c0_i32_0 = arith.constant 0 : i32
    return %arg0, %c0_i32 : i32, i32
  }
  func.func @transform_3(%arg0: i32) -> (i32, i32) {
    %c0_i32 = arith.constant 0 : i32
    %c0_i32_0 = arith.constant 0 : i32
    %c0_i32_1 = arith.constant 0 : i32
    return %c0_i32, %c0_i32_0 : i32, i32
  }
  func.func @transform_4(%arg0: i32) -> (i32, i32) {
    %c0_i32 = arith.constant 0 : i32
    %c0_i32_0 = arith.constant 0 : i32
    %c0_i32_1 = arith.constant 0 : i32
    return %c0_i32, %c0_i32_0 : i32, i32
  }
  func.func @transform_5(%arg0: i32) -> (i32, i32) {
    %c0_i32 = arith.constant 0 : i32
    %c0_i32_0 = arith.constant 0 : i32
    return %arg0, %c0_i32 : i32, i32
  }
}

</mosaic_0001>

<sc_bundles>
// kernel: kernel.13.cloned.1.call-start
scs
__scs_entry_jumppad:
0x0: {  	(pc) =	sbr.rel $0x88, $3  }
0x1: {  	(tag) =	ssettag $0x0;
	lr =	simm.s32 $0x1  }
0x2: {  	[smem:$0x3F97] =	sst lr;
	_ =	strace $0xD0000000  }
0x3: {  	_ = 	snop  }
0x4: {  	_ = 	snop  }
0x5: {  	_ = 	snop  }
0x6: {  	_ = 	snop  }
0x7: {  	_ = 	snop  }
__scs_overlays_trampoline_lowered:
0x8: {  	[smem:$0x3FA6] =	sst s0  }
0x9: {  	[smem:$0x3FA7] =	sst s1  }
0xa: {  	[smem:$0x3FA8] =	sst s2  }
0xb: {  	[smem:$0x3FA9] =	sst s3  }
0xc: {  	[smem:$0x3FAA] =	sst s4  }
0xd: {  	[smem:$0x3FAB] =	sst s5  }
0xe: {  	[smem:$0x3FAC] =	sst s6  }
0xf: {  	[smem:$0x3FAD] =	sst s7  }
0x10: {  	[smem:$0x3FAE] =	sst s8  }
0x11: {  	[smem:$0x3FAF] =	sst s9;
	s0 =	simm.s32 @!p0 $0x0  }
0x12: {  	s1 =	sld [smem:$0x3F95];
	s0 =	simm.s32 @p0 $0x1  }
0x13: {  	[smem:$0x3FB0] =	sst s0;
	s0 =	simm.s32 @!p1 $0x0  }
0x14: {  	s2 =	sld [smem:$0x3F94];
	s0 =	simm.s32 @p1 $0x1  }
0x15: {  	[smem:$0x3FB1] =	sst s0;
	s0 =	simm.s32 @!p2 $0x0  }
0x16: {  	s3 =	sld [smem:$0x3FDB];
	s0 =	simm.s32 @p2 $0x1  }
0x17: {  	s4 =	simm.s32 $0x1BF5;
	[smem:$0x3FB3] =	sst s0  }
0x18: {  	s0 =	sld [smem:$0x3F96];
	_ =	swait.ge [sflag:s4], $0x0  }
0x19: {  	s7 =	sld [smem:$0x3F97]  }
0x1a: {  	s8 =	sadd.s32 $0xFFFFE003, lr  }
0x1b: {  	s9 =	sadd.s32 $0xFFFFFEF7, lr;
	s5 =	simm.s32 $0xFFFFFFFF;
	p2 =	slt.u32 s8, $0xFFFFF086  }
0x1c: {  	p1 =	slt.u32 s9, $0xF7A;
	s5 =	simm.s32 @!p2 $0x0  }
0x1d: {  	s5 =	simm.s32 @p1 $0x1;
	p0 =	seq.s32 s7, s2  }
0x1e: {  	s7 =	smul.u32 @!p0 $0xF7A, s2;
	p2 =	seq.s32 @!p0 s5, $0x0  }
0x1f: {  	s9 =	smul.u32 $0xF7A, s1;
	s8 =	simm.s32 @!p0 $0x1BF5;
	p2 =	por !p2, p0  }
0x20: {  	[sflag:s8] =	ssyncset.s32 @!p0 $0xFFFFF086;
	s6 =	sadd.s32 @!p0 s3, s7;
	s7 =	simm.s32 @!p0 $0x108  }
0x21: {  	s3 =	sadd.s32 s3, s9;
	s6 =	sadd.s32 @!p0 $0x88, s6;
	s7 =	simm.s32 @p2 $0x1082  }
0x22: {  	[simem:s7], [sflag:s8] =	dma.local @!p0 [hbm:s6], $0xF7A  }
0x23: {  	s9 =	sor.u32 $0xD0000000, s2;
	s6 =	simm.s32 $0x108;
	_ =	swait.ge @!p0 [sflag:s8], $0x0  }
0x24: {  	s3 =	sadd.s32 $0x88, s3;
	s6 =	simm.s32 @!p1 $0x1082;
	[sflag:s4] =	ssyncset.s32 $0xFFFFF086  }
0x25: {  	[simem:s6], [sflag:s4] =	dma.local [hbm:s3], $0xF7A  }
0x26: {  	[smem:$0x3F97] =	sst s1;
	(tag) =	ssettag s2;
	_ =	strace s9  }
0x27: {  	s1 =	sld [smem:$0x3FA7]  }
0x28: {  	s2 =	sld [smem:$0x3FA8]  }
0x29: {  	s4 =	sld [smem:$0x3FAA]  }
0x2a: {  	p0 =	seq.s32 s5, $0x0;
	s5 =	sld [smem:$0x3FAB]  }
0x2b: {  	s6 =	sld [smem:$0x3FAC]  }
0x2c: {  	s7 =	sld [smem:$0x3FAD]  }
0x2d: {  	s3 =	simm.s32 $0x108;
	s8 =	sld [smem:$0x3FAE]  }
0x2e: {  	s3 =	simm.s32 @!p0 $0x1082;
	s9 =	sld [smem:$0x3FAF]  }
0x2f: {  	lr =	sadd.s32 s0, s3;
	s0 =	sld [smem:$0x3FA6]  }
0x30: {  	s3 =	sld [smem:$0x3FA9]  }
0x31: {  	[smem:$0x3FB2] =	sst s10  }
0x32: {  	s10 =	sld [smem:$0x3FB0];
	_ =	sdelay $0x3  }
0x33: {  	p0 =	seq.s32 s10, $0x1;
	s10 =	sld [smem:$0x3FB2];
	_ =	sdelay $0x3  }
0x34: {  	[smem:$0x3FB2] =	sst s10  }
0x35: {  	s10 =	sld [smem:$0x3FB1];
	_ =	sdelay $0x3  }
0x36: {  	p1 =	seq.s32 s10, $0x1;
	s10 =	sld [smem:$0x3FB2];
	_ =	sdelay $0x3  }
0x37: {  	[smem:$0x3FB2] =	sst s10  }
0x38: {  	s10 =	sld [smem:$0x3FB3]  }
0x39: {  	_ = 	snop;
	(pc) =	sbr.ind lr, $3  }
0x3a: {  	_ = 	snop  }
0x3b: {  	_ = 	snop  }
0x3c: {  	p2 =	seq.s32 s10, $0x1;
	s10 =	sld [smem:$0x3FB2]  }
0x3d: {  	_ =	shalt  }
0x3e: {  	_ =	shalt  }
0x3f: {  	_ =	shalt  }
0x40: {  	_ =	shalt  }
0x41: {  	_ =	shalt  }
0x42: {  	_ =	shalt  }
0x43: {  	_ =	shalt  }
0x44: {  	_ =	shalt  }
0x45: {  	_ =	shalt  }
0x46: {  	_ =	shalt  }
0x47: {  	_ =	shalt  }
0x48: {  	_ =	shalt  }
0x49: {  	_ =	shalt  }
0x4a: {  	_ =	shalt  }
0x4b: {  	_ =	shalt  }
0x4c: {  	_ =	shalt  }
0x4d: {  	_ =	shalt  }
0x4e: {  	_ =	shalt  }
0x4f: {  	_ =	shalt  }
0x50: {  	_ =	shalt  }
0x51: {  	_ =	shalt  }
0x52: {  	_ =	shalt  }
0x53: {  	_ =	shalt  }
0x54: {  	_ =	shalt  }
0x55: {  	_ =	shalt  }
0x56: {  	_ =	shalt  }
0x57: {  	_ =	shalt  }
0x58: {  	_ =	shalt  }
0x59: {  	_ =	shalt  }
0x5a: {  	_ =	shalt  }
0x5b: {  	_ =	shalt  }
0x5c: {  	_ =	shalt  }
0x5d: {  	_ =	shalt  }
0x5e: {  	_ =	shalt  }
0x5f: {  	_ =	shalt  }
0x60: {  	_ =	shalt  }
0x61: {  	_ =	shalt  }
0x62: {  	_ =	shalt  }
0x63: {  	_ =	shalt  }
0x64: {  	_ =	shalt  }
0x65: {  	_ =	shalt  }
0x66: {  	_ =	shalt  }
0x67: {  	_ =	shalt  }
0x68: {  	_ =	shalt  }
0x69: {  	_ =	shalt  }
0x6a: {  	_ =	shalt  }
0x6b: {  	_ =	shalt  }
0x6c: {  	_ =	shalt  }
0x6d: {  	_ =	shalt  }
0x6e: {  	_ =	shalt  }
0x6f: {  	_ =	shalt  }
0x70: {  	_ =	shalt  }
0x71: {  	_ =	shalt  }
0x72: {  	_ =	shalt  }
0x73: {  	_ =	shalt  }
0x74: {  	_ =	shalt  }
0x75: {  	_ =	shalt  }
0x76: {  	_ =	shalt  }
0x77: {  	_ =	shalt  }
0x78: {  	_ =	shalt  }
0x79: {  	_ =	shalt  }
0x7a: {  	_ =	shalt  }
0x7b: {  	_ =	shalt  }
0x7c: {  	_ =	shalt  }
0x7d: {  	_ =	shalt  }
0x7e: {  	_ =	shalt  }
0x7f: {  	_ =	shalt  }
0x80: {  	_ =	shalt  }
0x81: {  	_ =	shalt  }
0x82: {  	_ =	shalt  }
0x83: {  	_ =	shalt  }
0x84: {  	_ =	shalt  }
0x85: {  	_ =	shalt  }
0x86: {  	_ =	shalt  }
0x87: {  	_ =	shalt  }
.Lfunc_end0:
.L_simem_size_0:
called_computation_lowered:
.L_overlay_start_0:
0x88: {  	s2 =	sld [smem:$0x3FD9]  }
0x89: {  	s3 =	sld [smem:$0x3FFE];
	_ =	sdelay $0x1  }
0x8a: {  	s1 =	srdreg.scid  }
0x8b: {  	s0 =	sand.u32 $0x1, s1  }
0x8c: {  	s17 =	sshll.u32 s0, $0xA;
	s2 =	sadd.s32 s3, s2  }
0x8d: {  	s2 =	sadd.s32 s2, s17  }
0x8e: {  	[smem:$0x3FBE] =	sst s2  }
0x8f: {  	_ = 	snop  }
0x90: {  	s2 =	sld [smem:$0x3FD0];
	(tm) =	ssettm $0x1  }
0x91: {  	s18 =	sld [smem:$0x3FFB];
	_ =	sdelay $0x3  }
0x92: {  	_ =	strace s18  }
0x93: {  	s3 =	sld [smem:$0x3FFC];
	_ =	sdelay $0x3  }
0x94: {  	_ =	strace s3  }
0x95: {  	s3 =	sld [smem:$0x3FFD];
	_ =	sdelay $0x3  }
0x96: {  	_ =	strace s3  }
0x97: {  	_ =	strace $0x8FFFFFFF  }
0x98: {  	s19 =	sld [smem:$0x3FDB];
	_ =	sdelay $0x1  }
0x99: {  	s4 =	simm.s32 $_scs_section_size  }
0x9a: {  	s5 =	simm.s32 $_size__tile_overlayer_lowered;
	s6 =	simm.s32 $_tile_overlayer_lowered  }
0x9b: {  	s22 =	simm.s32 $0x1BFF;
	s21 =	sshll.u32 s6, $0x1;
	s3 =	sadd.s32 s4, s19  }
0x9c: {  	s7 =	simm.s32 $0x0;
	s20 =	sshll.u32 s5, $0x1;
	s5 =	sadd.s32 s21, s3  }
0x9d: {  	[timem:s7], [sflag:s22] =	dma.local [hbm:s5], s20  }
0x9e: {  	_ =	swait.ge [sflag:s22], s20  }
0x9f: {  	s4 =	ssub.s32 $0x0, s20;
	[sflag:s22] =	ssyncset.done $0x0  }
0xa0: {  	[sflag:s22] =	ssyncadd.s32 s4;
	_ =	sdelay $0x1  }
0xa1: {  	s23 =	simm.s32 $0x1B8B  }
0xa2: {  	_ =	swait.ge [sflag:s23], $0x1  }
0xa3: {  	[sflag:s23] =	ssyncset.done $0x0  }
0xa4: {  	s25 =	simm.s32 $0x1B8E;
	s24 =	sld [smem:$0x3FFE];
	[sflag:s23] =	ssyncadd.s32 $0xFFFFFFFF  }
0xa5: {  	s26 =	simm.s32 $execute0_lowered;
	[smem:$0x3FD2] =	sst s25  }
0xa6: {  	s5 =	sshll.u32 s26, $0x1;
	_ =	strace $0x80000046;
	[dreg:$0x1] =	wrdreg $0xFFFFFFFF  }
0xa7: {  	s28 =	simm.s32 $_size_execute0_lowered;
	s3 =	sadd.s32 s3, s5;
	[dreg:$0x0] =	wrdreg $0x0  }
0xa8: {  	s5 =	sshll.u32 s28, $0x1;
	[dreg:$0x2] =	wrdreg s3  }
0xa9: {  	[dreg:$0x3] =	wrdreg s5  }
0xaa: {  	[dreg:$0x4] =	wrdreg $0xC0  }
0xab: {  	_ =	task [dreg:s7], $0x5FFFF  }
0xac: {  	[dreg:$0x1] =	wrdreg $0xFFFFFFFF  }
0xad: {  	[dreg:$0x0] =	wrdreg $0x60  }
0xae: {  	[dreg:$0x2] =	wrdreg s2  }
0xaf: {  	[dreg:$0x3] =	wrdreg s24  }
0xb0: {  	[dreg:$0x4] =	wrdreg $0x68000  }
0xb1: {  	[dreg:$0x5] =	wrdreg $0x9  }
0xb2: {  	_ =	task.clear_ibuf [dreg:s7], $0x6FFFF;
	_ =	strace $0x90000046  }
0xb3: {  	s29 =	simm.s32 $0x9;
	_ =	strace $0x80000048  }
0xb4: {  	_ =	swait.ge [sflag:s29], $0x1  }
0xb5: {  	[sflag:s29] =	ssyncadd.s32 $0xFFFFFFFF  }
0xb6: {  	_ =	strace $0x90000048  }
0xb7: {  	_ =	sfence  }
0xb8: {  	s30 =	sld [smem:$0x0];
	_ =	sdelay $0x2  }
0xb9: {  	s31 =	sshll.u32 s1, $0xD;
	s1 =	sshrl.u32 s1, $0x2  }
0xba: {  	s3 =	sand.u32 $0x4000, s31;
	s1 =	sadd.s32 s1, s30  }
0xbb: {  	s0 =	sor.u32 s3, s0;
	s1 =	sshll.u32 s1, $0x11  }
0xbc: {  	s0 =	sor.u32 s1, s0  }
0xbd: {  	s0 =	sadd.s32 $0x8F2B, s0  }
0xbe: {  	[sflag:s0] =	ssyncadd.remote.s32 $0x1  }
0xbf: {  	_ =	sfence.sel $0xFFFF  }
0xc0: {  	[dreg:$0x0] =	wrdreg $0xFFFFFFFF;
	(pc) =	sbr.abs _section_cstart, $3  }
0xc1: {  	[dreg:$0x1] =	wrdreg $0xFFFFFFFF  }
0xc2: {  	_ =	task.clear_ibuf [dreg:s7], $0x2FFFF;
	_ =	strace $0x9FFFFFFF  }
0xc3: {  	(tm) =	ssettm $0x7FFFFFFF  }
tec
execute0_lowered:
.L_overlay_start_1:
0x0: {  	(tag) =	ssettag $0x1  }
0x1: {  	s7 =	rddreg [dreg:$0x0]  }
0x2: {  	s6 =	rddreg [dreg:$0x1]  }
0x3: {  	s1 =	rddreg [dreg:$0x2]  }
0x4: {  	s2 =	srdreg.scid;
	s0 =	rddreg [dreg:$0x3];
	s3 =	simm.s32 $0x0  }
0x5: {  	s12 =	simm.s32 $0x2800;
	s13 =	simm.s32 $0x80;
	s8 =	sand.u32 $0x1, s2  }
0x6: {  	s14 =	simm.s32 $0x0;
	s2 =	stileid.u32;
	s9 =	smul.u32 $0x13C000, s8  }
0x7: {  	[smem:$0x7FF] =	sst s3;
	s4 =	sadd.s32 $0x10600, s6;
	s10 =	smul.u32 $0x13C00, s2  }
0x8: {  	s5 =	sadd.s32 $0xDE00, s6;
	_ =	strace $0x80000047;
	s28 =	smul.u32 $0x4F000, s2  }
0x9: {  	s11 =	sshll.u32 s2, $0x1;
	s29 =	ssub.s32 $0x2, s8;
	s31 =	sshll.u32 s2, $0x6  }
0xa: {  	s8 =	sor.u32 s8, s11;
	s30 =	sshrl.u32 s29, $0x1;
	s9 =	sadd.s32 s10, s9  }
0xb: {  	s10 =	sshrl.u32 s28, $0x2;
	s8 =	smul.u32 $0x500, s8;
	s9 =	sshrl.u32 s9, $0x3  }
0xc: {  	s11 =	ssub.s32 s29, s30;
	s10 =	sadd.s32 s10, s1;
	s9 =	sadd.s32 s9, s6  }
0xd: {  	s6 =	sor.u32 $0x1C01, s31;
	s7 =	sadd.s32 s7, s8;
	s10 =	sshrl.u32 s10, $0x3  }
0xe: {  	s8 =	sadd.s32 $0x10E00, s9;
	s9 =	smax.u32 s11, $0x1;
	s11 =	simm.s32 $0x1  }
.LBB2_1:
0xf: {  	[spmem:s10], [sflag:s6] =	dma.local [hbm:s5], $0x2780  }
0x10: {  	_ =	swait.ge [sflag:s11], $0x2780  }
0x11: {  	[sflag:s11] =	ssyncset.done $0x0  }
0x12: {  	[sflag:s11] =	ssyncadd.s32 $0xFFFFD880  }
0x13: {  	[tilespmem:s3], [sflag:$0x1] =	stream.linear.gather [hbm4b:s7+s3], $0x2800, $0x38;
	[tilespmem:$0x1A400] =	vst v63  }
0x14: {  	_ =	swait.ge [sflag:s11], $0x2800  }
0x15: {  	[sflag:s11] =	ssyncset.done $0x0  }
0x16: {  	[sflag:s11] =	ssyncadd.s32 $0xFFFFD800  }
0x17: {  	[tilespmem:s12], [sflag:$0x1] =	stream.linear.gather [hbm4b:s4+s3], $0x4000, $0x38;
	[tilespmem:$0x1A400] =	vst v63  }
0x18: {  	_ =	swait.ge [sflag:s11], $0x4000  }
0x19: {  	[sflag:s11] =	ssyncset.done $0x0  }
0x1a: {  	[sflag:s11] =	ssyncadd.s32 $0xFFFFC000  }
0x1b: {  	s15 =	simm.s32 $0x0;
	[bflag:$0x0] =	sbarrier.arrive $0xFFFF  }
0x1c: {  	[spmem:s1] =	stream.indirect.scatter.add.f32 [tilespmem:s12], [sflag:$0x1], $0x80, s15, s13, $0xb8;
	[tilespmem:$0x1A400] =	vst v63  }
0x1d: {  	_ =	swait.ge [sflag:s11], $0x4000  }
0x1e: {  	s15 =	simm.s32 $0x200;
	[sflag:s11] =	ssyncset.done $0x0  }
.LBB2_2:
0x1f: {  	s16 =	sshra.s32 s15, $0x2;
	[sflag:s11] =	ssyncadd.s32 $0xFFFFC000;
	p0 =	sne.s32 s15, $0x9E00  }
0x20: {  	[spmem:s1] =	stream.indirect.scatter.add.f32 [tilespmem:s12], [sflag:$0x1], $0x80, s16, s13, $0xb8;
	[tilespmem:$0x1A400] =	vst v63  }
.Ltmp0:
0x21: {  	_ = 	snop;
	(pc) =	sbr.rel @p0 .LBB2_2-.Ltmp0, $4  }
0x22: {  	_ = 	snop  }
0x23: {  	s15 =	sadd.s32 $0x200, s15  }
0x24: {  	_ =	swait.ge [sflag:s11], $0x4000  }
0x25: {  	[sflag:s11] =	ssyncset.done $0x0  }
0x26: {  	s14 =	sadd.s32 $0x1, s14  }
0x27: {  	[sflag:s11] =	ssyncadd.s32 $0xFFFFC000;
	p0 =	sne.s32 s14, s9  }
.Ltmp1:
0x28: {  	[bflag:$0x0] =	sbarrier.arrive $0xFFFF;
	(pc) =	sbr.rel @p0 .LBB2_1-.Ltmp1, $4  }
0x29: {  	[hbm:s8], [sflag:s6] =	dma.local [spmem:s10], $0x2780  }
0x2a: {  	_ =	swait.ge [sflag:s11], $0x2780  }
0x2b: {  	[sflag:s11] =	ssyncset.done $0x0  }
0x2c: {  	[sflag:s11] =	ssyncadd.s32 $0xFFFFD880  }
0x2d: {  	_ =	sfence.sel $0x180000  }
0x2e: {  	[bflag:$0x0] =	sbarrier.arrive $0xFFFF  }
0x2f: {  	p0 =	sne.s32 s2, $0x0;
	_ =	strace $0x90000047  }
0x30: {  	s0 =	sadd.s32 @!p0 $0x100000, s0;
	[bflag:$0x2] =	sbarrier.arrive $0xFFFF  }
0x31: {  	[sflag:s0] =	ssyncadd.tile.s32 @!p0 $0x1;
	_ =	shalt  }
.Lfunc_end2:
_tile_overlayer_lowered:
.L_overlay_start_2:
0x32: {  	(tag) =	ssettag $0x2  }
0x33: {  	s0 =	rddreg [dreg:$0x0];
	s2 =	stileid.u32  }
0x34: {  	s1 =	rddreg [dreg:$0x1];
	p0 =	sne.s32 s2, $0x0  }
0x35: {  	s3 =	rddreg [dreg:$0x2];
	[bflag:$0x3] =	sbarrier.arrive $0xFFFF;
	s2 =	simm.s32 @!p0 $0x1C01  }
0x36: {  	[timem:s3], [sflag:s2] =	dma.local @!p0 [hbm:s0], s1  }
0x37: {  	s0 =	simm.s32 @!p0 $0x1  }
0x38: {  	_ =	swait.ge @!p0 [sflag:s0], s1  }
0x39: {  	s1 =	ssub.s32 @!p0 $0x0, s1;
	[sflag:s0] =	ssyncset.done @!p0 $0x0  }
0x3a: {  	[sflag:s0] =	ssyncadd.s32 @!p0 s1  }
0x3b: {  	[bflag:$0x3] =	sbarrier.arrive $0xFFFF  }
0x3c: {  	_ =	shalt  }

// kernel: kernel.16.cloned.1.call-start
scs
__scs_entry_jumppad:
0x0: {  	(pc) =	sbr.rel $0x88, $3  }
0x1: {  	(tag) =	ssettag $0x0;
	lr =	simm.s32 $0x1  }
0x2: {  	[smem:$0x3F97] =	sst lr;
	_ =	strace $0xD0000000  }
0x3: {  	_ = 	snop  }
0x4: {  	_ = 	snop  }
0x5: {  	_ = 	snop  }
0x6: {  	_ = 	snop  }
0x7: {  	_ = 	snop  }
__scs_overlays_trampoline_lowered:
0x8: {  	[smem:$0x3FA6] =	sst s0  }
0x9: {  	[smem:$0x3FA7] =	sst s1  }
0xa: {  	[smem:$0x3FA8] =	sst s2  }
0xb: {  	[smem:$0x3FA9] =	sst s3  }
0xc: {  	[smem:$0x3FAA] =	sst s4  }
0xd: {  	[smem:$0x3FAB] =	sst s5  }
0xe: {  	[smem:$0x3FAC] =	sst s6  }
0xf: {  	[smem:$0x3FAD] =	sst s7  }
0x10: {  	[smem:$0x3FAE] =	sst s8  }
0x11: {  	[smem:$0x3FAF] =	sst s9;
	s0 =	simm.s32 @!p0 $0x0  }
0x12: {  	s1 =	sld [smem:$0x3F95];
	s0 =	simm.s32 @p0 $0x1  }
0x13: {  	[smem:$0x3FB0] =	sst s0;
	s0 =	simm.s32 @!p1 $0x0  }
0x14: {  	s2 =	sld [smem:$0x3F94];
	s0 =	simm.s32 @p1 $0x1  }
0x15: {  	[smem:$0x3FB1] =	sst s0;
	s0 =	simm.s32 @!p2 $0x0  }
0x16: {  	s3 =	sld [smem:$0x3FDB];
	s0 =	simm.s32 @p2 $0x1  }
0x17: {  	s4 =	simm.s32 $0x1BF5;
	[smem:$0x3FB3] =	sst s0  }
0x18: {  	s0 =	sld [smem:$0x3F96];
	_ =	swait.ge [sflag:s4], $0x0  }
0x19: {  	s7 =	sld [smem:$0x3F97]  }
0x1a: {  	s8 =	sadd.s32 $0xFFFFE003, lr  }
0x1b: {  	s9 =	sadd.s32 $0xFFFFFEF7, lr;
	s5 =	simm.s32 $0xFFFFFFFF;
	p2 =	slt.u32 s8, $0xFFFFF086  }
0x1c: {  	p1 =	slt.u32 s9, $0xF7A;
	s5 =	simm.s32 @!p2 $0x0  }
0x1d: {  	s5 =	simm.s32 @p1 $0x1;
	p0 =	seq.s32 s7, s2  }
0x1e: {  	s7 =	smul.u32 @!p0 $0xF7A, s2;
	p2 =	seq.s32 @!p0 s5, $0x0  }
0x1f: {  	s9 =	smul.u32 $0xF7A, s1;
	s8 =	simm.s32 @!p0 $0x1BF5;
	p2 =	por !p2, p0  }
0x20: {  	[sflag:s8] =	ssyncset.s32 @!p0 $0xFFFFF086;
	s6 =	sadd.s32 @!p0 s3, s7;
	s7 =	simm.s32 @!p0 $0x108  }
0x21: {  	s3 =	sadd.s32 s3, s9;
	s6 =	sadd.s32 @!p0 $0x88, s6;
	s7 =	simm.s32 @p2 $0x1082  }
0x22: {  	[simem:s7], [sflag:s8] =	dma.local @!p0 [hbm:s6], $0xF7A  }
0x23: {  	s9 =	sor.u32 $0xD0000000, s2;
	s6 =	simm.s32 $0x108;
	_ =	swait.ge @!p0 [sflag:s8], $0x0  }
0x24: {  	s3 =	sadd.s32 $0x88, s3;
	s6 =	simm.s32 @!p1 $0x1082;
	[sflag:s4] =	ssyncset.s32 $0xFFFFF086  }
0x25: {  	[simem:s6], [sflag:s4] =	dma.local [hbm:s3], $0xF7A  }
0x26: {  	[smem:$0x3F97] =	sst s1;
	(tag) =	ssettag s2;
	_ =	strace s9  }
0x27: {  	s1 =	sld [smem:$0x3FA7]  }
0x28: {  	s2 =	sld [smem:$0x3FA8]  }
0x29: {  	s4 =	sld [smem:$0x3FAA]  }
0x2a: {  	p0 =	seq.s32 s5, $0x0;
	s5 =	sld [smem:$0x3FAB]  }
0x2b: {  	s6 =	sld [smem:$0x3FAC]  }
0x2c: {  	s7 =	sld [smem:$0x3FAD]  }
0x2d: {  	s3 =	simm.s32 $0x108;
	s8 =	sld [smem:$0x3FAE]  }
0x2e: {  	s3 =	simm.s32 @!p0 $0x1082;
	s9 =	sld [smem:$0x3FAF]  }
0x2f: {  	lr =	sadd.s32 s0, s3;
	s0 =	sld [smem:$0x3FA6]  }
0x30: {  	s3 =	sld [smem:$0x3FA9]  }
0x31: {  	[smem:$0x3FB2] =	sst s10  }
0x32: {  	s10 =	sld [smem:$0x3FB0];
	_ =	sdelay $0x3  }
0x33: {  	p0 =	seq.s32 s10, $0x1;
	s10 =	sld [smem:$0x3FB2];
	_ =	sdelay $0x3  }
0x34: {  	[smem:$0x3FB2] =	sst s10  }
0x35: {  	s10 =	sld [smem:$0x3FB1];
	_ =	sdelay $0x3  }
0x36: {  	p1 =	seq.s32 s10, $0x1;
	s10 =	sld [smem:$0x3FB2];
	_ =	sdelay $0x3  }
0x37: {  	[smem:$0x3FB2] =	sst s10  }
0x38: {  	s10 =	sld [smem:$0x3FB3]  }
0x39: {  	_ = 	snop;
	(pc) =	sbr.ind lr, $3  }
0x3a: {  	_ = 	snop  }
0x3b: {  	_ = 	snop  }
0x3c: {  	p2 =	seq.s32 s10, $0x1;
	s10 =	sld [smem:$0x3FB2]  }
0x3d: {  	_ =	shalt  }
0x3e: {  	_ =	shalt  }
0x3f: {  	_ =	shalt  }
0x40: {  	_ =	shalt  }
0x41: {  	_ =	shalt  }
0x42: {  	_ =	shalt  }
0x43: {  	_ =	shalt  }
0x44: {  	_ =	shalt  }
0x45: {  	_ =	shalt  }
0x46: {  	_ =	shalt  }
0x47: {  	_ =	shalt  }
0x48: {  	_ =	shalt  }
0x49: {  	_ =	shalt  }
0x4a: {  	_ =	shalt  }
0x4b: {  	_ =	shalt  }
0x4c: {  	_ =	shalt  }
0x4d: {  	_ =	shalt  }
0x4e: {  	_ =	shalt  }
0x4f: {  	_ =	shalt  }
0x50: {  	_ =	shalt  }
0x51: {  	_ =	shalt  }
0x52: {  	_ =	shalt  }
0x53: {  	_ =	shalt  }
0x54: {  	_ =	shalt  }
0x55: {  	_ =	shalt  }
0x56: {  	_ =	shalt  }
0x57: {  	_ =	shalt  }
0x58: {  	_ =	shalt  }
0x59: {  	_ =	shalt  }
0x5a: {  	_ =	shalt  }
0x5b: {  	_ =	shalt  }
0x5c: {  	_ =	shalt  }
0x5d: {  	_ =	shalt  }
0x5e: {  	_ =	shalt  }
0x5f: {  	_ =	shalt  }
0x60: {  	_ =	shalt  }
0x61: {  	_ =	shalt  }
0x62: {  	_ =	shalt  }
0x63: {  	_ =	shalt  }
0x64: {  	_ =	shalt  }
0x65: {  	_ =	shalt  }
0x66: {  	_ =	shalt  }
0x67: {  	_ =	shalt  }
0x68: {  	_ =	shalt  }
0x69: {  	_ =	shalt  }
0x6a: {  	_ =	shalt  }
0x6b: {  	_ =	shalt  }
0x6c: {  	_ =	shalt  }
0x6d: {  	_ =	shalt  }
0x6e: {  	_ =	shalt  }
0x6f: {  	_ =	shalt  }
0x70: {  	_ =	shalt  }
0x71: {  	_ =	shalt  }
0x72: {  	_ =	shalt  }
0x73: {  	_ =	shalt  }
0x74: {  	_ =	shalt  }
0x75: {  	_ =	shalt  }
0x76: {  	_ =	shalt  }
0x77: {  	_ =	shalt  }
0x78: {  	_ =	shalt  }
0x79: {  	_ =	shalt  }
0x7a: {  	_ =	shalt  }
0x7b: {  	_ =	shalt  }
0x7c: {  	_ =	shalt  }
0x7d: {  	_ =	shalt  }
0x7e: {  	_ =	shalt  }
0x7f: {  	_ =	shalt  }
0x80: {  	_ =	shalt  }
0x81: {  	_ =	shalt  }
0x82: {  	_ =	shalt  }
0x83: {  	_ =	shalt  }
0x84: {  	_ =	shalt  }
0x85: {  	_ =	shalt  }
0x86: {  	_ =	shalt  }
0x87: {  	_ =	shalt  }
.Lfunc_end0:
.L_simem_size_0:
called_computation.1_lowered:
.L_overlay_start_0:
0x88: {  	s2 =	sld [smem:$0x3FD9]  }
0x89: {  	s3 =	sld [smem:$0x3FFE];
	_ =	sdelay $0x1  }
0x8a: {  	s1 =	srdreg.scid  }
0x8b: {  	s0 =	sand.u32 $0x1, s1  }
0x8c: {  	s17 =	sshll.u32 s0, $0xA;
	s2 =	sadd.s32 s3, s2  }
0x8d: {  	s2 =	sadd.s32 s2, s17  }
0x8e: {  	[smem:$0x3FBE] =	sst s2  }
0x8f: {  	_ = 	snop  }
0x90: {  	s2 =	sld [smem:$0x3FD0];
	(tm) =	ssettm $0x1  }
0x91: {  	s18 =	sld [smem:$0x3FFB];
	_ =	sdelay $0x3  }
0x92: {  	_ =	strace s18  }
0x93: {  	s3 =	sld [smem:$0x3FFC];
	_ =	sdelay $0x3  }
0x94: {  	_ =	strace s3  }
0x95: {  	s3 =	sld [smem:$0x3FFD];
	_ =	sdelay $0x3  }
0x96: {  	_ =	strace s3  }
0x97: {  	_ =	strace $0x8FFFFFFF  }
0x98: {  	s19 =	sld [smem:$0x3FDB];
	_ =	sdelay $0x1  }
0x99: {  	s4 =	simm.s32 $_scs_section_size  }
0x9a: {  	s5 =	simm.s32 $_size__tile_overlayer_lowered;
	s6 =	simm.s32 $_tile_overlayer_lowered  }
0x9b: {  	s22 =	simm.s32 $0x1BFF;
	s21 =	sshll.u32 s6, $0x1;
	s3 =	sadd.s32 s4, s19  }
0x9c: {  	s7 =	simm.s32 $0x0;
	s20 =	sshll.u32 s5, $0x1;
	s5 =	sadd.s32 s21, s3  }
0x9d: {  	[timem:s7], [sflag:s22] =	dma.local [hbm:s5], s20  }
0x9e: {  	_ =	swait.ge [sflag:s22], s20  }
0x9f: {  	s4 =	ssub.s32 $0x0, s20;
	[sflag:s22] =	ssyncset.done $0x0  }
0xa0: {  	[sflag:s22] =	ssyncadd.s32 s4;
	_ =	sdelay $0x1  }
0xa1: {  	s23 =	simm.s32 $0x1B8B  }
0xa2: {  	_ =	swait.ge [sflag:s23], $0x1  }
0xa3: {  	[sflag:s23] =	ssyncset.done $0x0  }
0xa4: {  	s25 =	simm.s32 $0x1B8E;
	s24 =	sld [smem:$0x3FFE];
	[sflag:s23] =	ssyncadd.s32 $0xFFFFFFFF  }
0xa5: {  	s26 =	simm.s32 $execute0_lowered;
	[smem:$0x3FD2] =	sst s25  }
0xa6: {  	s5 =	sshll.u32 s26, $0x1;
	_ =	strace $0x80000049;
	[dreg:$0x1] =	wrdreg $0xFFFFFFFF  }
0xa7: {  	s28 =	simm.s32 $_size_execute0_lowered;
	s3 =	sadd.s32 s3, s5;
	[dreg:$0x0] =	wrdreg $0x0  }
0xa8: {  	s5 =	sshll.u32 s28, $0x1;
	[dreg:$0x2] =	wrdreg s3  }
0xa9: {  	[dreg:$0x3] =	wrdreg s5  }
0xaa: {  	[dreg:$0x4] =	wrdreg $0xC0  }
0xab: {  	_ =	task [dreg:s7], $0x5FFFF  }
0xac: {  	[dreg:$0x1] =	wrdreg $0xFFFFFFFF  }
0xad: {  	[dreg:$0x0] =	wrdreg $0x60  }
0xae: {  	[dreg:$0x2] =	wrdreg s24  }
0xaf: {  	[dreg:$0x3] =	wrdreg s2  }
0xb0: {  	[dreg:$0x4] =	wrdreg $0xA8000  }
0xb1: {  	[dreg:$0x5] =	wrdreg $0x9  }
0xb2: {  	_ =	task.clear_ibuf [dreg:s7], $0x6FFFF;
	_ =	strace $0x90000049  }
0xb3: {  	s29 =	simm.s32 $0x9;
	_ =	strace $0x8000004B  }
0xb4: {  	_ =	swait.ge [sflag:s29], $0x1  }
0xb5: {  	[sflag:s29] =	ssyncadd.s32 $0xFFFFFFFF  }
0xb6: {  	_ =	strace $0x9000004B  }
0xb7: {  	_ =	sfence  }
0xb8: {  	s30 =	sld [smem:$0x0];
	_ =	sdelay $0x2  }
0xb9: {  	s31 =	sshll.u32 s1, $0xD;
	s1 =	sshrl.u32 s1, $0x2  }
0xba: {  	s3 =	sand.u32 $0x4000, s31;
	s1 =	sadd.s32 s1, s30  }
0xbb: {  	s0 =	sor.u32 s3, s0;
	s1 =	sshll.u32 s1, $0x11  }
0xbc: {  	s0 =	sor.u32 s1, s0  }
0xbd: {  	s0 =	sadd.s32 $0x8F2B, s0  }
0xbe: {  	[sflag:s0] =	ssyncadd.remote.s32 $0x1  }
0xbf: {  	_ =	sfence.sel $0xFFFF  }
0xc0: {  	[dreg:$0x0] =	wrdreg $0xFFFFFFFF;
	(pc) =	sbr.abs _section_cstart, $3  }
0xc1: {  	[dreg:$0x1] =	wrdreg $0xFFFFFFFF  }
0xc2: {  	_ =	task.clear_ibuf [dreg:s7], $0x2FFFF;
	_ =	strace $0x9FFFFFFF  }
0xc3: {  	(tm) =	ssettm $0x7FFFFFFF  }
tec
execute0_lowered:
.L_overlay_start_1:
0x0: {  	(tag) =	ssettag $0x1  }
0x1: {  	s6 =	rddreg [dreg:$0x0]  }
0x2: {  	s14 =	rddreg [dreg:$0x1]  }
0x3: {  	s1 =	rddreg [dreg:$0x2]  }
0x4: {  	s2 =	srdreg.scid;
	s3 =	simm.s32 $0x0;
	s0 =	stileid.u32  }
0x5: {  	s19 =	simm.s32 $0x1400;
	s20 =	simm.s32 $0x80;
	s21 =	simm.s32 $0x2800  }
0x6: {  	s22 =	simm.s32 $0x6800;
	s23 =	simm.s32 $0x1;
	s8 =	smul.u32 $0x13C00, s0  }
0x7: {  	s28 =	simm.s32 $0x2780;
	s7 =	sand.u32 $0x1, s2;
	s10 =	smul.u32 $0x4F000, s0  }
0x8: {  	[smem:$0x7FF] =	sst s3;
	s4 =	sadd.s32 $0x10600, s6;
	s26 =	smul.u32 $0x2800, s0  }
0x9: {  	s13 =	sadd.s32 $0x3E00, s6;
	s29 =	sshll.u32 s0, $0x6;
	s30 =	smul.u32 $0x500, s0  }
0xa: {  	s5 =	smul.u32 $0x13C000, s7;
	_ =	strace $0x8000004A;
	s9 =	ssub.s32 $0x2, s7  }
0xb: {  	p0 =	seq.s32 s7, $0x1;
	s24 =	sshrl.u32 s9, $0x1;
	s25 =	sshrl.u32 s10, $0x2  }
0xc: {  	s18 =	sshrl.u32 s26, $0x3;
	s7 =	sadd.s32 s13, s30;
	s26 =	simm.s32 $0x2700  }
0xd: {  	s5 =	sadd.s32 s8, s5;
	s16 =	ssub.s32 s9, s24;
	s17 =	sadd.s32 s25, s1  }
0xe: {  	s31 =	sadd.s32 $0x280, s18;
	s12 =	sadd.s32 $0x5000, s18;
	s18 =	sadd.s32 $0x5280, s18  }
0xf: {  	s24 =	simm.s32 $0x2;
	s25 =	simm.s32 $0x1380;
	s8 =	sshrl.u32 s5, $0x3  }
.Ltmp0:
0x10: {  	s5 =	sadd.s32 $0xDE00, s6;
	s9 =	sadd.s32 s13, s31;
	(pc) =	sbr.rel .LBB2_1-.Ltmp0, $4  }
0x11: {  	s10 =	sadd.s32 s14, s31;
	s11 =	sadd.s32 s13, s12;
	s12 =	sadd.s32 s14, s12  }
0x12: {  	s13 =	sadd.s32 s13, s18;
	s16 =	smax.u32 s16, $0x1;
	s17 =	sshrl.u32 s17, $0x3  }
0x13: {  	s15 =	sadd.s32 s8, s6;
	s6 =	sor.u32 $0x1C03, s29;
	s8 =	sadd.s32 s14, s30  }
0x14: {  	s14 =	sadd.s32 s14, s18;
	s18 =	simm.s32 $0x3;
	s15 =	sadd.s32 $0x37800, s15  }
.LBB2_11:
0x15: {  	s0 =	sadd.s32 $0x80, s29;
	[sflag:s18] =	ssyncadd.s32 $0xFFFFC000  }
0x16: {  	[tilespmem:s22], [sflag:$0x2] =	stream.indirect.gather [hbm4b:s4+s20], $0x80, s0, s20, $0xb8;
	[tilespmem:$0x1E400] =	vst v63  }
0x17: {  	_ =	swait.ge [sflag:s23], $0x4000  }
0x18: {  	[sflag:s23] =	ssyncset.done $0x0  }
0x19: {  	s2 =	sadd.s32 $0x1400, s29;
	[sflag:s23] =	ssyncadd.s32 $0xFFFFC000  }
0x1a: {  	[spmem:s1] =	stream.indirect.scatter.add.f32 [tilespmem:s21], [sflag:$0x3], $0x80, s2, s20, $0xb8;
	[tilespmem:$0x1E400] =	vst v63  }
0x1b: {  	_ =	swait.ge [sflag:s18], $0x4000  }
0x1c: {  	[sflag:s18] =	ssyncset.done $0x0  }
0x1d: {  	s30 =	sadd.s32 $0x100, s29;
	[sflag:s18] =	ssyncadd.s32 $0xFFFFC000  }
0x1e: {  	[tilespmem:s21], [sflag:$0x1] =	stream.indirect.gather [hbm4b:s4+s20], $0x80, s30, s20, $0xb8;
	[tilespmem:$0x1E400] =	vst v63  }
0x1f: {  	_ =	swait.ge [sflag:s24], $0x4000  }
0x20: {  	[sflag:s24] =	ssyncset.done $0x0  }
0x21: {  	s31 =	sadd.s32 $0x1480, s29;
	[sflag:s24] =	ssyncadd.s32 $0xFFFFC000  }
0x22: {  	[spmem:s1] =	stream.indirect.scatter.add.f32 [tilespmem:s22], [sflag:$0x3], $0x80, s31, s20, $0xb8;
	[tilespmem:$0x1E400] =	vst v63  }
0x23: {  	_ =	swait.ge [sflag:s18], $0x4000  }
0x24: {  	[sflag:s18] =	ssyncset.done $0x0  }
0x25: {  	[sflag:s18] =	ssyncadd.s32 $0xFFFFC000  }
.LBB2_12:
0x26: {  	[tilespmem:s22], [sflag:$0x2] =	stream.indirect.gather [hbm4b:s4+s20], $0x80, s25, s20, $0xb8;
	[tilespmem:$0x1E400] =	vst v63  }
0x27: {  	_ =	swait.ge [sflag:s23], $0x4000  }
0x28: {  	[sflag:s23] =	ssyncset.done $0x0  }
0x29: {  	[sflag:s23] =	ssyncadd.s32 $0xFFFFC000  }
0x2a: {  	[spmem:s1] =	stream.indirect.scatter.add.f32 [tilespmem:s21], [sflag:$0x3], $0x80, s26, s20, $0xb8;
	[tilespmem:$0x1E400] =	vst v63  }
0x2b: {  	_ =	swait.ge [sflag:s18], $0x4000  }
0x2c: {  	[sflag:s18] =	ssyncset.done $0x0  }
0x2d: {  	[sflag:s18] =	ssyncadd.s32 $0xFFFFC000  }
0x2e: {  	_ =	swait.ge [sflag:s24], $0x4000  }
0x2f: {  	[sflag:s24] =	ssyncset.done $0x0  }
0x30: {  	[sflag:s24] =	ssyncadd.s32 $0xFFFFC000  }
0x31: {  	[spmem:s1] =	stream.indirect.scatter.add.f32 [tilespmem:s22], [sflag:$0x3], $0x80, s28, s20, $0xb8;
	[tilespmem:$0x1E400] =	vst v63  }
0x32: {  	_ =	swait.ge [sflag:s18], $0x4000  }
0x33: {  	s3 =	sadd.s32 $0x1, s3;
	[sflag:s18] =	ssyncset.done $0x0  }
0x34: {  	p1 =	sne.s32 s3, s16;
	[sflag:s18] =	ssyncadd.s32 $0xFFFFC000  }
.Ltmp1:
0x35: {  	[bflag:$0x0] =	sbarrier.arrive $0xFFFF;
	(pc) =	sbr.rel @!p1 .LBB2_13-.Ltmp1, $4  }
0x36: {  	[hbm:s15], [sflag:s6] =	dma.local [spmem:s17], $0x2780  }
0x37: {  	_ =	swait.ge [sflag:s18], $0x2780  }
0x38: {  	[sflag:s18] =	ssyncset.done $0x0  }
0x39: {  	[sflag:s18] =	ssyncadd.s32 $0xFFFFD880  }
.LBB2_1:
0x3a: {  	[spmem:s17], [sflag:s6] =	dma.local [hbm:s5], $0x2780  }
.Ltmp2:
0x3b: {  	_ =	swait.ge [sflag:s18], $0x2780;
	(pc) =	sbr.rel @!p0 .LBB2_2-.Ltmp2, $3  }
0x3c: {  	[sflag:s18] =	ssyncset.done $0x0  }
0x3d: {  	[sflag:s18] =	ssyncadd.s32 $0xFFFFD880  }
0x3e: {  	[bflag:$0x0] =	sbarrier.arrive $0xFFFF;
	_ =	sdelay $0x1  }
0x3f: {  	s0 =	simm.s32 $0x0  }
0x40: {  	[tilespmem:s0], [sflag:$0x3] =	stream.linear.gather [hbm4b:s11+s0], $0x1400, $0x38;
	[tilespmem:$0x1E400] =	vst v63  }
0x41: {  	_ =	swait.ge [sflag:s18], $0x1400  }
0x42: {  	[sflag:s18] =	ssyncset.done $0x0  }
0x43: {  	[sflag:s18] =	ssyncadd.s32 $0xFFFFEC00  }
0x44: {  	[tilespmem:s19], [sflag:$0x3] =	stream.linear.gather [hbm4b:s12+s0], $0x1400, $0x38;
	[tilespmem:$0x1E400] =	vst v63  }
0x45: {  	_ =	swait.ge [sflag:s18], $0x1400  }
0x46: {  	[sflag:s18] =	ssyncset.done $0x0  }
0x47: {  	[sflag:s18] =	ssyncadd.s32 $0xFFFFEC00  }
0x48: {  	[tilespmem:s21], [sflag:$0x1] =	stream.indirect.gather [hbm4b:s4+s20], $0x80, s0, s20, $0xb8;
	[tilespmem:$0x1E400] =	vst v63  }
0x49: {  	s2 =	simm.s32 $0x80  }
0x4a: {  	[tilespmem:s22], [sflag:$0x2] =	stream.indirect.gather [hbm4b:s4+s20], $0x80, s2, s20, $0xb8;
	[tilespmem:$0x1E400] =	vst v63  }
0x4b: {  	_ =	swait.ge [sflag:s23], $0x4000  }
0x4c: {  	[sflag:s23] =	ssyncset.done $0x0  }
0x4d: {  	s31 =	simm.s32 $0x1400;
	[sflag:s23] =	ssyncadd.s32 $0xFFFFC000  }
0x4e: {  	[spmem:s1] =	stream.indirect.scatter.add.f32 [tilespmem:s21], [sflag:$0x3], $0x80, s31, s20, $0xb8;
	[tilespmem:$0x1E400] =	vst v63  }
0x4f: {  	_ =	swait.ge [sflag:s18], $0x4000  }
0x50: {  	[sflag:s18] =	ssyncset.done $0x0  }
0x51: {  	s2 =	simm.s32 $0x100;
	[sflag:s18] =	ssyncadd.s32 $0xFFFFC000  }
0x52: {  	[tilespmem:s21], [sflag:$0x1] =	stream.indirect.gather [hbm4b:s4+s20], $0x80, s2, s20, $0xb8;
	[tilespmem:$0x1E400] =	vst v63  }
0x53: {  	_ =	swait.ge [sflag:s24], $0x4000  }
0x54: {  	[sflag:s24] =	ssyncset.done $0x0  }
0x55: {  	s31 =	simm.s32 $0x1480;
	[sflag:s24] =	ssyncadd.s32 $0xFFFFC000  }
0x56: {  	[spmem:s1] =	stream.indirect.scatter.add.f32 [tilespmem:s22], [sflag:$0x3], $0x80, s31, s20, $0xb8;
	[tilespmem:$0x1E400] =	vst v63  }
0x57: {  	_ =	swait.ge [sflag:s18], $0x4000  }
0x58: {  	s30 =	simm.s32 $0x800;
	s29 =	simm.s32 $0x100;
	[sflag:s18] =	ssyncset.done $0x0  }
.LBB2_8:
0x59: {  	s0 =	sadd.s32 $0x80, s29  }
0x5a: {  	[sflag:s18] =	ssyncadd.s32 $0xFFFFC000;
	s2 =	smov.u32 s30;
	s31 =	sadd.s32 $0x400, s30  }
0x5b: {  	[tilespmem:s22], [sflag:$0x2] =	stream.indirect.gather [hbm4b:s4+s20], $0x80, s0, s20, $0xb8;
	[tilespmem:$0x1E400] =	vst v63  }
0x5c: {  	p1 =	sne.s32 s30, $0x4800;
	_ =	swait.ge [sflag:s23], $0x4000  }
0x5d: {  	[sflag:s23] =	ssyncset.done $0x0  }
0x5e: {  	s0 =	sadd.s32 $0x1400, s29;
	[sflag:s23] =	ssyncadd.s32 $0xFFFFC000  }
0x5f: {  	[spmem:s1] =	stream.indirect.scatter.add.f32 [tilespmem:s21], [sflag:$0x3], $0x80, s0, s20, $0xb8;
	[tilespmem:$0x1E400] =	vst v63  }
0x60: {  	_ =	swait.ge [sflag:s18], $0x4000  }
0x61: {  	[sflag:s18] =	ssyncset.done $0x0  }
0x62: {  	s0 =	sadd.s32 $0x100, s29;
	[sflag:s18] =	ssyncadd.s32 $0xFFFFC000  }
0x63: {  	[tilespmem:s21], [sflag:$0x1] =	stream.indirect.gather [hbm4b:s4+s20], $0x80, s0, s20, $0xb8;
	[tilespmem:$0x1E400] =	vst v63  }
0x64: {  	_ =	swait.ge [sflag:s24], $0x4000  }
.Ltmp3:
0x65: {  	[sflag:s24] =	ssyncset.done $0x0;
	(pc) =	sbr.rel @p1 .LBB2_8-.Ltmp3, $4  }
0x66: {  	s0 =	sadd.s32 $0x1480, s29;
	[sflag:s24] =	ssyncadd.s32 $0xFFFFC000  }
0x67: {  	[spmem:s1] =	stream.indirect.scatter.add.f32 [tilespmem:s22], [sflag:$0x3], $0x80, s0, s20, $0xb8;
	[tilespmem:$0x1E400] =	vst v63  }
0x68: {  	_ =	swait.ge [sflag:s18], $0x4000  }
0x69: {  	s30 =	smov.u32 s31;
	s29 =	sshra.s32 s2, $0x2;
	[sflag:s18] =	ssyncset.done $0x0  }
0x6a: {  	s0 =	sadd.s32 $0x80, s29;
	[sflag:s18] =	ssyncadd.s32 $0xFFFFC000  }
0x6b: {  	[tilespmem:s22], [sflag:$0x2] =	stream.indirect.gather [hbm4b:s4+s20], $0x80, s0, s20, $0xb8;
	[tilespmem:$0x1E400] =	vst v63  }
0x6c: {  	_ =	swait.ge [sflag:s23], $0x4000  }
0x6d: {  	[sflag:s23] =	ssyncset.done $0x0  }
0x6e: {  	s2 =	sadd.s32 $0x1400, s29;
	[sflag:s23] =	ssyncadd.s32 $0xFFFFC000  }
0x6f: {  	[spmem:s1] =	stream.indirect.scatter.add.f32 [tilespmem:s21], [sflag:$0x3], $0x80, s2, s20, $0xb8;
	[tilespmem:$0x1E400] =	vst v63  }
0x70: {  	_ =	swait.ge [sflag:s18], $0x4000  }
0x71: {  	[sflag:s18] =	ssyncset.done $0x0  }
0x72: {  	s31 =	sadd.s32 $0x100, s29;
	[sflag:s18] =	ssyncadd.s32 $0xFFFFC000  }
0x73: {  	[tilespmem:s21], [sflag:$0x1] =	stream.indirect.gather [hbm4b:s4+s20], $0x80, s31, s20, $0xb8;
	[tilespmem:$0x1E400] =	vst v63  }
0x74: {  	_ =	swait.ge [sflag:s24], $0x4000  }
0x75: {  	[sflag:s24] =	ssyncset.done $0x0  }
0x76: {  	s2 =	sadd.s32 $0x1480, s29;
	[sflag:s24] =	ssyncadd.s32 $0xFFFFC000  }
0x77: {  	[spmem:s1] =	stream.indirect.scatter.add.f32 [tilespmem:s22], [sflag:$0x3], $0x80, s2, s20, $0xb8;
	[tilespmem:$0x1E400] =	vst v63  }
0x78: {  	_ =	swait.ge [sflag:s18], $0x4000  }
0x79: {  	[sflag:s18] =	ssyncset.done $0x0  }
0x7a: {  	[sflag:s18] =	ssyncadd.s32 $0xFFFFC000  }
0x7b: {  	[tilespmem:s22], [sflag:$0x2] =	stream.indirect.gather [hbm4b:s4+s20], $0x80, s25, s20, $0xb8;
	[tilespmem:$0x1E400] =	vst v63  }
0x7c: {  	_ =	swait.ge [sflag:s23], $0x4000  }
0x7d: {  	[sflag:s23] =	ssyncset.done $0x0  }
0x7e: {  	[sflag:s23] =	ssyncadd.s32 $0xFFFFC000  }
0x7f: {  	[spmem:s1] =	stream.indirect.scatter.add.f32 [tilespmem:s21], [sflag:$0x3], $0x80, s26, s20, $0xb8;
	[tilespmem:$0x1E400] =	vst v63  }
0x80: {  	_ =	swait.ge [sflag:s18], $0x4000  }
0x81: {  	[sflag:s18] =	ssyncset.done $0x0  }
0x82: {  	[sflag:s18] =	ssyncadd.s32 $0xFFFFC000  }
0x83: {  	_ =	swait.ge [sflag:s24], $0x4000  }
0x84: {  	[sflag:s24] =	ssyncset.done $0x0  }
0x85: {  	[sflag:s24] =	ssyncadd.s32 $0xFFFFC000  }
0x86: {  	[spmem:s1] =	stream.indirect.scatter.add.f32 [tilespmem:s22], [sflag:$0x3], $0x80, s28, s20, $0xb8;
	[tilespmem:$0x1E400] =	vst v63  }
0x87: {  	_ =	swait.ge [sflag:s18], $0x4000  }
0x88: {  	[sflag:s18] =	ssyncset.done $0x0  }
0x89: {  	s31 =	simm.s32 $0x0;
	[sflag:s18] =	ssyncadd.s32 $0xFFFFC000  }
0x8a: {  	[tilespmem:s31], [sflag:$0x3] =	stream.linear.gather [hbm4b:s13+s31], $0x1400, $0x38;
	[tilespmem:$0x1E400] =	vst v63  }
0x8b: {  	_ =	swait.ge [sflag:s18], $0x1400  }
0x8c: {  	[sflag:s18] =	ssyncset.done $0x0  }
0x8d: {  	[sflag:s18] =	ssyncadd.s32 $0xFFFFEC00  }
0x8e: {  	[tilespmem:s19], [sflag:$0x3] =	stream.linear.gather [hbm4b:s14+s31], $0x1400, $0x38;
	[tilespmem:$0x1E400] =	vst v63  }
0x8f: {  	_ =	swait.ge [sflag:s18], $0x1400  }
0x90: {  	[sflag:s18] =	ssyncset.done $0x0  }
0x91: {  	[sflag:s18] =	ssyncadd.s32 $0xFFFFEC00  }
0x92: {  	[tilespmem:s21], [sflag:$0x1] =	stream.indirect.gather [hbm4b:s4+s20], $0x80, s31, s20, $0xb8;
	[tilespmem:$0x1E400] =	vst v63  }
0x93: {  	s2 =	simm.s32 $0x80  }
0x94: {  	[tilespmem:s22], [sflag:$0x2] =	stream.indirect.gather [hbm4b:s4+s20], $0x80, s2, s20, $0xb8;
	[tilespmem:$0x1E400] =	vst v63  }
0x95: {  	_ =	swait.ge [sflag:s23], $0x4000  }
0x96: {  	[sflag:s23] =	ssyncset.done $0x0  }
0x97: {  	s31 =	simm.s32 $0x1400;
	[sflag:s23] =	ssyncadd.s32 $0xFFFFC000  }
0x98: {  	[spmem:s1] =	stream.indirect.scatter.add.f32 [tilespmem:s21], [sflag:$0x3], $0x80, s31, s20, $0xb8;
	[tilespmem:$0x1E400] =	vst v63  }
0x99: {  	_ =	swait.ge [sflag:s18], $0x4000  }
0x9a: {  	[sflag:s18] =	ssyncset.done $0x0  }
0x9b: {  	s2 =	simm.s32 $0x100;
	[sflag:s18] =	ssyncadd.s32 $0xFFFFC000  }
0x9c: {  	[tilespmem:s21], [sflag:$0x1] =	stream.indirect.gather [hbm4b:s4+s20], $0x80, s2, s20, $0xb8;
	[tilespmem:$0x1E400] =	vst v63  }
0x9d: {  	_ =	swait.ge [sflag:s24], $0x4000  }
0x9e: {  	[sflag:s24] =	ssyncset.done $0x0  }
0x9f: {  	s31 =	simm.s32 $0x1480;
	[sflag:s24] =	ssyncadd.s32 $0xFFFFC000  }
0xa0: {  	[spmem:s1] =	stream.indirect.scatter.add.f32 [tilespmem:s22], [sflag:$0x3], $0x80, s31, s20, $0xb8;
	[tilespmem:$0x1E400] =	vst v63  }
0xa1: {  	_ =	swait.ge [sflag:s18], $0x4000  }
0xa2: {  	s30 =	simm.s32 $0x800;
	s29 =	simm.s32 $0x100;
	[sflag:s18] =	ssyncset.done $0x0  }
.LBB2_10:
0xa3: {  	s0 =	sadd.s32 $0x80, s29  }
0xa4: {  	[sflag:s18] =	ssyncadd.s32 $0xFFFFC000;
	s2 =	smov.u32 s30;
	s31 =	sadd.s32 $0x400, s30  }
0xa5: {  	[tilespmem:s22], [sflag:$0x2] =	stream.indirect.gather [hbm4b:s4+s20], $0x80, s0, s20, $0xb8;
	[tilespmem:$0x1E400] =	vst v63  }
0xa6: {  	p1 =	sne.s32 s30, $0x4800;
	_ =	swait.ge [sflag:s23], $0x4000  }
0xa7: {  	[sflag:s23] =	ssyncset.done $0x0  }
0xa8: {  	s0 =	sadd.s32 $0x1400, s29;
	[sflag:s23] =	ssyncadd.s32 $0xFFFFC000  }
0xa9: {  	[spmem:s1] =	stream.indirect.scatter.add.f32 [tilespmem:s21], [sflag:$0x3], $0x80, s0, s20, $0xb8;
	[tilespmem:$0x1E400] =	vst v63  }
0xaa: {  	_ =	swait.ge [sflag:s18], $0x4000  }
0xab: {  	[sflag:s18] =	ssyncset.done $0x0  }
0xac: {  	s0 =	sadd.s32 $0x100, s29;
	[sflag:s18] =	ssyncadd.s32 $0xFFFFC000  }
0xad: {  	[tilespmem:s21], [sflag:$0x1] =	stream.indirect.gather [hbm4b:s4+s20], $0x80, s0, s20, $0xb8;
	[tilespmem:$0x1E400] =	vst v63  }
0xae: {  	_ =	swait.ge [sflag:s24], $0x4000  }
.Ltmp4:
0xaf: {  	[sflag:s24] =	ssyncset.done $0x0;
	(pc) =	sbr.rel @p1 .LBB2_10-.Ltmp4, $4  }
0xb0: {  	s0 =	sadd.s32 $0x1480, s29;
	[sflag:s24] =	ssyncadd.s32 $0xFFFFC000  }
0xb1: {  	[spmem:s1] =	stream.indirect.scatter.add.f32 [tilespmem:s22], [sflag:$0x3], $0x80, s0, s20, $0xb8;
	[tilespmem:$0x1E400] =	vst v63  }
0xb2: {  	_ =	swait.ge [sflag:s18], $0x4000  }
0xb3: {  	s30 =	smov.u32 s31;
	s29 =	sshra.s32 s2, $0x2;
	[sflag:s18] =	ssyncset.done $0x0  }
.Ltmp5:
0xb4: {  	_ = 	snop;
	(pc) =	sbr.rel .LBB2_11-.Ltmp5, $1  }
0xb5: {  	_ =	sdelay $0x3  }
.LBB2_2:
0xb6: {  	s29 =	simm.s32 $0x0  }
0xb7: {  	[tilespmem:s29], [sflag:$0x3] =	stream.linear.gather [hbm4b:s7+s29], $0x1400, $0x38;
	[tilespmem:$0x1E400] =	vst v63  }
0xb8: {  	_ =	swait.ge [sflag:s18], $0x1400  }
0xb9: {  	[sflag:s18] =	ssyncset.done $0x0  }
0xba: {  	[sflag:s18] =	ssyncadd.s32 $0xFFFFEC00  }
0xbb: {  	[tilespmem:s19], [sflag:$0x3] =	stream.linear.gather [hbm4b:s8+s29], $0x1400, $0x38;
	[tilespmem:$0x1E400] =	vst v63  }
0xbc: {  	_ =	swait.ge [sflag:s18], $0x1400  }
0xbd: {  	[sflag:s18] =	ssyncset.done $0x0  }
0xbe: {  	[sflag:s18] =	ssyncadd.s32 $0xFFFFEC00  }
0xbf: {  	[tilespmem:s21], [sflag:$0x1] =	stream.indirect.gather [hbm4b:s4+s20], $0x80, s29, s20, $0xb8;
	[tilespmem:$0x1E400] =	vst v63  }
0xc0: {  	s29 =	simm.s32 $0x80  }
0xc1: {  	[tilespmem:s22], [sflag:$0x2] =	stream.indirect.gather [hbm4b:s4+s20], $0x80, s29, s20, $0xb8;
	[tilespmem:$0x1E400] =	vst v63  }
0xc2: {  	_ =	swait.ge [sflag:s23], $0x4000  }
0xc3: {  	[sflag:s23] =	ssyncset.done $0x0  }
0xc4: {  	s29 =	simm.s32 $0x1400;
	[sflag:s23] =	ssyncadd.s32 $0xFFFFC000  }
0xc5: {  	[spmem:s1] =	stream.indirect.scatter.add.f32 [tilespmem:s21], [sflag:$0x3], $0x80, s29, s20, $0xb8;
	[tilespmem:$0x1E400] =	vst v63  }
0xc6: {  	_ =	swait.ge [sflag:s18], $0x4000  }
0xc7: {  	[sflag:s18] =	ssyncset.done $0x0  }
0xc8: {  	s29 =	simm.s32 $0x100;
	[sflag:s18] =	ssyncadd.s32 $0xFFFFC000  }
0xc9: {  	[tilespmem:s21], [sflag:$0x1] =	stream.indirect.gather [hbm4b:s4+s20], $0x80, s29, s20, $0xb8;
	[tilespmem:$0x1E400] =	vst v63  }
0xca: {  	_ =	swait.ge [sflag:s24], $0x4000  }
0xcb: {  	[sflag:s24] =	ssyncset.done $0x0  }
0xcc: {  	s29 =	simm.s32 $0x1480;
	[sflag:s24] =	ssyncadd.s32 $0xFFFFC000  }
0xcd: {  	[spmem:s1] =	stream.indirect.scatter.add.f32 [tilespmem:s22], [sflag:$0x3], $0x80, s29, s20, $0xb8;
	[tilespmem:$0x1E400] =	vst v63  }
0xce: {  	_ =	swait.ge [sflag:s18], $0x4000  }
0xcf: {  	s30 =	simm.s32 $0x800;
	s29 =	simm.s32 $0x100;
	[sflag:s18] =	ssyncset.done $0x0  }
.LBB2_3:
0xd0: {  	s31 =	sadd.s32 $0x80, s29  }
0xd1: {  	[sflag:s18] =	ssyncadd.s32 $0xFFFFC000;
	s0 =	smov.u32 s30;
	s2 =	sadd.s32 $0x400, s30  }
0xd2: {  	[tilespmem:s22], [sflag:$0x2] =	stream.indirect.gather [hbm4b:s4+s20], $0x80, s31, s20, $0xb8;
	[tilespmem:$0x1E400] =	vst v63  }
0xd3: {  	p1 =	sne.s32 s30, $0x4800;
	_ =	swait.ge [sflag:s23], $0x4000  }
0xd4: {  	[sflag:s23] =	ssyncset.done $0x0  }
0xd5: {  	s30 =	sadd.s32 $0x1400, s29;
	[sflag:s23] =	ssyncadd.s32 $0xFFFFC000  }
0xd6: {  	[spmem:s1] =	stream.indirect.scatter.add.f32 [tilespmem:s21], [sflag:$0x3], $0x80, s30, s20, $0xb8;
	[tilespmem:$0x1E400] =	vst v63  }
0xd7: {  	_ =	swait.ge [sflag:s18], $0x4000  }
0xd8: {  	[sflag:s18] =	ssyncset.done $0x0  }
0xd9: {  	s30 =	sadd.s32 $0x100, s29;
	[sflag:s18] =	ssyncadd.s32 $0xFFFFC000  }
0xda: {  	[tilespmem:s21], [sflag:$0x1] =	stream.indirect.gather [hbm4b:s4+s20], $0x80, s30, s20, $0xb8;
	[tilespmem:$0x1E400] =	vst v63  }
0xdb: {  	_ =	swait.ge [sflag:s24], $0x4000  }
.Ltmp6:
0xdc: {  	[sflag:s24] =	ssyncset.done $0x0;
	(pc) =	sbr.rel @p1 .LBB2_3-.Ltmp6, $4  }
0xdd: {  	s29 =	sadd.s32 $0x1480, s29;
	[sflag:s24] =	ssyncadd.s32 $0xFFFFC000  }
0xde: {  	[spmem:s1] =	stream.indirect.scatter.add.f32 [tilespmem:s22], [sflag:$0x3], $0x80, s29, s20, $0xb8;
	[tilespmem:$0x1E400] =	vst v63  }
0xdf: {  	_ =	swait.ge [sflag:s18], $0x4000  }
0xe0: {  	s30 =	smov.u32 s2;
	s29 =	sshra.s32 s0, $0x2;
	[sflag:s18] =	ssyncset.done $0x0  }
0xe1: {  	s0 =	sadd.s32 $0x80, s29;
	[sflag:s18] =	ssyncadd.s32 $0xFFFFC000  }
0xe2: {  	[tilespmem:s22], [sflag:$0x2] =	stream.indirect.gather [hbm4b:s4+s20], $0x80, s0, s20, $0xb8;
	[tilespmem:$0x1E400] =	vst v63  }
0xe3: {  	_ =	swait.ge [sflag:s23], $0x4000  }
0xe4: {  	[sflag:s23] =	ssyncset.done $0x0  }
0xe5: {  	s2 =	sadd.s32 $0x1400, s29;
	[sflag:s23] =	ssyncadd.s32 $0xFFFFC000  }
0xe6: {  	[spmem:s1] =	stream.indirect.scatter.add.f32 [tilespmem:s21], [sflag:$0x3], $0x80, s2, s20, $0xb8;
	[tilespmem:$0x1E400] =	vst v63  }
0xe7: {  	_ =	swait.ge [sflag:s18], $0x4000  }
0xe8: {  	[sflag:s18] =	ssyncset.done $0x0  }
0xe9: {  	s31 =	sadd.s32 $0x100, s29;
	[sflag:s18] =	ssyncadd.s32 $0xFFFFC000  }
0xea: {  	[tilespmem:s21], [sflag:$0x1] =	stream.indirect.gather [hbm4b:s4+s20], $0x80, s31, s20, $0xb8;
	[tilespmem:$0x1E400] =	vst v63  }
0xeb: {  	_ =	swait.ge [sflag:s24], $0x4000  }
0xec: {  	[sflag:s24] =	ssyncset.done $0x0  }
0xed: {  	s2 =	sadd.s32 $0x1480, s29;
	[sflag:s24] =	ssyncadd.s32 $0xFFFFC000  }
0xee: {  	[spmem:s1] =	stream.indirect.scatter.add.f32 [tilespmem:s22], [sflag:$0x3], $0x80, s2, s20, $0xb8;
	[tilespmem:$0x1E400] =	vst v63  }
0xef: {  	_ =	swait.ge [sflag:s18], $0x4000  }
0xf0: {  	[sflag:s18] =	ssyncset.done $0x0  }
0xf1: {  	[sflag:s18] =	ssyncadd.s32 $0xFFFFC000  }
0xf2: {  	[tilespmem:s22], [sflag:$0x2] =	stream.indirect.gather [hbm4b:s4+s20], $0x80, s25, s20, $0xb8;
	[tilespmem:$0x1E400] =	vst v63  }
0xf3: {  	_ =	swait.ge [sflag:s23], $0x4000  }
0xf4: {  	[sflag:s23] =	ssyncset.done $0x0  }
0xf5: {  	[sflag:s23] =	ssyncadd.s32 $0xFFFFC000  }
0xf6: {  	[spmem:s1] =	stream.indirect.scatter.add.f32 [tilespmem:s21], [sflag:$0x3], $0x80, s26, s20, $0xb8;
	[tilespmem:$0x1E400] =	vst v63  }
0xf7: {  	_ =	swait.ge [sflag:s18], $0x4000  }
0xf8: {  	[sflag:s18] =	ssyncset.done $0x0  }
0xf9: {  	[sflag:s18] =	ssyncadd.s32 $0xFFFFC000  }
0xfa: {  	_ =	swait.ge [sflag:s24], $0x4000  }
0xfb: {  	[sflag:s24] =	ssyncset.done $0x0  }
0xfc: {  	[sflag:s24] =	ssyncadd.s32 $0xFFFFC000  }
0xfd: {  	[spmem:s1] =	stream.indirect.scatter.add.f32 [tilespmem:s22], [sflag:$0x3], $0x80, s28, s20, $0xb8;
	[tilespmem:$0x1E400] =	vst v63  }
0xfe: {  	_ =	swait.ge [sflag:s18], $0x4000  }
0xff: {  	[sflag:s18] =	ssyncset.done $0x0  }
0x100: {  	s31 =	simm.s32 $0x0;
	[sflag:s18] =	ssyncadd.s32 $0xFFFFC000  }
0x101: {  	[tilespmem:s31], [sflag:$0x3] =	stream.linear.gather [hbm4b:s9+s31], $0x1400, $0x38;
	[tilespmem:$0x1E400] =	vst v63  }
0x102: {  	_ =	swait.ge [sflag:s18], $0x1400  }
0x103: {  	[sflag:s18] =	ssyncset.done $0x0  }
0x104: {  	[sflag:s18] =	ssyncadd.s32 $0xFFFFEC00  }
0x105: {  	[tilespmem:s19], [sflag:$0x3] =	stream.linear.gather [hbm4b:s10+s31], $0x1400, $0x38;
	[tilespmem:$0x1E400] =	vst v63  }
0x106: {  	_ =	swait.ge [sflag:s18], $0x1400  }
0x107: {  	[sflag:s18] =	ssyncset.done $0x0  }
0x108: {  	[sflag:s18] =	ssyncadd.s32 $0xFFFFEC00  }
0x109: {  	[tilespmem:s21], [sflag:$0x1] =	stream.indirect.gather [hbm4b:s4+s20], $0x80, s31, s20, $0xb8;
	[tilespmem:$0x1E400] =	vst v63  }
0x10a: {  	s2 =	simm.s32 $0x80  }
0x10b: {  	[tilespmem:s22], [sflag:$0x2] =	stream.indirect.gather [hbm4b:s4+s20], $0x80, s2, s20, $0xb8;
	[tilespmem:$0x1E400] =	vst v63  }
0x10c: {  	_ =	swait.ge [sflag:s23], $0x4000  }
0x10d: {  	[sflag:s23] =	ssyncset.done $0x0  }
0x10e: {  	s31 =	simm.s32 $0x1400;
	[sflag:s23] =	ssyncadd.s32 $0xFFFFC000  }
0x10f: {  	[spmem:s1] =	stream.indirect.scatter.add.f32 [tilespmem:s21], [sflag:$0x3], $0x80, s31, s20, $0xb8;
	[tilespmem:$0x1E400] =	vst v63  }
0x110: {  	_ =	swait.ge [sflag:s18], $0x4000  }
0x111: {  	[sflag:s18] =	ssyncset.done $0x0  }
0x112: {  	s2 =	simm.s32 $0x100;
	[sflag:s18] =	ssyncadd.s32 $0xFFFFC000  }
0x113: {  	[tilespmem:s21], [sflag:$0x1] =	stream.indirect.gather [hbm4b:s4+s20], $0x80, s2, s20, $0xb8;
	[tilespmem:$0x1E400] =	vst v63  }
0x114: {  	_ =	swait.ge [sflag:s24], $0x4000  }
0x115: {  	[sflag:s24] =	ssyncset.done $0x0  }
0x116: {  	s31 =	simm.s32 $0x1480;
	[sflag:s24] =	ssyncadd.s32 $0xFFFFC000  }
0x117: {  	[spmem:s1] =	stream.indirect.scatter.add.f32 [tilespmem:s22], [sflag:$0x3], $0x80, s31, s20, $0xb8;
	[tilespmem:$0x1E400] =	vst v63  }
0x118: {  	_ =	swait.ge [sflag:s18], $0x4000  }
0x119: {  	s30 =	simm.s32 $0x800;
	s29 =	simm.s32 $0x100;
	[sflag:s18] =	ssyncset.done $0x0  }
.LBB2_5:
0x11a: {  	s0 =	sadd.s32 $0x80, s29  }
0x11b: {  	[sflag:s18] =	ssyncadd.s32 $0xFFFFC000;
	s2 =	smov.u32 s30;
	s31 =	sadd.s32 $0x400, s30  }
0x11c: {  	[tilespmem:s22], [sflag:$0x2] =	stream.indirect.gather [hbm4b:s4+s20], $0x80, s0, s20, $0xb8;
	[tilespmem:$0x1E400] =	vst v63  }
0x11d: {  	p1 =	seq.s32 s30, $0x4800;
	_ =	swait.ge [sflag:s23], $0x4000  }
0x11e: {  	[sflag:s23] =	ssyncset.done $0x0  }
0x11f: {  	s0 =	sadd.s32 $0x1400, s29;
	[sflag:s23] =	ssyncadd.s32 $0xFFFFC000  }
0x120: {  	[spmem:s1] =	stream.indirect.scatter.add.f32 [tilespmem:s21], [sflag:$0x3], $0x80, s0, s20, $0xb8;
	[tilespmem:$0x1E400] =	vst v63  }
0x121: {  	_ =	swait.ge [sflag:s18], $0x4000  }
0x122: {  	[sflag:s18] =	ssyncset.done $0x0  }
0x123: {  	s0 =	sadd.s32 $0x100, s29;
	[sflag:s18] =	ssyncadd.s32 $0xFFFFC000  }
0x124: {  	[tilespmem:s21], [sflag:$0x1] =	stream.indirect.gather [hbm4b:s4+s20], $0x80, s0, s20, $0xb8;
	[tilespmem:$0x1E400] =	vst v63  }
0x125: {  	_ =	swait.ge [sflag:s24], $0x4000  }
.Ltmp7:
0x126: {  	[sflag:s24] =	ssyncset.done $0x0;
	(pc) =	sbr.rel @!p1 .LBB2_5-.Ltmp7, $4  }
0x127: {  	s0 =	sadd.s32 $0x1480, s29;
	[sflag:s24] =	ssyncadd.s32 $0xFFFFC000  }
0x128: {  	[spmem:s1] =	stream.indirect.scatter.add.f32 [tilespmem:s22], [sflag:$0x3], $0x80, s0, s20, $0xb8;
	[tilespmem:$0x1E400] =	vst v63  }
0x129: {  	_ =	swait.ge [sflag:s18], $0x4000  }
0x12a: {  	s30 =	smov.u32 s31;
	s29 =	sshra.s32 s2, $0x2;
	[sflag:s18] =	ssyncset.done $0x0  }
0x12b: {  	s0 =	sadd.s32 $0x80, s29;
	[sflag:s18] =	ssyncadd.s32 $0xFFFFC000  }
0x12c: {  	[tilespmem:s22], [sflag:$0x2] =	stream.indirect.gather [hbm4b:s4+s20], $0x80, s0, s20, $0xb8;
	[tilespmem:$0x1E400] =	vst v63  }
0x12d: {  	_ =	swait.ge [sflag:s23], $0x4000  }
0x12e: {  	[sflag:s23] =	ssyncset.done $0x0  }
0x12f: {  	s2 =	sadd.s32 $0x1400, s29;
	[sflag:s23] =	ssyncadd.s32 $0xFFFFC000  }
0x130: {  	[spmem:s1] =	stream.indirect.scatter.add.f32 [tilespmem:s21], [sflag:$0x3], $0x80, s2, s20, $0xb8;
	[tilespmem:$0x1E400] =	vst v63  }
0x131: {  	_ =	swait.ge [sflag:s18], $0x4000  }
0x132: {  	[sflag:s18] =	ssyncset.done $0x0  }
0x133: {  	s30 =	sadd.s32 $0x100, s29;
	[sflag:s18] =	ssyncadd.s32 $0xFFFFC000  }
0x134: {  	[tilespmem:s21], [sflag:$0x1] =	stream.indirect.gather [hbm4b:s4+s20], $0x80, s30, s20, $0xb8;
	[tilespmem:$0x1E400] =	vst v63  }
0x135: {  	_ =	swait.ge [sflag:s24], $0x4000  }
0x136: {  	[sflag:s24] =	ssyncset.done $0x0  }
.Ltmp8:
0x137: {  	s31 =	sadd.s32 $0x1480, s29;
	[sflag:s24] =	ssyncadd.s32 $0xFFFFC000;
	(pc) =	sbr.rel .LBB2_12-.Ltmp8, $4  }
0x138: {  	[spmem:s1] =	stream.indirect.scatter.add.f32 [tilespmem:s22], [sflag:$0x3], $0x80, s31, s20, $0xb8;
	[tilespmem:$0x1E400] =	vst v63  }
0x139: {  	_ =	swait.ge [sflag:s18], $0x4000  }
0x13a: {  	[sflag:s18] =	ssyncset.done $0x0  }
0x13b: {  	[sflag:s18] =	ssyncadd.s32 $0xFFFFC000  }
.LBB2_13:
0x13c: {  	_ =	sfence.sel $0x180000  }
0x13d: {  	[bflag:$0x0] =	sbarrier.arrive $0xFFFF  }
0x13e: {  	_ =	strace $0x9000004A  }
0x13f: {  	s0 =	stileid.u32;
	[bflag:$0x2] =	sbarrier.arrive $0xFFFF  }
0x140: {  	p0 =	sne.s32 s0, $0x0;
	s0 =	rddreg [dreg:$0x3]  }
0x141: {  	s0 =	sadd.s32 @!p0 $0x100000, s0  }
0x142: {  	[sflag:s0] =	ssyncadd.tile.s32 @!p0 $0x1;
	_ =	shalt  }
.Lfunc_end2:
_tile_overlayer_lowered:
.L_overlay_start_2:
0x143: {  	(tag) =	ssettag $0x2  }
0x144: {  	s0 =	rddreg [dreg:$0x0];
	s2 =	stileid.u32  }
0x145: {  	s1 =	rddreg [dreg:$0x1];
	p0 =	sne.s32 s2, $0x0  }
0x146: {  	s3 =	rddreg [dreg:$0x2];
	[bflag:$0x3] =	sbarrier.arrive $0xFFFF;
	s2 =	simm.s32 @!p0 $0x1C03  }
0x147: {  	[timem:s3], [sflag:s2] =	dma.local @!p0 [hbm:s0], s1  }
0x148: {  	s0 =	simm.s32 @!p0 $0x3  }
0x149: {  	_ =	swait.ge @!p0 [sflag:s0], s1  }
0x14a: {  	s1 =	ssub.s32 @!p0 $0x0, s1;
	[sflag:s0] =	ssyncset.done @!p0 $0x0  }
0x14b: {  	[sflag:s0] =	ssyncadd.s32 @!p0 s1  }
0x14c: {  	[bflag:$0x3] =	sbarrier.arrive $0xFFFF  }
0x14d: {  	_ =	shalt  }

// kernel: kernel.19.cloned.1.call-start
scs
__scs_entry_jumppad:
0x0: {  	(pc) =	sbr.rel $0x88, $3  }
0x1: {  	(tag) =	ssettag $0x0;
	lr =	simm.s32 $0x1  }
0x2: {  	[smem:$0x3F97] =	sst lr;
	_ =	strace $0xD0000000  }
0x3: {  	_ = 	snop  }
0x4: {  	_ = 	snop  }
0x5: {  	_ = 	snop  }
0x6: {  	_ = 	snop  }
0x7: {  	_ = 	snop  }
__scs_overlays_trampoline_lowered:
0x8: {  	[smem:$0x3FA6] =	sst s0  }
0x9: {  	[smem:$0x3FA7] =	sst s1  }
0xa: {  	[smem:$0x3FA8] =	sst s2  }
0xb: {  	[smem:$0x3FA9] =	sst s3  }
0xc: {  	[smem:$0x3FAA] =	sst s4  }
0xd: {  	[smem:$0x3FAB] =	sst s5  }
0xe: {  	[smem:$0x3FAC] =	sst s6  }
0xf: {  	[smem:$0x3FAD] =	sst s7  }
0x10: {  	[smem:$0x3FAE] =	sst s8  }
0x11: {  	[smem:$0x3FAF] =	sst s9;
	s0 =	simm.s32 @!p0 $0x0  }
0x12: {  	s1 =	sld [smem:$0x3F95];
	s0 =	simm.s32 @p0 $0x1  }
0x13: {  	[smem:$0x3FB0] =	sst s0;
	s0 =	simm.s32 @!p1 $0x0  }
0x14: {  	s2 =	sld [smem:$0x3F94];
	s0 =	simm.s32 @p1 $0x1  }
0x15: {  	[smem:$0x3FB1] =	sst s0;
	s0 =	simm.s32 @!p2 $0x0  }
0x16: {  	s3 =	sld [smem:$0x3FDB];
	s0 =	simm.s32 @p2 $0x1  }
0x17: {  	s4 =	simm.s32 $0x1BF5;
	[smem:$0x3FB3] =	sst s0  }
0x18: {  	s0 =	sld [smem:$0x3F96];
	_ =	swait.ge [sflag:s4], $0x0  }
0x19: {  	s7 =	sld [smem:$0x3F97]  }
0x1a: {  	s8 =	sadd.s32 $0xFFFFE003, lr  }
0x1b: {  	s9 =	sadd.s32 $0xFFFFFEF7, lr;
	s5 =	simm.s32 $0xFFFFFFFF;
	p2 =	slt.u32 s8, $0xFFFFF086  }
0x1c: {  	p1 =	slt.u32 s9, $0xF7A;
	s5 =	simm.s32 @!p2 $0x0  }
0x1d: {  	s5 =	simm.s32 @p1 $0x1;
	p0 =	seq.s32 s7, s2  }
0x1e: {  	s7 =	smul.u32 @!p0 $0xF7A, s2;
	p2 =	seq.s32 @!p0 s5, $0x0  }
0x1f: {  	s9 =	smul.u32 $0xF7A, s1;
	s8 =	simm.s32 @!p0 $0x1BF5;
	p2 =	por !p2, p0  }
0x20: {  	[sflag:s8] =	ssyncset.s32 @!p0 $0xFFFFF086;
	s6 =	sadd.s32 @!p0 s3, s7;
	s7 =	simm.s32 @!p0 $0x108  }
0x21: {  	s3 =	sadd.s32 s3, s9;
	s6 =	sadd.s32 @!p0 $0x88, s6;
	s7 =	simm.s32 @p2 $0x1082  }
0x22: {  	[simem:s7], [sflag:s8] =	dma.local @!p0 [hbm:s6], $0xF7A  }
0x23: {  	s9 =	sor.u32 $0xD0000000, s2;
	s6 =	simm.s32 $0x108;
	_ =	swait.ge @!p0 [sflag:s8], $0x0  }
0x24: {  	s3 =	sadd.s32 $0x88, s3;
	s6 =	simm.s32 @!p1 $0x1082;
	[sflag:s4] =	ssyncset.s32 $0xFFFFF086  }
0x25: {  	[simem:s6], [sflag:s4] =	dma.local [hbm:s3], $0xF7A  }
0x26: {  	[smem:$0x3F97] =	sst s1;
	(tag) =	ssettag s2;
	_ =	strace s9  }
0x27: {  	s1 =	sld [smem:$0x3FA7]  }
0x28: {  	s2 =	sld [smem:$0x3FA8]  }
0x29: {  	s4 =	sld [smem:$0x3FAA]  }
0x2a: {  	p0 =	seq.s32 s5, $0x0;
	s5 =	sld [smem:$0x3FAB]  }
0x2b: {  	s6 =	sld [smem:$0x3FAC]  }
0x2c: {  	s7 =	sld [smem:$0x3FAD]  }
0x2d: {  	s3 =	simm.s32 $0x108;
	s8 =	sld [smem:$0x3FAE]  }
0x2e: {  	s3 =	simm.s32 @!p0 $0x1082;
	s9 =	sld [smem:$0x3FAF]  }
0x2f: {  	lr =	sadd.s32 s0, s3;
	s0 =	sld [smem:$0x3FA6]  }
0x30: {  	s3 =	sld [smem:$0x3FA9]  }
0x31: {  	[smem:$0x3FB2] =	sst s10  }
0x32: {  	s10 =	sld [smem:$0x3FB0];
	_ =	sdelay $0x3  }
0x33: {  	p0 =	seq.s32 s10, $0x1;
	s10 =	sld [smem:$0x3FB2];
	_ =	sdelay $0x3  }
0x34: {  	[smem:$0x3FB2] =	sst s10  }
0x35: {  	s10 =	sld [smem:$0x3FB1];
	_ =	sdelay $0x3  }
0x36: {  	p1 =	seq.s32 s10, $0x1;
	s10 =	sld [smem:$0x3FB2];
	_ =	sdelay $0x3  }
0x37: {  	[smem:$0x3FB2] =	sst s10  }
0x38: {  	s10 =	sld [smem:$0x3FB3]  }
0x39: {  	_ = 	snop;
	(pc) =	sbr.ind lr, $3  }
0x3a: {  	_ = 	snop  }
0x3b: {  	_ = 	snop  }
0x3c: {  	p2 =	seq.s32 s10, $0x1;
	s10 =	sld [smem:$0x3FB2]  }
0x3d: {  	_ =	shalt  }
0x3e: {  	_ =	shalt  }
0x3f: {  	_ =	shalt  }
0x40: {  	_ =	shalt  }
0x41: {  	_ =	shalt  }
0x42: {  	_ =	shalt  }
0x43: {  	_ =	shalt  }
0x44: {  	_ =	shalt  }
0x45: {  	_ =	shalt  }
0x46: {  	_ =	shalt  }
0x47: {  	_ =	shalt  }
0x48: {  	_ =	shalt  }
0x49: {  	_ =	shalt  }
0x4a: {  	_ =	shalt  }
0x4b: {  	_ =	shalt  }
0x4c: {  	_ =	shalt  }
0x4d: {  	_ =	shalt  }
0x4e: {  	_ =	shalt  }
0x4f: {  	_ =	shalt  }
0x50: {  	_ =	shalt  }
0x51: {  	_ =	shalt  }
0x52: {  	_ =	shalt  }
0x53: {  	_ =	shalt  }
0x54: {  	_ =	shalt  }
0x55: {  	_ =	shalt  }
0x56: {  	_ =	shalt  }
0x57: {  	_ =	shalt  }
0x58: {  	_ =	shalt  }
0x59: {  	_ =	shalt  }
0x5a: {  	_ =	shalt  }
0x5b: {  	_ =	shalt  }
0x5c: {  	_ =	shalt  }
0x5d: {  	_ =	shalt  }
0x5e: {  	_ =	shalt  }
0x5f: {  	_ =	shalt  }
0x60: {  	_ =	shalt  }
0x61: {  	_ =	shalt  }
0x62: {  	_ =	shalt  }
0x63: {  	_ =	shalt  }
0x64: {  	_ =	shalt  }
0x65: {  	_ =	shalt  }
0x66: {  	_ =	shalt  }
0x67: {  	_ =	shalt  }
0x68: {  	_ =	shalt  }
0x69: {  	_ =	shalt  }
0x6a: {  	_ =	shalt  }
0x6b: {  	_ =	shalt  }
0x6c: {  	_ =	shalt  }
0x6d: {  	_ =	shalt  }
0x6e: {  	_ =	shalt  }
0x6f: {  	_ =	shalt  }
0x70: {  	_ =	shalt  }
0x71: {  	_ =	shalt  }
0x72: {  	_ =	shalt  }
0x73: {  	_ =	shalt  }
0x74: {  	_ =	shalt  }
0x75: {  	_ =	shalt  }
0x76: {  	_ =	shalt  }
0x77: {  	_ =	shalt  }
0x78: {  	_ =	shalt  }
0x79: {  	_ =	shalt  }
0x7a: {  	_ =	shalt  }
0x7b: {  	_ =	shalt  }
0x7c: {  	_ =	shalt  }
0x7d: {  	_ =	shalt  }
0x7e: {  	_ =	shalt  }
0x7f: {  	_ =	shalt  }
0x80: {  	_ =	shalt  }
0x81: {  	_ =	shalt  }
0x82: {  	_ =	shalt  }
0x83: {  	_ =	shalt  }
0x84: {  	_ =	shalt  }
0x85: {  	_ =	shalt  }
0x86: {  	_ =	shalt  }
0x87: {  	_ =	shalt  }
.Lfunc_end0:
.L_simem_size_0:
called_computation.2_lowered:
.L_overlay_start_0:
0x88: {  	s2 =	sld [smem:$0x3FD9]  }
0x89: {  	s3 =	sld [smem:$0x3FFE];
	_ =	sdelay $0x1  }
0x8a: {  	s1 =	srdreg.scid  }
0x8b: {  	s0 =	sand.u32 $0x1, s1  }
0x8c: {  	s17 =	sshll.u32 s0, $0xA;
	s2 =	sadd.s32 s3, s2  }
0x8d: {  	s2 =	sadd.s32 s2, s17  }
0x8e: {  	[smem:$0x3FBE] =	sst s2  }
0x8f: {  	_ = 	snop  }
0x90: {  	s2 =	sld [smem:$0x3FD0];
	(tm) =	ssettm $0x1  }
0x91: {  	s18 =	sld [smem:$0x3FFB];
	_ =	sdelay $0x3  }
0x92: {  	_ =	strace s18  }
0x93: {  	s3 =	sld [smem:$0x3FFC];
	_ =	sdelay $0x3  }
0x94: {  	_ =	strace s3  }
0x95: {  	s3 =	sld [smem:$0x3FFD];
	_ =	sdelay $0x3  }
0x96: {  	_ =	strace s3  }
0x97: {  	_ =	strace $0x8FFFFFFF  }
0x98: {  	s19 =	sld [smem:$0x3FDB];
	_ =	sdelay $0x1  }
0x99: {  	s4 =	simm.s32 $_scs_section_size  }
0x9a: {  	s5 =	simm.s32 $_size__tile_overlayer_lowered;
	s6 =	simm.s32 $_tile_overlayer_lowered  }
0x9b: {  	s22 =	simm.s32 $0x1BFF;
	s21 =	sshll.u32 s6, $0x1;
	s3 =	sadd.s32 s4, s19  }
0x9c: {  	s7 =	simm.s32 $0x0;
	s20 =	sshll.u32 s5, $0x1;
	s5 =	sadd.s32 s21, s3  }
0x9d: {  	[timem:s7], [sflag:s22] =	dma.local [hbm:s5], s20  }
0x9e: {  	_ =	swait.ge [sflag:s22], s20  }
0x9f: {  	s4 =	ssub.s32 $0x0, s20;
	[sflag:s22] =	ssyncset.done $0x0  }
0xa0: {  	[sflag:s22] =	ssyncadd.s32 s4;
	_ =	sdelay $0x1  }
0xa1: {  	s23 =	simm.s32 $0x1B8B  }
0xa2: {  	_ =	swait.ge [sflag:s23], $0x1  }
0xa3: {  	[sflag:s23] =	ssyncset.done $0x0  }
0xa4: {  	s25 =	simm.s32 $0x1B8E;
	s24 =	sld [smem:$0x3FFE];
	[sflag:s23] =	ssyncadd.s32 $0xFFFFFFFF  }
0xa5: {  	s26 =	simm.s32 $execute0_lowered;
	[smem:$0x3FD2] =	sst s25  }
0xa6: {  	s5 =	sshll.u32 s26, $0x1;
	_ =	strace $0x8000004C;
	[dreg:$0x1] =	wrdreg $0xFFFFFFFF  }
0xa7: {  	s28 =	simm.s32 $_size_execute0_lowered;
	s3 =	sadd.s32 s3, s5;
	[dreg:$0x0] =	wrdreg $0x0  }
0xa8: {  	s5 =	sshll.u32 s28, $0x1;
	[dreg:$0x2] =	wrdreg s3  }
0xa9: {  	[dreg:$0x3] =	wrdreg s5  }
0xaa: {  	[dreg:$0x4] =	wrdreg $0xC0  }
0xab: {  	_ =	task [dreg:s7], $0x5FFFF  }
0xac: {  	[dreg:$0x1] =	wrdreg $0xFFFFFFFF  }
0xad: {  	[dreg:$0x0] =	wrdreg $0x60  }
0xae: {  	[dreg:$0x2] =	wrdreg s24  }
0xaf: {  	[dreg:$0x3] =	wrdreg s2  }
0xb0: {  	[dreg:$0x4] =	wrdreg $0xA8000  }
0xb1: {  	[dreg:$0x5] =	wrdreg $0x9  }
0xb2: {  	_ =	task.clear_ibuf [dreg:s7], $0x6FFFF;
	_ =	strace $0x9000004C  }
0xb3: {  	s29 =	simm.s32 $0x9;
	_ =	strace $0x8000004E  }
0xb4: {  	_ =	swait.ge [sflag:s29], $0x1  }
0xb5: {  	[sflag:s29] =	ssyncadd.s32 $0xFFFFFFFF  }
0xb6: {  	_ =	strace $0x9000004E  }
0xb7: {  	_ =	sfence  }
0xb8: {  	s30 =	sld [smem:$0x0];
	_ =	sdelay $0x2  }
0xb9: {  	s31 =	sshll.u32 s1, $0xD;
	s1 =	sshrl.u32 s1, $0x2  }
0xba: {  	s3 =	sand.u32 $0x4000, s31;
	s1 =	sadd.s32 s1, s30  }
0xbb: {  	s0 =	sor.u32 s3, s0;
	s1 =	sshll.u32 s1, $0x11  }
0xbc: {  	s0 =	sor.u32 s1, s0  }
0xbd: {  	s0 =	sadd.s32 $0x8F2B, s0  }
0xbe: {  	[sflag:s0] =	ssyncadd.remote.s32 $0x1  }
0xbf: {  	_ =	sfence.sel $0xFFFF  }
0xc0: {  	[dreg:$0x0] =	wrdreg $0xFFFFFFFF;
	(pc) =	sbr.abs _section_cstart, $3  }
0xc1: {  	[dreg:$0x1] =	wrdreg $0xFFFFFFFF  }
0xc2: {  	_ =	task.clear_ibuf [dreg:s7], $0x2FFFF;
	_ =	strace $0x9FFFFFFF  }
0xc3: {  	(tm) =	ssettm $0x7FFFFFFF  }
tec
execute0_lowered:
.L_overlay_start_1:
0x0: {  	(tag) =	ssettag $0x1  }
0x1: {  	s6 =	rddreg [dreg:$0x0]  }
0x2: {  	s14 =	rddreg [dreg:$0x1]  }
0x3: {  	s1 =	rddreg [dreg:$0x2]  }
0x4: {  	s2 =	srdreg.scid;
	s3 =	simm.s32 $0x0;
	s0 =	stileid.u32  }
0x5: {  	s19 =	simm.s32 $0x1400;
	s20 =	simm.s32 $0x80;
	s21 =	simm.s32 $0x2800  }
0x6: {  	s22 =	simm.s32 $0x6800;
	s23 =	simm.s32 $0x1;
	s8 =	smul.u32 $0x13C00, s0  }
0x7: {  	s28 =	simm.s32 $0x2780;
	s7 =	sand.u32 $0x1, s2;
	s10 =	smul.u32 $0x4F000, s0  }
0x8: {  	[smem:$0x7FF] =	sst s3;
	s4 =	sadd.s32 $0x10600, s6;
	s26 =	smul.u32 $0x2800, s0  }
0x9: {  	s13 =	sadd.s32 $0x3E00, s6;
	s29 =	sshll.u32 s0, $0x6;
	s30 =	smul.u32 $0x500, s0  }
0xa: {  	s5 =	smul.u32 $0x13C000, s7;
	_ =	strace $0x8000004D;
	s9 =	ssub.s32 $0x2, s7  }
0xb: {  	p0 =	seq.s32 s7, $0x1;
	s24 =	sshrl.u32 s9, $0x1;
	s25 =	sshrl.u32 s10, $0x2  }
0xc: {  	s18 =	sshrl.u32 s26, $0x3;
	s7 =	sadd.s32 s13, s30;
	s26 =	simm.s32 $0x2700  }
0xd: {  	s5 =	sadd.s32 s8, s5;
	s16 =	ssub.s32 s9, s24;
	s17 =	sadd.s32 s25, s1  }
0xe: {  	s31 =	sadd.s32 $0x280, s18;
	s12 =	sadd.s32 $0x5000, s18;
	s18 =	sadd.s32 $0x5280, s18  }
0xf: {  	s24 =	simm.s32 $0x2;
	s25 =	simm.s32 $0x1380;
	s8 =	sshrl.u32 s5, $0x3  }
.Ltmp0:
0x10: {  	s5 =	sadd.s32 $0xDE00, s6;
	s9 =	sadd.s32 s13, s31;
	(pc) =	sbr.rel .LBB2_1-.Ltmp0, $4  }
0x11: {  	s10 =	sadd.s32 s14, s31;
	s11 =	sadd.s32 s13, s12;
	s12 =	sadd.s32 s14, s12  }
0x12: {  	s13 =	sadd.s32 s13, s18;
	s16 =	smax.u32 s16, $0x1;
	s17 =	sshrl.u32 s17, $0x3  }
0x13: {  	s15 =	sadd.s32 s8, s6;
	s6 =	sor.u32 $0x1C03, s29;
	s8 =	sadd.s32 s14, s30  }
0x14: {  	s14 =	sadd.s32 s14, s18;
	s18 =	simm.s32 $0x3;
	s15 =	sadd.s32 $0x37800, s15  }
.LBB2_11:
0x15: {  	s0 =	sadd.s32 $0x80, s29;
	[sflag:s18] =	ssyncadd.s32 $0xFFFFC000  }
0x16: {  	[tilespmem:s22], [sflag:$0x2] =	stream.indirect.gather [hbm4b:s4+s20], $0x80, s0, s20, $0xb8;
	[tilespmem:$0x1E400] =	vst v63  }
0x17: {  	_ =	swait.ge [sflag:s23], $0x4000  }
0x18: {  	[sflag:s23] =	ssyncset.done $0x0  }
0x19: {  	s2 =	sadd.s32 $0x1400, s29;
	[sflag:s23] =	ssyncadd.s32 $0xFFFFC000  }
0x1a: {  	[spmem:s1] =	stream.indirect.scatter.add.f32 [tilespmem:s21], [sflag:$0x3], $0x80, s2, s20, $0xb8;
	[tilespmem:$0x1E400] =	vst v63  }
0x1b: {  	_ =	swait.ge [sflag:s18], $0x4000  }
0x1c: {  	[sflag:s18] =	ssyncset.done $0x0  }
0x1d: {  	s30 =	sadd.s32 $0x100, s29;
	[sflag:s18] =	ssyncadd.s32 $0xFFFFC000  }
0x1e: {  	[tilespmem:s21], [sflag:$0x1] =	stream.indirect.gather [hbm4b:s4+s20], $0x80, s30, s20, $0xb8;
	[tilespmem:$0x1E400] =	vst v63  }
0x1f: {  	_ =	swait.ge [sflag:s24], $0x4000  }
0x20: {  	[sflag:s24] =	ssyncset.done $0x0  }
0x21: {  	s31 =	sadd.s32 $0x1480, s29;
	[sflag:s24] =	ssyncadd.s32 $0xFFFFC000  }
0x22: {  	[spmem:s1] =	stream.indirect.scatter.add.f32 [tilespmem:s22], [sflag:$0x3], $0x80, s31, s20, $0xb8;
	[tilespmem:$0x1E400] =	vst v63  }
0x23: {  	_ =	swait.ge [sflag:s18], $0x4000  }
0x24: {  	[sflag:s18] =	ssyncset.done $0x0  }
0x25: {  	[sflag:s18] =	ssyncadd.s32 $0xFFFFC000  }
.LBB2_12:
0x26: {  	[tilespmem:s22], [sflag:$0x2] =	stream.indirect.gather [hbm4b:s4+s20], $0x80, s25, s20, $0xb8;
	[tilespmem:$0x1E400] =	vst v63  }
0x27: {  	_ =	swait.ge [sflag:s23], $0x4000  }
0x28: {  	[sflag:s23] =	ssyncset.done $0x0  }
0x29: {  	[sflag:s23] =	ssyncadd.s32 $0xFFFFC000  }
0x2a: {  	[spmem:s1] =	stream.indirect.scatter.add.f32 [tilespmem:s21], [sflag:$0x3], $0x80, s26, s20, $0xb8;
	[tilespmem:$0x1E400] =	vst v63  }
0x2b: {  	_ =	swait.ge [sflag:s18], $0x4000  }
0x2c: {  	[sflag:s18] =	ssyncset.done $0x0  }
0x2d: {  	[sflag:s18] =	ssyncadd.s32 $0xFFFFC000  }
0x2e: {  	_ =	swait.ge [sflag:s24], $0x4000  }
0x2f: {  	[sflag:s24] =	ssyncset.done $0x0  }
0x30: {  	[sflag:s24] =	ssyncadd.s32 $0xFFFFC000  }
0x31: {  	[spmem:s1] =	stream.indirect.scatter.add.f32 [tilespmem:s22], [sflag:$0x3], $0x80, s28, s20, $0xb8;
	[tilespmem:$0x1E400] =	vst v63  }
0x32: {  	_ =	swait.ge [sflag:s18], $0x4000  }
0x33: {  	s3 =	sadd.s32 $0x1, s3;
	[sflag:s18] =	ssyncset.done $0x0  }
0x34: {  	p1 =	sne.s32 s3, s16;
	[sflag:s18] =	ssyncadd.s32 $0xFFFFC000  }
.Ltmp1:
0x35: {  	[bflag:$0x0] =	sbarrier.arrive $0xFFFF;
	(pc) =	sbr.rel @!p1 .LBB2_13-.Ltmp1, $4  }
0x36: {  	[hbm:s15], [sflag:s6] =	dma.local [spmem:s17], $0x2780  }
0x37: {  	_ =	swait.ge [sflag:s18], $0x2780  }
0x38: {  	[sflag:s18] =	ssyncset.done $0x0  }
0x39: {  	[sflag:s18] =	ssyncadd.s32 $0xFFFFD880  }
.LBB2_1:
0x3a: {  	[spmem:s17], [sflag:s6] =	dma.local [hbm:s5], $0x2780  }
.Ltmp2:
0x3b: {  	_ =	swait.ge [sflag:s18], $0x2780;
	(pc) =	sbr.rel @!p0 .LBB2_2-.Ltmp2, $3  }
0x3c: {  	[sflag:s18] =	ssyncset.done $0x0  }
0x3d: {  	[sflag:s18] =	ssyncadd.s32 $0xFFFFD880  }
0x3e: {  	[bflag:$0x0] =	sbarrier.arrive $0xFFFF;
	_ =	sdelay $0x1  }
0x3f: {  	s0 =	simm.s32 $0x0  }
0x40: {  	[tilespmem:s0], [sflag:$0x3] =	stream.linear.gather [hbm4b:s11+s0], $0x1400, $0x38;
	[tilespmem:$0x1E400] =	vst v63  }
0x41: {  	_ =	swait.ge [sflag:s18], $0x1400  }
0x42: {  	[sflag:s18] =	ssyncset.done $0x0  }
0x43: {  	[sflag:s18] =	ssyncadd.s32 $0xFFFFEC00  }
0x44: {  	[tilespmem:s19], [sflag:$0x3] =	stream.linear.gather [hbm4b:s12+s0], $0x1400, $0x38;
	[tilespmem:$0x1E400] =	vst v63  }
0x45: {  	_ =	swait.ge [sflag:s18], $0x1400  }
0x46: {  	[sflag:s18] =	ssyncset.done $0x0  }
0x47: {  	[sflag:s18] =	ssyncadd.s32 $0xFFFFEC00  }
0x48: {  	[tilespmem:s21], [sflag:$0x1] =	stream.indirect.gather [hbm4b:s4+s20], $0x80, s0, s20, $0xb8;
	[tilespmem:$0x1E400] =	vst v63  }
0x49: {  	s2 =	simm.s32 $0x80  }
0x4a: {  	[tilespmem:s22], [sflag:$0x2] =	stream.indirect.gather [hbm4b:s4+s20], $0x80, s2, s20, $0xb8;
	[tilespmem:$0x1E400] =	vst v63  }
0x4b: {  	_ =	swait.ge [sflag:s23], $0x4000  }
0x4c: {  	[sflag:s23] =	ssyncset.done $0x0  }
0x4d: {  	s31 =	simm.s32 $0x1400;
	[sflag:s23] =	ssyncadd.s32 $0xFFFFC000  }
0x4e: {  	[spmem:s1] =	stream.indirect.scatter.add.f32 [tilespmem:s21], [sflag:$0x3], $0x80, s31, s20, $0xb8;
	[tilespmem:$0x1E400] =	vst v63  }
0x4f: {  	_ =	swait.ge [sflag:s18], $0x4000  }
0x50: {  	[sflag:s18] =	ssyncset.done $0x0  }
0x51: {  	s2 =	simm.s32 $0x100;
	[sflag:s18] =	ssyncadd.s32 $0xFFFFC000  }
0x52: {  	[tilespmem:s21], [sflag:$0x1] =	stream.indirect.gather [hbm4b:s4+s20], $0x80, s2, s20, $0xb8;
	[tilespmem:$0x1E400] =	vst v63  }
0x53: {  	_ =	swait.ge [sflag:s24], $0x4000  }
0x54: {  	[sflag:s24] =	ssyncset.done $0x0  }
0x55: {  	s31 =	simm.s32 $0x1480;
	[sflag:s24] =	ssyncadd.s32 $0xFFFFC000  }
0x56: {  	[spmem:s1] =	stream.indirect.scatter.add.f32 [tilespmem:s22], [sflag:$0x3], $0x80, s31, s20, $0xb8;
	[tilespmem:$0x1E400] =	vst v63  }
0x57: {  	_ =	swait.ge [sflag:s18], $0x4000  }
0x58: {  	s30 =	simm.s32 $0x800;
	s29 =	simm.s32 $0x100;
	[sflag:s18] =	ssyncset.done $0x0  }
.LBB2_8:
0x59: {  	s0 =	sadd.s32 $0x80, s29  }
0x5a: {  	[sflag:s18] =	ssyncadd.s32 $0xFFFFC000;
	s2 =	smov.u32 s30;
	s31 =	sadd.s32 $0x400, s30  }
0x5b: {  	[tilespmem:s22], [sflag:$0x2] =	stream.indirect.gather [hbm4b:s4+s20], $0x80, s0, s20, $0xb8;
	[tilespmem:$0x1E400] =	vst v63  }
0x5c: {  	p1 =	sne.s32 s30, $0x4800;
	_ =	swait.ge [sflag:s23], $0x4000  }
0x5d: {  	[sflag:s23] =	ssyncset.done $0x0  }
0x5e: {  	s0 =	sadd.s32 $0x1400, s29;
	[sflag:s23] =	ssyncadd.s32 $0xFFFFC000  }
0x5f: {  	[spmem:s1] =	stream.indirect.scatter.add.f32 [tilespmem:s21], [sflag:$0x3], $0x80, s0, s20, $0xb8;
	[tilespmem:$0x1E400] =	vst v63  }
0x60: {  	_ =	swait.ge [sflag:s18], $0x4000  }
0x61: {  	[sflag:s18] =	ssyncset.done $0x0  }
0x62: {  	s0 =	sadd.s32 $0x100, s29;
	[sflag:s18] =	ssyncadd.s32 $0xFFFFC000  }
0x63: {  	[tilespmem:s21], [sflag:$0x1] =	stream.indirect.gather [hbm4b:s4+s20], $0x80, s0, s20, $0xb8;
	[tilespmem:$0x1E400] =	vst v63  }
0x64: {  	_ =	swait.ge [sflag:s24], $0x4000  }
.Ltmp3:
0x65: {  	[sflag:s24] =	ssyncset.done $0x0;
	(pc) =	sbr.rel @p1 .LBB2_8-.Ltmp3, $4  }
0x66: {  	s0 =	sadd.s32 $0x1480, s29;
	[sflag:s24] =	ssyncadd.s32 $0xFFFFC000  }
0x67: {  	[spmem:s1] =	stream.indirect.scatter.add.f32 [tilespmem:s22], [sflag:$0x3], $0x80, s0, s20, $0xb8;
	[tilespmem:$0x1E400] =	vst v63  }
0x68: {  	_ =	swait.ge [sflag:s18], $0x4000  }
0x69: {  	s30 =	smov.u32 s31;
	s29 =	sshra.s32 s2, $0x2;
	[sflag:s18] =	ssyncset.done $0x0  }
0x6a: {  	s0 =	sadd.s32 $0x80, s29;
	[sflag:s18] =	ssyncadd.s32 $0xFFFFC000  }
0x6b: {  	[tilespmem:s22], [sflag:$0x2] =	stream.indirect.gather [hbm4b:s4+s20], $0x80, s0, s20, $0xb8;
	[tilespmem:$0x1E400] =	vst v63  }
0x6c: {  	_ =	swait.ge [sflag:s23], $0x4000  }
0x6d: {  	[sflag:s23] =	ssyncset.done $0x0  }
0x6e: {  	s2 =	sadd.s32 $0x1400, s29;
	[sflag:s23] =	ssyncadd.s32 $0xFFFFC000  }
0x6f: {  	[spmem:s1] =	stream.indirect.scatter.add.f32 [tilespmem:s21], [sflag:$0x3], $0x80, s2, s20, $0xb8;
	[tilespmem:$0x1E400] =	vst v63  }
0x70: {  	_ =	swait.ge [sflag:s18], $0x4000  }
0x71: {  	[sflag:s18] =	ssyncset.done $0x0  }
0x72: {  	s31 =	sadd.s32 $0x100, s29;
	[sflag:s18] =	ssyncadd.s32 $0xFFFFC000  }
0x73: {  	[tilespmem:s21], [sflag:$0x1] =	stream.indirect.gather [hbm4b:s4+s20], $0x80, s31, s20, $0xb8;
	[tilespmem:$0x1E400] =	vst v63  }
0x74: {  	_ =	swait.ge [sflag:s24], $0x4000  }
0x75: {  	[sflag:s24] =	ssyncset.done $0x0  }
0x76: {  	s2 =	sadd.s32 $0x1480, s29;
	[sflag:s24] =	ssyncadd.s32 $0xFFFFC000  }
0x77: {  	[spmem:s1] =	stream.indirect.scatter.add.f32 [tilespmem:s22], [sflag:$0x3], $0x80, s2, s20, $0xb8;
	[tilespmem:$0x1E400] =	vst v63  }
0x78: {  	_ =	swait.ge [sflag:s18], $0x4000  }
0x79: {  	[sflag:s18] =	ssyncset.done $0x0  }
0x7a: {  	[sflag:s18] =	ssyncadd.s32 $0xFFFFC000  }
0x7b: {  	[tilespmem:s22], [sflag:$0x2] =	stream.indirect.gather [hbm4b:s4+s20], $0x80, s25, s20, $0xb8;
	[tilespmem:$0x1E400] =	vst v63  }
0x7c: {  	_ =	swait.ge [sflag:s23], $0x4000  }
0x7d: {  	[sflag:s23] =	ssyncset.done $0x0  }
0x7e: {  	[sflag:s23] =	ssyncadd.s32 $0xFFFFC000  }
0x7f: {  	[spmem:s1] =	stream.indirect.scatter.add.f32 [tilespmem:s21], [sflag:$0x3], $0x80, s26, s20, $0xb8;
	[tilespmem:$0x1E400] =	vst v63  }
0x80: {  	_ =	swait.ge [sflag:s18], $0x4000  }
0x81: {  	[sflag:s18] =	ssyncset.done $0x0  }
0x82: {  	[sflag:s18] =	ssyncadd.s32 $0xFFFFC000  }
0x83: {  	_ =	swait.ge [sflag:s24], $0x4000  }
0x84: {  	[sflag:s24] =	ssyncset.done $0x0  }
0x85: {  	[sflag:s24] =	ssyncadd.s32 $0xFFFFC000  }
0x86: {  	[spmem:s1] =	stream.indirect.scatter.add.f32 [tilespmem:s22], [sflag:$0x3], $0x80, s28, s20, $0xb8;
	[tilespmem:$0x1E400] =	vst v63  }
0x87: {  	_ =	swait.ge [sflag:s18], $0x4000  }
0x88: {  	[sflag:s18] =	ssyncset.done $0x0  }
0x89: {  	s31 =	simm.s32 $0x0;
	[sflag:s18] =	ssyncadd.s32 $0xFFFFC000  }
0x8a: {  	[tilespmem:s31], [sflag:$0x3] =	stream.linear.gather [hbm4b:s13+s31], $0x1400, $0x38;
	[tilespmem:$0x1E400] =	vst v63  }
0x8b: {  	_ =	swait.ge [sflag:s18], $0x1400  }
0x8c: {  	[sflag:s18] =	ssyncset.done $0x0  }
0x8d: {  	[sflag:s18] =	ssyncadd.s32 $0xFFFFEC00  }
0x8e: {  	[tilespmem:s19], [sflag:$0x3] =	stream.linear.gather [hbm4b:s14+s31], $0x1400, $0x38;
	[tilespmem:$0x1E400] =	vst v63  }
0x8f: {  	_ =	swait.ge [sflag:s18], $0x1400  }
0x90: {  	[sflag:s18] =	ssyncset.done $0x0  }
0x91: {  	[sflag:s18] =	ssyncadd.s32 $0xFFFFEC00  }
0x92: {  	[tilespmem:s21], [sflag:$0x1] =	stream.indirect.gather [hbm4b:s4+s20], $0x80, s31, s20, $0xb8;
	[tilespmem:$0x1E400] =	vst v63  }
0x93: {  	s2 =	simm.s32 $0x80  }
0x94: {  	[tilespmem:s22], [sflag:$0x2] =	stream.indirect.gather [hbm4b:s4+s20], $0x80, s2, s20, $0xb8;
	[tilespmem:$0x1E400] =	vst v63  }
0x95: {  	_ =	swait.ge [sflag:s23], $0x4000  }
0x96: {  	[sflag:s23] =	ssyncset.done $0x0  }
0x97: {  	s31 =	simm.s32 $0x1400;
	[sflag:s23] =	ssyncadd.s32 $0xFFFFC000  }
0x98: {  	[spmem:s1] =	stream.indirect.scatter.add.f32 [tilespmem:s21], [sflag:$0x3], $0x80, s31, s20, $0xb8;
	[tilespmem:$0x1E400] =	vst v63  }
0x99: {  	_ =	swait.ge [sflag:s18], $0x4000  }
0x9a: {  	[sflag:s18] =	ssyncset.done $0x0  }
0x9b: {  	s2 =	simm.s32 $0x100;
	[sflag:s18] =	ssyncadd.s32 $0xFFFFC000  }
0x9c: {  	[tilespmem:s21], [sflag:$0x1] =	stream.indirect.gather [hbm4b:s4+s20], $0x80, s2, s20, $0xb8;
	[tilespmem:$0x1E400] =	vst v63  }
0x9d: {  	_ =	swait.ge [sflag:s24], $0x4000  }
0x9e: {  	[sflag:s24] =	ssyncset.done $0x0  }
0x9f: {  	s31 =	simm.s32 $0x1480;
	[sflag:s24] =	ssyncadd.s32 $0xFFFFC000  }
0xa0: {  	[spmem:s1] =	stream.indirect.scatter.add.f32 [tilespmem:s22], [sflag:$0x3], $0x80, s31, s20, $0xb8;
	[tilespmem:$0x1E400] =	vst v63  }
0xa1: {  	_ =	swait.ge [sflag:s18], $0x4000  }
0xa2: {  	s30 =	simm.s32 $0x800;
	s29 =	simm.s32 $0x100;
	[sflag:s18] =	ssyncset.done $0x0  }
.LBB2_10:
0xa3: {  	s0 =	sadd.s32 $0x80, s29  }
0xa4: {  	[sflag:s18] =	ssyncadd.s32 $0xFFFFC000;
	s2 =	smov.u32 s30;
	s31 =	sadd.s32 $0x400, s30  }
0xa5: {  	[tilespmem:s22], [sflag:$0x2] =	stream.indirect.gather [hbm4b:s4+s20], $0x80, s0, s20, $0xb8;
	[tilespmem:$0x1E400] =	vst v63  }
0xa6: {  	p1 =	sne.s32 s30, $0x4800;
	_ =	swait.ge [sflag:s23], $0x4000  }
0xa7: {  	[sflag:s23] =	ssyncset.done $0x0  }
0xa8: {  	s0 =	sadd.s32 $0x1400, s29;
	[sflag:s23] =	ssyncadd.s32 $0xFFFFC000  }
0xa9: {  	[spmem:s1] =	stream.indirect.scatter.add.f32 [tilespmem:s21], [sflag:$0x3], $0x80, s0, s20, $0xb8;
	[tilespmem:$0x1E400] =	vst v63  }
0xaa: {  	_ =	swait.ge [sflag:s18], $0x4000  }
0xab: {  	[sflag:s18] =	ssyncset.done $0x0  }
0xac: {  	s0 =	sadd.s32 $0x100, s29;
	[sflag:s18] =	ssyncadd.s32 $0xFFFFC000  }
0xad: {  	[tilespmem:s21], [sflag:$0x1] =	stream.indirect.gather [hbm4b:s4+s20], $0x80, s0, s20, $0xb8;
	[tilespmem:$0x1E400] =	vst v63  }
0xae: {  	_ =	swait.ge [sflag:s24], $0x4000  }
.Ltmp4:
0xaf: {  	[sflag:s24] =	ssyncset.done $0x0;
	(pc) =	sbr.rel @p1 .LBB2_10-.Ltmp4, $4  }
0xb0: {  	s0 =	sadd.s32 $0x1480, s29;
	[sflag:s24] =	ssyncadd.s32 $0xFFFFC000  }
0xb1: {  	[spmem:s1] =	stream.indirect.scatter.add.f32 [tilespmem:s22], [sflag:$0x3], $0x80, s0, s20, $0xb8;
	[tilespmem:$0x1E400] =	vst v63  }
0xb2: {  	_ =	swait.ge [sflag:s18], $0x4000  }
0xb3: {  	s30 =	smov.u32 s31;
	s29 =	sshra.s32 s2, $0x2;
	[sflag:s18] =	ssyncset.done $0x0  }
.Ltmp5:
0xb4: {  	_ = 	snop;
	(pc) =	sbr.rel .LBB2_11-.Ltmp5, $1  }
0xb5: {  	_ =	sdelay $0x3  }
.LBB2_2:
0xb6: {  	s29 =	simm.s32 $0x0  }
0xb7: {  	[tilespmem:s29], [sflag:$0x3] =	stream.linear.gather [hbm4b:s7+s29], $0x1400, $0x38;
	[tilespmem:$0x1E400] =	vst v63  }
0xb8: {  	_ =	swait.ge [sflag:s18], $0x1400  }
0xb9: {  	[sflag:s18] =	ssyncset.done $0x0  }
0xba: {  	[sflag:s18] =	ssyncadd.s32 $0xFFFFEC00  }
0xbb: {  	[tilespmem:s19], [sflag:$0x3] =	stream.linear.gather [hbm4b:s8+s29], $0x1400, $0x38;
	[tilespmem:$0x1E400] =	vst v63  }
0xbc: {  	_ =	swait.ge [sflag:s18], $0x1400  }
0xbd: {  	[sflag:s18] =	ssyncset.done $0x0  }
0xbe: {  	[sflag:s18] =	ssyncadd.s32 $0xFFFFEC00  }
0xbf: {  	[tilespmem:s21], [sflag:$0x1] =	stream.indirect.gather [hbm4b:s4+s20], $0x80, s29, s20, $0xb8;
	[tilespmem:$0x1E400] =	vst v63  }
0xc0: {  	s29 =	simm.s32 $0x80  }
0xc1: {  	[tilespmem:s22], [sflag:$0x2] =	stream.indirect.gather [hbm4b:s4+s20], $0x80, s29, s20, $0xb8;
	[tilespmem:$0x1E400] =	vst v63  }
0xc2: {  	_ =	swait.ge [sflag:s23], $0x4000  }
0xc3: {  	[sflag:s23] =	ssyncset.done $0x0  }
0xc4: {  	s29 =	simm.s32 $0x1400;
	[sflag:s23] =	ssyncadd.s32 $0xFFFFC000  }
0xc5: {  	[spmem:s1] =	stream.indirect.scatter.add.f32 [tilespmem:s21], [sflag:$0x3], $0x80, s29, s20, $0xb8;
	[tilespmem:$0x1E400] =	vst v63  }
0xc6: {  	_ =	swait.ge [sflag:s18], $0x4000  }
0xc7: {  	[sflag:s18] =	ssyncset.done $0x0  }
0xc8: {  	s29 =	simm.s32 $0x100;
	[sflag:s18] =	ssyncadd.s32 $0xFFFFC000  }
0xc9: {  	[tilespmem:s21], [sflag:$0x1] =	stream.indirect.gather [hbm4b:s4+s20], $0x80, s29, s20, $0xb8;
	[tilespmem:$0x1E400] =	vst v63  }
0xca: {  	_ =	swait.ge [sflag:s24], $0x4000  }
0xcb: {  	[sflag:s24] =	ssyncset.done $0x0  }
0xcc: {  	s29 =	simm.s32 $0x1480;
	[sflag:s24] =	ssyncadd.s32 $0xFFFFC000  }
0xcd: {  	[spmem:s1] =	stream.indirect.scatter.add.f32 [tilespmem:s22], [sflag:$0x3], $0x80, s29, s20, $0xb8;
	[tilespmem:$0x1E400] =	vst v63  }
0xce: {  	_ =	swait.ge [sflag:s18], $0x4000  }
0xcf: {  	s30 =	simm.s32 $0x800;
	s29 =	simm.s32 $0x100;
	[sflag:s18] =	ssyncset.done $0x0  }
.LBB2_3:
0xd0: {  	s31 =	sadd.s32 $0x80, s29  }
0xd1: {  	[sflag:s18] =	ssyncadd.s32 $0xFFFFC000;
	s0 =	smov.u32 s30;
	s2 =	sadd.s32 $0x400, s30  }
0xd2: {  	[tilespmem:s22], [sflag:$0x2] =	stream.indirect.gather [hbm4b:s4+s20], $0x80, s31, s20, $0xb8;
	[tilespmem:$0x1E400] =	vst v63  }
0xd3: {  	p1 =	sne.s32 s30, $0x4800;
	_ =	swait.ge [sflag:s23], $0x4000  }
0xd4: {  	[sflag:s23] =	ssyncset.done $0x0  }
0xd5: {  	s30 =	sadd.s32 $0x1400, s29;
	[sflag:s23] =	ssyncadd.s32 $0xFFFFC000  }
0xd6: {  	[spmem:s1] =	stream.indirect.scatter.add.f32 [tilespmem:s21], [sflag:$0x3], $0x80, s30, s20, $0xb8;
	[tilespmem:$0x1E400] =	vst v63  }
0xd7: {  	_ =	swait.ge [sflag:s18], $0x4000  }
0xd8: {  	[sflag:s18] =	ssyncset.done $0x0  }
0xd9: {  	s30 =	sadd.s32 $0x100, s29;
	[sflag:s18] =	ssyncadd.s32 $0xFFFFC000  }
0xda: {  	[tilespmem:s21], [sflag:$0x1] =	stream.indirect.gather [hbm4b:s4+s20], $0x80, s30, s20, $0xb8;
	[tilespmem:$0x1E400] =	vst v63  }
0xdb: {  	_ =	swait.ge [sflag:s24], $0x4000  }
.Ltmp6:
0xdc: {  	[sflag:s24] =	ssyncset.done $0x0;
	(pc) =	sbr.rel @p1 .LBB2_3-.Ltmp6, $4  }
0xdd: {  	s29 =	sadd.s32 $0x1480, s29;
	[sflag:s24] =	ssyncadd.s32 $0xFFFFC000  }
0xde: {  	[spmem:s1] =	stream.indirect.scatter.add.f32 [tilespmem:s22], [sflag:$0x3], $0x80, s29, s20, $0xb8;
	[tilespmem:$0x1E400] =	vst v63  }
0xdf: {  	_ =	swait.ge [sflag:s18], $0x4000  }
0xe0: {  	s30 =	smov.u32 s2;
	s29 =	sshra.s32 s0, $0x2;
	[sflag:s18] =	ssyncset.done $0x0  }
0xe1: {  	s0 =	sadd.s32 $0x80, s29;
	[sflag:s18] =	ssyncadd.s32 $0xFFFFC000  }
0xe2: {  	[tilespmem:s22], [sflag:$0x2] =	stream.indirect.gather [hbm4b:s4+s20], $0x80, s0, s20, $0xb8;
	[tilespmem:$0x1E400] =	vst v63  }
0xe3: {  	_ =	swait.ge [sflag:s23], $0x4000  }
0xe4: {  	[sflag:s23] =	ssyncset.done $0x0  }
0xe5: {  	s2 =	sadd.s32 $0x1400, s29;
	[sflag:s23] =	ssyncadd.s32 $0xFFFFC000  }
0xe6: {  	[spmem:s1] =	stream.indirect.scatter.add.f32 [tilespmem:s21], [sflag:$0x3], $0x80, s2, s20, $0xb8;
	[tilespmem:$0x1E400] =	vst v63  }
0xe7: {  	_ =	swait.ge [sflag:s18], $0x4000  }
0xe8: {  	[sflag:s18] =	ssyncset.done $0x0  }
0xe9: {  	s31 =	sadd.s32 $0x100, s29;
	[sflag:s18] =	ssyncadd.s32 $0xFFFFC000  }
0xea: {  	[tilespmem:s21], [sflag:$0x1] =	stream.indirect.gather [hbm4b:s4+s20], $0x80, s31, s20, $0xb8;
	[tilespmem:$0x1E400] =	vst v63  }
0xeb: {  	_ =	swait.ge [sflag:s24], $0x4000  }
0xec: {  	[sflag:s24] =	ssyncset.done $0x0  }
0xed: {  	s2 =	sadd.s32 $0x1480, s29;
	[sflag:s24] =	ssyncadd.s32 $0xFFFFC000  }
0xee: {  	[spmem:s1] =	stream.indirect.scatter.add.f32 [tilespmem:s22], [sflag:$0x3], $0x80, s2, s20, $0xb8;
	[tilespmem:$0x1E400] =	vst v63  }
0xef: {  	_ =	swait.ge [sflag:s18], $0x4000  }
0xf0: {  	[sflag:s18] =	ssyncset.done $0x0  }
0xf1: {  	[sflag:s18] =	ssyncadd.s32 $0xFFFFC000  }
0xf2: {  	[tilespmem:s22], [sflag:$0x2] =	stream.indirect.gather [hbm4b:s4+s20], $0x80, s25, s20, $0xb8;
	[tilespmem:$0x1E400] =	vst v63  }
0xf3: {  	_ =	swait.ge [sflag:s23], $0x4000  }
0xf4: {  	[sflag:s23] =	ssyncset.done $0x0  }
0xf5: {  	[sflag:s23] =	ssyncadd.s32 $0xFFFFC000  }
0xf6: {  	[spmem:s1] =	stream.indirect.scatter.add.f32 [tilespmem:s21], [sflag:$0x3], $0x80, s26, s20, $0xb8;
	[tilespmem:$0x1E400] =	vst v63  }
0xf7: {  	_ =	swait.ge [sflag:s18], $0x4000  }
0xf8: {  	[sflag:s18] =	ssyncset.done $0x0  }
0xf9: {  	[sflag:s18] =	ssyncadd.s32 $0xFFFFC000  }
0xfa: {  	_ =	swait.ge [sflag:s24], $0x4000  }
0xfb: {  	[sflag:s24] =	ssyncset.done $0x0  }
0xfc: {  	[sflag:s24] =	ssyncadd.s32 $0xFFFFC000  }
0xfd: {  	[spmem:s1] =	stream.indirect.scatter.add.f32 [tilespmem:s22], [sflag:$0x3], $0x80, s28, s20, $0xb8;
	[tilespmem:$0x1E400] =	vst v63  }
0xfe: {  	_ =	swait.ge [sflag:s18], $0x4000  }
0xff: {  	[sflag:s18] =	ssyncset.done $0x0  }
0x100: {  	s31 =	simm.s32 $0x0;
	[sflag:s18] =	ssyncadd.s32 $0xFFFFC000  }
0x101: {  	[tilespmem:s31], [sflag:$0x3] =	stream.linear.gather [hbm4b:s9+s31], $0x1400, $0x38;
	[tilespmem:$0x1E400] =	vst v63  }
0x102: {  	_ =	swait.ge [sflag:s18], $0x1400  }
0x103: {  	[sflag:s18] =	ssyncset.done $0x0  }
0x104: {  	[sflag:s18] =	ssyncadd.s32 $0xFFFFEC00  }
0x105: {  	[tilespmem:s19], [sflag:$0x3] =	stream.linear.gather [hbm4b:s10+s31], $0x1400, $0x38;
	[tilespmem:$0x1E400] =	vst v63  }
0x106: {  	_ =	swait.ge [sflag:s18], $0x1400  }
0x107: {  	[sflag:s18] =	ssyncset.done $0x0  }
0x108: {  	[sflag:s18] =	ssyncadd.s32 $0xFFFFEC00  }
0x109: {  	[tilespmem:s21], [sflag:$0x1] =	stream.indirect.gather [hbm4b:s4+s20], $0x80, s31, s20, $0xb8;
	[tilespmem:$0x1E400] =	vst v63  }
0x10a: {  	s2 =	simm.s32 $0x80  }
0x10b: {  	[tilespmem:s22], [sflag:$0x2] =	stream.indirect.gather [hbm4b:s4+s20], $0x80, s2, s20, $0xb8;
	[tilespmem:$0x1E400] =	vst v63  }
0x10c: {  	_ =	swait.ge [sflag:s23], $0x4000  }
0x10d: {  	[sflag:s23] =	ssyncset.done $0x0  }
0x10e: {  	s31 =	simm.s32 $0x1400;
	[sflag:s23] =	ssyncadd.s32 $0xFFFFC000  }
0x10f: {  	[spmem:s1] =	stream.indirect.scatter.add.f32 [tilespmem:s21], [sflag:$0x3], $0x80, s31, s20, $0xb8;
	[tilespmem:$0x1E400] =	vst v63  }
0x110: {  	_ =	swait.ge [sflag:s18], $0x4000  }
0x111: {  	[sflag:s18] =	ssyncset.done $0x0  }
0x112: {  	s2 =	simm.s32 $0x100;
	[sflag:s18] =	ssyncadd.s32 $0xFFFFC000  }
0x113: {  	[tilespmem:s21], [sflag:$0x1] =	stream.indirect.gather [hbm4b:s4+s20], $0x80, s2, s20, $0xb8;
	[tilespmem:$0x1E400] =	vst v63  }
0x114: {  	_ =	swait.ge [sflag:s24], $0x4000  }
0x115: {  	[sflag:s24] =	ssyncset.done $0x0  }
0x116: {  	s31 =	simm.s32 $0x1480;
	[sflag:s24] =	ssyncadd.s32 $0xFFFFC000  }
0x117: {  	[spmem:s1] =	stream.indirect.scatter.add.f32 [tilespmem:s22], [sflag:$0x3], $0x80, s31, s20, $0xb8;
	[tilespmem:$0x1E400] =	vst v63  }
0x118: {  	_ =	swait.ge [sflag:s18], $0x4000  }
0x119: {  	s30 =	simm.s32 $0x800;
	s29 =	simm.s32 $0x100;
	[sflag:s18] =	ssyncset.done $0x0  }
.LBB2_5:
0x11a: {  	s0 =	sadd.s32 $0x80, s29  }
0x11b: {  	[sflag:s18] =	ssyncadd.s32 $0xFFFFC000;
	s2 =	smov.u32 s30;
	s31 =	sadd.s32 $0x400, s30  }
0x11c: {  	[tilespmem:s22], [sflag:$0x2] =	stream.indirect.gather [hbm4b:s4+s20], $0x80, s0, s20, $0xb8;
	[tilespmem:$0x1E400] =	vst v63  }
0x11d: {  	p1 =	seq.s32 s30, $0x4800;
	_ =	swait.ge [sflag:s23], $0x4000  }
0x11e: {  	[sflag:s23] =	ssyncset.done $0x0  }
0x11f: {  	s0 =	sadd.s32 $0x1400, s29;
	[sflag:s23] =	ssyncadd.s32 $0xFFFFC000  }
0x120: {  	[spmem:s1] =	stream.indirect.scatter.add.f32 [tilespmem:s21], [sflag:$0x3], $0x80, s0, s20, $0xb8;
	[tilespmem:$0x1E400] =	vst v63  }
0x121: {  	_ =	swait.ge [sflag:s18], $0x4000  }
0x122: {  	[sflag:s18] =	ssyncset.done $0x0  }
0x123: {  	s0 =	sadd.s32 $0x100, s29;
	[sflag:s18] =	ssyncadd.s32 $0xFFFFC000  }
0x124: {  	[tilespmem:s21], [sflag:$0x1] =	stream.indirect.gather [hbm4b:s4+s20], $0x80, s0, s20, $0xb8;
	[tilespmem:$0x1E400] =	vst v63  }
0x125: {  	_ =	swait.ge [sflag:s24], $0x4000  }
.Ltmp7:
0x126: {  	[sflag:s24] =	ssyncset.done $0x0;
	(pc) =	sbr.rel @!p1 .LBB2_5-.Ltmp7, $4  }
0x127: {  	s0 =	sadd.s32 $0x1480, s29;
	[sflag:s24] =	ssyncadd.s32 $0xFFFFC000  }
0x128: {  	[spmem:s1] =	stream.indirect.scatter.add.f32 [tilespmem:s22], [sflag:$0x3], $0x80, s0, s20, $0xb8;
	[tilespmem:$0x1E400] =	vst v63  }
0x129: {  	_ =	swait.ge [sflag:s18], $0x4000  }
0x12a: {  	s30 =	smov.u32 s31;
	s29 =	sshra.s32 s2, $0x2;
	[sflag:s18] =	ssyncset.done $0x0  }
0x12b: {  	s0 =	sadd.s32 $0x80, s29;
	[sflag:s18] =	ssyncadd.s32 $0xFFFFC000  }
0x12c: {  	[tilespmem:s22], [sflag:$0x2] =	stream.indirect.gather [hbm4b:s4+s20], $0x80, s0, s20, $0xb8;
	[tilespmem:$0x1E400] =	vst v63  }
0x12d: {  	_ =	swait.ge [sflag:s23], $0x4000  }
0x12e: {  	[sflag:s23] =	ssyncset.done $0x0  }
0x12f: {  	s2 =	sadd.s32 $0x1400, s29;
	[sflag:s23] =	ssyncadd.s32 $0xFFFFC000  }
0x130: {  	[spmem:s1] =	stream.indirect.scatter.add.f32 [tilespmem:s21], [sflag:$0x3], $0x80, s2, s20, $0xb8;
	[tilespmem:$0x1E400] =	vst v63  }
0x131: {  	_ =	swait.ge [sflag:s18], $0x4000  }
0x132: {  	[sflag:s18] =	ssyncset.done $0x0  }
0x133: {  	s30 =	sadd.s32 $0x100, s29;
	[sflag:s18] =	ssyncadd.s32 $0xFFFFC000  }
0x134: {  	[tilespmem:s21], [sflag:$0x1] =	stream.indirect.gather [hbm4b:s4+s20], $0x80, s30, s20, $0xb8;
	[tilespmem:$0x1E400] =	vst v63  }
0x135: {  	_ =	swait.ge [sflag:s24], $0x4000  }
0x136: {  	[sflag:s24] =	ssyncset.done $0x0  }
.Ltmp8:
0x137: {  	s31 =	sadd.s32 $0x1480, s29;
	[sflag:s24] =	ssyncadd.s32 $0xFFFFC000;
	(pc) =	sbr.rel .LBB2_12-.Ltmp8, $4  }
0x138: {  	[spmem:s1] =	stream.indirect.scatter.add.f32 [tilespmem:s22], [sflag:$0x3], $0x80, s31, s20, $0xb8;
	[tilespmem:$0x1E400] =	vst v63  }
0x139: {  	_ =	swait.ge [sflag:s18], $0x4000  }
0x13a: {  	[sflag:s18] =	ssyncset.done $0x0  }
0x13b: {  	[sflag:s18] =	ssyncadd.s32 $0xFFFFC000  }
.LBB2_13:
0x13c: {  	_ =	sfence.sel $0x180000  }
0x13d: {  	[bflag:$0x0] =	sbarrier.arrive $0xFFFF  }
0x13e: {  	_ =	strace $0x9000004D  }
0x13f: {  	s0 =	stileid.u32;
	[bflag:$0x2] =	sbarrier.arrive $0xFFFF  }
0x140: {  	p0 =	sne.s32 s0, $0x0;
	s0 =	rddreg [dreg:$0x3]  }
0x141: {  	s0 =	sadd.s32 @!p0 $0x100000, s0  }
0x142: {  	[sflag:s0] =	ssyncadd.tile.s32 @!p0 $0x1;
	_ =	shalt  }
.Lfunc_end2:
_tile_overlayer_lowered:
.L_overlay_start_2:
0x143: {  	(tag) =	ssettag $0x2  }
0x144: {  	s0 =	rddreg [dreg:$0x0];
	s2 =	stileid.u32  }
0x145: {  	s1 =	rddreg [dreg:$0x1];
	p0 =	sne.s32 s2, $0x0  }
0x146: {  	s3 =	rddreg [dreg:$0x2];
	[bflag:$0x3] =	sbarrier.arrive $0xFFFF;
	s2 =	simm.s32 @!p0 $0x1C03  }
0x147: {  	[timem:s3], [sflag:s2] =	dma.local @!p0 [hbm:s0], s1  }
0x148: {  	s0 =	simm.s32 @!p0 $0x3  }
0x149: {  	_ =	swait.ge @!p0 [sflag:s0], s1  }
0x14a: {  	s1 =	ssub.s32 @!p0 $0x0, s1;
	[sflag:s0] =	ssyncset.done @!p0 $0x0  }
0x14b: {  	[sflag:s0] =	ssyncadd.s32 @!p0 s1  }
0x14c: {  	[bflag:$0x3] =	sbarrier.arrive $0xFFFF  }
0x14d: {  	_ =	shalt  }

// kernel: kernel.22.cloned.1.call-start
scs
__scs_entry_jumppad:
0x0: {  	(pc) =	sbr.rel $0x88, $3  }
0x1: {  	(tag) =	ssettag $0x0;
	lr =	simm.s32 $0x1  }
0x2: {  	[smem:$0x3F97] =	sst lr;
	_ =	strace $0xD0000000  }
0x3: {  	_ = 	snop  }
0x4: {  	_ = 	snop  }
0x5: {  	_ = 	snop  }
0x6: {  	_ = 	snop  }
0x7: {  	_ = 	snop  }
__scs_overlays_trampoline_lowered:
0x8: {  	[smem:$0x3FA6] =	sst s0  }
0x9: {  	[smem:$0x3FA7] =	sst s1  }
0xa: {  	[smem:$0x3FA8] =	sst s2  }
0xb: {  	[smem:$0x3FA9] =	sst s3  }
0xc: {  	[smem:$0x3FAA] =	sst s4  }
0xd: {  	[smem:$0x3FAB] =	sst s5  }
0xe: {  	[smem:$0x3FAC] =	sst s6  }
0xf: {  	[smem:$0x3FAD] =	sst s7  }
0x10: {  	[smem:$0x3FAE] =	sst s8  }
0x11: {  	[smem:$0x3FAF] =	sst s9;
	s0 =	simm.s32 @!p0 $0x0  }
0x12: {  	s1 =	sld [smem:$0x3F95];
	s0 =	simm.s32 @p0 $0x1  }
0x13: {  	[smem:$0x3FB0] =	sst s0;
	s0 =	simm.s32 @!p1 $0x0  }
0x14: {  	s2 =	sld [smem:$0x3F94];
	s0 =	simm.s32 @p1 $0x1  }
0x15: {  	[smem:$0x3FB1] =	sst s0;
	s0 =	simm.s32 @!p2 $0x0  }
0x16: {  	s3 =	sld [smem:$0x3FDB];
	s0 =	simm.s32 @p2 $0x1  }
0x17: {  	s4 =	simm.s32 $0x1BF5;
	[smem:$0x3FB3] =	sst s0  }
0x18: {  	s0 =	sld [smem:$0x3F96];
	_ =	swait.ge [sflag:s4], $0x0  }
0x19: {  	s7 =	sld [smem:$0x3F97]  }
0x1a: {  	s8 =	sadd.s32 $0xFFFFE003, lr  }
0x1b: {  	s9 =	sadd.s32 $0xFFFFFEF7, lr;
	s5 =	simm.s32 $0xFFFFFFFF;
	p2 =	slt.u32 s8, $0xFFFFF086  }
0x1c: {  	p1 =	slt.u32 s9, $0xF7A;
	s5 =	simm.s32 @!p2 $0x0  }
0x1d: {  	s5 =	simm.s32 @p1 $0x1;
	p0 =	seq.s32 s7, s2  }
0x1e: {  	s7 =	smul.u32 @!p0 $0xF7A, s2;
	p2 =	seq.s32 @!p0 s5, $0x0  }
0x1f: {  	s9 =	smul.u32 $0xF7A, s1;
	s8 =	simm.s32 @!p0 $0x1BF5;
	p2 =	por !p2, p0  }
0x20: {  	[sflag:s8] =	ssyncset.s32 @!p0 $0xFFFFF086;
	s6 =	sadd.s32 @!p0 s3, s7;
	s7 =	simm.s32 @!p0 $0x108  }
0x21: {  	s3 =	sadd.s32 s3, s9;
	s6 =	sadd.s32 @!p0 $0x88, s6;
	s7 =	simm.s32 @p2 $0x1082  }
0x22: {  	[simem:s7], [sflag:s8] =	dma.local @!p0 [hbm:s6], $0xF7A  }
0x23: {  	s9 =	sor.u32 $0xD0000000, s2;
	s6 =	simm.s32 $0x108;
	_ =	swait.ge @!p0 [sflag:s8], $0x0  }
0x24: {  	s3 =	sadd.s32 $0x88, s3;
	s6 =	simm.s32 @!p1 $0x1082;
	[sflag:s4] =	ssyncset.s32 $0xFFFFF086  }
0x25: {  	[simem:s6], [sflag:s4] =	dma.local [hbm:s3], $0xF7A  }
0x26: {  	[smem:$0x3F97] =	sst s1;
	(tag) =	ssettag s2;
	_ =	strace s9  }
0x27: {  	s1 =	sld [smem:$0x3FA7]  }
0x28: {  	s2 =	sld [smem:$0x3FA8]  }
0x29: {  	s4 =	sld [smem:$0x3FAA]  }
0x2a: {  	p0 =	seq.s32 s5, $0x0;
	s5 =	sld [smem:$0x3FAB]  }
0x2b: {  	s6 =	sld [smem:$0x3FAC]  }
0x2c: {  	s7 =	sld [smem:$0x3FAD]  }
0x2d: {  	s3 =	simm.s32 $0x108;
	s8 =	sld [smem:$0x3FAE]  }
0x2e: {  	s3 =	simm.s32 @!p0 $0x1082;
	s9 =	sld [smem:$0x3FAF]  }
0x2f: {  	lr =	sadd.s32 s0, s3;
	s0 =	sld [smem:$0x3FA6]  }
0x30: {  	s3 =	sld [smem:$0x3FA9]  }
0x31: {  	[smem:$0x3FB2] =	sst s10  }
0x32: {  	s10 =	sld [smem:$0x3FB0];
	_ =	sdelay $0x3  }
0x33: {  	p0 =	seq.s32 s10, $0x1;
	s10 =	sld [smem:$0x3FB2];
	_ =	sdelay $0x3  }
0x34: {  	[smem:$0x3FB2] =	sst s10  }
0x35: {  	s10 =	sld [smem:$0x3FB1];
	_ =	sdelay $0x3  }
0x36: {  	p1 =	seq.s32 s10, $0x1;
	s10 =	sld [smem:$0x3FB2];
	_ =	sdelay $0x3  }
0x37: {  	[smem:$0x3FB2] =	sst s10  }
0x38: {  	s10 =	sld [smem:$0x3FB3]  }
0x39: {  	_ = 	snop;
	(pc) =	sbr.ind lr, $3  }
0x3a: {  	_ = 	snop  }
0x3b: {  	_ = 	snop  }
0x3c: {  	p2 =	seq.s32 s10, $0x1;
	s10 =	sld [smem:$0x3FB2]  }
0x3d: {  	_ =	shalt  }
0x3e: {  	_ =	shalt  }
0x3f: {  	_ =	shalt  }
0x40: {  	_ =	shalt  }
0x41: {  	_ =	shalt  }
0x42: {  	_ =	shalt  }
0x43: {  	_ =	shalt  }
0x44: {  	_ =	shalt  }
0x45: {  	_ =	shalt  }
0x46: {  	_ =	shalt  }
0x47: {  	_ =	shalt  }
0x48: {  	_ =	shalt  }
0x49: {  	_ =	shalt  }
0x4a: {  	_ =	shalt  }
0x4b: {  	_ =	shalt  }
0x4c: {  	_ =	shalt  }
0x4d: {  	_ =	shalt  }
0x4e: {  	_ =	shalt  }
0x4f: {  	_ =	shalt  }
0x50: {  	_ =	shalt  }
0x51: {  	_ =	shalt  }
0x52: {  	_ =	shalt  }
0x53: {  	_ =	shalt  }
0x54: {  	_ =	shalt  }
0x55: {  	_ =	shalt  }
0x56: {  	_ =	shalt  }
0x57: {  	_ =	shalt  }
0x58: {  	_ =	shalt  }
0x59: {  	_ =	shalt  }
0x5a: {  	_ =	shalt  }
0x5b: {  	_ =	shalt  }
0x5c: {  	_ =	shalt  }
0x5d: {  	_ =	shalt  }
0x5e: {  	_ =	shalt  }
0x5f: {  	_ =	shalt  }
0x60: {  	_ =	shalt  }
0x61: {  	_ =	shalt  }
0x62: {  	_ =	shalt  }
0x63: {  	_ =	shalt  }
0x64: {  	_ =	shalt  }
0x65: {  	_ =	shalt  }
0x66: {  	_ =	shalt  }
0x67: {  	_ =	shalt  }
0x68: {  	_ =	shalt  }
0x69: {  	_ =	shalt  }
0x6a: {  	_ =	shalt  }
0x6b: {  	_ =	shalt  }
0x6c: {  	_ =	shalt  }
0x6d: {  	_ =	shalt  }
0x6e: {  	_ =	shalt  }
0x6f: {  	_ =	shalt  }
0x70: {  	_ =	shalt  }
0x71: {  	_ =	shalt  }
0x72: {  	_ =	shalt  }
0x73: {  	_ =	shalt  }
0x74: {  	_ =	shalt  }
0x75: {  	_ =	shalt  }
0x76: {  	_ =	shalt  }
0x77: {  	_ =	shalt  }
0x78: {  	_ =	shalt  }
0x79: {  	_ =	shalt  }
0x7a: {  	_ =	shalt  }
0x7b: {  	_ =	shalt  }
0x7c: {  	_ =	shalt  }
0x7d: {  	_ =	shalt  }
0x7e: {  	_ =	shalt  }
0x7f: {  	_ =	shalt  }
0x80: {  	_ =	shalt  }
0x81: {  	_ =	shalt  }
0x82: {  	_ =	shalt  }
0x83: {  	_ =	shalt  }
0x84: {  	_ =	shalt  }
0x85: {  	_ =	shalt  }
0x86: {  	_ =	shalt  }
0x87: {  	_ =	shalt  }
.Lfunc_end0:
.L_simem_size_0:
called_computation.3_lowered:
.L_overlay_start_0:
0x88: {  	s2 =	sld [smem:$0x3FD9]  }
0x89: {  	s3 =	sld [smem:$0x3FFE];
	_ =	sdelay $0x1  }
0x8a: {  	s1 =	srdreg.scid  }
0x8b: {  	s0 =	sand.u32 $0x1, s1  }
0x8c: {  	s17 =	sshll.u32 s0, $0xA;
	s2 =	sadd.s32 s3, s2  }
0x8d: {  	s2 =	sadd.s32 s2, s17  }
0x8e: {  	[smem:$0x3FBE] =	sst s2  }
0x8f: {  	_ = 	snop  }
0x90: {  	s2 =	sld [smem:$0x3FD0];
	(tm) =	ssettm $0x1  }
0x91: {  	s18 =	sld [smem:$0x3FFB];
	_ =	sdelay $0x3  }
0x92: {  	_ =	strace s18  }
0x93: {  	s3 =	sld [smem:$0x3FFC];
	_ =	sdelay $0x3  }
0x94: {  	_ =	strace s3  }
0x95: {  	s3 =	sld [smem:$0x3FFD];
	_ =	sdelay $0x3  }
0x96: {  	_ =	strace s3  }
0x97: {  	_ =	strace $0x8FFFFFFF  }
0x98: {  	s19 =	sld [smem:$0x3FDB];
	_ =	sdelay $0x1  }
0x99: {  	s4 =	simm.s32 $_scs_section_size  }
0x9a: {  	s5 =	simm.s32 $_size__tile_overlayer_lowered;
	s6 =	simm.s32 $_tile_overlayer_lowered  }
0x9b: {  	s22 =	simm.s32 $0x1BFF;
	s21 =	sshll.u32 s6, $0x1;
	s3 =	sadd.s32 s4, s19  }
0x9c: {  	s7 =	simm.s32 $0x0;
	s20 =	sshll.u32 s5, $0x1;
	s5 =	sadd.s32 s21, s3  }
0x9d: {  	[timem:s7], [sflag:s22] =	dma.local [hbm:s5], s20  }
0x9e: {  	_ =	swait.ge [sflag:s22], s20  }
0x9f: {  	s4 =	ssub.s32 $0x0, s20;
	[sflag:s22] =	ssyncset.done $0x0  }
0xa0: {  	[sflag:s22] =	ssyncadd.s32 s4;
	_ =	sdelay $0x1  }
0xa1: {  	s23 =	simm.s32 $0x1B8B  }
0xa2: {  	_ =	swait.ge [sflag:s23], $0x1  }
0xa3: {  	[sflag:s23] =	ssyncset.done $0x0  }
0xa4: {  	s25 =	simm.s32 $0x1B8E;
	s24 =	sld [smem:$0x3FFE];
	[sflag:s23] =	ssyncadd.s32 $0xFFFFFFFF  }
0xa5: {  	s26 =	simm.s32 $execute0_lowered;
	[smem:$0x3FD2] =	sst s25  }
0xa6: {  	s5 =	sshll.u32 s26, $0x1;
	_ =	strace $0x8000004F;
	[dreg:$0x1] =	wrdreg $0xFFFFFFFF  }
0xa7: {  	s28 =	simm.s32 $_size_execute0_lowered;
	s3 =	sadd.s32 s3, s5;
	[dreg:$0x0] =	wrdreg $0x0  }
0xa8: {  	s5 =	sshll.u32 s28, $0x1;
	[dreg:$0x2] =	wrdreg s3  }
0xa9: {  	[dreg:$0x3] =	wrdreg s5  }
0xaa: {  	[dreg:$0x4] =	wrdreg $0xC0  }
0xab: {  	_ =	task [dreg:s7], $0x5FFFF  }
0xac: {  	[dreg:$0x1] =	wrdreg $0xFFFFFFFF  }
0xad: {  	[dreg:$0x0] =	wrdreg $0x60  }
0xae: {  	[dreg:$0x2] =	wrdreg s24  }
0xaf: {  	[dreg:$0x3] =	wrdreg s2  }
0xb0: {  	[dreg:$0x4] =	wrdreg $0xA8000  }
0xb1: {  	[dreg:$0x5] =	wrdreg $0x9  }
0xb2: {  	_ =	task.clear_ibuf [dreg:s7], $0x6FFFF;
	_ =	strace $0x9000004F  }
0xb3: {  	s29 =	simm.s32 $0x9;
	_ =	strace $0x80000051  }
0xb4: {  	_ =	swait.ge [sflag:s29], $0x1  }
0xb5: {  	[sflag:s29] =	ssyncadd.s32 $0xFFFFFFFF  }
0xb6: {  	_ =	strace $0x90000051  }
0xb7: {  	_ =	sfence  }
0xb8: {  	s30 =	sld [smem:$0x0];
	_ =	sdelay $0x2  }
0xb9: {  	s31 =	sshll.u32 s1, $0xD;
	s1 =	sshrl.u32 s1, $0x2  }
0xba: {  	s3 =	sand.u32 $0x4000, s31;
	s1 =	sadd.s32 s1, s30  }
0xbb: {  	s0 =	sor.u32 s3, s0;
	s1 =	sshll.u32 s1, $0x11  }
0xbc: {  	s0 =	sor.u32 s1, s0  }
0xbd: {  	s0 =	sadd.s32 $0x8F2B, s0  }
0xbe: {  	[sflag:s0] =	ssyncadd.remote.s32 $0x1  }
0xbf: {  	_ =	sfence.sel $0xFFFF  }
0xc0: {  	[dreg:$0x0] =	wrdreg $0xFFFFFFFF;
	(pc) =	sbr.abs _section_cstart, $3  }
0xc1: {  	[dreg:$0x1] =	wrdreg $0xFFFFFFFF  }
0xc2: {  	_ =	task.clear_ibuf [dreg:s7], $0x2FFFF;
	_ =	strace $0x9FFFFFFF  }
0xc3: {  	(tm) =	ssettm $0x7FFFFFFF  }
tec
execute0_lowered:
.L_overlay_start_1:
0x0: {  	(tag) =	ssettag $0x1  }
0x1: {  	s6 =	rddreg [dreg:$0x0]  }
0x2: {  	s14 =	rddreg [dreg:$0x1]  }
0x3: {  	s1 =	rddreg [dreg:$0x2]  }
0x4: {  	s2 =	srdreg.scid;
	s3 =	simm.s32 $0x0;
	s0 =	stileid.u32  }
0x5: {  	s19 =	simm.s32 $0x1400;
	s20 =	simm.s32 $0x80;
	s21 =	simm.s32 $0x2800  }
0x6: {  	s22 =	simm.s32 $0x6800;
	s23 =	simm.s32 $0x1;
	s8 =	smul.u32 $0x13C00, s0  }
0x7: {  	s28 =	simm.s32 $0x2780;
	s7 =	sand.u32 $0x1, s2;
	s10 =	smul.u32 $0x4F000, s0  }
0x8: {  	[smem:$0x7FF] =	sst s3;
	s4 =	sadd.s32 $0x10600, s6;
	s26 =	smul.u32 $0x2800, s0  }
0x9: {  	s13 =	sadd.s32 $0x3E00, s6;
	s29 =	sshll.u32 s0, $0x6;
	s30 =	smul.u32 $0x500, s0  }
0xa: {  	s5 =	smul.u32 $0x13C000, s7;
	_ =	strace $0x80000050;
	s9 =	ssub.s32 $0x2, s7  }
0xb: {  	p0 =	seq.s32 s7, $0x1;
	s24 =	sshrl.u32 s9, $0x1;
	s25 =	sshrl.u32 s10, $0x2  }
0xc: {  	s18 =	sshrl.u32 s26, $0x3;
	s7 =	sadd.s32 s13, s30;
	s26 =	simm.s32 $0x2700  }
0xd: {  	s5 =	sadd.s32 s8, s5;
	s16 =	ssub.s32 s9, s24;
	s17 =	sadd.s32 s25, s1  }
0xe: {  	s31 =	sadd.s32 $0x280, s18;
	s12 =	sadd.s32 $0x5000, s18;
	s18 =	sadd.s32 $0x5280, s18  }
0xf: {  	s24 =	simm.s32 $0x2;
	s25 =	simm.s32 $0x1380;
	s8 =	sshrl.u32 s5, $0x3  }
.Ltmp0:
0x10: {  	s5 =	sadd.s32 $0xDE00, s6;
	s9 =	sadd.s32 s13, s31;
	(pc) =	sbr.rel .LBB2_1-.Ltmp0, $4  }
0x11: {  	s10 =	sadd.s32 s14, s31;
	s11 =	sadd.s32 s13, s12;
	s12 =	sadd.s32 s14, s12  }
0x12: {  	s13 =	sadd.s32 s13, s18;
	s16 =	smax.u32 s16, $0x1;
	s17 =	sshrl.u32 s17, $0x3  }
0x13: {  	s15 =	sadd.s32 s8, s6;
	s6 =	sor.u32 $0x1C03, s29;
	s8 =	sadd.s32 s14, s30  }
0x14: {  	s14 =	sadd.s32 s14, s18;
	s18 =	simm.s32 $0x3;
	s15 =	sadd.s32 $0x37800, s15  }
.LBB2_11:
0x15: {  	s0 =	sadd.s32 $0x80, s29;
	[sflag:s18] =	ssyncadd.s32 $0xFFFFC000  }
0x16: {  	[tilespmem:s22], [sflag:$0x2] =	stream.indirect.gather [hbm4b:s4+s20], $0x80, s0, s20, $0xb8;
	[tilespmem:$0x1E400] =	vst v63  }
0x17: {  	_ =	swait.ge [sflag:s23], $0x4000  }
0x18: {  	[sflag:s23] =	ssyncset.done $0x0  }
0x19: {  	s2 =	sadd.s32 $0x1400, s29;
	[sflag:s23] =	ssyncadd.s32 $0xFFFFC000  }
0x1a: {  	[spmem:s1] =	stream.indirect.scatter.add.f32 [tilespmem:s21], [sflag:$0x3], $0x80, s2, s20, $0xb8;
	[tilespmem:$0x1E400] =	vst v63  }
0x1b: {  	_ =	swait.ge [sflag:s18], $0x4000  }
0x1c: {  	[sflag:s18] =	ssyncset.done $0x0  }
0x1d: {  	s30 =	sadd.s32 $0x100, s29;
	[sflag:s18] =	ssyncadd.s32 $0xFFFFC000  }
0x1e: {  	[tilespmem:s21], [sflag:$0x1] =	stream.indirect.gather [hbm4b:s4+s20], $0x80, s30, s20, $0xb8;
	[tilespmem:$0x1E400] =	vst v63  }
0x1f: {  	_ =	swait.ge [sflag:s24], $0x4000  }
0x20: {  	[sflag:s24] =	ssyncset.done $0x0  }
0x21: {  	s31 =	sadd.s32 $0x1480, s29;
	[sflag:s24] =	ssyncadd.s32 $0xFFFFC000  }
0x22: {  	[spmem:s1] =	stream.indirect.scatter.add.f32 [tilespmem:s22], [sflag:$0x3], $0x80, s31, s20, $0xb8;
	[tilespmem:$0x1E400] =	vst v63  }
0x23: {  	_ =	swait.ge [sflag:s18], $0x4000  }
0x24: {  	[sflag:s18] =	ssyncset.done $0x0  }
0x25: {  	[sflag:s18] =	ssyncadd.s32 $0xFFFFC000  }
.LBB2_12:
0x26: {  	[tilespmem:s22], [sflag:$0x2] =	stream.indirect.gather [hbm4b:s4+s20], $0x80, s25, s20, $0xb8;
	[tilespmem:$0x1E400] =	vst v63  }
0x27: {  	_ =	swait.ge [sflag:s23], $0x4000  }
0x28: {  	[sflag:s23] =	ssyncset.done $0x0  }
0x29: {  	[sflag:s23] =	ssyncadd.s32 $0xFFFFC000  }
0x2a: {  	[spmem:s1] =	stream.indirect.scatter.add.f32 [tilespmem:s21], [sflag:$0x3], $0x80, s26, s20, $0xb8;
	[tilespmem:$0x1E400] =	vst v63  }
0x2b: {  	_ =	swait.ge [sflag:s18], $0x4000  }
0x2c: {  	[sflag:s18] =	ssyncset.done $0x0  }
0x2d: {  	[sflag:s18] =	ssyncadd.s32 $0xFFFFC000  }
0x2e: {  	_ =	swait.ge [sflag:s24], $0x4000  }
0x2f: {  	[sflag:s24] =	ssyncset.done $0x0  }
0x30: {  	[sflag:s24] =	ssyncadd.s32 $0xFFFFC000  }
0x31: {  	[spmem:s1] =	stream.indirect.scatter.add.f32 [tilespmem:s22], [sflag:$0x3], $0x80, s28, s20, $0xb8;
	[tilespmem:$0x1E400] =	vst v63  }
0x32: {  	_ =	swait.ge [sflag:s18], $0x4000  }
0x33: {  	s3 =	sadd.s32 $0x1, s3;
	[sflag:s18] =	ssyncset.done $0x0  }
0x34: {  	p1 =	sne.s32 s3, s16;
	[sflag:s18] =	ssyncadd.s32 $0xFFFFC000  }
.Ltmp1:
0x35: {  	[bflag:$0x0] =	sbarrier.arrive $0xFFFF;
	(pc) =	sbr.rel @!p1 .LBB2_13-.Ltmp1, $4  }
0x36: {  	[hbm:s15], [sflag:s6] =	dma.local [spmem:s17], $0x2780  }
0x37: {  	_ =	swait.ge [sflag:s18], $0x2780  }
0x38: {  	[sflag:s18] =	ssyncset.done $0x0  }
0x39: {  	[sflag:s18] =	ssyncadd.s32 $0xFFFFD880  }
.LBB2_1:
0x3a: {  	[spmem:s17], [sflag:s6] =	dma.local [hbm:s5], $0x2780  }
.Ltmp2:
0x3b: {  	_ =	swait.ge [sflag:s18], $0x2780;
	(pc) =	sbr.rel @!p0 .LBB2_2-.Ltmp2, $3  }
0x3c: {  	[sflag:s18] =	ssyncset.done $0x0  }
0x3d: {  	[sflag:s18] =	ssyncadd.s32 $0xFFFFD880  }
0x3e: {  	[bflag:$0x0] =	sbarrier.arrive $0xFFFF;
	_ =	sdelay $0x1  }
0x3f: {  	s0 =	simm.s32 $0x0  }
0x40: {  	[tilespmem:s0], [sflag:$0x3] =	stream.linear.gather [hbm4b:s11+s0], $0x1400, $0x38;
	[tilespmem:$0x1E400] =	vst v63  }
0x41: {  	_ =	swait.ge [sflag:s18], $0x1400  }
0x42: {  	[sflag:s18] =	ssyncset.done $0x0  }
0x43: {  	[sflag:s18] =	ssyncadd.s32 $0xFFFFEC00  }
0x44: {  	[tilespmem:s19], [sflag:$0x3] =	stream.linear.gather [hbm4b:s12+s0], $0x1400, $0x38;
	[tilespmem:$0x1E400] =	vst v63  }
0x45: {  	_ =	swait.ge [sflag:s18], $0x1400  }
0x46: {  	[sflag:s18] =	ssyncset.done $0x0  }
0x47: {  	[sflag:s18] =	ssyncadd.s32 $0xFFFFEC00  }
0x48: {  	[tilespmem:s21], [sflag:$0x1] =	stream.indirect.gather [hbm4b:s4+s20], $0x80, s0, s20, $0xb8;
	[tilespmem:$0x1E400] =	vst v63  }
0x49: {  	s2 =	simm.s32 $0x80  }
0x4a: {  	[tilespmem:s22], [sflag:$0x2] =	stream.indirect.gather [hbm4b:s4+s20], $0x80, s2, s20, $0xb8;
	[tilespmem:$0x1E400] =	vst v63  }
0x4b: {  	_ =	swait.ge [sflag:s23], $0x4000  }
0x4c: {  	[sflag:s23] =	ssyncset.done $0x0  }
0x4d: {  	s31 =	simm.s32 $0x1400;
	[sflag:s23] =	ssyncadd.s32 $0xFFFFC000  }
0x4e: {  	[spmem:s1] =	stream.indirect.scatter.add.f32 [tilespmem:s21], [sflag:$0x3], $0x80, s31, s20, $0xb8;
	[tilespmem:$0x1E400] =	vst v63  }
0x4f: {  	_ =	swait.ge [sflag:s18], $0x4000  }
0x50: {  	[sflag:s18] =	ssyncset.done $0x0  }
0x51: {  	s2 =	simm.s32 $0x100;
	[sflag:s18] =	ssyncadd.s32 $0xFFFFC000  }
0x52: {  	[tilespmem:s21], [sflag:$0x1] =	stream.indirect.gather [hbm4b:s4+s20], $0x80, s2, s20, $0xb8;
	[tilespmem:$0x1E400] =	vst v63  }
0x53: {  	_ =	swait.ge [sflag:s24], $0x4000  }
0x54: {  	[sflag:s24] =	ssyncset.done $0x0  }
0x55: {  	s31 =	simm.s32 $0x1480;
	[sflag:s24] =	ssyncadd.s32 $0xFFFFC000  }
0x56: {  	[spmem:s1] =	stream.indirect.scatter.add.f32 [tilespmem:s22], [sflag:$0x3], $0x80, s31, s20, $0xb8;
	[tilespmem:$0x1E400] =	vst v63  }
0x57: {  	_ =	swait.ge [sflag:s18], $0x4000  }
0x58: {  	s30 =	simm.s32 $0x800;
	s29 =	simm.s32 $0x100;
	[sflag:s18] =	ssyncset.done $0x0  }
.LBB2_8:
0x59: {  	s0 =	sadd.s32 $0x80, s29  }
0x5a: {  	[sflag:s18] =	ssyncadd.s32 $0xFFFFC000;
	s2 =	smov.u32 s30;
	s31 =	sadd.s32 $0x400, s30  }
0x5b: {  	[tilespmem:s22], [sflag:$0x2] =	stream.indirect.gather [hbm4b:s4+s20], $0x80, s0, s20, $0xb8;
	[tilespmem:$0x1E400] =	vst v63  }
0x5c: {  	p1 =	sne.s32 s30, $0x4800;
	_ =	swait.ge [sflag:s23], $0x4000  }
0x5d: {  	[sflag:s23] =	ssyncset.done $0x0  }
0x5e: {  	s0 =	sadd.s32 $0x1400, s29;
	[sflag:s23] =	ssyncadd.s32 $0xFFFFC000  }
0x5f: {  	[spmem:s1] =	stream.indirect.scatter.add.f32 [tilespmem:s21], [sflag:$0x3], $0x80, s0, s20, $0xb8;
	[tilespmem:$0x1E400] =	vst v63  }
0x60: {  	_ =	swait.ge [sflag:s18], $0x4000  }
0x61: {  	[sflag:s18] =	ssyncset.done $0x0  }
0x62: {  	s0 =	sadd.s32 $0x100, s29;
	[sflag:s18] =	ssyncadd.s32 $0xFFFFC000  }
0x63: {  	[tilespmem:s21], [sflag:$0x1] =	stream.indirect.gather [hbm4b:s4+s20], $0x80, s0, s20, $0xb8;
	[tilespmem:$0x1E400] =	vst v63  }
0x64: {  	_ =	swait.ge [sflag:s24], $0x4000  }
.Ltmp3:
0x65: {  	[sflag:s24] =	ssyncset.done $0x0;
	(pc) =	sbr.rel @p1 .LBB2_8-.Ltmp3, $4  }
0x66: {  	s0 =	sadd.s32 $0x1480, s29;
	[sflag:s24] =	ssyncadd.s32 $0xFFFFC000  }
0x67: {  	[spmem:s1] =	stream.indirect.scatter.add.f32 [tilespmem:s22], [sflag:$0x3], $0x80, s0, s20, $0xb8;
	[tilespmem:$0x1E400] =	vst v63  }
0x68: {  	_ =	swait.ge [sflag:s18], $0x4000  }
0x69: {  	s30 =	smov.u32 s31;
	s29 =	sshra.s32 s2, $0x2;
	[sflag:s18] =	ssyncset.done $0x0  }
0x6a: {  	s0 =	sadd.s32 $0x80, s29;
	[sflag:s18] =	ssyncadd.s32 $0xFFFFC000  }
0x6b: {  	[tilespmem:s22], [sflag:$0x2] =	stream.indirect.gather [hbm4b:s4+s20], $0x80, s0, s20, $0xb8;
	[tilespmem:$0x1E400] =	vst v63  }
0x6c: {  	_ =	swait.ge [sflag:s23], $0x4000  }
0x6d: {  	[sflag:s23] =	ssyncset.done $0x0  }
0x6e: {  	s2 =	sadd.s32 $0x1400, s29;
	[sflag:s23] =	ssyncadd.s32 $0xFFFFC000  }
0x6f: {  	[spmem:s1] =	stream.indirect.scatter.add.f32 [tilespmem:s21], [sflag:$0x3], $0x80, s2, s20, $0xb8;
	[tilespmem:$0x1E400] =	vst v63  }
0x70: {  	_ =	swait.ge [sflag:s18], $0x4000  }
0x71: {  	[sflag:s18] =	ssyncset.done $0x0  }
0x72: {  	s31 =	sadd.s32 $0x100, s29;
	[sflag:s18] =	ssyncadd.s32 $0xFFFFC000  }
0x73: {  	[tilespmem:s21], [sflag:$0x1] =	stream.indirect.gather [hbm4b:s4+s20], $0x80, s31, s20, $0xb8;
	[tilespmem:$0x1E400] =	vst v63  }
0x74: {  	_ =	swait.ge [sflag:s24], $0x4000  }
0x75: {  	[sflag:s24] =	ssyncset.done $0x0  }
0x76: {  	s2 =	sadd.s32 $0x1480, s29;
	[sflag:s24] =	ssyncadd.s32 $0xFFFFC000  }
0x77: {  	[spmem:s1] =	stream.indirect.scatter.add.f32 [tilespmem:s22], [sflag:$0x3], $0x80, s2, s20, $0xb8;
	[tilespmem:$0x1E400] =	vst v63  }
0x78: {  	_ =	swait.ge [sflag:s18], $0x4000  }
0x79: {  	[sflag:s18] =	ssyncset.done $0x0  }
0x7a: {  	[sflag:s18] =	ssyncadd.s32 $0xFFFFC000  }
0x7b: {  	[tilespmem:s22], [sflag:$0x2] =	stream.indirect.gather [hbm4b:s4+s20], $0x80, s25, s20, $0xb8;
	[tilespmem:$0x1E400] =	vst v63  }
0x7c: {  	_ =	swait.ge [sflag:s23], $0x4000  }
0x7d: {  	[sflag:s23] =	ssyncset.done $0x0  }
0x7e: {  	[sflag:s23] =	ssyncadd.s32 $0xFFFFC000  }
0x7f: {  	[spmem:s1] =	stream.indirect.scatter.add.f32 [tilespmem:s21], [sflag:$0x3], $0x80, s26, s20, $0xb8;
	[tilespmem:$0x1E400] =	vst v63  }
0x80: {  	_ =	swait.ge [sflag:s18], $0x4000  }
0x81: {  	[sflag:s18] =	ssyncset.done $0x0  }
0x82: {  	[sflag:s18] =	ssyncadd.s32 $0xFFFFC000  }
0x83: {  	_ =	swait.ge [sflag:s24], $0x4000  }
0x84: {  	[sflag:s24] =	ssyncset.done $0x0  }
0x85: {  	[sflag:s24] =	ssyncadd.s32 $0xFFFFC000  }
0x86: {  	[spmem:s1] =	stream.indirect.scatter.add.f32 [tilespmem:s22], [sflag:$0x3], $0x80, s28, s20, $0xb8;
	[tilespmem:$0x1E400] =	vst v63  }
0x87: {  	_ =	swait.ge [sflag:s18], $0x4000  }
0x88: {  	[sflag:s18] =	ssyncset.done $0x0  }
0x89: {  	s31 =	simm.s32 $0x0;
	[sflag:s18] =	ssyncadd.s32 $0xFFFFC000  }
0x8a: {  	[tilespmem:s31], [sflag:$0x3] =	stream.linear.gather [hbm4b:s13+s31], $0x1400, $0x38;
	[tilespmem:$0x1E400] =	vst v63  }
0x8b: {  	_ =	swait.ge [sflag:s18], $0x1400  }
0x8c: {  	[sflag:s18] =	ssyncset.done $0x0  }
0x8d: {  	[sflag:s18] =	ssyncadd.s32 $0xFFFFEC00  }
0x8e: {  	[tilespmem:s19], [sflag:$0x3] =	stream.linear.gather [hbm4b:s14+s31], $0x1400, $0x38;
	[tilespmem:$0x1E400] =	vst v63  }
0x8f: {  	_ =	swait.ge [sflag:s18], $0x1400  }
0x90: {  	[sflag:s18] =	ssyncset.done $0x0  }
0x91: {  	[sflag:s18] =	ssyncadd.s32 $0xFFFFEC00  }
0x92: {  	[tilespmem:s21], [sflag:$0x1] =	stream.indirect.gather [hbm4b:s4+s20], $0x80, s31, s20, $0xb8;
	[tilespmem:$0x1E400] =	vst v63  }
0x93: {  	s2 =	simm.s32 $0x80  }
0x94: {  	[tilespmem:s22], [sflag:$0x2] =	stream.indirect.gather [hbm4b:s4+s20], $0x80, s2, s20, $0xb8;
	[tilespmem:$0x1E400] =	vst v63  }
0x95: {  	_ =	swait.ge [sflag:s23], $0x4000  }
0x96: {  	[sflag:s23] =	ssyncset.done $0x0  }
0x97: {  	s31 =	simm.s32 $0x1400;
	[sflag:s23] =	ssyncadd.s32 $0xFFFFC000  }
0x98: {  	[spmem:s1] =	stream.indirect.scatter.add.f32 [tilespmem:s21], [sflag:$0x3], $0x80, s31, s20, $0xb8;
	[tilespmem:$0x1E400] =	vst v63  }
0x99: {  	_ =	swait.ge [sflag:s18], $0x4000  }
0x9a: {  	[sflag:s18] =	ssyncset.done $0x0  }
0x9b: {  	s2 =	simm.s32 $0x100;
	[sflag:s18] =	ssyncadd.s32 $0xFFFFC000  }
0x9c: {  	[tilespmem:s21], [sflag:$0x1] =	stream.indirect.gather [hbm4b:s4+s20], $0x80, s2, s20, $0xb8;
	[tilespmem:$0x1E400] =	vst v63  }
0x9d: {  	_ =	swait.ge [sflag:s24], $0x4000  }
0x9e: {  	[sflag:s24] =	ssyncset.done $0x0  }
0x9f: {  	s31 =	simm.s32 $0x1480;
	[sflag:s24] =	ssyncadd.s32 $0xFFFFC000  }
0xa0: {  	[spmem:s1] =	stream.indirect.scatter.add.f32 [tilespmem:s22], [sflag:$0x3], $0x80, s31, s20, $0xb8;
	[tilespmem:$0x1E400] =	vst v63  }
0xa1: {  	_ =	swait.ge [sflag:s18], $0x4000  }
0xa2: {  	s30 =	simm.s32 $0x800;
	s29 =	simm.s32 $0x100;
	[sflag:s18] =	ssyncset.done $0x0  }
.LBB2_10:
0xa3: {  	s0 =	sadd.s32 $0x80, s29  }
0xa4: {  	[sflag:s18] =	ssyncadd.s32 $0xFFFFC000;
	s2 =	smov.u32 s30;
	s31 =	sadd.s32 $0x400, s30  }
0xa5: {  	[tilespmem:s22], [sflag:$0x2] =	stream.indirect.gather [hbm4b:s4+s20], $0x80, s0, s20, $0xb8;
	[tilespmem:$0x1E400] =	vst v63  }
0xa6: {  	p1 =	sne.s32 s30, $0x4800;
	_ =	swait.ge [sflag:s23], $0x4000  }
0xa7: {  	[sflag:s23] =	ssyncset.done $0x0  }
0xa8: {  	s0 =	sadd.s32 $0x1400, s29;
	[sflag:s23] =	ssyncadd.s32 $0xFFFFC000  }
0xa9: {  	[spmem:s1] =	stream.indirect.scatter.add.f32 [tilespmem:s21], [sflag:$0x3], $0x80, s0, s20, $0xb8;
	[tilespmem:$0x1E400] =	vst v63  }
0xaa: {  	_ =	swait.ge [sflag:s18], $0x4000  }
0xab: {  	[sflag:s18] =	ssyncset.done $0x0  }
0xac: {  	s0 =	sadd.s32 $0x100, s29;
	[sflag:s18] =	ssyncadd.s32 $0xFFFFC000  }
0xad: {  	[tilespmem:s21], [sflag:$0x1] =	stream.indirect.gather [hbm4b:s4+s20], $0x80, s0, s20, $0xb8;
	[tilespmem:$0x1E400] =	vst v63  }
0xae: {  	_ =	swait.ge [sflag:s24], $0x4000  }
.Ltmp4:
0xaf: {  	[sflag:s24] =	ssyncset.done $0x0;
	(pc) =	sbr.rel @p1 .LBB2_10-.Ltmp4, $4  }
0xb0: {  	s0 =	sadd.s32 $0x1480, s29;
	[sflag:s24] =	ssyncadd.s32 $0xFFFFC000  }
0xb1: {  	[spmem:s1] =	stream.indirect.scatter.add.f32 [tilespmem:s22], [sflag:$0x3], $0x80, s0, s20, $0xb8;
	[tilespmem:$0x1E400] =	vst v63  }
0xb2: {  	_ =	swait.ge [sflag:s18], $0x4000  }
0xb3: {  	s30 =	smov.u32 s31;
	s29 =	sshra.s32 s2, $0x2;
	[sflag:s18] =	ssyncset.done $0x0  }
.Ltmp5:
0xb4: {  	_ = 	snop;
	(pc) =	sbr.rel .LBB2_11-.Ltmp5, $1  }
0xb5: {  	_ =	sdelay $0x3  }
.LBB2_2:
0xb6: {  	s29 =	simm.s32 $0x0  }
0xb7: {  	[tilespmem:s29], [sflag:$0x3] =	stream.linear.gather [hbm4b:s7+s29], $0x1400, $0x38;
	[tilespmem:$0x1E400] =	vst v63  }
0xb8: {  	_ =	swait.ge [sflag:s18], $0x1400  }
0xb9: {  	[sflag:s18] =	ssyncset.done $0x0  }
0xba: {  	[sflag:s18] =	ssyncadd.s32 $0xFFFFEC00  }
0xbb: {  	[tilespmem:s19], [sflag:$0x3] =	stream.linear.gather [hbm4b:s8+s29], $0x1400, $0x38;
	[tilespmem:$0x1E400] =	vst v63  }
0xbc: {  	_ =	swait.ge [sflag:s18], $0x1400  }
0xbd: {  	[sflag:s18] =	ssyncset.done $0x0  }
0xbe: {  	[sflag:s18] =	ssyncadd.s32 $0xFFFFEC00  }
0xbf: {  	[tilespmem:s21], [sflag:$0x1] =	stream.indirect.gather [hbm4b:s4+s20], $0x80, s29, s20, $0xb8;
	[tilespmem:$0x1E400] =	vst v63  }
0xc0: {  	s29 =	simm.s32 $0x80  }
0xc1: {  	[tilespmem:s22], [sflag:$0x2] =	stream.indirect.gather [hbm4b:s4+s20], $0x80, s29, s20, $0xb8;
	[tilespmem:$0x1E400] =	vst v63  }
0xc2: {  	_ =	swait.ge [sflag:s23], $0x4000  }
0xc3: {  	[sflag:s23] =	ssyncset.done $0x0  }
0xc4: {  	s29 =	simm.s32 $0x1400;
	[sflag:s23] =	ssyncadd.s32 $0xFFFFC000  }
0xc5: {  	[spmem:s1] =	stream.indirect.scatter.add.f32 [tilespmem:s21], [sflag:$0x3], $0x80, s29, s20, $0xb8;
	[tilespmem:$0x1E400] =	vst v63  }
0xc6: {  	_ =	swait.ge [sflag:s18], $0x4000  }
0xc7: {  	[sflag:s18] =	ssyncset.done $0x0  }
0xc8: {  	s29 =	simm.s32 $0x100;
	[sflag:s18] =	ssyncadd.s32 $0xFFFFC000  }
0xc9: {  	[tilespmem:s21], [sflag:$0x1] =	stream.indirect.gather [hbm4b:s4+s20], $0x80, s29, s20, $0xb8;
	[tilespmem:$0x1E400] =	vst v63  }
0xca: {  	_ =	swait.ge [sflag:s24], $0x4000  }
0xcb: {  	[sflag:s24] =	ssyncset.done $0x0  }
0xcc: {  	s29 =	simm.s32 $0x1480;
	[sflag:s24] =	ssyncadd.s32 $0xFFFFC000  }
0xcd: {  	[spmem:s1] =	stream.indirect.scatter.add.f32 [tilespmem:s22], [sflag:$0x3], $0x80, s29, s20, $0xb8;
	[tilespmem:$0x1E400] =	vst v63  }
0xce: {  	_ =	swait.ge [sflag:s18], $0x4000  }
0xcf: {  	s30 =	simm.s32 $0x800;
	s29 =	simm.s32 $0x100;
	[sflag:s18] =	ssyncset.done $0x0  }
.LBB2_3:
0xd0: {  	s31 =	sadd.s32 $0x80, s29  }
0xd1: {  	[sflag:s18] =	ssyncadd.s32 $0xFFFFC000;
	s0 =	smov.u32 s30;
	s2 =	sadd.s32 $0x400, s30  }
0xd2: {  	[tilespmem:s22], [sflag:$0x2] =	stream.indirect.gather [hbm4b:s4+s20], $0x80, s31, s20, $0xb8;
	[tilespmem:$0x1E400] =	vst v63  }
0xd3: {  	p1 =	sne.s32 s30, $0x4800;
	_ =	swait.ge [sflag:s23], $0x4000  }
0xd4: {  	[sflag:s23] =	ssyncset.done $0x0  }
0xd5: {  	s30 =	sadd.s32 $0x1400, s29;
	[sflag:s23] =	ssyncadd.s32 $0xFFFFC000  }
0xd6: {  	[spmem:s1] =	stream.indirect.scatter.add.f32 [tilespmem:s21], [sflag:$0x3], $0x80, s30, s20, $0xb8;
	[tilespmem:$0x1E400] =	vst v63  }
0xd7: {  	_ =	swait.ge [sflag:s18], $0x4000  }
0xd8: {  	[sflag:s18] =	ssyncset.done $0x0  }
0xd9: {  	s30 =	sadd.s32 $0x100, s29;
	[sflag:s18] =	ssyncadd.s32 $0xFFFFC000  }
0xda: {  	[tilespmem:s21], [sflag:$0x1] =	stream.indirect.gather [hbm4b:s4+s20], $0x80, s30, s20, $0xb8;
	[tilespmem:$0x1E400] =	vst v63  }
0xdb: {  	_ =	swait.ge [sflag:s24], $0x4000  }
.Ltmp6:
0xdc: {  	[sflag:s24] =	ssyncset.done $0x0;
	(pc) =	sbr.rel @p1 .LBB2_3-.Ltmp6, $4  }
0xdd: {  	s29 =	sadd.s32 $0x1480, s29;
	[sflag:s24] =	ssyncadd.s32 $0xFFFFC000  }
0xde: {  	[spmem:s1] =	stream.indirect.scatter.add.f32 [tilespmem:s22], [sflag:$0x3], $0x80, s29, s20, $0xb8;
	[tilespmem:$0x1E400] =	vst v63  }
0xdf: {  	_ =	swait.ge [sflag:s18], $0x4000  }
0xe0: {  	s30 =	smov.u32 s2;
	s29 =	sshra.s32 s0, $0x2;
	[sflag:s18] =	ssyncset.done $0x0  }
0xe1: {  	s0 =	sadd.s32 $0x80, s29;
	[sflag:s18] =	ssyncadd.s32 $0xFFFFC000  }
0xe2: {  	[tilespmem:s22], [sflag:$0x2] =	stream.indirect.gather [hbm4b:s4+s20], $0x80, s0, s20, $0xb8;
	[tilespmem:$0x1E400] =	vst v63  }
0xe3: {  	_ =	swait.ge [sflag:s23], $0x4000  }
0xe4: {  	[sflag:s23] =	ssyncset.done $0x0  }
0xe5: {  	s2 =	sadd.s32 $0x1400, s29;
	[sflag:s23] =	ssyncadd.s32 $0xFFFFC000  }
0xe6: {  	[spmem:s1] =	stream.indirect.scatter.add.f32 [tilespmem:s21], [sflag:$0x3], $0x80, s2, s20, $0xb8;
	[tilespmem:$0x1E400] =	vst v63  }
0xe7: {  	_ =	swait.ge [sflag:s18], $0x4000  }
0xe8: {  	[sflag:s18] =	ssyncset.done $0x0  }
0xe9: {  	s31 =	sadd.s32 $0x100, s29;
	[sflag:s18] =	ssyncadd.s32 $0xFFFFC000  }
0xea: {  	[tilespmem:s21], [sflag:$0x1] =	stream.indirect.gather [hbm4b:s4+s20], $0x80, s31, s20, $0xb8;
	[tilespmem:$0x1E400] =	vst v63  }
0xeb: {  	_ =	swait.ge [sflag:s24], $0x4000  }
0xec: {  	[sflag:s24] =	ssyncset.done $0x0  }
0xed: {  	s2 =	sadd.s32 $0x1480, s29;
	[sflag:s24] =	ssyncadd.s32 $0xFFFFC000  }
0xee: {  	[spmem:s1] =	stream.indirect.scatter.add.f32 [tilespmem:s22], [sflag:$0x3], $0x80, s2, s20, $0xb8;
	[tilespmem:$0x1E400] =	vst v63  }
0xef: {  	_ =	swait.ge [sflag:s18], $0x4000  }
0xf0: {  	[sflag:s18] =	ssyncset.done $0x0  }
0xf1: {  	[sflag:s18] =	ssyncadd.s32 $0xFFFFC000  }
0xf2: {  	[tilespmem:s22], [sflag:$0x2] =	stream.indirect.gather [hbm4b:s4+s20], $0x80, s25, s20, $0xb8;
	[tilespmem:$0x1E400] =	vst v63  }
0xf3: {  	_ =	swait.ge [sflag:s23], $0x4000  }
0xf4: {  	[sflag:s23] =	ssyncset.done $0x0  }
0xf5: {  	[sflag:s23] =	ssyncadd.s32 $0xFFFFC000  }
0xf6: {  	[spmem:s1] =	stream.indirect.scatter.add.f32 [tilespmem:s21], [sflag:$0x3], $0x80, s26, s20, $0xb8;
	[tilespmem:$0x1E400] =	vst v63  }
0xf7: {  	_ =	swait.ge [sflag:s18], $0x4000  }
0xf8: {  	[sflag:s18] =	ssyncset.done $0x0  }
0xf9: {  	[sflag:s18] =	ssyncadd.s32 $0xFFFFC000  }
0xfa: {  	_ =	swait.ge [sflag:s24], $0x4000  }
0xfb: {  	[sflag:s24] =	ssyncset.done $0x0  }
0xfc: {  	[sflag:s24] =	ssyncadd.s32 $0xFFFFC000  }
0xfd: {  	[spmem:s1] =	stream.indirect.scatter.add.f32 [tilespmem:s22], [sflag:$0x3], $0x80, s28, s20, $0xb8;
	[tilespmem:$0x1E400] =	vst v63  }
0xfe: {  	_ =	swait.ge [sflag:s18], $0x4000  }
0xff: {  	[sflag:s18] =	ssyncset.done $0x0  }
0x100: {  	s31 =	simm.s32 $0x0;
	[sflag:s18] =	ssyncadd.s32 $0xFFFFC000  }
0x101: {  	[tilespmem:s31], [sflag:$0x3] =	stream.linear.gather [hbm4b:s9+s31], $0x1400, $0x38;
	[tilespmem:$0x1E400] =	vst v63  }
0x102: {  	_ =	swait.ge [sflag:s18], $0x1400  }
0x103: {  	[sflag:s18] =	ssyncset.done $0x0  }
0x104: {  	[sflag:s18] =	ssyncadd.s32 $0xFFFFEC00  }
0x105: {  	[tilespmem:s19], [sflag:$0x3] =	stream.linear.gather [hbm4b:s10+s31], $0x1400, $0x38;
	[tilespmem:$0x1E400] =	vst v63  }
0x106: {  	_ =	swait.ge [sflag:s18], $0x1400  }
0x107: {  	[sflag:s18] =	ssyncset.done $0x0  }
0x108: {  	[sflag:s18] =	ssyncadd.s32 $0xFFFFEC00  }
0x109: {  	[tilespmem:s21], [sflag:$0x1] =	stream.indirect.gather [hbm4b:s4+s20], $0x80, s31, s20, $0xb8;
	[tilespmem:$0x1E400] =	vst v63  }
0x10a: {  	s2 =	simm.s32 $0x80  }
0x10b: {  	[tilespmem:s22], [sflag:$0x2] =	stream.indirect.gather [hbm4b:s4+s20], $0x80, s2, s20, $0xb8;
	[tilespmem:$0x1E400] =	vst v63  }
0x10c: {  	_ =	swait.ge [sflag:s23], $0x4000  }
0x10d: {  	[sflag:s23] =	ssyncset.done $0x0  }
0x10e: {  	s31 =	simm.s32 $0x1400;
	[sflag:s23] =	ssyncadd.s32 $0xFFFFC000  }
0x10f: {  	[spmem:s1] =	stream.indirect.scatter.add.f32 [tilespmem:s21], [sflag:$0x3], $0x80, s31, s20, $0xb8;
	[tilespmem:$0x1E400] =	vst v63  }
0x110: {  	_ =	swait.ge [sflag:s18], $0x4000  }
0x111: {  	[sflag:s18] =	ssyncset.done $0x0  }
0x112: {  	s2 =	simm.s32 $0x100;
	[sflag:s18] =	ssyncadd.s32 $0xFFFFC000  }
0x113: {  	[tilespmem:s21], [sflag:$0x1] =	stream.indirect.gather [hbm4b:s4+s20], $0x80, s2, s20, $0xb8;
	[tilespmem:$0x1E400] =	vst v63  }
0x114: {  	_ =	swait.ge [sflag:s24], $0x4000  }
0x115: {  	[sflag:s24] =	ssyncset.done $0x0  }
0x116: {  	s31 =	simm.s32 $0x1480;
	[sflag:s24] =	ssyncadd.s32 $0xFFFFC000  }
0x117: {  	[spmem:s1] =	stream.indirect.scatter.add.f32 [tilespmem:s22], [sflag:$0x3], $0x80, s31, s20, $0xb8;
	[tilespmem:$0x1E400] =	vst v63  }
0x118: {  	_ =	swait.ge [sflag:s18], $0x4000  }
0x119: {  	s30 =	simm.s32 $0x800;
	s29 =	simm.s32 $0x100;
	[sflag:s18] =	ssyncset.done $0x0  }
.LBB2_5:
0x11a: {  	s0 =	sadd.s32 $0x80, s29  }
0x11b: {  	[sflag:s18] =	ssyncadd.s32 $0xFFFFC000;
	s2 =	smov.u32 s30;
	s31 =	sadd.s32 $0x400, s30  }
0x11c: {  	[tilespmem:s22], [sflag:$0x2] =	stream.indirect.gather [hbm4b:s4+s20], $0x80, s0, s20, $0xb8;
	[tilespmem:$0x1E400] =	vst v63  }
0x11d: {  	p1 =	seq.s32 s30, $0x4800;
	_ =	swait.ge [sflag:s23], $0x4000  }
0x11e: {  	[sflag:s23] =	ssyncset.done $0x0  }
0x11f: {  	s0 =	sadd.s32 $0x1400, s29;
	[sflag:s23] =	ssyncadd.s32 $0xFFFFC000  }
0x120: {  	[spmem:s1] =	stream.indirect.scatter.add.f32 [tilespmem:s21], [sflag:$0x3], $0x80, s0, s20, $0xb8;
	[tilespmem:$0x1E400] =	vst v63  }
0x121: {  	_ =	swait.ge [sflag:s18], $0x4000  }
0x122: {  	[sflag:s18] =	ssyncset.done $0x0  }
0x123: {  	s0 =	sadd.s32 $0x100, s29;
	[sflag:s18] =	ssyncadd.s32 $0xFFFFC000  }
0x124: {  	[tilespmem:s21], [sflag:$0x1] =	stream.indirect.gather [hbm4b:s4+s20], $0x80, s0, s20, $0xb8;
	[tilespmem:$0x1E400] =	vst v63  }
0x125: {  	_ =	swait.ge [sflag:s24], $0x4000  }
.Ltmp7:
0x126: {  	[sflag:s24] =	ssyncset.done $0x0;
	(pc) =	sbr.rel @!p1 .LBB2_5-.Ltmp7, $4  }
0x127: {  	s0 =	sadd.s32 $0x1480, s29;
	[sflag:s24] =	ssyncadd.s32 $0xFFFFC000  }
0x128: {  	[spmem:s1] =	stream.indirect.scatter.add.f32 [tilespmem:s22], [sflag:$0x3], $0x80, s0, s20, $0xb8;
	[tilespmem:$0x1E400] =	vst v63  }
0x129: {  	_ =	swait.ge [sflag:s18], $0x4000  }
0x12a: {  	s30 =	smov.u32 s31;
	s29 =	sshra.s32 s2, $0x2;
	[sflag:s18] =	ssyncset.done $0x0  }
0x12b: {  	s0 =	sadd.s32 $0x80, s29;
	[sflag:s18] =	ssyncadd.s32 $0xFFFFC000  }
0x12c: {  	[tilespmem:s22], [sflag:$0x2] =	stream.indirect.gather [hbm4b:s4+s20], $0x80, s0, s20, $0xb8;
	[tilespmem:$0x1E400] =	vst v63  }
0x12d: {  	_ =	swait.ge [sflag:s23], $0x4000  }
0x12e: {  	[sflag:s23] =	ssyncset.done $0x0  }
0x12f: {  	s2 =	sadd.s32 $0x1400, s29;
	[sflag:s23] =	ssyncadd.s32 $0xFFFFC000  }
0x130: {  	[spmem:s1] =	stream.indirect.scatter.add.f32 [tilespmem:s21], [sflag:$0x3], $0x80, s2, s20, $0xb8;
	[tilespmem:$0x1E400] =	vst v63  }
0x131: {  	_ =	swait.ge [sflag:s18], $0x4000  }
0x132: {  	[sflag:s18] =	ssyncset.done $0x0  }
0x133: {  	s30 =	sadd.s32 $0x100, s29;
	[sflag:s18] =	ssyncadd.s32 $0xFFFFC000  }
0x134: {  	[tilespmem:s21], [sflag:$0x1] =	stream.indirect.gather [hbm4b:s4+s20], $0x80, s30, s20, $0xb8;
	[tilespmem:$0x1E400] =	vst v63  }
0x135: {  	_ =	swait.ge [sflag:s24], $0x4000  }
0x136: {  	[sflag:s24] =	ssyncset.done $0x0  }
.Ltmp8:
0x137: {  	s31 =	sadd.s32 $0x1480, s29;
	[sflag:s24] =	ssyncadd.s32 $0xFFFFC000;
	(pc) =	sbr.rel .LBB2_12-.Ltmp8, $4  }
0x138: {  	[spmem:s1] =	stream.indirect.scatter.add.f32 [tilespmem:s22], [sflag:$0x3], $0x80, s31, s20, $0xb8;
	[tilespmem:$0x1E400] =	vst v63  }
0x139: {  	_ =	swait.ge [sflag:s18], $0x4000  }
0x13a: {  	[sflag:s18] =	ssyncset.done $0x0  }
0x13b: {  	[sflag:s18] =	ssyncadd.s32 $0xFFFFC000  }
.LBB2_13:
0x13c: {  	_ =	sfence.sel $0x180000  }
0x13d: {  	[bflag:$0x0] =	sbarrier.arrive $0xFFFF  }
0x13e: {  	_ =	strace $0x90000050  }
0x13f: {  	s0 =	stileid.u32;
	[bflag:$0x2] =	sbarrier.arrive $0xFFFF  }
0x140: {  	p0 =	sne.s32 s0, $0x0;
	s0 =	rddreg [dreg:$0x3]  }
0x141: {  	s0 =	sadd.s32 @!p0 $0x100000, s0  }
0x142: {  	[sflag:s0] =	ssyncadd.tile.s32 @!p0 $0x1;
	_ =	shalt  }
.Lfunc_end2:
_tile_overlayer_lowered:
.L_overlay_start_2:
0x143: {  	(tag) =	ssettag $0x2  }
0x144: {  	s0 =	rddreg [dreg:$0x0];
	s2 =	stileid.u32  }
0x145: {  	s1 =	rddreg [dreg:$0x1];
	p0 =	sne.s32 s2, $0x0  }
0x146: {  	s3 =	rddreg [dreg:$0x2];
	[bflag:$0x3] =	sbarrier.arrive $0xFFFF;
	s2 =	simm.s32 @!p0 $0x1C03  }
0x147: {  	[timem:s3], [sflag:s2] =	dma.local @!p0 [hbm:s0], s1  }
0x148: {  	s0 =	simm.s32 @!p0 $0x3  }
0x149: {  	_ =	swait.ge @!p0 [sflag:s0], s1  }
0x14a: {  	s1 =	ssub.s32 @!p0 $0x0, s1;
	[sflag:s0] =	ssyncset.done @!p0 $0x0  }
0x14b: {  	[sflag:s0] =	ssyncadd.s32 @!p0 s1  }
0x14c: {  	[bflag:$0x3] =	sbarrier.arrive $0xFFFF  }
0x14d: {  	_ =	shalt  }

// kernel: kernel.25.cloned.1.call-start
scs
__scs_entry_jumppad:
0x0: {  	(pc) =	sbr.rel $0x88, $3  }
0x1: {  	(tag) =	ssettag $0x0;
	lr =	simm.s32 $0x1  }
0x2: {  	[smem:$0x3F97] =	sst lr;
	_ =	strace $0xD0000000  }
0x3: {  	_ = 	snop  }
0x4: {  	_ = 	snop  }
0x5: {  	_ = 	snop  }
0x6: {  	_ = 	snop  }
0x7: {  	_ = 	snop  }
__scs_overlays_trampoline_lowered:
0x8: {  	[smem:$0x3FA6] =	sst s0  }
0x9: {  	[smem:$0x3FA7] =	sst s1  }
0xa: {  	[smem:$0x3FA8] =	sst s2  }
0xb: {  	[smem:$0x3FA9] =	sst s3  }
0xc: {  	[smem:$0x3FAA] =	sst s4  }
0xd: {  	[smem:$0x3FAB] =	sst s5  }
0xe: {  	[smem:$0x3FAC] =	sst s6  }
0xf: {  	[smem:$0x3FAD] =	sst s7  }
0x10: {  	[smem:$0x3FAE] =	sst s8  }
0x11: {  	[smem:$0x3FAF] =	sst s9;
	s0 =	simm.s32 @!p0 $0x0  }
0x12: {  	s1 =	sld [smem:$0x3F95];
	s0 =	simm.s32 @p0 $0x1  }
0x13: {  	[smem:$0x3FB0] =	sst s0;
	s0 =	simm.s32 @!p1 $0x0  }
0x14: {  	s2 =	sld [smem:$0x3F94];
	s0 =	simm.s32 @p1 $0x1  }
0x15: {  	[smem:$0x3FB1] =	sst s0;
	s0 =	simm.s32 @!p2 $0x0  }
0x16: {  	s3 =	sld [smem:$0x3FDB];
	s0 =	simm.s32 @p2 $0x1  }
0x17: {  	s4 =	simm.s32 $0x1BF5;
	[smem:$0x3FB3] =	sst s0  }
0x18: {  	s0 =	sld [smem:$0x3F96];
	_ =	swait.ge [sflag:s4], $0x0  }
0x19: {  	s7 =	sld [smem:$0x3F97]  }
0x1a: {  	s8 =	sadd.s32 $0xFFFFE003, lr  }
0x1b: {  	s9 =	sadd.s32 $0xFFFFFEF7, lr;
	s5 =	simm.s32 $0xFFFFFFFF;
	p2 =	slt.u32 s8, $0xFFFFF086  }
0x1c: {  	p1 =	slt.u32 s9, $0xF7A;
	s5 =	simm.s32 @!p2 $0x0  }
0x1d: {  	s5 =	simm.s32 @p1 $0x1;
	p0 =	seq.s32 s7, s2  }
0x1e: {  	s7 =	smul.u32 @!p0 $0xF7A, s2;
	p2 =	seq.s32 @!p0 s5, $0x0  }
0x1f: {  	s9 =	smul.u32 $0xF7A, s1;
	s8 =	simm.s32 @!p0 $0x1BF5;
	p2 =	por !p2, p0  }
0x20: {  	[sflag:s8] =	ssyncset.s32 @!p0 $0xFFFFF086;
	s6 =	sadd.s32 @!p0 s3, s7;
	s7 =	simm.s32 @!p0 $0x108  }
0x21: {  	s3 =	sadd.s32 s3, s9;
	s6 =	sadd.s32 @!p0 $0x88, s6;
	s7 =	simm.s32 @p2 $0x1082  }
0x22: {  	[simem:s7], [sflag:s8] =	dma.local @!p0 [hbm:s6], $0xF7A  }
0x23: {  	s9 =	sor.u32 $0xD0000000, s2;
	s6 =	simm.s32 $0x108;
	_ =	swait.ge @!p0 [sflag:s8], $0x0  }
0x24: {  	s3 =	sadd.s32 $0x88, s3;
	s6 =	simm.s32 @!p1 $0x1082;
	[sflag:s4] =	ssyncset.s32 $0xFFFFF086  }
0x25: {  	[simem:s6], [sflag:s4] =	dma.local [hbm:s3], $0xF7A  }
0x26: {  	[smem:$0x3F97] =	sst s1;
	(tag) =	ssettag s2;
	_ =	strace s9  }
0x27: {  	s1 =	sld [smem:$0x3FA7]  }
0x28: {  	s2 =	sld [smem:$0x3FA8]  }
0x29: {  	s4 =	sld [smem:$0x3FAA]  }
0x2a: {  	p0 =	seq.s32 s5, $0x0;
	s5 =	sld [smem:$0x3FAB]  }
0x2b: {  	s6 =	sld [smem:$0x3FAC]  }
0x2c: {  	s7 =	sld [smem:$0x3FAD]  }
0x2d: {  	s3 =	simm.s32 $0x108;
	s8 =	sld [smem:$0x3FAE]  }
0x2e: {  	s3 =	simm.s32 @!p0 $0x1082;
	s9 =	sld [smem:$0x3FAF]  }
0x2f: {  	lr =	sadd.s32 s0, s3;
	s0 =	sld [smem:$0x3FA6]  }
0x30: {  	s3 =	sld [smem:$0x3FA9]  }
0x31: {  	[smem:$0x3FB2] =	sst s10  }
0x32: {  	s10 =	sld [smem:$0x3FB0];
	_ =	sdelay $0x3  }
0x33: {  	p0 =	seq.s32 s10, $0x1;
	s10 =	sld [smem:$0x3FB2];
	_ =	sdelay $0x3  }
0x34: {  	[smem:$0x3FB2] =	sst s10  }
0x35: {  	s10 =	sld [smem:$0x3FB1];
	_ =	sdelay $0x3  }
0x36: {  	p1 =	seq.s32 s10, $0x1;
	s10 =	sld [smem:$0x3FB2];
	_ =	sdelay $0x3  }
0x37: {  	[smem:$0x3FB2] =	sst s10  }
0x38: {  	s10 =	sld [smem:$0x3FB3]  }
0x39: {  	_ = 	snop;
	(pc) =	sbr.ind lr, $3  }
0x3a: {  	_ = 	snop  }
0x3b: {  	_ = 	snop  }
0x3c: {  	p2 =	seq.s32 s10, $0x1;
	s10 =	sld [smem:$0x3FB2]  }
0x3d: {  	_ =	shalt  }
0x3e: {  	_ =	shalt  }
0x3f: {  	_ =	shalt  }
0x40: {  	_ =	shalt  }
0x41: {  	_ =	shalt  }
0x42: {  	_ =	shalt  }
0x43: {  	_ =	shalt  }
0x44: {  	_ =	shalt  }
0x45: {  	_ =	shalt  }
0x46: {  	_ =	shalt  }
0x47: {  	_ =	shalt  }
0x48: {  	_ =	shalt  }
0x49: {  	_ =	shalt  }
0x4a: {  	_ =	shalt  }
0x4b: {  	_ =	shalt  }
0x4c: {  	_ =	shalt  }
0x4d: {  	_ =	shalt  }
0x4e: {  	_ =	shalt  }
0x4f: {  	_ =	shalt  }
0x50: {  	_ =	shalt  }
0x51: {  	_ =	shalt  }
0x52: {  	_ =	shalt  }
0x53: {  	_ =	shalt  }
0x54: {  	_ =	shalt  }
0x55: {  	_ =	shalt  }
0x56: {  	_ =	shalt  }
0x57: {  	_ =	shalt  }
0x58: {  	_ =	shalt  }
0x59: {  	_ =	shalt  }
0x5a: {  	_ =	shalt  }
0x5b: {  	_ =	shalt  }
0x5c: {  	_ =	shalt  }
0x5d: {  	_ =	shalt  }
0x5e: {  	_ =	shalt  }
0x5f: {  	_ =	shalt  }
0x60: {  	_ =	shalt  }
0x61: {  	_ =	shalt  }
0x62: {  	_ =	shalt  }
0x63: {  	_ =	shalt  }
0x64: {  	_ =	shalt  }
0x65: {  	_ =	shalt  }
0x66: {  	_ =	shalt  }
0x67: {  	_ =	shalt  }
0x68: {  	_ =	shalt  }
0x69: {  	_ =	shalt  }
0x6a: {  	_ =	shalt  }
0x6b: {  	_ =	shalt  }
0x6c: {  	_ =	shalt  }
0x6d: {  	_ =	shalt  }
0x6e: {  	_ =	shalt  }
0x6f: {  	_ =	shalt  }
0x70: {  	_ =	shalt  }
0x71: {  	_ =	shalt  }
0x72: {  	_ =	shalt  }
0x73: {  	_ =	shalt  }
0x74: {  	_ =	shalt  }
0x75: {  	_ =	shalt  }
0x76: {  	_ =	shalt  }
0x77: {  	_ =	shalt  }
0x78: {  	_ =	shalt  }
0x79: {  	_ =	shalt  }
0x7a: {  	_ =	shalt  }
0x7b: {  	_ =	shalt  }
0x7c: {  	_ =	shalt  }
0x7d: {  	_ =	shalt  }
0x7e: {  	_ =	shalt  }
0x7f: {  	_ =	shalt  }
0x80: {  	_ =	shalt  }
0x81: {  	_ =	shalt  }
0x82: {  	_ =	shalt  }
0x83: {  	_ =	shalt  }
0x84: {  	_ =	shalt  }
0x85: {  	_ =	shalt  }
0x86: {  	_ =	shalt  }
0x87: {  	_ =	shalt  }
.Lfunc_end0:
.L_simem_size_0:
called_computation.4_lowered:
.L_overlay_start_0:
0x88: {  	s2 =	sld [smem:$0x3FD9]  }
0x89: {  	s3 =	sld [smem:$0x3FFE];
	_ =	sdelay $0x1  }
0x8a: {  	s1 =	srdreg.scid  }
0x8b: {  	s0 =	sand.u32 $0x1, s1  }
0x8c: {  	s17 =	sshll.u32 s0, $0xA;
	s2 =	sadd.s32 s3, s2  }
0x8d: {  	s2 =	sadd.s32 s2, s17  }
0x8e: {  	[smem:$0x3FBE] =	sst s2  }
0x8f: {  	_ = 	snop  }
0x90: {  	s2 =	sld [smem:$0x3FD0];
	(tm) =	ssettm $0x1  }
0x91: {  	s18 =	sld [smem:$0x3FFB];
	_ =	sdelay $0x3  }
0x92: {  	_ =	strace s18  }
0x93: {  	s3 =	sld [smem:$0x3FFC];
	_ =	sdelay $0x3  }
0x94: {  	_ =	strace s3  }
0x95: {  	s3 =	sld [smem:$0x3FFD];
	_ =	sdelay $0x3  }
0x96: {  	_ =	strace s3  }
0x97: {  	_ =	strace $0x8FFFFFFF  }
0x98: {  	s19 =	sld [smem:$0x3FDB];
	_ =	sdelay $0x1  }
0x99: {  	s4 =	simm.s32 $_scs_section_size  }
0x9a: {  	s5 =	simm.s32 $_size__tile_overlayer_lowered;
	s6 =	simm.s32 $_tile_overlayer_lowered  }
0x9b: {  	s22 =	simm.s32 $0x1BFF;
	s21 =	sshll.u32 s6, $0x1;
	s3 =	sadd.s32 s4, s19  }
0x9c: {  	s7 =	simm.s32 $0x0;
	s20 =	sshll.u32 s5, $0x1;
	s5 =	sadd.s32 s21, s3  }
0x9d: {  	[timem:s7], [sflag:s22] =	dma.local [hbm:s5], s20  }
0x9e: {  	_ =	swait.ge [sflag:s22], s20  }
0x9f: {  	s4 =	ssub.s32 $0x0, s20;
	[sflag:s22] =	ssyncset.done $0x0  }
0xa0: {  	[sflag:s22] =	ssyncadd.s32 s4;
	_ =	sdelay $0x1  }
0xa1: {  	s23 =	simm.s32 $0x1B8B  }
0xa2: {  	_ =	swait.ge [sflag:s23], $0x1  }
0xa3: {  	[sflag:s23] =	ssyncset.done $0x0  }
0xa4: {  	s25 =	simm.s32 $0x1B8E;
	s24 =	sld [smem:$0x3FFE];
	[sflag:s23] =	ssyncadd.s32 $0xFFFFFFFF  }
0xa5: {  	s26 =	simm.s32 $execute0_lowered;
	[smem:$0x3FD2] =	sst s25  }
0xa6: {  	s5 =	sshll.u32 s26, $0x1;
	_ =	strace $0x80000052;
	[dreg:$0x1] =	wrdreg $0xFFFFFFFF  }
0xa7: {  	s28 =	simm.s32 $_size_execute0_lowered;
	s3 =	sadd.s32 s3, s5;
	[dreg:$0x0] =	wrdreg $0x0  }
0xa8: {  	s5 =	sshll.u32 s28, $0x1;
	[dreg:$0x2] =	wrdreg s3  }
0xa9: {  	[dreg:$0x3] =	wrdreg s5  }
0xaa: {  	[dreg:$0x4] =	wrdreg $0xC0  }
0xab: {  	_ =	task [dreg:s7], $0x5FFFF  }
0xac: {  	[dreg:$0x1] =	wrdreg $0xFFFFFFFF  }
0xad: {  	[dreg:$0x0] =	wrdreg $0x60  }
0xae: {  	[dreg:$0x2] =	wrdreg s24  }
0xaf: {  	[dreg:$0x3] =	wrdreg s2  }
0xb0: {  	[dreg:$0x4] =	wrdreg $0xA8000  }
0xb1: {  	[dreg:$0x5] =	wrdreg $0x9  }
0xb2: {  	_ =	task.clear_ibuf [dreg:s7], $0x6FFFF;
	_ =	strace $0x90000052  }
0xb3: {  	s29 =	simm.s32 $0x9;
	_ =	strace $0x80000054  }
0xb4: {  	_ =	swait.ge [sflag:s29], $0x1  }
0xb5: {  	[sflag:s29] =	ssyncadd.s32 $0xFFFFFFFF  }
0xb6: {  	_ =	strace $0x90000054  }
0xb7: {  	_ =	sfence  }
0xb8: {  	s30 =	sld [smem:$0x0];
	_ =	sdelay $0x2  }
0xb9: {  	s31 =	sshll.u32 s1, $0xD;
	s1 =	sshrl.u32 s1, $0x2  }
0xba: {  	s3 =	sand.u32 $0x4000, s31;
	s1 =	sadd.s32 s1, s30  }
0xbb: {  	s0 =	sor.u32 s3, s0;
	s1 =	sshll.u32 s1, $0x11  }
0xbc: {  	s0 =	sor.u32 s1, s0  }
0xbd: {  	s0 =	sadd.s32 $0x8F2B, s0  }
0xbe: {  	[sflag:s0] =	ssyncadd.remote.s32 $0x1  }
0xbf: {  	_ =	sfence.sel $0xFFFF  }
0xc0: {  	[dreg:$0x0] =	wrdreg $0xFFFFFFFF;
	(pc) =	sbr.abs _section_cstart, $3  }
0xc1: {  	[dreg:$0x1] =	wrdreg $0xFFFFFFFF  }
0xc2: {  	_ =	task.clear_ibuf [dreg:s7], $0x2FFFF;
	_ =	strace $0x9FFFFFFF  }
0xc3: {  	(tm) =	ssettm $0x7FFFFFFF  }
tec
execute0_lowered:
.L_overlay_start_1:
0x0: {  	(tag) =	ssettag $0x1  }
0x1: {  	s6 =	rddreg [dreg:$0x0]  }
0x2: {  	s14 =	rddreg [dreg:$0x1]  }
0x3: {  	s1 =	rddreg [dreg:$0x2]  }
0x4: {  	s2 =	srdreg.scid;
	s3 =	simm.s32 $0x0;
	s0 =	stileid.u32  }
0x5: {  	s19 =	simm.s32 $0x1400;
	s20 =	simm.s32 $0x80;
	s21 =	simm.s32 $0x2800  }
0x6: {  	s22 =	simm.s32 $0x6800;
	s23 =	simm.s32 $0x1;
	s8 =	smul.u32 $0x13C00, s0  }
0x7: {  	s28 =	simm.s32 $0x2780;
	s7 =	sand.u32 $0x1, s2;
	s10 =	smul.u32 $0x4F000, s0  }
0x8: {  	[smem:$0x7FF] =	sst s3;
	s4 =	sadd.s32 $0x10600, s6;
	s26 =	smul.u32 $0x2800, s0  }
0x9: {  	s13 =	sadd.s32 $0x3E00, s6;
	s29 =	sshll.u32 s0, $0x6;
	s30 =	smul.u32 $0x500, s0  }
0xa: {  	s5 =	smul.u32 $0x13C000, s7;
	_ =	strace $0x80000053;
	s9 =	ssub.s32 $0x2, s7  }
0xb: {  	p0 =	seq.s32 s7, $0x1;
	s24 =	sshrl.u32 s9, $0x1;
	s25 =	sshrl.u32 s10, $0x2  }
0xc: {  	s18 =	sshrl.u32 s26, $0x3;
	s7 =	sadd.s32 s13, s30;
	s26 =	simm.s32 $0x2700  }
0xd: {  	s5 =	sadd.s32 s8, s5;
	s16 =	ssub.s32 s9, s24;
	s17 =	sadd.s32 s25, s1  }
0xe: {  	s31 =	sadd.s32 $0x280, s18;
	s12 =	sadd.s32 $0x5000, s18;
	s18 =	sadd.s32 $0x5280, s18  }
0xf: {  	s24 =	simm.s32 $0x2;
	s25 =	simm.s32 $0x1380;
	s8 =	sshrl.u32 s5, $0x3  }
.Ltmp0:
0x10: {  	s5 =	sadd.s32 $0xDE00, s6;
	s9 =	sadd.s32 s13, s31;
	(pc) =	sbr.rel .LBB2_1-.Ltmp0, $4  }
0x11: {  	s10 =	sadd.s32 s14, s31;
	s11 =	sadd.s32 s13, s12;
	s12 =	sadd.s32 s14, s12  }
0x12: {  	s13 =	sadd.s32 s13, s18;
	s16 =	smax.u32 s16, $0x1;
	s17 =	sshrl.u32 s17, $0x3  }
0x13: {  	s15 =	sadd.s32 s8, s6;
	s6 =	sor.u32 $0x1C03, s29;
	s8 =	sadd.s32 s14, s30  }
0x14: {  	s14 =	sadd.s32 s14, s18;
	s18 =	simm.s32 $0x3;
	s15 =	sadd.s32 $0x37800, s15  }
.LBB2_11:
0x15: {  	s0 =	sadd.s32 $0x80, s29;
	[sflag:s18] =	ssyncadd.s32 $0xFFFFC000  }
0x16: {  	[tilespmem:s22], [sflag:$0x2] =	stream.indirect.gather [hbm4b:s4+s20], $0x80, s0, s20, $0xb8;
	[tilespmem:$0x1E400] =	vst v63  }
0x17: {  	_ =	swait.ge [sflag:s23], $0x4000  }
0x18: {  	[sflag:s23] =	ssyncset.done $0x0  }
0x19: {  	s2 =	sadd.s32 $0x1400, s29;
	[sflag:s23] =	ssyncadd.s32 $0xFFFFC000  }
0x1a: {  	[spmem:s1] =	stream.indirect.scatter.add.f32 [tilespmem:s21], [sflag:$0x3], $0x80, s2, s20, $0xb8;
	[tilespmem:$0x1E400] =	vst v63  }
0x1b: {  	_ =	swait.ge [sflag:s18], $0x4000  }
0x1c: {  	[sflag:s18] =	ssyncset.done $0x0  }
0x1d: {  	s30 =	sadd.s32 $0x100, s29;
	[sflag:s18] =	ssyncadd.s32 $0xFFFFC000  }
0x1e: {  	[tilespmem:s21], [sflag:$0x1] =	stream.indirect.gather [hbm4b:s4+s20], $0x80, s30, s20, $0xb8;
	[tilespmem:$0x1E400] =	vst v63  }
0x1f: {  	_ =	swait.ge [sflag:s24], $0x4000  }
0x20: {  	[sflag:s24] =	ssyncset.done $0x0  }
0x21: {  	s31 =	sadd.s32 $0x1480, s29;
	[sflag:s24] =	ssyncadd.s32 $0xFFFFC000  }
0x22: {  	[spmem:s1] =	stream.indirect.scatter.add.f32 [tilespmem:s22], [sflag:$0x3], $0x80, s31, s20, $0xb8;
	[tilespmem:$0x1E400] =	vst v63  }
0x23: {  	_ =	swait.ge [sflag:s18], $0x4000  }
0x24: {  	[sflag:s18] =	ssyncset.done $0x0  }
0x25: {  	[sflag:s18] =	ssyncadd.s32 $0xFFFFC000  }
.LBB2_12:
0x26: {  	[tilespmem:s22], [sflag:$0x2] =	stream.indirect.gather [hbm4b:s4+s20], $0x80, s25, s20, $0xb8;
	[tilespmem:$0x1E400] =	vst v63  }
0x27: {  	_ =	swait.ge [sflag:s23], $0x4000  }
0x28: {  	[sflag:s23] =	ssyncset.done $0x0  }
0x29: {  	[sflag:s23] =	ssyncadd.s32 $0xFFFFC000  }
0x2a: {  	[spmem:s1] =	stream.indirect.scatter.add.f32 [tilespmem:s21], [sflag:$0x3], $0x80, s26, s20, $0xb8;
	[tilespmem:$0x1E400] =	vst v63  }
0x2b: {  	_ =	swait.ge [sflag:s18], $0x4000  }
0x2c: {  	[sflag:s18] =	ssyncset.done $0x0  }
0x2d: {  	[sflag:s18] =	ssyncadd.s32 $0xFFFFC000  }
0x2e: {  	_ =	swait.ge [sflag:s24], $0x4000  }
0x2f: {  	[sflag:s24] =	ssyncset.done $0x0  }
0x30: {  	[sflag:s24] =	ssyncadd.s32 $0xFFFFC000  }
0x31: {  	[spmem:s1] =	stream.indirect.scatter.add.f32 [tilespmem:s22], [sflag:$0x3], $0x80, s28, s20, $0xb8;
	[tilespmem:$0x1E400] =	vst v63  }
0x32: {  	_ =	swait.ge [sflag:s18], $0x4000  }
0x33: {  	s3 =	sadd.s32 $0x1, s3;
	[sflag:s18] =	ssyncset.done $0x0  }
0x34: {  	p1 =	sne.s32 s3, s16;
	[sflag:s18] =	ssyncadd.s32 $0xFFFFC000  }
.Ltmp1:
0x35: {  	[bflag:$0x0] =	sbarrier.arrive $0xFFFF;
	(pc) =	sbr.rel @!p1 .LBB2_13-.Ltmp1, $4  }
0x36: {  	[hbm:s15], [sflag:s6] =	dma.local [spmem:s17], $0x2780  }
0x37: {  	_ =	swait.ge [sflag:s18], $0x2780  }
0x38: {  	[sflag:s18] =	ssyncset.done $0x0  }
0x39: {  	[sflag:s18] =	ssyncadd.s32 $0xFFFFD880  }
.LBB2_1:
0x3a: {  	[spmem:s17], [sflag:s6] =	dma.local [hbm:s5], $0x2780  }
.Ltmp2:
0x3b: {  	_ =	swait.ge [sflag:s18], $0x2780;
	(pc) =	sbr.rel @!p0 .LBB2_2-.Ltmp2, $3  }
0x3c: {  	[sflag:s18] =	ssyncset.done $0x0  }
0x3d: {  	[sflag:s18] =	ssyncadd.s32 $0xFFFFD880  }
0x3e: {  	[bflag:$0x0] =	sbarrier.arrive $0xFFFF;
	_ =	sdelay $0x1  }
0x3f: {  	s0 =	simm.s32 $0x0  }
0x40: {  	[tilespmem:s0], [sflag:$0x3] =	stream.linear.gather [hbm4b:s11+s0], $0x1400, $0x38;
	[tilespmem:$0x1E400] =	vst v63  }
0x41: {  	_ =	swait.ge [sflag:s18], $0x1400  }
0x42: {  	[sflag:s18] =	ssyncset.done $0x0  }
0x43: {  	[sflag:s18] =	ssyncadd.s32 $0xFFFFEC00  }
0x44: {  	[tilespmem:s19], [sflag:$0x3] =	stream.linear.gather [hbm4b:s12+s0], $0x1400, $0x38;
	[tilespmem:$0x1E400] =	vst v63  }
0x45: {  	_ =	swait.ge [sflag:s18], $0x1400  }
0x46: {  	[sflag:s18] =	ssyncset.done $0x0  }
0x47: {  	[sflag:s18] =	ssyncadd.s32 $0xFFFFEC00  }
0x48: {  	[tilespmem:s21], [sflag:$0x1] =	stream.indirect.gather [hbm4b:s4+s20], $0x80, s0, s20, $0xb8;
	[tilespmem:$0x1E400] =	vst v63  }
0x49: {  	s2 =	simm.s32 $0x80  }
0x4a: {  	[tilespmem:s22], [sflag:$0x2] =	stream.indirect.gather [hbm4b:s4+s20], $0x80, s2, s20, $0xb8;
	[tilespmem:$0x1E400] =	vst v63  }
0x4b: {  	_ =	swait.ge [sflag:s23], $0x4000  }
0x4c: {  	[sflag:s23] =	ssyncset.done $0x0  }
0x4d: {  	s31 =	simm.s32 $0x1400;
	[sflag:s23] =	ssyncadd.s32 $0xFFFFC000  }
0x4e: {  	[spmem:s1] =	stream.indirect.scatter.add.f32 [tilespmem:s21], [sflag:$0x3], $0x80, s31, s20, $0xb8;
	[tilespmem:$0x1E400] =	vst v63  }
0x4f: {  	_ =	swait.ge [sflag:s18], $0x4000  }
0x50: {  	[sflag:s18] =	ssyncset.done $0x0  }
0x51: {  	s2 =	simm.s32 $0x100;
	[sflag:s18] =	ssyncadd.s32 $0xFFFFC000  }
0x52: {  	[tilespmem:s21], [sflag:$0x1] =	stream.indirect.gather [hbm4b:s4+s20], $0x80, s2, s20, $0xb8;
	[tilespmem:$0x1E400] =	vst v63  }
0x53: {  	_ =	swait.ge [sflag:s24], $0x4000  }
0x54: {  	[sflag:s24] =	ssyncset.done $0x0  }
0x55: {  	s31 =	simm.s32 $0x1480;
	[sflag:s24] =	ssyncadd.s32 $0xFFFFC000  }
0x56: {  	[spmem:s1] =	stream.indirect.scatter.add.f32 [tilespmem:s22], [sflag:$0x3], $0x80, s31, s20, $0xb8;
	[tilespmem:$0x1E400] =	vst v63  }
0x57: {  	_ =	swait.ge [sflag:s18], $0x4000  }
0x58: {  	s30 =	simm.s32 $0x800;
	s29 =	simm.s32 $0x100;
	[sflag:s18] =	ssyncset.done $0x0  }
.LBB2_8:
0x59: {  	s0 =	sadd.s32 $0x80, s29  }
0x5a: {  	[sflag:s18] =	ssyncadd.s32 $0xFFFFC000;
	s2 =	smov.u32 s30;
	s31 =	sadd.s32 $0x400, s30  }
0x5b: {  	[tilespmem:s22], [sflag:$0x2] =	stream.indirect.gather [hbm4b:s4+s20], $0x80, s0, s20, $0xb8;
	[tilespmem:$0x1E400] =	vst v63  }
0x5c: {  	p1 =	sne.s32 s30, $0x4800;
	_ =	swait.ge [sflag:s23], $0x4000  }
0x5d: {  	[sflag:s23] =	ssyncset.done $0x0  }
0x5e: {  	s0 =	sadd.s32 $0x1400, s29;
	[sflag:s23] =	ssyncadd.s32 $0xFFFFC000  }
0x5f: {  	[spmem:s1] =	stream.indirect.scatter.add.f32 [tilespmem:s21], [sflag:$0x3], $0x80, s0, s20, $0xb8;
	[tilespmem:$0x1E400] =	vst v63  }
0x60: {  	_ =	swait.ge [sflag:s18], $0x4000  }
0x61: {  	[sflag:s18] =	ssyncset.done $0x0  }
0x62: {  	s0 =	sadd.s32 $0x100, s29;
	[sflag:s18] =	ssyncadd.s32 $0xFFFFC000  }
0x63: {  	[tilespmem:s21], [sflag:$0x1] =	stream.indirect.gather [hbm4b:s4+s20], $0x80, s0, s20, $0xb8;
	[tilespmem:$0x1E400] =	vst v63  }
0x64: {  	_ =	swait.ge [sflag:s24], $0x4000  }
.Ltmp3:
0x65: {  	[sflag:s24] =	ssyncset.done $0x0;
	(pc) =	sbr.rel @p1 .LBB2_8-.Ltmp3, $4  }
0x66: {  	s0 =	sadd.s32 $0x1480, s29;
	[sflag:s24] =	ssyncadd.s32 $0xFFFFC000  }
0x67: {  	[spmem:s1] =	stream.indirect.scatter.add.f32 [tilespmem:s22], [sflag:$0x3], $0x80, s0, s20, $0xb8;
	[tilespmem:$0x1E400] =	vst v63  }
0x68: {  	_ =	swait.ge [sflag:s18], $0x4000  }
0x69: {  	s30 =	smov.u32 s31;
	s29 =	sshra.s32 s2, $0x2;
	[sflag:s18] =	ssyncset.done $0x0  }
0x6a: {  	s0 =	sadd.s32 $0x80, s29;
	[sflag:s18] =	ssyncadd.s32 $0xFFFFC000  }
0x6b: {  	[tilespmem:s22], [sflag:$0x2] =	stream.indirect.gather [hbm4b:s4+s20], $0x80, s0, s20, $0xb8;
	[tilespmem:$0x1E400] =	vst v63  }
0x6c: {  	_ =	swait.ge [sflag:s23], $0x4000  }
0x6d: {  	[sflag:s23] =	ssyncset.done $0x0  }
0x6e: {  	s2 =	sadd.s32 $0x1400, s29;
	[sflag:s23] =	ssyncadd.s32 $0xFFFFC000  }
0x6f: {  	[spmem:s1] =	stream.indirect.scatter.add.f32 [tilespmem:s21], [sflag:$0x3], $0x80, s2, s20, $0xb8;
	[tilespmem:$0x1E400] =	vst v63  }
0x70: {  	_ =	swait.ge [sflag:s18], $0x4000  }
0x71: {  	[sflag:s18] =	ssyncset.done $0x0  }
0x72: {  	s31 =	sadd.s32 $0x100, s29;
	[sflag:s18] =	ssyncadd.s32 $0xFFFFC000  }
0x73: {  	[tilespmem:s21], [sflag:$0x1] =	stream.indirect.gather [hbm4b:s4+s20], $0x80, s31, s20, $0xb8;
	[tilespmem:$0x1E400] =	vst v63  }
0x74: {  	_ =	swait.ge [sflag:s24], $0x4000  }
0x75: {  	[sflag:s24] =	ssyncset.done $0x0  }
0x76: {  	s2 =	sadd.s32 $0x1480, s29;
	[sflag:s24] =	ssyncadd.s32 $0xFFFFC000  }
0x77: {  	[spmem:s1] =	stream.indirect.scatter.add.f32 [tilespmem:s22], [sflag:$0x3], $0x80, s2, s20, $0xb8;
	[tilespmem:$0x1E400] =	vst v63  }
0x78: {  	_ =	swait.ge [sflag:s18], $0x4000  }
0x79: {  	[sflag:s18] =	ssyncset.done $0x0  }
0x7a: {  	[sflag:s18] =	ssyncadd.s32 $0xFFFFC000  }
0x7b: {  	[tilespmem:s22], [sflag:$0x2] =	stream.indirect.gather [hbm4b:s4+s20], $0x80, s25, s20, $0xb8;
	[tilespmem:$0x1E400] =	vst v63  }
0x7c: {  	_ =	swait.ge [sflag:s23], $0x4000  }
0x7d: {  	[sflag:s23] =	ssyncset.done $0x0  }
0x7e: {  	[sflag:s23] =	ssyncadd.s32 $0xFFFFC000  }
0x7f: {  	[spmem:s1] =	stream.indirect.scatter.add.f32 [tilespmem:s21], [sflag:$0x3], $0x80, s26, s20, $0xb8;
	[tilespmem:$0x1E400] =	vst v63  }
0x80: {  	_ =	swait.ge [sflag:s18], $0x4000  }
0x81: {  	[sflag:s18] =	ssyncset.done $0x0  }
0x82: {  	[sflag:s18] =	ssyncadd.s32 $0xFFFFC000  }
0x83: {  	_ =	swait.ge [sflag:s24], $0x4000  }
0x84: {  	[sflag:s24] =	ssyncset.done $0x0  }
0x85: {  	[sflag:s24] =	ssyncadd.s32 $0xFFFFC000  }
0x86: {  	[spmem:s1] =	stream.indirect.scatter.add.f32 [tilespmem:s22], [sflag:$0x3], $0x80, s28, s20, $0xb8;
	[tilespmem:$0x1E400] =	vst v63  }
0x87: {  	_ =	swait.ge [sflag:s18], $0x4000  }
0x88: {  	[sflag:s18] =	ssyncset.done $0x0  }
0x89: {  	s31 =	simm.s32 $0x0;
	[sflag:s18] =	ssyncadd.s32 $0xFFFFC000  }
0x8a: {  	[tilespmem:s31], [sflag:$0x3] =	stream.linear.gather [hbm4b:s13+s31], $0x1400, $0x38;
	[tilespmem:$0x1E400] =	vst v63  }
0x8b: {  	_ =	swait.ge [sflag:s18], $0x1400  }
0x8c: {  	[sflag:s18] =	ssyncset.done $0x0  }
0x8d: {  	[sflag:s18] =	ssyncadd.s32 $0xFFFFEC00  }
0x8e: {  	[tilespmem:s19], [sflag:$0x3] =	stream.linear.gather [hbm4b:s14+s31], $0x1400, $0x38;
	[tilespmem:$0x1E400] =	vst v63  }
0x8f: {  	_ =	swait.ge [sflag:s18], $0x1400  }
0x90: {  	[sflag:s18] =	ssyncset.done $0x0  }
0x91: {  	[sflag:s18] =	ssyncadd.s32 $0xFFFFEC00  }
0x92: {  	[tilespmem:s21], [sflag:$0x1] =	stream.indirect.gather [hbm4b:s4+s20], $0x80, s31, s20, $0xb8;
	[tilespmem:$0x1E400] =	vst v63  }
0x93: {  	s2 =	simm.s32 $0x80  }
0x94: {  	[tilespmem:s22], [sflag:$0x2] =	stream.indirect.gather [hbm4b:s4+s20], $0x80, s2, s20, $0xb8;
	[tilespmem:$0x1E400] =	vst v63  }
0x95: {  	_ =	swait.ge [sflag:s23], $0x4000  }
0x96: {  	[sflag:s23] =	ssyncset.done $0x0  }
0x97: {  	s31 =	simm.s32 $0x1400;
	[sflag:s23] =	ssyncadd.s32 $0xFFFFC000  }
0x98: {  	[spmem:s1] =	stream.indirect.scatter.add.f32 [tilespmem:s21], [sflag:$0x3], $0x80, s31, s20, $0xb8;
	[tilespmem:$0x1E400] =	vst v63  }
0x99: {  	_ =	swait.ge [sflag:s18], $0x4000  }
0x9a: {  	[sflag:s18] =	ssyncset.done $0x0  }
0x9b: {  	s2 =	simm.s32 $0x100;
	[sflag:s18] =	ssyncadd.s32 $0xFFFFC000  }
0x9c: {  	[tilespmem:s21], [sflag:$0x1] =	stream.indirect.gather [hbm4b:s4+s20], $0x80, s2, s20, $0xb8;
	[tilespmem:$0x1E400] =	vst v63  }
0x9d: {  	_ =	swait.ge [sflag:s24], $0x4000  }
0x9e: {  	[sflag:s24] =	ssyncset.done $0x0  }
0x9f: {  	s31 =	simm.s32 $0x1480;
	[sflag:s24] =	ssyncadd.s32 $0xFFFFC000  }
0xa0: {  	[spmem:s1] =	stream.indirect.scatter.add.f32 [tilespmem:s22], [sflag:$0x3], $0x80, s31, s20, $0xb8;
	[tilespmem:$0x1E400] =	vst v63  }
0xa1: {  	_ =	swait.ge [sflag:s18], $0x4000  }
0xa2: {  	s30 =	simm.s32 $0x800;
	s29 =	simm.s32 $0x100;
	[sflag:s18] =	ssyncset.done $0x0  }
.LBB2_10:
0xa3: {  	s0 =	sadd.s32 $0x80, s29  }
0xa4: {  	[sflag:s18] =	ssyncadd.s32 $0xFFFFC000;
	s2 =	smov.u32 s30;
	s31 =	sadd.s32 $0x400, s30  }
0xa5: {  	[tilespmem:s22], [sflag:$0x2] =	stream.indirect.gather [hbm4b:s4+s20], $0x80, s0, s20, $0xb8;
	[tilespmem:$0x1E400] =	vst v63  }
0xa6: {  	p1 =	sne.s32 s30, $0x4800;
	_ =	swait.ge [sflag:s23], $0x4000  }
0xa7: {  	[sflag:s23] =	ssyncset.done $0x0  }
0xa8: {  	s0 =	sadd.s32 $0x1400, s29;
	[sflag:s23] =	ssyncadd.s32 $0xFFFFC000  }
0xa9: {  	[spmem:s1] =	stream.indirect.scatter.add.f32 [tilespmem:s21], [sflag:$0x3], $0x80, s0, s20, $0xb8;
	[tilespmem:$0x1E400] =	vst v63  }
0xaa: {  	_ =	swait.ge [sflag:s18], $0x4000  }
0xab: {  	[sflag:s18] =	ssyncset.done $0x0  }
0xac: {  	s0 =	sadd.s32 $0x100, s29;
	[sflag:s18] =	ssyncadd.s32 $0xFFFFC000  }
0xad: {  	[tilespmem:s21], [sflag:$0x1] =	stream.indirect.gather [hbm4b:s4+s20], $0x80, s0, s20, $0xb8;
	[tilespmem:$0x1E400] =	vst v63  }
0xae: {  	_ =	swait.ge [sflag:s24], $0x4000  }
.Ltmp4:
0xaf: {  	[sflag:s24] =	ssyncset.done $0x0;
	(pc) =	sbr.rel @p1 .LBB2_10-.Ltmp4, $4  }
0xb0: {  	s0 =	sadd.s32 $0x1480, s29;
	[sflag:s24] =	ssyncadd.s32 $0xFFFFC000  }
0xb1: {  	[spmem:s1] =	stream.indirect.scatter.add.f32 [tilespmem:s22], [sflag:$0x3], $0x80, s0, s20, $0xb8;
	[tilespmem:$0x1E400] =	vst v63  }
0xb2: {  	_ =	swait.ge [sflag:s18], $0x4000  }
0xb3: {  	s30 =	smov.u32 s31;
	s29 =	sshra.s32 s2, $0x2;
	[sflag:s18] =	ssyncset.done $0x0  }
.Ltmp5:
0xb4: {  	_ = 	snop;
	(pc) =	sbr.rel .LBB2_11-.Ltmp5, $1  }
0xb5: {  	_ =	sdelay $0x3  }
.LBB2_2:
0xb6: {  	s29 =	simm.s32 $0x0  }
0xb7: {  	[tilespmem:s29], [sflag:$0x3] =	stream.linear.gather [hbm4b:s7+s29], $0x1400, $0x38;
	[tilespmem:$0x1E400] =	vst v63  }
0xb8: {  	_ =	swait.ge [sflag:s18], $0x1400  }
0xb9: {  	[sflag:s18] =	ssyncset.done $0x0  }
0xba: {  	[sflag:s18] =	ssyncadd.s32 $0xFFFFEC00  }
0xbb: {  	[tilespmem:s19], [sflag:$0x3] =	stream.linear.gather [hbm4b:s8+s29], $0x1400, $0x38;
	[tilespmem:$0x1E400] =	vst v63  }
0xbc: {  	_ =	swait.ge [sflag:s18], $0x1400  }
0xbd: {  	[sflag:s18] =	ssyncset.done $0x0  }
0xbe: {  	[sflag:s18] =	ssyncadd.s32 $0xFFFFEC00  }
0xbf: {  	[tilespmem:s21], [sflag:$0x1] =	stream.indirect.gather [hbm4b:s4+s20], $0x80, s29, s20, $0xb8;
	[tilespmem:$0x1E400] =	vst v63  }
0xc0: {  	s29 =	simm.s32 $0x80  }
0xc1: {  	[tilespmem:s22], [sflag:$0x2] =	stream.indirect.gather [hbm4b:s4+s20], $0x80, s29, s20, $0xb8;
	[tilespmem:$0x1E400] =	vst v63  }
0xc2: {  	_ =	swait.ge [sflag:s23], $0x4000  }
0xc3: {  	[sflag:s23] =	ssyncset.done $0x0  }
0xc4: {  	s29 =	simm.s32 $0x1400;
	[sflag:s23] =	ssyncadd.s32 $0xFFFFC000  }
0xc5: {  	[spmem:s1] =	stream.indirect.scatter.add.f32 [tilespmem:s21], [sflag:$0x3], $0x80, s29, s20, $0xb8;
	[tilespmem:$0x1E400] =	vst v63  }
0xc6: {  	_ =	swait.ge [sflag:s18], $0x4000  }
0xc7: {  	[sflag:s18] =	ssyncset.done $0x0  }
0xc8: {  	s29 =	simm.s32 $0x100;
	[sflag:s18] =	ssyncadd.s32 $0xFFFFC000  }
0xc9: {  	[tilespmem:s21], [sflag:$0x1] =	stream.indirect.gather [hbm4b:s4+s20], $0x80, s29, s20, $0xb8;
	[tilespmem:$0x1E400] =	vst v63  }
0xca: {  	_ =	swait.ge [sflag:s24], $0x4000  }
0xcb: {  	[sflag:s24] =	ssyncset.done $0x0  }
0xcc: {  	s29 =	simm.s32 $0x1480;
	[sflag:s24] =	ssyncadd.s32 $0xFFFFC000  }
0xcd: {  	[spmem:s1] =	stream.indirect.scatter.add.f32 [tilespmem:s22], [sflag:$0x3], $0x80, s29, s20, $0xb8;
	[tilespmem:$0x1E400] =	vst v63  }
0xce: {  	_ =	swait.ge [sflag:s18], $0x4000  }
0xcf: {  	s30 =	simm.s32 $0x800;
	s29 =	simm.s32 $0x100;
	[sflag:s18] =	ssyncset.done $0x0  }
.LBB2_3:
0xd0: {  	s31 =	sadd.s32 $0x80, s29  }
0xd1: {  	[sflag:s18] =	ssyncadd.s32 $0xFFFFC000;
	s0 =	smov.u32 s30;
	s2 =	sadd.s32 $0x400, s30  }
0xd2: {  	[tilespmem:s22], [sflag:$0x2] =	stream.indirect.gather [hbm4b:s4+s20], $0x80, s31, s20, $0xb8;
	[tilespmem:$0x1E400] =	vst v63  }
0xd3: {  	p1 =	sne.s32 s30, $0x4800;
	_ =	swait.ge [sflag:s23], $0x4000  }
0xd4: {  	[sflag:s23] =	ssyncset.done $0x0  }
0xd5: {  	s30 =	sadd.s32 $0x1400, s29;
	[sflag:s23] =	ssyncadd.s32 $0xFFFFC000  }
0xd6: {  	[spmem:s1] =	stream.indirect.scatter.add.f32 [tilespmem:s21], [sflag:$0x3], $0x80, s30, s20, $0xb8;
	[tilespmem:$0x1E400] =	vst v63  }
0xd7: {  	_ =	swait.ge [sflag:s18], $0x4000  }
0xd8: {  	[sflag:s18] =	ssyncset.done $0x0  }
0xd9: {  	s30 =	sadd.s32 $0x100, s29;
	[sflag:s18] =	ssyncadd.s32 $0xFFFFC000  }
0xda: {  	[tilespmem:s21], [sflag:$0x1] =	stream.indirect.gather [hbm4b:s4+s20], $0x80, s30, s20, $0xb8;
	[tilespmem:$0x1E400] =	vst v63  }
0xdb: {  	_ =	swait.ge [sflag:s24], $0x4000  }
.Ltmp6:
0xdc: {  	[sflag:s24] =	ssyncset.done $0x0;
	(pc) =	sbr.rel @p1 .LBB2_3-.Ltmp6, $4  }
0xdd: {  	s29 =	sadd.s32 $0x1480, s29;
	[sflag:s24] =	ssyncadd.s32 $0xFFFFC000  }
0xde: {  	[spmem:s1] =	stream.indirect.scatter.add.f32 [tilespmem:s22], [sflag:$0x3], $0x80, s29, s20, $0xb8;
	[tilespmem:$0x1E400] =	vst v63  }
0xdf: {  	_ =	swait.ge [sflag:s18], $0x4000  }
0xe0: {  	s30 =	smov.u32 s2;
	s29 =	sshra.s32 s0, $0x2;
	[sflag:s18] =	ssyncset.done $0x0  }
0xe1: {  	s0 =	sadd.s32 $0x80, s29;
	[sflag:s18] =	ssyncadd.s32 $0xFFFFC000  }
0xe2: {  	[tilespmem:s22], [sflag:$0x2] =	stream.indirect.gather [hbm4b:s4+s20], $0x80, s0, s20, $0xb8;
	[tilespmem:$0x1E400] =	vst v63  }
0xe3: {  	_ =	swait.ge [sflag:s23], $0x4000  }
0xe4: {  	[sflag:s23] =	ssyncset.done $0x0  }
0xe5: {  	s2 =	sadd.s32 $0x1400, s29;
	[sflag:s23] =	ssyncadd.s32 $0xFFFFC000  }
0xe6: {  	[spmem:s1] =	stream.indirect.scatter.add.f32 [tilespmem:s21], [sflag:$0x3], $0x80, s2, s20, $0xb8;
	[tilespmem:$0x1E400] =	vst v63  }
0xe7: {  	_ =	swait.ge [sflag:s18], $0x4000  }
0xe8: {  	[sflag:s18] =	ssyncset.done $0x0  }
0xe9: {  	s31 =	sadd.s32 $0x100, s29;
	[sflag:s18] =	ssyncadd.s32 $0xFFFFC000  }
0xea: {  	[tilespmem:s21], [sflag:$0x1] =	stream.indirect.gather [hbm4b:s4+s20], $0x80, s31, s20, $0xb8;
	[tilespmem:$0x1E400] =	vst v63  }
0xeb: {  	_ =	swait.ge [sflag:s24], $0x4000  }
0xec: {  	[sflag:s24] =	ssyncset.done $0x0  }
0xed: {  	s2 =	sadd.s32 $0x1480, s29;
	[sflag:s24] =	ssyncadd.s32 $0xFFFFC000  }
0xee: {  	[spmem:s1] =	stream.indirect.scatter.add.f32 [tilespmem:s22], [sflag:$0x3], $0x80, s2, s20, $0xb8;
	[tilespmem:$0x1E400] =	vst v63  }
0xef: {  	_ =	swait.ge [sflag:s18], $0x4000  }
0xf0: {  	[sflag:s18] =	ssyncset.done $0x0  }
0xf1: {  	[sflag:s18] =	ssyncadd.s32 $0xFFFFC000  }
0xf2: {  	[tilespmem:s22], [sflag:$0x2] =	stream.indirect.gather [hbm4b:s4+s20], $0x80, s25, s20, $0xb8;
	[tilespmem:$0x1E400] =	vst v63  }
0xf3: {  	_ =	swait.ge [sflag:s23], $0x4000  }
0xf4: {  	[sflag:s23] =	ssyncset.done $0x0  }
0xf5: {  	[sflag:s23] =	ssyncadd.s32 $0xFFFFC000  }
0xf6: {  	[spmem:s1] =	stream.indirect.scatter.add.f32 [tilespmem:s21], [sflag:$0x3], $0x80, s26, s20, $0xb8;
	[tilespmem:$0x1E400] =	vst v63  }
0xf7: {  	_ =	swait.ge [sflag:s18], $0x4000  }
0xf8: {  	[sflag:s18] =	ssyncset.done $0x0  }
0xf9: {  	[sflag:s18] =	ssyncadd.s32 $0xFFFFC000  }
0xfa: {  	_ =	swait.ge [sflag:s24], $0x4000  }
0xfb: {  	[sflag:s24] =	ssyncset.done $0x0  }
0xfc: {  	[sflag:s24] =	ssyncadd.s32 $0xFFFFC000  }
0xfd: {  	[spmem:s1] =	stream.indirect.scatter.add.f32 [tilespmem:s22], [sflag:$0x3], $0x80, s28, s20, $0xb8;
	[tilespmem:$0x1E400] =	vst v63  }
0xfe: {  	_ =	swait.ge [sflag:s18], $0x4000  }
0xff: {  	[sflag:s18] =	ssyncset.done $0x0  }
0x100: {  	s31 =	simm.s32 $0x0;
	[sflag:s18] =	ssyncadd.s32 $0xFFFFC000  }
0x101: {  	[tilespmem:s31], [sflag:$0x3] =	stream.linear.gather [hbm4b:s9+s31], $0x1400, $0x38;
	[tilespmem:$0x1E400] =	vst v63  }
0x102: {  	_ =	swait.ge [sflag:s18], $0x1400  }
0x103: {  	[sflag:s18] =	ssyncset.done $0x0  }
0x104: {  	[sflag:s18] =	ssyncadd.s32 $0xFFFFEC00  }
0x105: {  	[tilespmem:s19], [sflag:$0x3] =	stream.linear.gather [hbm4b:s10+s31], $0x1400, $0x38;
	[tilespmem:$0x1E400] =	vst v63  }
0x106: {  	_ =	swait.ge [sflag:s18], $0x1400  }
0x107: {  	[sflag:s18] =	ssyncset.done $0x0  }
0x108: {  	[sflag:s18] =	ssyncadd.s32 $0xFFFFEC00  }
0x109: {  	[tilespmem:s21], [sflag:$0x1] =	stream.indirect.gather [hbm4b:s4+s20], $0x80, s31, s20, $0xb8;
	[tilespmem:$0x1E400] =	vst v63  }
0x10a: {  	s2 =	simm.s32 $0x80  }
0x10b: {  	[tilespmem:s22], [sflag:$0x2] =	stream.indirect.gather [hbm4b:s4+s20], $0x80, s2, s20, $0xb8;
	[tilespmem:$0x1E400] =	vst v63  }
0x10c: {  	_ =	swait.ge [sflag:s23], $0x4000  }
0x10d: {  	[sflag:s23] =	ssyncset.done $0x0  }
0x10e: {  	s31 =	simm.s32 $0x1400;
	[sflag:s23] =	ssyncadd.s32 $0xFFFFC000  }
0x10f: {  	[spmem:s1] =	stream.indirect.scatter.add.f32 [tilespmem:s21], [sflag:$0x3], $0x80, s31, s20, $0xb8;
	[tilespmem:$0x1E400] =	vst v63  }
0x110: {  	_ =	swait.ge [sflag:s18], $0x4000  }
0x111: {  	[sflag:s18] =	ssyncset.done $0x0  }
0x112: {  	s2 =	simm.s32 $0x100;
	[sflag:s18] =	ssyncadd.s32 $0xFFFFC000  }
0x113: {  	[tilespmem:s21], [sflag:$0x1] =	stream.indirect.gather [hbm4b:s4+s20], $0x80, s2, s20, $0xb8;
	[tilespmem:$0x1E400] =	vst v63  }
0x114: {  	_ =	swait.ge [sflag:s24], $0x4000  }
0x115: {  	[sflag:s24] =	ssyncset.done $0x0  }
0x116: {  	s31 =	simm.s32 $0x1480;
	[sflag:s24] =	ssyncadd.s32 $0xFFFFC000  }
0x117: {  	[spmem:s1] =	stream.indirect.scatter.add.f32 [tilespmem:s22], [sflag:$0x3], $0x80, s31, s20, $0xb8;
	[tilespmem:$0x1E400] =	vst v63  }
0x118: {  	_ =	swait.ge [sflag:s18], $0x4000  }
0x119: {  	s30 =	simm.s32 $0x800;
	s29 =	simm.s32 $0x100;
	[sflag:s18] =	ssyncset.done $0x0  }
.LBB2_5:
0x11a: {  	s0 =	sadd.s32 $0x80, s29  }
0x11b: {  	[sflag:s18] =	ssyncadd.s32 $0xFFFFC000;
	s2 =	smov.u32 s30;
	s31 =	sadd.s32 $0x400, s30  }
0x11c: {  	[tilespmem:s22], [sflag:$0x2] =	stream.indirect.gather [hbm4b:s4+s20], $0x80, s0, s20, $0xb8;
	[tilespmem:$0x1E400] =	vst v63  }
0x11d: {  	p1 =	seq.s32 s30, $0x4800;
	_ =	swait.ge [sflag:s23], $0x4000  }
0x11e: {  	[sflag:s23] =	ssyncset.done $0x0  }
0x11f: {  	s0 =	sadd.s32 $0x1400, s29;
	[sflag:s23] =	ssyncadd.s32 $0xFFFFC000  }
0x120: {  	[spmem:s1] =	stream.indirect.scatter.add.f32 [tilespmem:s21], [sflag:$0x3], $0x80, s0, s20, $0xb8;
	[tilespmem:$0x1E400] =	vst v63  }
0x121: {  	_ =	swait.ge [sflag:s18], $0x4000  }
0x122: {  	[sflag:s18] =	ssyncset.done $0x0  }
0x123: {  	s0 =	sadd.s32 $0x100, s29;
	[sflag:s18] =	ssyncadd.s32 $0xFFFFC000  }
0x124: {  	[tilespmem:s21], [sflag:$0x1] =	stream.indirect.gather [hbm4b:s4+s20], $0x80, s0, s20, $0xb8;
	[tilespmem:$0x1E400] =	vst v63  }
0x125: {  	_ =	swait.ge [sflag:s24], $0x4000  }
.Ltmp7:
0x126: {  	[sflag:s24] =	ssyncset.done $0x0;
	(pc) =	sbr.rel @!p1 .LBB2_5-.Ltmp7, $4  }
0x127: {  	s0 =	sadd.s32 $0x1480, s29;
	[sflag:s24] =	ssyncadd.s32 $0xFFFFC000  }
0x128: {  	[spmem:s1] =	stream.indirect.scatter.add.f32 [tilespmem:s22], [sflag:$0x3], $0x80, s0, s20, $0xb8;
	[tilespmem:$0x1E400] =	vst v63  }
0x129: {  	_ =	swait.ge [sflag:s18], $0x4000  }
0x12a: {  	s30 =	smov.u32 s31;
	s29 =	sshra.s32 s2, $0x2;
	[sflag:s18] =	ssyncset.done $0x0  }
0x12b: {  	s0 =	sadd.s32 $0x80, s29;
	[sflag:s18] =	ssyncadd.s32 $0xFFFFC000  }
0x12c: {  	[tilespmem:s22], [sflag:$0x2] =	stream.indirect.gather [hbm4b:s4+s20], $0x80, s0, s20, $0xb8;
	[tilespmem:$0x1E400] =	vst v63  }
0x12d: {  	_ =	swait.ge [sflag:s23], $0x4000  }
0x12e: {  	[sflag:s23] =	ssyncset.done $0x0  }
0x12f: {  	s2 =	sadd.s32 $0x1400, s29;
	[sflag:s23] =	ssyncadd.s32 $0xFFFFC000  }
0x130: {  	[spmem:s1] =	stream.indirect.scatter.add.f32 [tilespmem:s21], [sflag:$0x3], $0x80, s2, s20, $0xb8;
	[tilespmem:$0x1E400] =	vst v63  }
0x131: {  	_ =	swait.ge [sflag:s18], $0x4000  }
0x132: {  	[sflag:s18] =	ssyncset.done $0x0  }
0x133: {  	s30 =	sadd.s32 $0x100, s29;
	[sflag:s18] =	ssyncadd.s32 $0xFFFFC000  }
0x134: {  	[tilespmem:s21], [sflag:$0x1] =	stream.indirect.gather [hbm4b:s4+s20], $0x80, s30, s20, $0xb8;
	[tilespmem:$0x1E400] =	vst v63  }
0x135: {  	_ =	swait.ge [sflag:s24], $0x4000  }
0x136: {  	[sflag:s24] =	ssyncset.done $0x0  }
.Ltmp8:
0x137: {  	s31 =	sadd.s32 $0x1480, s29;
	[sflag:s24] =	ssyncadd.s32 $0xFFFFC000;
	(pc) =	sbr.rel .LBB2_12-.Ltmp8, $4  }
0x138: {  	[spmem:s1] =	stream.indirect.scatter.add.f32 [tilespmem:s22], [sflag:$0x3], $0x80, s31, s20, $0xb8;
	[tilespmem:$0x1E400] =	vst v63  }
0x139: {  	_ =	swait.ge [sflag:s18], $0x4000  }
0x13a: {  	[sflag:s18] =	ssyncset.done $0x0  }
0x13b: {  	[sflag:s18] =	ssyncadd.s32 $0xFFFFC000  }
.LBB2_13:
0x13c: {  	_ =	sfence.sel $0x180000  }
0x13d: {  	[bflag:$0x0] =	sbarrier.arrive $0xFFFF  }
0x13e: {  	_ =	strace $0x90000053  }
0x13f: {  	s0 =	stileid.u32;
	[bflag:$0x2] =	sbarrier.arrive $0xFFFF  }
0x140: {  	p0 =	sne.s32 s0, $0x0;
	s0 =	rddreg [dreg:$0x3]  }
0x141: {  	s0 =	sadd.s32 @!p0 $0x100000, s0  }
0x142: {  	[sflag:s0] =	ssyncadd.tile.s32 @!p0 $0x1;
	_ =	shalt  }
.Lfunc_end2:
_tile_overlayer_lowered:
.L_overlay_start_2:
0x143: {  	(tag) =	ssettag $0x2  }
0x144: {  	s0 =	rddreg [dreg:$0x0];
	s2 =	stileid.u32  }
0x145: {  	s1 =	rddreg [dreg:$0x1];
	p0 =	sne.s32 s2, $0x0  }
0x146: {  	s3 =	rddreg [dreg:$0x2];
	[bflag:$0x3] =	sbarrier.arrive $0xFFFF;
	s2 =	simm.s32 @!p0 $0x1C03  }
0x147: {  	[timem:s3], [sflag:s2] =	dma.local @!p0 [hbm:s0], s1  }
0x148: {  	s0 =	simm.s32 @!p0 $0x3  }
0x149: {  	_ =	swait.ge @!p0 [sflag:s0], s1  }
0x14a: {  	s1 =	ssub.s32 @!p0 $0x0, s1;
	[sflag:s0] =	ssyncset.done @!p0 $0x0  }
0x14b: {  	[sflag:s0] =	ssyncadd.s32 @!p0 s1  }
0x14c: {  	[bflag:$0x3] =	sbarrier.arrive $0xFFFF  }
0x14d: {  	_ =	shalt  }

</sc_bundles>
